<compile_context>
chip_gen: v7x
topology: tpu7x:2x2x1
jax: 0.10.2.dev20260603
libtpu: 0.0.44.dev20260713+nightly
codegen_flags: <defaults>
</compile_context>

<pallas_src>
import jax
import jax.numpy as jnp
from jax import lax
from jax.experimental import pallas as pl
from jax.experimental.pallas import tpu as pltpu
from jax.experimental.pallas import tpu_sc as plsc

N = 10000
E = 320000
D = 128
DE = 16
H = 128
DG = 128
G = 16

NC = 2
NS = 16
NW = NC * NS
B = 64
CH0 = 224
CH1 = 92
E_PAD = NS * (CH0 + CH1) * B
SROWS = 10240
RPW = SROWS // NS
EB = 6400
NBUF = 4
NB = 1024



def _xa_body(x_ref, w_ref, o_ref):
    o_ref[:] = jnp.dot(x_ref[:], w_ref[:], preferred_element_type=jnp.float32)


def _tc_xa(x, w1a):
    return pl.pallas_call(
        _xa_body,
        out_shape=jax.ShapeDtypeStruct((N, H), jnp.float32),
    )(x, w1a)



def _ea_body(e_ref, w_ref, b_ref, o_ref):
    o_ref[:] = (lax.dot_general(e_ref[:], w_ref[:], (((0,), (0,)), ((), ())),
                                preferred_element_type=jnp.float32)
                + b_ref[:])


def _tc_ea(edge_attr, w1b, b1):
    nreal = E // EB
    nblk = -(-E_PAD // EB)
    return pl.pallas_call(
        _ea_body,
        grid=(nblk,),
        in_specs=[
            pl.BlockSpec((DE, EB), lambda i: (0, jnp.minimum(i, nreal - 1))),
            pl.BlockSpec((DE, H), lambda i: (0, 0)),
            pl.BlockSpec((1, H), lambda i: (0, 0)),
        ],
        out_specs=pl.BlockSpec((EB, H), lambda i: (i, 0)),
        out_shape=jax.ShapeDtypeStruct((nblk * EB, H), jnp.float32),
    )(edge_attr.T, w1b, b1.reshape(1, H))



def _sc_body(xa_hbm, ea_hbm, row_hbm, col_hbm, out_hbm, cnt_hbm,
             row_v, col_v, work_v, hist_v, acc_sh, *sems):
    cid = lax.axis_index("c")
    sid = lax.axis_index("s")
    wid = sid * NC + cid
    semA = sems[0:NBUF]
    semG = sems[NBUF:2 * NBUF]
    semS = sems[2 * NBUF:3 * NBUF]

    zero16 = jnp.zeros((16,), jnp.float32)

    def zrow(b, c):
        for j in range(H // 16):
            work_v[0, b, pl.ds(j * 16, 16)] = zero16
        return c
    lax.fori_loop(0, B, zrow, 0)
    for t in range(RPW // B):
        pltpu.sync_copy(work_v.at[0], acc_sh.at[pl.ds(sid * RPW + t * B, B)])
    rem = RPW % B
    if rem:
        pltpu.sync_copy(
            work_v.at[0, pl.ds(0, rem)],
            acc_sh.at[pl.ds(sid * RPW + (RPW // B) * B, rem)])

    def zhist(i, c):
        hist_v[pl.ds(i * 16, 16)] = zero16
        return c
    lax.fori_loop(0, SROWS // 16, zhist, 0)
    plsc.subcore_barrier()

    chc = jnp.where(cid == 0, CH0, CH1)
    ebase = jnp.where(cid == 0, sid * (CH0 * B),
                      NS * (CH0 * B) + sid * (CH1 * B))

    def a_descs(c, p):
        base = ebase + c * B
        return (
            pltpu.make_async_copy(row_hbm.at[pl.ds(base, B)], row_v.at[p],
                                  semA[p]),
            pltpu.make_async_copy(col_hbm.at[pl.ds(base, B)], col_v.at[p],
                                  semA[p]),
            pltpu.make_async_copy(ea_hbm.at[pl.ds(base, B)], work_v.at[p],
                                  semA[p]),
        )

    def issue_a(c, p):
        base = ebase + c * B
        pltpu.async_copy(row_hbm.at[pl.ds(base, B)], row_v.at[p], semA[p])
        pltpu.async_copy(col_hbm.at[pl.ds(base, B)], col_v.at[p], semA[p])
        pltpu.async_copy(ea_hbm.at[pl.ds(base, B)], work_v.at[p], semA[p])

    def wait_a(c, p):
        for d in a_descs(c, p):
            d.wait()

    def issue_g(p):
        pltpu.async_copy(xa_hbm.at[row_v.at[p]], work_v.at[p],
                         semG[p], add=True)

    def wait_g(p):
        pltpu.make_async_copy(xa_hbm.at[row_v.at[p]], work_v.at[p],
                              semG[p]).wait()

    def wait_s(p):
        pltpu.make_async_copy(work_v.at[p], acc_sh.at[col_v.at[p]],
                              semS[p]).wait()

    def relu_scatter(p):
        def relu_row(b, cc):
            for j in range(H // 16):
                v = work_v[p, b, pl.ds(j * 16, 16)]
                work_v[p, b, pl.ds(j * 16, 16)] = jnp.maximum(v, 0.0)
            return cc
        lax.fori_loop(0, B, relu_row, 0)
        pltpu.async_copy(work_v.at[p], acc_sh.at[col_v.at[p]],
                         semS[p], add=True)
        ones16 = jnp.full((16,), 1.0, jnp.float32)
        for k in range(B // 16):
            col16 = col_v[p, pl.ds(k * 16, 16)]
            plsc.addupdate_scatter(hist_v, [col16], ones16)

    issue_a(0, 0)
    issue_a(1, 1)
    issue_a(2, 2)
    wait_a(0, 0)
    issue_g(0)
    wait_a(1, 1)
    issue_g(1)

    def step(c, p):
        @pl.when(c + 2 <= chc - 1)
        def _():
            wait_a(c + 2, (p + 2) % NBUF)
            issue_g((p + 2) % NBUF)

        wait_g(p)
        relu_scatter(p)

        @pl.when(c >= 1)
        def _():
            wait_s((p - 1) % NBUF)

        @pl.when(c + 3 <= chc - 1)
        def _():
            issue_a(c + 3, (p + 3) % NBUF)

    def quad(g, carry):
        for k in range(NBUF):
            step(NBUF * g + k, k)
        return carry
    lax.fori_loop(0, chc // NBUF, quad, 0)
    wait_s((CH0 - 1) % NBUF)

    plsc.subcore_barrier()
    r0 = sid * RPW
    pltpu.sync_copy(acc_sh.at[pl.ds(r0, RPW)], out_hbm.at[cid, pl.ds(r0, RPW)])
    pltpu.sync_copy(hist_v, cnt_hbm.at[wid])


def _sc_scatter(xa, ea_pad, row_pad, col_pad):
    mesh = plsc.VectorSubcoreMesh(core_axis_name="c", subcore_axis_name="s")
    kern = pl.kernel(
        _sc_body,
        out_type=(
            jax.ShapeDtypeStruct((NC, SROWS, H), jnp.float32),
            jax.ShapeDtypeStruct((NW, SROWS), jnp.float32),
        ),
        mesh=mesh,
        scratch_types=[
            pltpu.VMEM((NBUF, B), jnp.int32),
            pltpu.VMEM((NBUF, B), jnp.int32),
            pltpu.VMEM((NBUF, B, H), jnp.float32),
            pltpu.VMEM((SROWS,), jnp.float32),
            pltpu.VMEM_SHARED((SROWS, H), jnp.float32),
        ] + [pltpu.SemaphoreType.DMA] * (3 * NBUF),
        compiler_params=pltpu.CompilerParams(needs_layout_passes=False),
    )
    return kern(xa, ea_pad, row_pad, col_pad)



def _post_body(s_ref, c_ref, x_ref, b_ref, u_ref, w2_ref, b2_ref,
               w3a_ref, w3b_ref, w3c_ref, b3_ref, w4_ref, b4_ref, o_ref):
    ssum = s_ref[0] + s_ref[1]
    cnt = jnp.sum(c_ref[:], axis=0)[:, None]
    mean_in = ssum / jnp.maximum(cnt, 1.0)
    mask = (cnt > 0.0).astype(jnp.float32)
    mh = (jnp.dot(mean_in, w2_ref[:], preferred_element_type=jnp.float32)
          + b2_ref[:] * mask)
    uw = jnp.dot(u_ref[:], w3c_ref[:], preferred_element_type=jnp.float32)
    bidx = b_ref[0, 0, :]
    onehot = (bidx[:, None] == lax.iota(jnp.int32, G)[None, :])
    onehot = onehot.astype(jnp.float32)
    pre = (jnp.dot(x_ref[:], w3a_ref[:], preferred_element_type=jnp.float32)
           + jnp.dot(mh, w3b_ref[:], preferred_element_type=jnp.float32)
           + jnp.dot(onehot, uw, preferred_element_type=jnp.float32)
           + b3_ref[:])
    o_ref[:] = (jnp.dot(jnp.maximum(pre, 0.0), w4_ref[:],
                        preferred_element_type=jnp.float32) + b4_ref[:])


def _tc_post(s_acc, cnt_acc, x_pad, batch_pad, u,
             w2, b2, w3a, w3b, w3c, b3, w4, b4):
    grid = SROWS // NB
    return pl.pallas_call(
        _post_body,
        grid=(grid,),
        in_specs=[
            pl.BlockSpec((NC, NB, H), lambda i: (0, i, 0)),
            pl.BlockSpec((NW, NB), lambda i: (0, i)),
            pl.BlockSpec((NB, D), lambda i: (i, 0)),
            pl.BlockSpec((1, 1, NB), lambda i: (i, 0, 0)),
            pl.BlockSpec((G, DG), lambda i: (0, 0)),
            pl.BlockSpec((H, H), lambda i: (0, 0)),
            pl.BlockSpec((1, H), lambda i: (0, 0)),
            pl.BlockSpec((D, H), lambda i: (0, 0)),
            pl.BlockSpec((H, H), lambda i: (0, 0)),
            pl.BlockSpec((DG, H), lambda i: (0, 0)),
            pl.BlockSpec((1, H), lambda i: (0, 0)),
            pl.BlockSpec((H, D), lambda i: (0, 0)),
            pl.BlockSpec((1, D), lambda i: (0, 0)),
        ],
        out_specs=pl.BlockSpec((NB, D), lambda i: (i, 0)),
        out_shape=jax.ShapeDtypeStruct((SROWS, D), jnp.float32),
    )(s_acc, cnt_acc, x_pad, batch_pad, u, w2, b2.reshape(1, H),
      w3a, w3b, w3c, b3.reshape(1, H), w4, b4.reshape(1, D))



@jax.jit
def kernel(x, edge_index, edge_attr, u, batch, W1, b1, W2, b2, W3, b3, W4, b4):
    row = edge_index[0].astype(jnp.int32)
    col = edge_index[1].astype(jnp.int32)
    w1a, w1b = W1[:D], W1[D:]
    w3a, w3b, w3c = W3[:D], W3[D:D + H], W3[D + H:]

    xa = _tc_xa(x, w1a)

    pad = E_PAD - E
    ea = _tc_ea(edge_attr, w1b, b1)
    row_pad = jnp.pad(row, (0, pad))
    col_pad = jnp.pad(col, (0, pad), constant_values=N)

    s_acc, cnt_acc = _sc_scatter(xa, ea, row_pad, col_pad)

    x_pad = jnp.pad(x, ((0, SROWS - N), (0, 0)))
    batch_pad = jnp.pad(batch.astype(jnp.int32), (0, SROWS - N))
    batch_pad = batch_pad.reshape(SROWS // NB, 1, NB)

    out = _tc_post(s_acc, cnt_acc, x_pad, batch_pad, u,
                   W2, b2, w3a, w3b, w3c, b3, W4, b4)
    return out[:N]

# --- scband reference (transcript-rebuilt; emitter-appended) ---
"""Pipeline reference for scband-node-model-2473901163255 (READ-ONLY COPY).

The authoritative reference and input builder live on the scoring server;
editing this copy changes nothing except your own understanding.
"""

import jax, jax.numpy as jnp
import numpy as np

N = 10000
E = 320000
D = 128   # node_nf
DE = 16   # edge_nf
DG = 128  # global_nf
H = 128   # hidden_nf
G = 16    # num graphs


def setup_inputs(seed: int = 0) -> dict:
    key = jax.random.key(seed)
    ks = jax.random.split(key, 16)
    x = jax.random.normal(ks[0], (N, D), dtype=jnp.float32)
    edge_index = jax.random.randint(ks[1], (2, E), 0, N)
    edge_attr = jax.random.normal(ks[2], (E, DE), dtype=jnp.float32)
    u = jax.random.normal(ks[3], (G, DG), dtype=jnp.float32)
    batch = jnp.sort(jax.random.randint(ks[4], (N,), 0, G))
    # node_mlp_1: Linear(D+DE -> H), ReLU, Linear(H -> H)
    W1 = jax.random.normal(ks[5], (D + DE, H), dtype=jnp.float32) * 0.05
    b1 = jnp.zeros((H,), dtype=jnp.float32)
    W2 = jax.random.normal(ks[6], (H, H), dtype=jnp.float32) * 0.05
    b2 = jnp.zeros((H,), dtype=jnp.float32)
    # node_mlp_2: Linear(D+H+DG -> H), ReLU, Linear(H -> D)
    W3 = jax.random.normal(ks[7], (D + H + DG, H), dtype=jnp.float32) * 0.05
    b3 = jnp.zeros((H,), dtype=jnp.float32)
    W4 = jax.random.normal(ks[8], (H, D), dtype=jnp.float32) * 0.05
    b4 = jnp.zeros((D,), dtype=jnp.float32)
    return {"x": x, "edge_index": edge_index, "edge_attr": edge_attr, "u": u,
            "batch": batch, "W1": W1, "b1": b1, "W2": W2, "b2": b2,
            "W3": W3, "b3": b3, "W4": W4, "b4": b4}


def reference(x, edge_index, edge_attr, u, batch, W1, b1, W2, b2, W3, b3, W4, b4):
    row = edge_index[0]
    col = edge_index[1]
    # messages: cat([x[row], edge_attr]) -> node_mlp_1
    msg = jnp.concatenate([x[row], edge_attr], axis=1)
    h = jnp.dot(msg, W1) + b1
    h = jax.nn.relu(h)
    h = jnp.dot(h, W2) + b2
    # scatter mean over destination nodes (col), dim_size = N
    summed = jax.ops.segment_sum(h, col, num_segments=N)
    counts = jax.ops.segment_sum(jnp.ones((E,), dtype=h.dtype), col, num_segments=N)
    mean = summed / jnp.clip(counts, 1.0)[:, None]
    # cat([x, aggregated, u[batch]]) -> node_mlp_2
    out = jnp.concatenate([x, mean, u[batch]], axis=1)
    out = jnp.dot(out, W3) + b3
    out = jax.nn.relu(out)
    out = jnp.dot(out, W4) + b4
    return out

if __name__ == "__main__":
    import jax
    _d = setup_inputs()
    print(jax.jit(kernel)(*tuple(_d.values())))

</pallas_src>

<mosaic_0001>
#map = affine_map<(d0, d1) -> (0, 0)>
#map1 = affine_map<(d0, d1) -> (0)>
#map2 = affine_map<(d0, d1) -> (0, 0, 0)>
module attributes {stable_mosaic.version = 14 : i64} {
  func.func @_sc_body(%arg0: i32, %arg1: i32, %arg2: memref<10000x128xf32, #tpu.memory_space<hbm>>, %arg3: memref<326400x128xf32, #tpu.memory_space<hbm>>, %arg4: memref<323584xi32, #tpu.memory_space<hbm>>, %arg5: memref<323584xi32, #tpu.memory_space<hbm>>, %arg6: memref<2x10240x128xf32, #tpu.memory_space<hbm>>, %arg7: memref<32x10240xf32, #tpu.memory_space<hbm>>, %arg8: memref<4x64xi32, #tpu.memory_space<vmem>>, %arg9: memref<4x64xi32, #tpu.memory_space<vmem>>, %arg10: memref<4x64x128xf32, #tpu.memory_space<vmem>>, %arg11: memref<10240xf32, #tpu.memory_space<vmem>>, %arg12: memref<10240x128xf32, #tpu.memory_space<vmem_shared>>, %arg13: memref<!tpu.dma_semaphore, #tpu.memory_space<semaphore_mem>>, %arg14: memref<!tpu.dma_semaphore, #tpu.memory_space<semaphore_mem>>, %arg15: memref<!tpu.dma_semaphore, #tpu.memory_space<semaphore_mem>>, %arg16: memref<!tpu.dma_semaphore, #tpu.memory_space<semaphore_mem>>, %arg17: memref<!tpu.dma_semaphore, #tpu.memory_space<semaphore_mem>>, %arg18: memref<!tpu.dma_semaphore, #tpu.memory_space<semaphore_mem>>, %arg19: memref<!tpu.dma_semaphore, #tpu.memory_space<semaphore_mem>>, %arg20: memref<!tpu.dma_semaphore, #tpu.memory_space<semaphore_mem>>, %arg21: memref<!tpu.dma_semaphore, #tpu.memory_space<semaphore_mem>>, %arg22: memref<!tpu.dma_semaphore, #tpu.memory_space<semaphore_mem>>, %arg23: memref<!tpu.dma_semaphore, #tpu.memory_space<semaphore_mem>>, %arg24: memref<!tpu.dma_semaphore, #tpu.memory_space<semaphore_mem>>) attributes {dimension_semantics = [#tpu.dimension_semantics<core_parallel>, #tpu.dimension_semantics<subcore_parallel>], iteration_bounds = array<i64: 2, 16>, scalar_prefetch = 0 : i64, scratch_operands = 17 : i64, tpu.core_type = #tpu.core_type<sc_vector_subcore>, window_params = [{transform_indices = #map}, {transform_indices = #map}, {transform_indices = #map1}, {transform_indices = #map1}, {transform_indices = #map2}, {transform_indices = #map}]} {
    %mul3A = arith.constant 2 : i32
    %mul3A_0 = arith.muli %arg1, %mul3A : i32
    %add3A = arith.addi %mul3A_0, %arg0 : i32
    %broadcast_in_dim3A = arith.constant 0.000000e+00 : f32
    %broadcast_in_dim3A_1 = vector.broadcast %broadcast_in_dim3A : f32 to vector<16xf32>
    %scan3A = arith.constant 0 : i32
    %scan3A_2 = arith.constant 0 : i32
    %scan3A_3 = arith.constant 64 : i32
    %scan3A_4 = arith.addi %scan3A_2, %scan3A_3 : i32
    %scan3A_5 = arith.constant 1 : i32
    scf.for %scan3A_302 = %scan3A_2 to %scan3A_4 step %scan3A_5  : i32 {
      %swap3A = arith.constant 0 : i32
      %swap3A_303 = arith.index_cast %swap3A : i32 to index
      %swap3A_304 = arith.index_cast %scan3A_302 : i32 to index
      %swap3A_305 = arith.constant 0 : index
      %swap3A_306 = tpu.vector_load %arg10[%swap3A_303, %swap3A_304, %swap3A_305] {strides = array<i32>} : memref<4x64x128xf32, #tpu.memory_space<vmem>>, vector<16xf32>,
      tpu.vector_store %arg10[%swap3A_303, %swap3A_304, %swap3A_305], %broadcast_in_dim3A_1 {strides = array<i32>} : memref<4x64x128xf32, #tpu.memory_space<vmem>>, vector<16xf32>,
      %swap3A_307 = arith.constant 0 : i32
      %swap3A_308 = arith.index_cast %swap3A_307 : i32 to index
      %swap3A_309 = arith.index_cast %scan3A_302 : i32 to index
      %swap3A_310 = arith.constant 16 : index
      %swap3A_311 = tpu.vector_load %arg10[%swap3A_308, %swap3A_309, %swap3A_310] {strides = array<i32>} : memref<4x64x128xf32, #tpu.memory_space<vmem>>, vector<16xf32>,
      tpu.vector_store %arg10[%swap3A_308, %swap3A_309, %swap3A_310], %broadcast_in_dim3A_1 {strides = array<i32>} : memref<4x64x128xf32, #tpu.memory_space<vmem>>, vector<16xf32>,
      %swap3A_312 = arith.constant 0 : i32
      %swap3A_313 = arith.index_cast %swap3A_312 : i32 to index
      %swap3A_314 = arith.index_cast %scan3A_302 : i32 to index
      %swap3A_315 = arith.constant 32 : index
      %swap3A_316 = tpu.vector_load %arg10[%swap3A_313, %swap3A_314, %swap3A_315] {strides = array<i32>} : memref<4x64x128xf32, #tpu.memory_space<vmem>>, vector<16xf32>,
      tpu.vector_store %arg10[%swap3A_313, %swap3A_314, %swap3A_315], %broadcast_in_dim3A_1 {strides = array<i32>} : memref<4x64x128xf32, #tpu.memory_space<vmem>>, vector<16xf32>,
      %swap3A_317 = arith.constant 0 : i32
      %swap3A_318 = arith.index_cast %swap3A_317 : i32 to index
      %swap3A_319 = arith.index_cast %scan3A_302 : i32 to index
      %swap3A_320 = arith.constant 48 : index
      %swap3A_321 = tpu.vector_load %arg10[%swap3A_318, %swap3A_319, %swap3A_320] {strides = array<i32>} : memref<4x64x128xf32, #tpu.memory_space<vmem>>, vector<16xf32>,
      tpu.vector_store %arg10[%swap3A_318, %swap3A_319, %swap3A_320], %broadcast_in_dim3A_1 {strides = array<i32>} : memref<4x64x128xf32, #tpu.memory_space<vmem>>, vector<16xf32>,
      %swap3A_322 = arith.constant 0 : i32
      %swap3A_323 = arith.index_cast %swap3A_322 : i32 to index
      %swap3A_324 = arith.index_cast %scan3A_302 : i32 to index
      %swap3A_325 = arith.constant 64 : index
      %swap3A_326 = tpu.vector_load %arg10[%swap3A_323, %swap3A_324, %swap3A_325] {strides = array<i32>} : memref<4x64x128xf32, #tpu.memory_space<vmem>>, vector<16xf32>,
      tpu.vector_store %arg10[%swap3A_323, %swap3A_324, %swap3A_325], %broadcast_in_dim3A_1 {strides = array<i32>} : memref<4x64x128xf32, #tpu.memory_space<vmem>>, vector<16xf32>,
      %swap3A_327 = arith.constant 0 : i32
      %swap3A_328 = arith.index_cast %swap3A_327 : i32 to index
      %swap3A_329 = arith.index_cast %scan3A_302 : i32 to index
      %swap3A_330 = arith.constant 80 : index
      %swap3A_331 = tpu.vector_load %arg10[%swap3A_328, %swap3A_329, %swap3A_330] {strides = array<i32>} : memref<4x64x128xf32, #tpu.memory_space<vmem>>, vector<16xf32>,
      tpu.vector_store %arg10[%swap3A_328, %swap3A_329, %swap3A_330], %broadcast_in_dim3A_1 {strides = array<i32>} : memref<4x64x128xf32, #tpu.memory_space<vmem>>, vector<16xf32>,
      %swap3A_332 = arith.constant 0 : i32
      %swap3A_333 = arith.index_cast %swap3A_332 : i32 to index
      %swap3A_334 = arith.index_cast %scan3A_302 : i32 to index
      %swap3A_335 = arith.constant 96 : index
      %swap3A_336 = tpu.vector_load %arg10[%swap3A_333, %swap3A_334, %swap3A_335] {strides = array<i32>} : memref<4x64x128xf32, #tpu.memory_space<vmem>>, vector<16xf32>,
      tpu.vector_store %arg10[%swap3A_333, %swap3A_334, %swap3A_335], %broadcast_in_dim3A_1 {strides = array<i32>} : memref<4x64x128xf32, #tpu.memory_space<vmem>>, vector<16xf32>,
      %swap3A_337 = arith.constant 0 : i32
      %swap3A_338 = arith.index_cast %swap3A_337 : i32 to index
      %swap3A_339 = arith.index_cast %scan3A_302 : i32 to index
      %swap3A_340 = arith.constant 112 : index
      %swap3A_341 = tpu.vector_load %arg10[%swap3A_338, %swap3A_339, %swap3A_340] {strides = array<i32>} : memref<4x64x128xf32, #tpu.memory_space<vmem>>, vector<16xf32>,
      tpu.vector_store %arg10[%swap3A_338, %swap3A_339, %swap3A_340], %broadcast_in_dim3A_1 {strides = array<i32>} : memref<4x64x128xf32, #tpu.memory_space<vmem>>, vector<16xf32>,
    }
    %scan3A_6 = arith.constant 64 : i32
    %mul3A_7 = arith.constant 640 : i32
    %mul3A_8 = arith.muli %arg1, %mul3A_7 : i32
    %add3A_9 = arith.constant 0 : i32
    %add3A_10 = arith.addi %mul3A_8, %add3A_9 : i32
    %run_scoped3A = arith.constant 0 : i32
    "tpu.region"() ({
      %run_scoped3A_302 = tpu.sem_alloc : memref<!tpu.dma_semaphore, #tpu.memory_space<semaphore_mem>>
      %dma_start3A_303 = arith.constant 0 : i32
      %dma_start3A_304 = arith.constant 0 : i32
      %dma_start3A_305 = tpu.memref_slice %arg10[%run_scoped3A, %dma_start3A_303, %dma_start3A_304] : memref<4x64x128xf32, #tpu.memory_space<vmem>> -> memref<1x64x128xf32, #tpu.memory_space<vmem>>
      %dma_start3A_306 = tpu.memref_squeeze %dma_start3A_305 : memref<1x64x128xf32, #tpu.memory_space<vmem>> -> memref<64x128xf32, #tpu.memory_space<vmem>>
      %dma_start3A_307 = arith.constant 0 : i32
      %dma_start3A_308 = tpu.memref_slice %arg12[%add3A_10, %dma_start3A_307] : memref<10240x128xf32, #tpu.memory_space<vmem_shared>> -> memref<64x128xf32, #tpu.memory_space<vmem_shared>>
      %dma_start3A_309 = arith.constant 0 : i32
      %dma_start3A_310 = tpu.memref_slice %arg12[%add3A_10, %dma_start3A_309] : memref<10240x128xf32, #tpu.memory_space<vmem_shared>> -> memref<64x128xf32, #tpu.memory_space<vmem_shared>>
      %dma_start3A_311 = arith.constant 0 : i32
      %dma_start3A_312 = arith.constant 0 : i32
      %dma_start3A_313 = tpu.memref_slice %arg10[%run_scoped3A, %dma_start3A_311, %dma_start3A_312] : memref<4x64x128xf32, #tpu.memory_space<vmem>> -> memref<1x64x128xf32, #tpu.memory_space<vmem>>
      %dma_start3A_314 = tpu.memref_squeeze %dma_start3A_313 : memref<1x64x128xf32, #tpu.memory_space<vmem>> -> memref<64x128xf32, #tpu.memory_space<vmem>>
      tpu.enqueue_dma source(%dma_start3A_314 : memref<64x128xf32, #tpu.memory_space<vmem>>) target(%dma_start3A_310 : memref<64x128xf32, #tpu.memory_space<vmem_shared>>) target_semaphore(%run_scoped3A_302 : memref<!tpu.dma_semaphore, #tpu.memory_space<semaphore_mem>>)
      %dma_wait3A_315 = arith.constant 0 : i32
      %dma_wait3A_316 = arith.constant 0 : i32
      %dma_wait3A_317 = tpu.memref_slice %arg10[%run_scoped3A, %dma_wait3A_315, %dma_wait3A_316] : memref<4x64x128xf32, #tpu.memory_space<vmem>> -> memref<1x64x128xf32, #tpu.memory_space<vmem>>
      %dma_wait3A_318 = tpu.memref_squeeze %dma_wait3A_317 : memref<1x64x128xf32, #tpu.memory_space<vmem>> -> memref<64x128xf32, #tpu.memory_space<vmem>>
      %dma_wait3A_319 = arith.constant 0 : i32
      %dma_wait3A_320 = tpu.memref_slice %arg12[%add3A_10, %dma_wait3A_319] : memref<10240x128xf32, #tpu.memory_space<vmem_shared>> -> memref<64x128xf32, #tpu.memory_space<vmem_shared>>
      %dma_wait3A_321 = arith.constant 0 : i32
      %dma_wait3A_322 = tpu.memref_slice %arg12[%add3A_10, %dma_wait3A_321] : memref<10240x128xf32, #tpu.memory_space<vmem_shared>> -> memref<64x128xf32, #tpu.memory_space<vmem_shared>>
      %dma_wait3A_323 = arith.constant 0 : i32
      %dma_wait3A_324 = arith.constant 0 : i32
      %dma_wait3A_325 = tpu.memref_slice %arg10[%run_scoped3A, %dma_wait3A_323, %dma_wait3A_324] : memref<4x64x128xf32, #tpu.memory_space<vmem>> -> memref<1x64x128xf32, #tpu.memory_space<vmem>>
      %dma_wait3A_326 = tpu.memref_squeeze %dma_wait3A_325 : memref<1x64x128xf32, #tpu.memory_space<vmem>> -> memref<64x128xf32, #tpu.memory_space<vmem>>
      tpu.wait_dma2 semaphore(%run_scoped3A_302 : memref<!tpu.dma_semaphore, #tpu.memory_space<semaphore_mem>>) src(%dma_wait3A_326 : memref<64x128xf32, #tpu.memory_space<vmem>>) dst(%dma_wait3A_322 : memref<64x128xf32, #tpu.memory_space<vmem_shared>>)
      tpu.yield
    }) : () -> ()
    %mul3A_11 = arith.constant 640 : i32
    %mul3A_12 = arith.muli %arg1, %mul3A_11 : i32
    %add3A_13 = arith.constant 64 : i32
    %add3A_14 = arith.addi %mul3A_12, %add3A_13 : i32
    %run_scoped3A_15 = arith.constant 0 : i32
    "tpu.region"() ({
      %run_scoped3A_302 = tpu.sem_alloc : memref<!tpu.dma_semaphore, #tpu.memory_space<semaphore_mem>>
      %dma_start3A_303 = arith.constant 0 : i32
      %dma_start3A_304 = arith.constant 0 : i32
      %dma_start3A_305 = tpu.memref_slice %arg10[%run_scoped3A_15, %dma_start3A_303, %dma_start3A_304] : memref<4x64x128xf32, #tpu.memory_space<vmem>> -> memref<1x64x128xf32, #tpu.memory_space<vmem>>
      %dma_start3A_306 = tpu.memref_squeeze %dma_start3A_305 : memref<1x64x128xf32, #tpu.memory_space<vmem>> -> memref<64x128xf32, #tpu.memory_space<vmem>>
      %dma_start3A_307 = arith.constant 0 : i32
      %dma_start3A_308 = tpu.memref_slice %arg12[%add3A_14, %dma_start3A_307] : memref<10240x128xf32, #tpu.memory_space<vmem_shared>> -> memref<64x128xf32, #tpu.memory_space<vmem_shared>>
      %dma_start3A_309 = arith.constant 0 : i32
      %dma_start3A_310 = tpu.memref_slice %arg12[%add3A_14, %dma_start3A_309] : memref<10240x128xf32, #tpu.memory_space<vmem_shared>> -> memref<64x128xf32, #tpu.memory_space<vmem_shared>>
      %dma_start3A_311 = arith.constant 0 : i32
      %dma_start3A_312 = arith.constant 0 : i32
      %dma_start3A_313 = tpu.memref_slice %arg10[%run_scoped3A_15, %dma_start3A_311, %dma_start3A_312] : memref<4x64x128xf32, #tpu.memory_space<vmem>> -> memref<1x64x128xf32, #tpu.memory_space<vmem>>
      %dma_start3A_314 = tpu.memref_squeeze %dma_start3A_313 : memref<1x64x128xf32, #tpu.memory_space<vmem>> -> memref<64x128xf32, #tpu.memory_space<vmem>>
      tpu.enqueue_dma source(%dma_start3A_314 : memref<64x128xf32, #tpu.memory_space<vmem>>) target(%dma_start3A_310 : memref<64x128xf32, #tpu.memory_space<vmem_shared>>) target_semaphore(%run_scoped3A_302 : memref<!tpu.dma_semaphore, #tpu.memory_space<semaphore_mem>>)
      %dma_wait3A_315 = arith.constant 0 : i32
      %dma_wait3A_316 = arith.constant 0 : i32
      %dma_wait3A_317 = tpu.memref_slice %arg10[%run_scoped3A_15, %dma_wait3A_315, %dma_wait3A_316] : memref<4x64x128xf32, #tpu.memory_space<vmem>> -> memref<1x64x128xf32, #tpu.memory_space<vmem>>
      %dma_wait3A_318 = tpu.memref_squeeze %dma_wait3A_317 : memref<1x64x128xf32, #tpu.memory_space<vmem>> -> memref<64x128xf32, #tpu.memory_space<vmem>>
      %dma_wait3A_319 = arith.constant 0 : i32
      %dma_wait3A_320 = tpu.memref_slice %arg12[%add3A_14, %dma_wait3A_319] : memref<10240x128xf32, #tpu.memory_space<vmem_shared>> -> memref<64x128xf32, #tpu.memory_space<vmem_shared>>
      %dma_wait3A_321 = arith.constant 0 : i32
      %dma_wait3A_322 = tpu.memref_slice %arg12[%add3A_14, %dma_wait3A_321] : memref<10240x128xf32, #tpu.memory_space<vmem_shared>> -> memref<64x128xf32, #tpu.memory_space<vmem_shared>>
      %dma_wait3A_323 = arith.constant 0 : i32
      %dma_wait3A_324 = arith.constant 0 : i32
      %dma_wait3A_325 = tpu.memref_slice %arg10[%run_scoped3A_15, %dma_wait3A_323, %dma_wait3A_324] : memref<4x64x128xf32, #tpu.memory_space<vmem>> -> memref<1x64x128xf32, #tpu.memory_space<vmem>>
      %dma_wait3A_326 = tpu.memref_squeeze %dma_wait3A_325 : memref<1x64x128xf32, #tpu.memory_space<vmem>> -> memref<64x128xf32, #tpu.memory_space<vmem>>
      tpu.wait_dma2 semaphore(%run_scoped3A_302 : memref<!tpu.dma_semaphore, #tpu.memory_space<semaphore_mem>>) src(%dma_wait3A_326 : memref<64x128xf32, #tpu.memory_space<vmem>>) dst(%dma_wait3A_322 : memref<64x128xf32, #tpu.memory_space<vmem_shared>>)
      tpu.yield
    }) : () -> ()
    %mul3A_16 = arith.constant 640 : i32
    %mul3A_17 = arith.muli %arg1, %mul3A_16 : i32
    %add3A_18 = arith.constant 128 : i32
    %add3A_19 = arith.addi %mul3A_17, %add3A_18 : i32
    %run_scoped3A_20 = arith.constant 0 : i32
    "tpu.region"() ({
      %run_scoped3A_302 = tpu.sem_alloc : memref<!tpu.dma_semaphore, #tpu.memory_space<semaphore_mem>>
      %dma_start3A_303 = arith.constant 0 : i32
      %dma_start3A_304 = arith.constant 0 : i32
      %dma_start3A_305 = tpu.memref_slice %arg10[%run_scoped3A_20, %dma_start3A_303, %dma_start3A_304] : memref<4x64x128xf32, #tpu.memory_space<vmem>> -> memref<1x64x128xf32, #tpu.memory_space<vmem>>
      %dma_start3A_306 = tpu.memref_squeeze %dma_start3A_305 : memref<1x64x128xf32, #tpu.memory_space<vmem>> -> memref<64x128xf32, #tpu.memory_space<vmem>>
      %dma_start3A_307 = arith.constant 0 : i32
      %dma_start3A_308 = tpu.memref_slice %arg12[%add3A_19, %dma_start3A_307] : memref<10240x128xf32, #tpu.memory_space<vmem_shared>> -> memref<64x128xf32, #tpu.memory_space<vmem_shared>>
      %dma_start3A_309 = arith.constant 0 : i32
      %dma_start3A_310 = tpu.memref_slice %arg12[%add3A_19, %dma_start3A_309] : memref<10240x128xf32, #tpu.memory_space<vmem_shared>> -> memref<64x128xf32, #tpu.memory_space<vmem_shared>>
      %dma_start3A_311 = arith.constant 0 : i32
      %dma_start3A_312 = arith.constant 0 : i32
      %dma_start3A_313 = tpu.memref_slice %arg10[%run_scoped3A_20, %dma_start3A_311, %dma_start3A_312] : memref<4x64x128xf32, #tpu.memory_space<vmem>> -> memref<1x64x128xf32, #tpu.memory_space<vmem>>
      %dma_start3A_314 = tpu.memref_squeeze %dma_start3A_313 : memref<1x64x128xf32, #tpu.memory_space<vmem>> -> memref<64x128xf32, #tpu.memory_space<vmem>>
      tpu.enqueue_dma source(%dma_start3A_314 : memref<64x128xf32, #tpu.memory_space<vmem>>) target(%dma_start3A_310 : memref<64x128xf32, #tpu.memory_space<vmem_shared>>) target_semaphore(%run_scoped3A_302 : memref<!tpu.dma_semaphore, #tpu.memory_space<semaphore_mem>>)
      %dma_wait3A_315 = arith.constant 0 : i32
      %dma_wait3A_316 = arith.constant 0 : i32
      %dma_wait3A_317 = tpu.memref_slice %arg10[%run_scoped3A_20, %dma_wait3A_315, %dma_wait3A_316] : memref<4x64x128xf32, #tpu.memory_space<vmem>> -> memref<1x64x128xf32, #tpu.memory_space<vmem>>
      %dma_wait3A_318 = tpu.memref_squeeze %dma_wait3A_317 : memref<1x64x128xf32, #tpu.memory_space<vmem>> -> memref<64x128xf32, #tpu.memory_space<vmem>>
      %dma_wait3A_319 = arith.constant 0 : i32
      %dma_wait3A_320 = tpu.memref_slice %arg12[%add3A_19, %dma_wait3A_319] : memref<10240x128xf32, #tpu.memory_space<vmem_shared>> -> memref<64x128xf32, #tpu.memory_space<vmem_shared>>
      %dma_wait3A_321 = arith.constant 0 : i32
      %dma_wait3A_322 = tpu.memref_slice %arg12[%add3A_19, %dma_wait3A_321] : memref<10240x128xf32, #tpu.memory_space<vmem_shared>> -> memref<64x128xf32, #tpu.memory_space<vmem_shared>>
      %dma_wait3A_323 = arith.constant 0 : i32
      %dma_wait3A_324 = arith.constant 0 : i32
      %dma_wait3A_325 = tpu.memref_slice %arg10[%run_scoped3A_20, %dma_wait3A_323, %dma_wait3A_324] : memref<4x64x128xf32, #tpu.memory_space<vmem>> -> memref<1x64x128xf32, #tpu.memory_space<vmem>>
      %dma_wait3A_326 = tpu.memref_squeeze %dma_wait3A_325 : memref<1x64x128xf32, #tpu.memory_space<vmem>> -> memref<64x128xf32, #tpu.memory_space<vmem>>
      tpu.wait_dma2 semaphore(%run_scoped3A_302 : memref<!tpu.dma_semaphore, #tpu.memory_space<semaphore_mem>>) src(%dma_wait3A_326 : memref<64x128xf32, #tpu.memory_space<vmem>>) dst(%dma_wait3A_322 : memref<64x128xf32, #tpu.memory_space<vmem_shared>>)
      tpu.yield
    }) : () -> ()
    %mul3A_21 = arith.constant 640 : i32
    %mul3A_22 = arith.muli %arg1, %mul3A_21 : i32
    %add3A_23 = arith.constant 192 : i32
    %add3A_24 = arith.addi %mul3A_22, %add3A_23 : i32
    %run_scoped3A_25 = arith.constant 0 : i32
    "tpu.region"() ({
      %run_scoped3A_302 = tpu.sem_alloc : memref<!tpu.dma_semaphore, #tpu.memory_space<semaphore_mem>>
      %dma_start3A_303 = arith.constant 0 : i32
      %dma_start3A_304 = arith.constant 0 : i32
      %dma_start3A_305 = tpu.memref_slice %arg10[%run_scoped3A_25, %dma_start3A_303, %dma_start3A_304] : memref<4x64x128xf32, #tpu.memory_space<vmem>> -> memref<1x64x128xf32, #tpu.memory_space<vmem>>
      %dma_start3A_306 = tpu.memref_squeeze %dma_start3A_305 : memref<1x64x128xf32, #tpu.memory_space<vmem>> -> memref<64x128xf32, #tpu.memory_space<vmem>>
      %dma_start3A_307 = arith.constant 0 : i32
      %dma_start3A_308 = tpu.memref_slice %arg12[%add3A_24, %dma_start3A_307] : memref<10240x128xf32, #tpu.memory_space<vmem_shared>> -> memref<64x128xf32, #tpu.memory_space<vmem_shared>>
      %dma_start3A_309 = arith.constant 0 : i32
      %dma_start3A_310 = tpu.memref_slice %arg12[%add3A_24, %dma_start3A_309] : memref<10240x128xf32, #tpu.memory_space<vmem_shared>> -> memref<64x128xf32, #tpu.memory_space<vmem_shared>>
      %dma_start3A_311 = arith.constant 0 : i32
      %dma_start3A_312 = arith.constant 0 : i32
      %dma_start3A_313 = tpu.memref_slice %arg10[%run_scoped3A_25, %dma_start3A_311, %dma_start3A_312] : memref<4x64x128xf32, #tpu.memory_space<vmem>> -> memref<1x64x128xf32, #tpu.memory_space<vmem>>
      %dma_start3A_314 = tpu.memref_squeeze %dma_start3A_313 : memref<1x64x128xf32, #tpu.memory_space<vmem>> -> memref<64x128xf32, #tpu.memory_space<vmem>>
      tpu.enqueue_dma source(%dma_start3A_314 : memref<64x128xf32, #tpu.memory_space<vmem>>) target(%dma_start3A_310 : memref<64x128xf32, #tpu.memory_space<vmem_shared>>) target_semaphore(%run_scoped3A_302 : memref<!tpu.dma_semaphore, #tpu.memory_space<semaphore_mem>>)
      %dma_wait3A_315 = arith.constant 0 : i32
      %dma_wait3A_316 = arith.constant 0 : i32
      %dma_wait3A_317 = tpu.memref_slice %arg10[%run_scoped3A_25, %dma_wait3A_315, %dma_wait3A_316] : memref<4x64x128xf32, #tpu.memory_space<vmem>> -> memref<1x64x128xf32, #tpu.memory_space<vmem>>
      %dma_wait3A_318 = tpu.memref_squeeze %dma_wait3A_317 : memref<1x64x128xf32, #tpu.memory_space<vmem>> -> memref<64x128xf32, #tpu.memory_space<vmem>>
      %dma_wait3A_319 = arith.constant 0 : i32
      %dma_wait3A_320 = tpu.memref_slice %arg12[%add3A_24, %dma_wait3A_319] : memref<10240x128xf32, #tpu.memory_space<vmem_shared>> -> memref<64x128xf32, #tpu.memory_space<vmem_shared>>
      %dma_wait3A_321 = arith.constant 0 : i32
      %dma_wait3A_322 = tpu.memref_slice %arg12[%add3A_24, %dma_wait3A_321] : memref<10240x128xf32, #tpu.memory_space<vmem_shared>> -> memref<64x128xf32, #tpu.memory_space<vmem_shared>>
      %dma_wait3A_323 = arith.constant 0 : i32
      %dma_wait3A_324 = arith.constant 0 : i32
      %dma_wait3A_325 = tpu.memref_slice %arg10[%run_scoped3A_25, %dma_wait3A_323, %dma_wait3A_324] : memref<4x64x128xf32, #tpu.memory_space<vmem>> -> memref<1x64x128xf32, #tpu.memory_space<vmem>>
      %dma_wait3A_326 = tpu.memref_squeeze %dma_wait3A_325 : memref<1x64x128xf32, #tpu.memory_space<vmem>> -> memref<64x128xf32, #tpu.memory_space<vmem>>
      tpu.wait_dma2 semaphore(%run_scoped3A_302 : memref<!tpu.dma_semaphore, #tpu.memory_space<semaphore_mem>>) src(%dma_wait3A_326 : memref<64x128xf32, #tpu.memory_space<vmem>>) dst(%dma_wait3A_322 : memref<64x128xf32, #tpu.memory_space<vmem_shared>>)
      tpu.yield
    }) : () -> ()
    %mul3A_26 = arith.constant 640 : i32
    %mul3A_27 = arith.muli %arg1, %mul3A_26 : i32
    %add3A_28 = arith.constant 256 : i32
    %add3A_29 = arith.addi %mul3A_27, %add3A_28 : i32
    %run_scoped3A_30 = arith.constant 0 : i32
    "tpu.region"() ({
      %run_scoped3A_302 = tpu.sem_alloc : memref<!tpu.dma_semaphore, #tpu.memory_space<semaphore_mem>>
      %dma_start3A_303 = arith.constant 0 : i32
      %dma_start3A_304 = arith.constant 0 : i32
      %dma_start3A_305 = tpu.memref_slice %arg10[%run_scoped3A_30, %dma_start3A_303, %dma_start3A_304] : memref<4x64x128xf32, #tpu.memory_space<vmem>> -> memref<1x64x128xf32, #tpu.memory_space<vmem>>
      %dma_start3A_306 = tpu.memref_squeeze %dma_start3A_305 : memref<1x64x128xf32, #tpu.memory_space<vmem>> -> memref<64x128xf32, #tpu.memory_space<vmem>>
      %dma_start3A_307 = arith.constant 0 : i32
      %dma_start3A_308 = tpu.memref_slice %arg12[%add3A_29, %dma_start3A_307] : memref<10240x128xf32, #tpu.memory_space<vmem_shared>> -> memref<64x128xf32, #tpu.memory_space<vmem_shared>>
      %dma_start3A_309 = arith.constant 0 : i32
      %dma_start3A_310 = tpu.memref_slice %arg12[%add3A_29, %dma_start3A_309] : memref<10240x128xf32, #tpu.memory_space<vmem_shared>> -> memref<64x128xf32, #tpu.memory_space<vmem_shared>>
      %dma_start3A_311 = arith.constant 0 : i32
      %dma_start3A_312 = arith.constant 0 : i32
      %dma_start3A_313 = tpu.memref_slice %arg10[%run_scoped3A_30, %dma_start3A_311, %dma_start3A_312] : memref<4x64x128xf32, #tpu.memory_space<vmem>> -> memref<1x64x128xf32, #tpu.memory_space<vmem>>
      %dma_start3A_314 = tpu.memref_squeeze %dma_start3A_313 : memref<1x64x128xf32, #tpu.memory_space<vmem>> -> memref<64x128xf32, #tpu.memory_space<vmem>>
      tpu.enqueue_dma source(%dma_start3A_314 : memref<64x128xf32, #tpu.memory_space<vmem>>) target(%dma_start3A_310 : memref<64x128xf32, #tpu.memory_space<vmem_shared>>) target_semaphore(%run_scoped3A_302 : memref<!tpu.dma_semaphore, #tpu.memory_space<semaphore_mem>>)
      %dma_wait3A_315 = arith.constant 0 : i32
      %dma_wait3A_316 = arith.constant 0 : i32
      %dma_wait3A_317 = tpu.memref_slice %arg10[%run_scoped3A_30, %dma_wait3A_315, %dma_wait3A_316] : memref<4x64x128xf32, #tpu.memory_space<vmem>> -> memref<1x64x128xf32, #tpu.memory_space<vmem>>
      %dma_wait3A_318 = tpu.memref_squeeze %dma_wait3A_317 : memref<1x64x128xf32, #tpu.memory_space<vmem>> -> memref<64x128xf32, #tpu.memory_space<vmem>>
      %dma_wait3A_319 = arith.constant 0 : i32
      %dma_wait3A_320 = tpu.memref_slice %arg12[%add3A_29, %dma_wait3A_319] : memref<10240x128xf32, #tpu.memory_space<vmem_shared>> -> memref<64x128xf32, #tpu.memory_space<vmem_shared>>
      %dma_wait3A_321 = arith.constant 0 : i32
      %dma_wait3A_322 = tpu.memref_slice %arg12[%add3A_29, %dma_wait3A_321] : memref<10240x128xf32, #tpu.memory_space<vmem_shared>> -> memref<64x128xf32, #tpu.memory_space<vmem_shared>>
      %dma_wait3A_323 = arith.constant 0 : i32
      %dma_wait3A_324 = arith.constant 0 : i32
      %dma_wait3A_325 = tpu.memref_slice %arg10[%run_scoped3A_30, %dma_wait3A_323, %dma_wait3A_324] : memref<4x64x128xf32, #tpu.memory_space<vmem>> -> memref<1x64x128xf32, #tpu.memory_space<vmem>>
      %dma_wait3A_326 = tpu.memref_squeeze %dma_wait3A_325 : memref<1x64x128xf32, #tpu.memory_space<vmem>> -> memref<64x128xf32, #tpu.memory_space<vmem>>
      tpu.wait_dma2 semaphore(%run_scoped3A_302 : memref<!tpu.dma_semaphore, #tpu.memory_space<semaphore_mem>>) src(%dma_wait3A_326 : memref<64x128xf32, #tpu.memory_space<vmem>>) dst(%dma_wait3A_322 : memref<64x128xf32, #tpu.memory_space<vmem_shared>>)
      tpu.yield
    }) : () -> ()
    %mul3A_31 = arith.constant 640 : i32
    %mul3A_32 = arith.muli %arg1, %mul3A_31 : i32
    %add3A_33 = arith.constant 320 : i32
    %add3A_34 = arith.addi %mul3A_32, %add3A_33 : i32
    %run_scoped3A_35 = arith.constant 0 : i32
    "tpu.region"() ({
      %run_scoped3A_302 = tpu.sem_alloc : memref<!tpu.dma_semaphore, #tpu.memory_space<semaphore_mem>>
      %dma_start3A_303 = arith.constant 0 : i32
      %dma_start3A_304 = arith.constant 0 : i32
      %dma_start3A_305 = tpu.memref_slice %arg10[%run_scoped3A_35, %dma_start3A_303, %dma_start3A_304] : memref<4x64x128xf32, #tpu.memory_space<vmem>> -> memref<1x64x128xf32, #tpu.memory_space<vmem>>
      %dma_start3A_306 = tpu.memref_squeeze %dma_start3A_305 : memref<1x64x128xf32, #tpu.memory_space<vmem>> -> memref<64x128xf32, #tpu.memory_space<vmem>>
      %dma_start3A_307 = arith.constant 0 : i32
      %dma_start3A_308 = tpu.memref_slice %arg12[%add3A_34, %dma_start3A_307] : memref<10240x128xf32, #tpu.memory_space<vmem_shared>> -> memref<64x128xf32, #tpu.memory_space<vmem_shared>>
      %dma_start3A_309 = arith.constant 0 : i32
      %dma_start3A_310 = tpu.memref_slice %arg12[%add3A_34, %dma_start3A_309] : memref<10240x128xf32, #tpu.memory_space<vmem_shared>> -> memref<64x128xf32, #tpu.memory_space<vmem_shared>>
      %dma_start3A_311 = arith.constant 0 : i32
      %dma_start3A_312 = arith.constant 0 : i32
      %dma_start3A_313 = tpu.memref_slice %arg10[%run_scoped3A_35, %dma_start3A_311, %dma_start3A_312] : memref<4x64x128xf32, #tpu.memory_space<vmem>> -> memref<1x64x128xf32, #tpu.memory_space<vmem>>
      %dma_start3A_314 = tpu.memref_squeeze %dma_start3A_313 : memref<1x64x128xf32, #tpu.memory_space<vmem>> -> memref<64x128xf32, #tpu.memory_space<vmem>>
      tpu.enqueue_dma source(%dma_start3A_314 : memref<64x128xf32, #tpu.memory_space<vmem>>) target(%dma_start3A_310 : memref<64x128xf32, #tpu.memory_space<vmem_shared>>) target_semaphore(%run_scoped3A_302 : memref<!tpu.dma_semaphore, #tpu.memory_space<semaphore_mem>>)
      %dma_wait3A_315 = arith.constant 0 : i32
      %dma_wait3A_316 = arith.constant 0 : i32
      %dma_wait3A_317 = tpu.memref_slice %arg10[%run_scoped3A_35, %dma_wait3A_315, %dma_wait3A_316] : memref<4x64x128xf32, #tpu.memory_space<vmem>> -> memref<1x64x128xf32, #tpu.memory_space<vmem>>
      %dma_wait3A_318 = tpu.memref_squeeze %dma_wait3A_317 : memref<1x64x128xf32, #tpu.memory_space<vmem>> -> memref<64x128xf32, #tpu.memory_space<vmem>>
      %dma_wait3A_319 = arith.constant 0 : i32
      %dma_wait3A_320 = tpu.memref_slice %arg12[%add3A_34, %dma_wait3A_319] : memref<10240x128xf32, #tpu.memory_space<vmem_shared>> -> memref<64x128xf32, #tpu.memory_space<vmem_shared>>
      %dma_wait3A_321 = arith.constant 0 : i32
      %dma_wait3A_322 = tpu.memref_slice %arg12[%add3A_34, %dma_wait3A_321] : memref<10240x128xf32, #tpu.memory_space<vmem_shared>> -> memref<64x128xf32, #tpu.memory_space<vmem_shared>>
      %dma_wait3A_323 = arith.constant 0 : i32
      %dma_wait3A_324 = arith.constant 0 : i32
      %dma_wait3A_325 = tpu.memref_slice %arg10[%run_scoped3A_35, %dma_wait3A_323, %dma_wait3A_324] : memref<4x64x128xf32, #tpu.memory_space<vmem>> -> memref<1x64x128xf32, #tpu.memory_space<vmem>>
      %dma_wait3A_326 = tpu.memref_squeeze %dma_wait3A_325 : memref<1x64x128xf32, #tpu.memory_space<vmem>> -> memref<64x128xf32, #tpu.memory_space<vmem>>
      tpu.wait_dma2 semaphore(%run_scoped3A_302 : memref<!tpu.dma_semaphore, #tpu.memory_space<semaphore_mem>>) src(%dma_wait3A_326 : memref<64x128xf32, #tpu.memory_space<vmem>>) dst(%dma_wait3A_322 : memref<64x128xf32, #tpu.memory_space<vmem_shared>>)
      tpu.yield
    }) : () -> ()
    %mul3A_36 = arith.constant 640 : i32
    %mul3A_37 = arith.muli %arg1, %mul3A_36 : i32
    %add3A_38 = arith.constant 384 : i32
    %add3A_39 = arith.addi %mul3A_37, %add3A_38 : i32
    %run_scoped3A_40 = arith.constant 0 : i32
    "tpu.region"() ({
      %run_scoped3A_302 = tpu.sem_alloc : memref<!tpu.dma_semaphore, #tpu.memory_space<semaphore_mem>>
      %dma_start3A_303 = arith.constant 0 : i32
      %dma_start3A_304 = arith.constant 0 : i32
      %dma_start3A_305 = tpu.memref_slice %arg10[%run_scoped3A_40, %dma_start3A_303, %dma_start3A_304] : memref<4x64x128xf32, #tpu.memory_space<vmem>> -> memref<1x64x128xf32, #tpu.memory_space<vmem>>
      %dma_start3A_306 = tpu.memref_squeeze %dma_start3A_305 : memref<1x64x128xf32, #tpu.memory_space<vmem>> -> memref<64x128xf32, #tpu.memory_space<vmem>>
      %dma_start3A_307 = arith.constant 0 : i32
      %dma_start3A_308 = tpu.memref_slice %arg12[%add3A_39, %dma_start3A_307] : memref<10240x128xf32, #tpu.memory_space<vmem_shared>> -> memref<64x128xf32, #tpu.memory_space<vmem_shared>>
      %dma_start3A_309 = arith.constant 0 : i32
      %dma_start3A_310 = tpu.memref_slice %arg12[%add3A_39, %dma_start3A_309] : memref<10240x128xf32, #tpu.memory_space<vmem_shared>> -> memref<64x128xf32, #tpu.memory_space<vmem_shared>>
      %dma_start3A_311 = arith.constant 0 : i32
      %dma_start3A_312 = arith.constant 0 : i32
      %dma_start3A_313 = tpu.memref_slice %arg10[%run_scoped3A_40, %dma_start3A_311, %dma_start3A_312] : memref<4x64x128xf32, #tpu.memory_space<vmem>> -> memref<1x64x128xf32, #tpu.memory_space<vmem>>
      %dma_start3A_314 = tpu.memref_squeeze %dma_start3A_313 : memref<1x64x128xf32, #tpu.memory_space<vmem>> -> memref<64x128xf32, #tpu.memory_space<vmem>>
      tpu.enqueue_dma source(%dma_start3A_314 : memref<64x128xf32, #tpu.memory_space<vmem>>) target(%dma_start3A_310 : memref<64x128xf32, #tpu.memory_space<vmem_shared>>) target_semaphore(%run_scoped3A_302 : memref<!tpu.dma_semaphore, #tpu.memory_space<semaphore_mem>>)
      %dma_wait3A_315 = arith.constant 0 : i32
      %dma_wait3A_316 = arith.constant 0 : i32
      %dma_wait3A_317 = tpu.memref_slice %arg10[%run_scoped3A_40, %dma_wait3A_315, %dma_wait3A_316] : memref<4x64x128xf32, #tpu.memory_space<vmem>> -> memref<1x64x128xf32, #tpu.memory_space<vmem>>
      %dma_wait3A_318 = tpu.memref_squeeze %dma_wait3A_317 : memref<1x64x128xf32, #tpu.memory_space<vmem>> -> memref<64x128xf32, #tpu.memory_space<vmem>>
      %dma_wait3A_319 = arith.constant 0 : i32
      %dma_wait3A_320 = tpu.memref_slice %arg12[%add3A_39, %dma_wait3A_319] : memref<10240x128xf32, #tpu.memory_space<vmem_shared>> -> memref<64x128xf32, #tpu.memory_space<vmem_shared>>
      %dma_wait3A_321 = arith.constant 0 : i32
      %dma_wait3A_322 = tpu.memref_slice %arg12[%add3A_39, %dma_wait3A_321] : memref<10240x128xf32, #tpu.memory_space<vmem_shared>> -> memref<64x128xf32, #tpu.memory_space<vmem_shared>>
      %dma_wait3A_323 = arith.constant 0 : i32
      %dma_wait3A_324 = arith.constant 0 : i32
      %dma_wait3A_325 = tpu.memref_slice %arg10[%run_scoped3A_40, %dma_wait3A_323, %dma_wait3A_324] : memref<4x64x128xf32, #tpu.memory_space<vmem>> -> memref<1x64x128xf32, #tpu.memory_space<vmem>>
      %dma_wait3A_326 = tpu.memref_squeeze %dma_wait3A_325 : memref<1x64x128xf32, #tpu.memory_space<vmem>> -> memref<64x128xf32, #tpu.memory_space<vmem>>
      tpu.wait_dma2 semaphore(%run_scoped3A_302 : memref<!tpu.dma_semaphore, #tpu.memory_space<semaphore_mem>>) src(%dma_wait3A_326 : memref<64x128xf32, #tpu.memory_space<vmem>>) dst(%dma_wait3A_322 : memref<64x128xf32, #tpu.memory_space<vmem_shared>>)
      tpu.yield
    }) : () -> ()
    %mul3A_41 = arith.constant 640 : i32
    %mul3A_42 = arith.muli %arg1, %mul3A_41 : i32
    %add3A_43 = arith.constant 448 : i32
    %add3A_44 = arith.addi %mul3A_42, %add3A_43 : i32
    %run_scoped3A_45 = arith.constant 0 : i32
    "tpu.region"() ({
      %run_scoped3A_302 = tpu.sem_alloc : memref<!tpu.dma_semaphore, #tpu.memory_space<semaphore_mem>>
      %dma_start3A_303 = arith.constant 0 : i32
      %dma_start3A_304 = arith.constant 0 : i32
      %dma_start3A_305 = tpu.memref_slice %arg10[%run_scoped3A_45, %dma_start3A_303, %dma_start3A_304] : memref<4x64x128xf32, #tpu.memory_space<vmem>> -> memref<1x64x128xf32, #tpu.memory_space<vmem>>
      %dma_start3A_306 = tpu.memref_squeeze %dma_start3A_305 : memref<1x64x128xf32, #tpu.memory_space<vmem>> -> memref<64x128xf32, #tpu.memory_space<vmem>>
      %dma_start3A_307 = arith.constant 0 : i32
      %dma_start3A_308 = tpu.memref_slice %arg12[%add3A_44, %dma_start3A_307] : memref<10240x128xf32, #tpu.memory_space<vmem_shared>> -> memref<64x128xf32, #tpu.memory_space<vmem_shared>>
      %dma_start3A_309 = arith.constant 0 : i32
      %dma_start3A_310 = tpu.memref_slice %arg12[%add3A_44, %dma_start3A_309] : memref<10240x128xf32, #tpu.memory_space<vmem_shared>> -> memref<64x128xf32, #tpu.memory_space<vmem_shared>>
      %dma_start3A_311 = arith.constant 0 : i32
      %dma_start3A_312 = arith.constant 0 : i32
      %dma_start3A_313 = tpu.memref_slice %arg10[%run_scoped3A_45, %dma_start3A_311, %dma_start3A_312] : memref<4x64x128xf32, #tpu.memory_space<vmem>> -> memref<1x64x128xf32, #tpu.memory_space<vmem>>
      %dma_start3A_314 = tpu.memref_squeeze %dma_start3A_313 : memref<1x64x128xf32, #tpu.memory_space<vmem>> -> memref<64x128xf32, #tpu.memory_space<vmem>>
      tpu.enqueue_dma source(%dma_start3A_314 : memref<64x128xf32, #tpu.memory_space<vmem>>) target(%dma_start3A_310 : memref<64x128xf32, #tpu.memory_space<vmem_shared>>) target_semaphore(%run_scoped3A_302 : memref<!tpu.dma_semaphore, #tpu.memory_space<semaphore_mem>>)
      %dma_wait3A_315 = arith.constant 0 : i32
      %dma_wait3A_316 = arith.constant 0 : i32
      %dma_wait3A_317 = tpu.memref_slice %arg10[%run_scoped3A_45, %dma_wait3A_315, %dma_wait3A_316] : memref<4x64x128xf32, #tpu.memory_space<vmem>> -> memref<1x64x128xf32, #tpu.memory_space<vmem>>
      %dma_wait3A_318 = tpu.memref_squeeze %dma_wait3A_317 : memref<1x64x128xf32, #tpu.memory_space<vmem>> -> memref<64x128xf32, #tpu.memory_space<vmem>>
      %dma_wait3A_319 = arith.constant 0 : i32
      %dma_wait3A_320 = tpu.memref_slice %arg12[%add3A_44, %dma_wait3A_319] : memref<10240x128xf32, #tpu.memory_space<vmem_shared>> -> memref<64x128xf32, #tpu.memory_space<vmem_shared>>
      %dma_wait3A_321 = arith.constant 0 : i32
      %dma_wait3A_322 = tpu.memref_slice %arg12[%add3A_44, %dma_wait3A_321] : memref<10240x128xf32, #tpu.memory_space<vmem_shared>> -> memref<64x128xf32, #tpu.memory_space<vmem_shared>>
      %dma_wait3A_323 = arith.constant 0 : i32
      %dma_wait3A_324 = arith.constant 0 : i32
      %dma_wait3A_325 = tpu.memref_slice %arg10[%run_scoped3A_45, %dma_wait3A_323, %dma_wait3A_324] : memref<4x64x128xf32, #tpu.memory_space<vmem>> -> memref<1x64x128xf32, #tpu.memory_space<vmem>>
      %dma_wait3A_326 = tpu.memref_squeeze %dma_wait3A_325 : memref<1x64x128xf32, #tpu.memory_space<vmem>> -> memref<64x128xf32, #tpu.memory_space<vmem>>
      tpu.wait_dma2 semaphore(%run_scoped3A_302 : memref<!tpu.dma_semaphore, #tpu.memory_space<semaphore_mem>>) src(%dma_wait3A_326 : memref<64x128xf32, #tpu.memory_space<vmem>>) dst(%dma_wait3A_322 : memref<64x128xf32, #tpu.memory_space<vmem_shared>>)
      tpu.yield
    }) : () -> ()
    %mul3A_46 = arith.constant 640 : i32
    %mul3A_47 = arith.muli %arg1, %mul3A_46 : i32
    %add3A_48 = arith.constant 512 : i32
    %add3A_49 = arith.addi %mul3A_47, %add3A_48 : i32
    %run_scoped3A_50 = arith.constant 0 : i32
    "tpu.region"() ({
      %run_scoped3A_302 = tpu.sem_alloc : memref<!tpu.dma_semaphore, #tpu.memory_space<semaphore_mem>>
      %dma_start3A_303 = arith.constant 0 : i32
      %dma_start3A_304 = arith.constant 0 : i32
      %dma_start3A_305 = tpu.memref_slice %arg10[%run_scoped3A_50, %dma_start3A_303, %dma_start3A_304] : memref<4x64x128xf32, #tpu.memory_space<vmem>> -> memref<1x64x128xf32, #tpu.memory_space<vmem>>
      %dma_start3A_306 = tpu.memref_squeeze %dma_start3A_305 : memref<1x64x128xf32, #tpu.memory_space<vmem>> -> memref<64x128xf32, #tpu.memory_space<vmem>>
      %dma_start3A_307 = arith.constant 0 : i32
      %dma_start3A_308 = tpu.memref_slice %arg12[%add3A_49, %dma_start3A_307] : memref<10240x128xf32, #tpu.memory_space<vmem_shared>> -> memref<64x128xf32, #tpu.memory_space<vmem_shared>>
      %dma_start3A_309 = arith.constant 0 : i32
      %dma_start3A_310 = tpu.memref_slice %arg12[%add3A_49, %dma_start3A_309] : memref<10240x128xf32, #tpu.memory_space<vmem_shared>> -> memref<64x128xf32, #tpu.memory_space<vmem_shared>>
      %dma_start3A_311 = arith.constant 0 : i32
      %dma_start3A_312 = arith.constant 0 : i32
      %dma_start3A_313 = tpu.memref_slice %arg10[%run_scoped3A_50, %dma_start3A_311, %dma_start3A_312] : memref<4x64x128xf32, #tpu.memory_space<vmem>> -> memref<1x64x128xf32, #tpu.memory_space<vmem>>
      %dma_start3A_314 = tpu.memref_squeeze %dma_start3A_313 : memref<1x64x128xf32, #tpu.memory_space<vmem>> -> memref<64x128xf32, #tpu.memory_space<vmem>>
      tpu.enqueue_dma source(%dma_start3A_314 : memref<64x128xf32, #tpu.memory_space<vmem>>) target(%dma_start3A_310 : memref<64x128xf32, #tpu.memory_space<vmem_shared>>) target_semaphore(%run_scoped3A_302 : memref<!tpu.dma_semaphore, #tpu.memory_space<semaphore_mem>>)
      %dma_wait3A_315 = arith.constant 0 : i32
      %dma_wait3A_316 = arith.constant 0 : i32
      %dma_wait3A_317 = tpu.memref_slice %arg10[%run_scoped3A_50, %dma_wait3A_315, %dma_wait3A_316] : memref<4x64x128xf32, #tpu.memory_space<vmem>> -> memref<1x64x128xf32, #tpu.memory_space<vmem>>
      %dma_wait3A_318 = tpu.memref_squeeze %dma_wait3A_317 : memref<1x64x128xf32, #tpu.memory_space<vmem>> -> memref<64x128xf32, #tpu.memory_space<vmem>>
      %dma_wait3A_319 = arith.constant 0 : i32
      %dma_wait3A_320 = tpu.memref_slice %arg12[%add3A_49, %dma_wait3A_319] : memref<10240x128xf32, #tpu.memory_space<vmem_shared>> -> memref<64x128xf32, #tpu.memory_space<vmem_shared>>
      %dma_wait3A_321 = arith.constant 0 : i32
      %dma_wait3A_322 = tpu.memref_slice %arg12[%add3A_49, %dma_wait3A_321] : memref<10240x128xf32, #tpu.memory_space<vmem_shared>> -> memref<64x128xf32, #tpu.memory_space<vmem_shared>>
      %dma_wait3A_323 = arith.constant 0 : i32
      %dma_wait3A_324 = arith.constant 0 : i32
      %dma_wait3A_325 = tpu.memref_slice %arg10[%run_scoped3A_50, %dma_wait3A_323, %dma_wait3A_324] : memref<4x64x128xf32, #tpu.memory_space<vmem>> -> memref<1x64x128xf32, #tpu.memory_space<vmem>>
      %dma_wait3A_326 = tpu.memref_squeeze %dma_wait3A_325 : memref<1x64x128xf32, #tpu.memory_space<vmem>> -> memref<64x128xf32, #tpu.memory_space<vmem>>
      tpu.wait_dma2 semaphore(%run_scoped3A_302 : memref<!tpu.dma_semaphore, #tpu.memory_space<semaphore_mem>>) src(%dma_wait3A_326 : memref<64x128xf32, #tpu.memory_space<vmem>>) dst(%dma_wait3A_322 : memref<64x128xf32, #tpu.memory_space<vmem_shared>>)
      tpu.yield
    }) : () -> ()
    %mul3A_51 = arith.constant 640 : i32
    %mul3A_52 = arith.muli %arg1, %mul3A_51 : i32
    %add3A_53 = arith.constant 576 : i32
    %add3A_54 = arith.addi %mul3A_52, %add3A_53 : i32
    %run_scoped3A_55 = arith.constant 0 : i32
    "tpu.region"() ({
      %run_scoped3A_302 = tpu.sem_alloc : memref<!tpu.dma_semaphore, #tpu.memory_space<semaphore_mem>>
      %dma_start3A_303 = arith.constant 0 : i32
      %dma_start3A_304 = arith.constant 0 : i32
      %dma_start3A_305 = tpu.memref_slice %arg10[%run_scoped3A_55, %dma_start3A_303, %dma_start3A_304] : memref<4x64x128xf32, #tpu.memory_space<vmem>> -> memref<1x64x128xf32, #tpu.memory_space<vmem>>
      %dma_start3A_306 = tpu.memref_squeeze %dma_start3A_305 : memref<1x64x128xf32, #tpu.memory_space<vmem>> -> memref<64x128xf32, #tpu.memory_space<vmem>>
      %dma_start3A_307 = arith.constant 0 : i32
      %dma_start3A_308 = tpu.memref_slice %arg12[%add3A_54, %dma_start3A_307] : memref<10240x128xf32, #tpu.memory_space<vmem_shared>> -> memref<64x128xf32, #tpu.memory_space<vmem_shared>>
      %dma_start3A_309 = arith.constant 0 : i32
      %dma_start3A_310 = tpu.memref_slice %arg12[%add3A_54, %dma_start3A_309] : memref<10240x128xf32, #tpu.memory_space<vmem_shared>> -> memref<64x128xf32, #tpu.memory_space<vmem_shared>>
      %dma_start3A_311 = arith.constant 0 : i32
      %dma_start3A_312 = arith.constant 0 : i32
      %dma_start3A_313 = tpu.memref_slice %arg10[%run_scoped3A_55, %dma_start3A_311, %dma_start3A_312] : memref<4x64x128xf32, #tpu.memory_space<vmem>> -> memref<1x64x128xf32, #tpu.memory_space<vmem>>
      %dma_start3A_314 = tpu.memref_squeeze %dma_start3A_313 : memref<1x64x128xf32, #tpu.memory_space<vmem>> -> memref<64x128xf32, #tpu.memory_space<vmem>>
      tpu.enqueue_dma source(%dma_start3A_314 : memref<64x128xf32, #tpu.memory_space<vmem>>) target(%dma_start3A_310 : memref<64x128xf32, #tpu.memory_space<vmem_shared>>) target_semaphore(%run_scoped3A_302 : memref<!tpu.dma_semaphore, #tpu.memory_space<semaphore_mem>>)
      %dma_wait3A_315 = arith.constant 0 : i32
      %dma_wait3A_316 = arith.constant 0 : i32
      %dma_wait3A_317 = tpu.memref_slice %arg10[%run_scoped3A_55, %dma_wait3A_315, %dma_wait3A_316] : memref<4x64x128xf32, #tpu.memory_space<vmem>> -> memref<1x64x128xf32, #tpu.memory_space<vmem>>
      %dma_wait3A_318 = tpu.memref_squeeze %dma_wait3A_317 : memref<1x64x128xf32, #tpu.memory_space<vmem>> -> memref<64x128xf32, #tpu.memory_space<vmem>>
      %dma_wait3A_319 = arith.constant 0 : i32
      %dma_wait3A_320 = tpu.memref_slice %arg12[%add3A_54, %dma_wait3A_319] : memref<10240x128xf32, #tpu.memory_space<vmem_shared>> -> memref<64x128xf32, #tpu.memory_space<vmem_shared>>
      %dma_wait3A_321 = arith.constant 0 : i32
      %dma_wait3A_322 = tpu.memref_slice %arg12[%add3A_54, %dma_wait3A_321] : memref<10240x128xf32, #tpu.memory_space<vmem_shared>> -> memref<64x128xf32, #tpu.memory_space<vmem_shared>>
      %dma_wait3A_323 = arith.constant 0 : i32
      %dma_wait3A_324 = arith.constant 0 : i32
      %dma_wait3A_325 = tpu.memref_slice %arg10[%run_scoped3A_55, %dma_wait3A_323, %dma_wait3A_324] : memref<4x64x128xf32, #tpu.memory_space<vmem>> -> memref<1x64x128xf32, #tpu.memory_space<vmem>>
      %dma_wait3A_326 = tpu.memref_squeeze %dma_wait3A_325 : memref<1x64x128xf32, #tpu.memory_space<vmem>> -> memref<64x128xf32, #tpu.memory_space<vmem>>
      tpu.wait_dma2 semaphore(%run_scoped3A_302 : memref<!tpu.dma_semaphore, #tpu.memory_space<semaphore_mem>>) src(%dma_wait3A_326 : memref<64x128xf32, #tpu.memory_space<vmem>>) dst(%dma_wait3A_322 : memref<64x128xf32, #tpu.memory_space<vmem_shared>>)
      tpu.yield
    }) : () -> ()
    %scan3A_56 = arith.constant 0 : i32
    %scan3A_57 = arith.constant 0 : i32
    %scan3A_58 = arith.constant 640 : i32
    %scan3A_59 = arith.addi %scan3A_57, %scan3A_58 : i32
    %scan3A_60 = arith.constant 1 : i32
    scf.for %scan3A_302 = %scan3A_57 to %scan3A_59 step %scan3A_60  : i32 {
      %mul3A_303 = arith.constant 16 : i32
      %mul3A_304 = arith.muli %scan3A_302, %mul3A_303 : i32
      %swap3A = arith.index_cast %mul3A_304 : i32 to index
      %swap3A_305 = tpu.vector_load %arg11[%swap3A] {strides = array<i32>} : memref<10240xf32, #tpu.memory_space<vmem>>, vector<16xf32>,
      tpu.vector_store %arg11[%swap3A], %broadcast_in_dim3A_1 {strides = array<i32>} : memref<10240xf32, #tpu.memory_space<vmem>>, vector<16xf32>,
    }
    %scan3A_61 = arith.constant 640 : i32
    %barrier3A = arith.constant 0 : index
    tpu.barrier barrier_id(%barrier3A)
    %eq3A = arith.constant 0 : i32
    %eq3A_62 = arith.cmpi eq, %arg0, %eq3A : i32
    %jit3A = arith.constant 224 : i32
    %jit3A_63 = arith.constant 92 : i32
    %select_n3A = arith.select %eq3A_62, %jit3A, %jit3A_63 : i32
    %eq3A_64 = arith.constant 0 : i32
    %eq3A_65 = arith.cmpi eq, %arg0, %eq3A_64 : i32
    %mul3A_66 = arith.constant 14336 : i32
    %mul3A_67 = arith.muli %arg1, %mul3A_66 : i32
    %mul3A_68 = arith.constant 5888 : i32
    %mul3A_69 = arith.muli %arg1, %mul3A_68 : i32
    %add3A_70 = arith.constant 229376 : i32
    %add3A_71 = arith.addi %add3A_70, %mul3A_69 : i32
    %select_n3A_72 = arith.select %eq3A_65, %mul3A_67, %add3A_71 : i32
    %add3A_73 = arith.constant 0 : i32
    %add3A_74 = arith.addi %select_n3A_72, %add3A_73 : i32
    %dma_start3A = arith.constant 0 : i32
    %dma_start3A_75 = arith.constant 0 : i32
    %dma_start3A_76 = tpu.memref_slice %arg8[%dma_start3A, %dma_start3A_75] : memref<4x64xi32, #tpu.memory_space<vmem>> -> memref<1x64xi32, #tpu.memory_space<vmem>>
    %dma_start3A_77 = tpu.memref_squeeze %dma_start3A_76 : memref<1x64xi32, #tpu.memory_space<vmem>> -> memref<64xi32, #tpu.memory_space<vmem>>
    %dma_start3A_78 = tpu.memref_slice %arg4[%add3A_74] : memref<323584xi32, #tpu.memory_space<hbm>> -> memref<64xi32, #tpu.memory_space<hbm>>
    %dma_start3A_79 = arith.constant 0 : i32
    %dma_start3A_80 = tpu.memref_slice %arg8[%dma_start3A, %dma_start3A_79] : memref<4x64xi32, #tpu.memory_space<vmem>> -> memref<1x64xi32, #tpu.memory_space<vmem>>
    %dma_start3A_81 = tpu.memref_squeeze %dma_start3A_80 : memref<1x64xi32, #tpu.memory_space<vmem>> -> memref<64xi32, #tpu.memory_space<vmem>>
    %dma_start3A_82 = tpu.memref_slice %arg4[%add3A_74] : memref<323584xi32, #tpu.memory_space<hbm>> -> memref<64xi32, #tpu.memory_space<hbm>>
    tpu.enqueue_dma source(%dma_start3A_82 : memref<64xi32, #tpu.memory_space<hbm>>) target(%dma_start3A_81 : memref<64xi32, #tpu.memory_space<vmem>>) target_semaphore(%arg13 : memref<!tpu.dma_semaphore, #tpu.memory_space<semaphore_mem>>)
    %dma_start3A_83 = arith.constant 0 : i32
    %dma_start3A_84 = arith.constant 0 : i32
    %dma_start3A_85 = tpu.memref_slice %arg9[%dma_start3A_83, %dma_start3A_84] : memref<4x64xi32, #tpu.memory_space<vmem>> -> memref<1x64xi32, #tpu.memory_space<vmem>>
    %dma_start3A_86 = tpu.memref_squeeze %dma_start3A_85 : memref<1x64xi32, #tpu.memory_space<vmem>> -> memref<64xi32, #tpu.memory_space<vmem>>
    %dma_start3A_87 = tpu.memref_slice %arg5[%add3A_74] : memref<323584xi32, #tpu.memory_space<hbm>> -> memref<64xi32, #tpu.memory_space<hbm>>
    %dma_start3A_88 = arith.constant 0 : i32
    %dma_start3A_89 = tpu.memref_slice %arg9[%dma_start3A_83, %dma_start3A_88] : memref<4x64xi32, #tpu.memory_space<vmem>> -> memref<1x64xi32, #tpu.memory_space<vmem>>
    %dma_start3A_90 = tpu.memref_squeeze %dma_start3A_89 : memref<1x64xi32, #tpu.memory_space<vmem>> -> memref<64xi32, #tpu.memory_space<vmem>>
    %dma_start3A_91 = tpu.memref_slice %arg5[%add3A_74] : memref<323584xi32, #tpu.memory_space<hbm>> -> memref<64xi32, #tpu.memory_space<hbm>>
    tpu.enqueue_dma source(%dma_start3A_91 : memref<64xi32, #tpu.memory_space<hbm>>) target(%dma_start3A_90 : memref<64xi32, #tpu.memory_space<vmem>>) target_semaphore(%arg13 : memref<!tpu.dma_semaphore, #tpu.memory_space<semaphore_mem>>)
    %dma_start3A_92 = arith.constant 0 : i32
    %dma_start3A_93 = arith.constant 0 : i32
    %dma_start3A_94 = arith.constant 0 : i32
    %dma_start3A_95 = tpu.memref_slice %arg10[%dma_start3A_92, %dma_start3A_93, %dma_start3A_94] : memref<4x64x128xf32, #tpu.memory_space<vmem>> -> memref<1x64x128xf32, #tpu.memory_space<vmem>>
    %dma_start3A_96 = tpu.memref_squeeze %dma_start3A_95 : memref<1x64x128xf32, #tpu.memory_space<vmem>> -> memref<64x128xf32, #tpu.memory_space<vmem>>
    %dma_start3A_97 = arith.constant 0 : i32
    %dma_start3A_98 = tpu.memref_slice %arg3[%add3A_74, %dma_start3A_97] : memref<326400x128xf32, #tpu.memory_space<hbm>> -> memref<64x128xf32, #tpu.memory_space<hbm>>
    %dma_start3A_99 = arith.constant 0 : i32
    %dma_start3A_100 = arith.constant 0 : i32
    %dma_start3A_101 = tpu.memref_slice %arg10[%dma_start3A_92, %dma_start3A_99, %dma_start3A_100] : memref<4x64x128xf32, #tpu.memory_space<vmem>> -> memref<1x64x128xf32, #tpu.memory_space<vmem>>
    %dma_start3A_102 = tpu.memref_squeeze %dma_start3A_101 : memref<1x64x128xf32, #tpu.memory_space<vmem>> -> memref<64x128xf32, #tpu.memory_space<vmem>>
    %dma_start3A_103 = arith.constant 0 : i32
    %dma_start3A_104 = tpu.memref_slice %arg3[%add3A_74, %dma_start3A_103] : memref<326400x128xf32, #tpu.memory_space<hbm>> -> memref<64x128xf32, #tpu.memory_space<hbm>>
    tpu.enqueue_dma source(%dma_start3A_104 : memref<64x128xf32, #tpu.memory_space<hbm>>) target(%dma_start3A_102 : memref<64x128xf32, #tpu.memory_space<vmem>>) target_semaphore(%arg13 : memref<!tpu.dma_semaphore, #tpu.memory_space<semaphore_mem>>)
    %add3A_105 = arith.constant 64 : i32
    %add3A_106 = arith.addi %select_n3A_72, %add3A_105 : i32
    %dma_start3A_107 = arith.constant 1 : i32
    %dma_start3A_108 = arith.constant 0 : i32
    %dma_start3A_109 = tpu.memref_slice %arg8[%dma_start3A_107, %dma_start3A_108] : memref<4x64xi32, #tpu.memory_space<vmem>> -> memref<1x64xi32, #tpu.memory_space<vmem>>
    %dma_start3A_110 = tpu.memref_squeeze %dma_start3A_109 : memref<1x64xi32, #tpu.memory_space<vmem>> -> memref<64xi32, #tpu.memory_space<vmem>>
    %dma_start3A_111 = tpu.memref_slice %arg4[%add3A_106] : memref<323584xi32, #tpu.memory_space<hbm>> -> memref<64xi32, #tpu.memory_space<hbm>>
    %dma_start3A_112 = arith.constant 0 : i32
    %dma_start3A_113 = tpu.memref_slice %arg8[%dma_start3A_107, %dma_start3A_112] : memref<4x64xi32, #tpu.memory_space<vmem>> -> memref<1x64xi32, #tpu.memory_space<vmem>>
    %dma_start3A_114 = tpu.memref_squeeze %dma_start3A_113 : memref<1x64xi32, #tpu.memory_space<vmem>> -> memref<64xi32, #tpu.memory_space<vmem>>
    %dma_start3A_115 = tpu.memref_slice %arg4[%add3A_106] : memref<323584xi32, #tpu.memory_space<hbm>> -> memref<64xi32, #tpu.memory_space<hbm>>
    tpu.enqueue_dma source(%dma_start3A_115 : memref<64xi32, #tpu.memory_space<hbm>>) target(%dma_start3A_114 : memref<64xi32, #tpu.memory_space<vmem>>) target_semaphore(%arg14 : memref<!tpu.dma_semaphore, #tpu.memory_space<semaphore_mem>>)
    %dma_start3A_116 = arith.constant 1 : i32
    %dma_start3A_117 = arith.constant 0 : i32
    %dma_start3A_118 = tpu.memref_slice %arg9[%dma_start3A_116, %dma_start3A_117] : memref<4x64xi32, #tpu.memory_space<vmem>> -> memref<1x64xi32, #tpu.memory_space<vmem>>
    %dma_start3A_119 = tpu.memref_squeeze %dma_start3A_118 : memref<1x64xi32, #tpu.memory_space<vmem>> -> memref<64xi32, #tpu.memory_space<vmem>>
    %dma_start3A_120 = tpu.memref_slice %arg5[%add3A_106] : memref<323584xi32, #tpu.memory_space<hbm>> -> memref<64xi32, #tpu.memory_space<hbm>>
    %dma_start3A_121 = arith.constant 0 : i32
    %dma_start3A_122 = tpu.memref_slice %arg9[%dma_start3A_116, %dma_start3A_121] : memref<4x64xi32, #tpu.memory_space<vmem>> -> memref<1x64xi32, #tpu.memory_space<vmem>>
    %dma_start3A_123 = tpu.memref_squeeze %dma_start3A_122 : memref<1x64xi32, #tpu.memory_space<vmem>> -> memref<64xi32, #tpu.memory_space<vmem>>
    %dma_start3A_124 = tpu.memref_slice %arg5[%add3A_106] : memref<323584xi32, #tpu.memory_space<hbm>> -> memref<64xi32, #tpu.memory_space<hbm>>
    tpu.enqueue_dma source(%dma_start3A_124 : memref<64xi32, #tpu.memory_space<hbm>>) target(%dma_start3A_123 : memref<64xi32, #tpu.memory_space<vmem>>) target_semaphore(%arg14 : memref<!tpu.dma_semaphore, #tpu.memory_space<semaphore_mem>>)
    %dma_start3A_125 = arith.constant 1 : i32
    %dma_start3A_126 = arith.constant 0 : i32
    %dma_start3A_127 = arith.constant 0 : i32
    %dma_start3A_128 = tpu.memref_slice %arg10[%dma_start3A_125, %dma_start3A_126, %dma_start3A_127] : memref<4x64x128xf32, #tpu.memory_space<vmem>> -> memref<1x64x128xf32, #tpu.memory_space<vmem>>
    %dma_start3A_129 = tpu.memref_squeeze %dma_start3A_128 : memref<1x64x128xf32, #tpu.memory_space<vmem>> -> memref<64x128xf32, #tpu.memory_space<vmem>>
    %dma_start3A_130 = arith.constant 0 : i32
    %dma_start3A_131 = tpu.memref_slice %arg3[%add3A_106, %dma_start3A_130] : memref<326400x128xf32, #tpu.memory_space<hbm>> -> memref<64x128xf32, #tpu.memory_space<hbm>>
    %dma_start3A_132 = arith.constant 0 : i32
    %dma_start3A_133 = arith.constant 0 : i32
    %dma_start3A_134 = tpu.memref_slice %arg10[%dma_start3A_125, %dma_start3A_132, %dma_start3A_133] : memref<4x64x128xf32, #tpu.memory_space<vmem>> -> memref<1x64x128xf32, #tpu.memory_space<vmem>>
    %dma_start3A_135 = tpu.memref_squeeze %dma_start3A_134 : memref<1x64x128xf32, #tpu.memory_space<vmem>> -> memref<64x128xf32, #tpu.memory_space<vmem>>
    %dma_start3A_136 = arith.constant 0 : i32
    %dma_start3A_137 = tpu.memref_slice %arg3[%add3A_106, %dma_start3A_136] : memref<326400x128xf32, #tpu.memory_space<hbm>> -> memref<64x128xf32, #tpu.memory_space<hbm>>
    tpu.enqueue_dma source(%dma_start3A_137 : memref<64x128xf32, #tpu.memory_space<hbm>>) target(%dma_start3A_135 : memref<64x128xf32, #tpu.memory_space<vmem>>) target_semaphore(%arg14 : memref<!tpu.dma_semaphore, #tpu.memory_space<semaphore_mem>>)
    %add3A_138 = arith.constant 128 : i32
    %add3A_139 = arith.addi %select_n3A_72, %add3A_138 : i32
    %dma_start3A_140 = arith.constant 2 : i32
    %dma_start3A_141 = arith.constant 0 : i32
    %dma_start3A_142 = tpu.memref_slice %arg8[%dma_start3A_140, %dma_start3A_141] : memref<4x64xi32, #tpu.memory_space<vmem>> -> memref<1x64xi32, #tpu.memory_space<vmem>>
    %dma_start3A_143 = tpu.memref_squeeze %dma_start3A_142 : memref<1x64xi32, #tpu.memory_space<vmem>> -> memref<64xi32, #tpu.memory_space<vmem>>
    %dma_start3A_144 = tpu.memref_slice %arg4[%add3A_139] : memref<323584xi32, #tpu.memory_space<hbm>> -> memref<64xi32, #tpu.memory_space<hbm>>
    %dma_start3A_145 = arith.constant 0 : i32
    %dma_start3A_146 = tpu.memref_slice %arg8[%dma_start3A_140, %dma_start3A_145] : memref<4x64xi32, #tpu.memory_space<vmem>> -> memref<1x64xi32, #tpu.memory_space<vmem>>
    %dma_start3A_147 = tpu.memref_squeeze %dma_start3A_146 : memref<1x64xi32, #tpu.memory_space<vmem>> -> memref<64xi32, #tpu.memory_space<vmem>>
    %dma_start3A_148 = tpu.memref_slice %arg4[%add3A_139] : memref<323584xi32, #tpu.memory_space<hbm>> -> memref<64xi32, #tpu.memory_space<hbm>>
    tpu.enqueue_dma source(%dma_start3A_148 : memref<64xi32, #tpu.memory_space<hbm>>) target(%dma_start3A_147 : memref<64xi32, #tpu.memory_space<vmem>>) target_semaphore(%arg15 : memref<!tpu.dma_semaphore, #tpu.memory_space<semaphore_mem>>)
    %dma_start3A_149 = arith.constant 2 : i32
    %dma_start3A_150 = arith.constant 0 : i32
    %dma_start3A_151 = tpu.memref_slice %arg9[%dma_start3A_149, %dma_start3A_150] : memref<4x64xi32, #tpu.memory_space<vmem>> -> memref<1x64xi32, #tpu.memory_space<vmem>>
    %dma_start3A_152 = tpu.memref_squeeze %dma_start3A_151 : memref<1x64xi32, #tpu.memory_space<vmem>> -> memref<64xi32, #tpu.memory_space<vmem>>
    %dma_start3A_153 = tpu.memref_slice %arg5[%add3A_139] : memref<323584xi32, #tpu.memory_space<hbm>> -> memref<64xi32, #tpu.memory_space<hbm>>
    %dma_start3A_154 = arith.constant 0 : i32
    %dma_start3A_155 = tpu.memref_slice %arg9[%dma_start3A_149, %dma_start3A_154] : memref<4x64xi32, #tpu.memory_space<vmem>> -> memref<1x64xi32, #tpu.memory_space<vmem>>
    %dma_start3A_156 = tpu.memref_squeeze %dma_start3A_155 : memref<1x64xi32, #tpu.memory_space<vmem>> -> memref<64xi32, #tpu.memory_space<vmem>>
    %dma_start3A_157 = tpu.memref_slice %arg5[%add3A_139] : memref<323584xi32, #tpu.memory_space<hbm>> -> memref<64xi32, #tpu.memory_space<hbm>>
    tpu.enqueue_dma source(%dma_start3A_157 : memref<64xi32, #tpu.memory_space<hbm>>) target(%dma_start3A_156 : memref<64xi32, #tpu.memory_space<vmem>>) target_semaphore(%arg15 : memref<!tpu.dma_semaphore, #tpu.memory_space<semaphore_mem>>)
    %dma_start3A_158 = arith.constant 2 : i32
    %dma_start3A_159 = arith.constant 0 : i32
    %dma_start3A_160 = arith.constant 0 : i32
    %dma_start3A_161 = tpu.memref_slice %arg10[%dma_start3A_158, %dma_start3A_159, %dma_start3A_160] : memref<4x64x128xf32, #tpu.memory_space<vmem>> -> memref<1x64x128xf32, #tpu.memory_space<vmem>>
    %dma_start3A_162 = tpu.memref_squeeze %dma_start3A_161 : memref<1x64x128xf32, #tpu.memory_space<vmem>> -> memref<64x128xf32, #tpu.memory_space<vmem>>
    %dma_start3A_163 = arith.constant 0 : i32
    %dma_start3A_164 = tpu.memref_slice %arg3[%add3A_139, %dma_start3A_163] : memref<326400x128xf32, #tpu.memory_space<hbm>> -> memref<64x128xf32, #tpu.memory_space<hbm>>
    %dma_start3A_165 = arith.constant 0 : i32
    %dma_start3A_166 = arith.constant 0 : i32
    %dma_start3A_167 = tpu.memref_slice %arg10[%dma_start3A_158, %dma_start3A_165, %dma_start3A_166] : memref<4x64x128xf32, #tpu.memory_space<vmem>> -> memref<1x64x128xf32, #tpu.memory_space<vmem>>
    %dma_start3A_168 = tpu.memref_squeeze %dma_start3A_167 : memref<1x64x128xf32, #tpu.memory_space<vmem>> -> memref<64x128xf32, #tpu.memory_space<vmem>>
    %dma_start3A_169 = arith.constant 0 : i32
    %dma_start3A_170 = tpu.memref_slice %arg3[%add3A_139, %dma_start3A_169] : memref<326400x128xf32, #tpu.memory_space<hbm>> -> memref<64x128xf32, #tpu.memory_space<hbm>>
    tpu.enqueue_dma source(%dma_start3A_170 : memref<64x128xf32, #tpu.memory_space<hbm>>) target(%dma_start3A_168 : memref<64x128xf32, #tpu.memory_space<vmem>>) target_semaphore(%arg15 : memref<!tpu.dma_semaphore, #tpu.memory_space<semaphore_mem>>)
    %add3A_171 = arith.constant 0 : i32
    %add3A_172 = arith.addi %select_n3A_72, %add3A_171 : i32
    %dma_wait3A = arith.constant 0 : i32
    %dma_wait3A_173 = arith.constant 0 : i32
    %dma_wait3A_174 = tpu.memref_slice %arg8[%dma_wait3A, %dma_wait3A_173] : memref<4x64xi32, #tpu.memory_space<vmem>> -> memref<1x64xi32, #tpu.memory_space<vmem>>
    %dma_wait3A_175 = tpu.memref_squeeze %dma_wait3A_174 : memref<1x64xi32, #tpu.memory_space<vmem>> -> memref<64xi32, #tpu.memory_space<vmem>>
    %dma_wait3A_176 = tpu.memref_slice %arg4[%add3A_172] : memref<323584xi32, #tpu.memory_space<hbm>> -> memref<64xi32, #tpu.memory_space<hbm>>
    %dma_wait3A_177 = arith.constant 0 : i32
    %dma_wait3A_178 = tpu.memref_slice %arg8[%dma_wait3A, %dma_wait3A_177] : memref<4x64xi32, #tpu.memory_space<vmem>> -> memref<1x64xi32, #tpu.memory_space<vmem>>
    %dma_wait3A_179 = tpu.memref_squeeze %dma_wait3A_178 : memref<1x64xi32, #tpu.memory_space<vmem>> -> memref<64xi32, #tpu.memory_space<vmem>>
    %dma_wait3A_180 = tpu.memref_slice %arg4[%add3A_172] : memref<323584xi32, #tpu.memory_space<hbm>> -> memref<64xi32, #tpu.memory_space<hbm>>
    tpu.wait_dma2 semaphore(%arg13 : memref<!tpu.dma_semaphore, #tpu.memory_space<semaphore_mem>>) src(%dma_wait3A_180 : memref<64xi32, #tpu.memory_space<hbm>>) dst(%dma_wait3A_179 : memref<64xi32, #tpu.memory_space<vmem>>)
    %dma_wait3A_181 = arith.constant 0 : i32
    %dma_wait3A_182 = arith.constant 0 : i32
    %dma_wait3A_183 = tpu.memref_slice %arg9[%dma_wait3A_181, %dma_wait3A_182] : memref<4x64xi32, #tpu.memory_space<vmem>> -> memref<1x64xi32, #tpu.memory_space<vmem>>
    %dma_wait3A_184 = tpu.memref_squeeze %dma_wait3A_183 : memref<1x64xi32, #tpu.memory_space<vmem>> -> memref<64xi32, #tpu.memory_space<vmem>>
    %dma_wait3A_185 = tpu.memref_slice %arg5[%add3A_172] : memref<323584xi32, #tpu.memory_space<hbm>> -> memref<64xi32, #tpu.memory_space<hbm>>
    %dma_wait3A_186 = arith.constant 0 : i32
    %dma_wait3A_187 = tpu.memref_slice %arg9[%dma_wait3A_181, %dma_wait3A_186] : memref<4x64xi32, #tpu.memory_space<vmem>> -> memref<1x64xi32, #tpu.memory_space<vmem>>
    %dma_wait3A_188 = tpu.memref_squeeze %dma_wait3A_187 : memref<1x64xi32, #tpu.memory_space<vmem>> -> memref<64xi32, #tpu.memory_space<vmem>>
    %dma_wait3A_189 = tpu.memref_slice %arg5[%add3A_172] : memref<323584xi32, #tpu.memory_space<hbm>> -> memref<64xi32, #tpu.memory_space<hbm>>
    tpu.wait_dma2 semaphore(%arg13 : memref<!tpu.dma_semaphore, #tpu.memory_space<semaphore_mem>>) src(%dma_wait3A_189 : memref<64xi32, #tpu.memory_space<hbm>>) dst(%dma_wait3A_188 : memref<64xi32, #tpu.memory_space<vmem>>)
    %dma_wait3A_190 = arith.constant 0 : i32
    %dma_wait3A_191 = arith.constant 0 : i32
    %dma_wait3A_192 = arith.constant 0 : i32
    %dma_wait3A_193 = tpu.memref_slice %arg10[%dma_wait3A_190, %dma_wait3A_191, %dma_wait3A_192] : memref<4x64x128xf32, #tpu.memory_space<vmem>> -> memref<1x64x128xf32, #tpu.memory_space<vmem>>
    %dma_wait3A_194 = tpu.memref_squeeze %dma_wait3A_193 : memref<1x64x128xf32, #tpu.memory_space<vmem>> -> memref<64x128xf32, #tpu.memory_space<vmem>>
    %dma_wait3A_195 = arith.constant 0 : i32
    %dma_wait3A_196 = tpu.memref_slice %arg3[%add3A_172, %dma_wait3A_195] : memref<326400x128xf32, #tpu.memory_space<hbm>> -> memref<64x128xf32, #tpu.memory_space<hbm>>
    %dma_wait3A_197 = arith.constant 0 : i32
    %dma_wait3A_198 = arith.constant 0 : i32
    %dma_wait3A_199 = tpu.memref_slice %arg10[%dma_wait3A_190, %dma_wait3A_197, %dma_wait3A_198] : memref<4x64x128xf32, #tpu.memory_space<vmem>> -> memref<1x64x128xf32, #tpu.memory_space<vmem>>
    %dma_wait3A_200 = tpu.memref_squeeze %dma_wait3A_199 : memref<1x64x128xf32, #tpu.memory_space<vmem>> -> memref<64x128xf32, #tpu.memory_space<vmem>>
    %dma_wait3A_201 = arith.constant 0 : i32
    %dma_wait3A_202 = tpu.memref_slice %arg3[%add3A_172, %dma_wait3A_201] : memref<326400x128xf32, #tpu.memory_space<hbm>> -> memref<64x128xf32, #tpu.memory_space<hbm>>
    tpu.wait_dma2 semaphore(%arg13 : memref<!tpu.dma_semaphore, #tpu.memory_space<semaphore_mem>>) src(%dma_wait3A_202 : memref<64x128xf32, #tpu.memory_space<hbm>>) dst(%dma_wait3A_200 : memref<64x128xf32, #tpu.memory_space<vmem>>)
    %dma_start3A_203 = arith.constant 0 : i32
    %dma_start3A_204 = arith.constant 0 : i32
    %dma_start3A_205 = arith.constant 0 : i32
    %dma_start3A_206 = arith.constant 0 : i32
    %dma_start3A_207 = tpu.memref_slice %arg10[%dma_start3A_204, %dma_start3A_205, %dma_start3A_206] : memref<4x64x128xf32, #tpu.memory_space<vmem>> -> memref<1x64x128xf32, #tpu.memory_space<vmem>>
    %dma_start3A_208 = tpu.memref_squeeze %dma_start3A_207 : memref<1x64x128xf32, #tpu.memory_space<vmem>> -> memref<64x128xf32, #tpu.memory_space<vmem>>
    %dma_start3A_209 = arith.constant 0 : i32
    %dma_start3A_210 = tpu.memref_slice %arg8[%dma_start3A_203, %dma_start3A_209] : memref<4x64xi32, #tpu.memory_space<vmem>> -> memref<1x64xi32, #tpu.memory_space<vmem>>
    %dma_start3A_211 = tpu.memref_squeeze %dma_start3A_210 : memref<1x64xi32, #tpu.memory_space<vmem>> -> memref<64xi32, #tpu.memory_space<vmem>>
    %dma_start3A_212 = arith.constant 0 : i32
    %dma_start3A_213 = arith.constant 0 : i32
    %dma_start3A_214 = tpu.memref_slice %arg2[%dma_start3A_212, %dma_start3A_213] : memref<10000x128xf32, #tpu.memory_space<hbm>> -> memref<10000x128xf32, #tpu.memory_space<hbm>>
    tpu.enqueue_indirect_dma source(%dma_start3A_214 : memref<10000x128xf32, #tpu.memory_space<hbm>>) target(%dma_start3A_208 : memref<64x128xf32, #tpu.memory_space<vmem>>) offsets(%dma_start3A_211 : memref<64xi32, #tpu.memory_space<vmem>>) semaphore(%arg17 : memref<!tpu.dma_semaphore, #tpu.memory_space<semaphore_mem>>) {add = true}
    %add3A_215 = arith.constant 64 : i32
    %add3A_216 = arith.addi %select_n3A_72, %add3A_215 : i32
    %dma_wait3A_217 = arith.constant 1 : i32
    %dma_wait3A_218 = arith.constant 0 : i32
    %dma_wait3A_219 = tpu.memref_slice %arg8[%dma_wait3A_217, %dma_wait3A_218] : memref<4x64xi32, #tpu.memory_space<vmem>> -> memref<1x64xi32, #tpu.memory_space<vmem>>
    %dma_wait3A_220 = tpu.memref_squeeze %dma_wait3A_219 : memref<1x64xi32, #tpu.memory_space<vmem>> -> memref<64xi32, #tpu.memory_space<vmem>>
    %dma_wait3A_221 = tpu.memref_slice %arg4[%add3A_216] : memref<323584xi32, #tpu.memory_space<hbm>> -> memref<64xi32, #tpu.memory_space<hbm>>
    %dma_wait3A_222 = arith.constant 0 : i32
    %dma_wait3A_223 = tpu.memref_slice %arg8[%dma_wait3A_217, %dma_wait3A_222] : memref<4x64xi32, #tpu.memory_space<vmem>> -> memref<1x64xi32, #tpu.memory_space<vmem>>
    %dma_wait3A_224 = tpu.memref_squeeze %dma_wait3A_223 : memref<1x64xi32, #tpu.memory_space<vmem>> -> memref<64xi32, #tpu.memory_space<vmem>>
    %dma_wait3A_225 = tpu.memref_slice %arg4[%add3A_216] : memref<323584xi32, #tpu.memory_space<hbm>> -> memref<64xi32, #tpu.memory_space<hbm>>
    tpu.wait_dma2 semaphore(%arg14 : memref<!tpu.dma_semaphore, #tpu.memory_space<semaphore_mem>>) src(%dma_wait3A_225 : memref<64xi32, #tpu.memory_space<hbm>>) dst(%dma_wait3A_224 : memref<64xi32, #tpu.memory_space<vmem>>)
    %dma_wait3A_226 = arith.constant 1 : i32
    %dma_wait3A_227 = arith.constant 0 : i32
    %dma_wait3A_228 = tpu.memref_slice %arg9[%dma_wait3A_226, %dma_wait3A_227] : memref<4x64xi32, #tpu.memory_space<vmem>> -> memref<1x64xi32, #tpu.memory_space<vmem>>
    %dma_wait3A_229 = tpu.memref_squeeze %dma_wait3A_228 : memref<1x64xi32, #tpu.memory_space<vmem>> -> memref<64xi32, #tpu.memory_space<vmem>>
    %dma_wait3A_230 = tpu.memref_slice %arg5[%add3A_216] : memref<323584xi32, #tpu.memory_space<hbm>> -> memref<64xi32, #tpu.memory_space<hbm>>
    %dma_wait3A_231 = arith.constant 0 : i32
    %dma_wait3A_232 = tpu.memref_slice %arg9[%dma_wait3A_226, %dma_wait3A_231] : memref<4x64xi32, #tpu.memory_space<vmem>> -> memref<1x64xi32, #tpu.memory_space<vmem>>
    %dma_wait3A_233 = tpu.memref_squeeze %dma_wait3A_232 : memref<1x64xi32, #tpu.memory_space<vmem>> -> memref<64xi32, #tpu.memory_space<vmem>>
    %dma_wait3A_234 = tpu.memref_slice %arg5[%add3A_216] : memref<323584xi32, #tpu.memory_space<hbm>> -> memref<64xi32, #tpu.memory_space<hbm>>
    tpu.wait_dma2 semaphore(%arg14 : memref<!tpu.dma_semaphore, #tpu.memory_space<semaphore_mem>>) src(%dma_wait3A_234 : memref<64xi32, #tpu.memory_space<hbm>>) dst(%dma_wait3A_233 : memref<64xi32, #tpu.memory_space<vmem>>)
    %dma_wait3A_235 = arith.constant 1 : i32
    %dma_wait3A_236 = arith.constant 0 : i32
    %dma_wait3A_237 = arith.constant 0 : i32
    %dma_wait3A_238 = tpu.memref_slice %arg10[%dma_wait3A_235, %dma_wait3A_236, %dma_wait3A_237] : memref<4x64x128xf32, #tpu.memory_space<vmem>> -> memref<1x64x128xf32, #tpu.memory_space<vmem>>
    %dma_wait3A_239 = tpu.memref_squeeze %dma_wait3A_238 : memref<1x64x128xf32, #tpu.memory_space<vmem>> -> memref<64x128xf32, #tpu.memory_space<vmem>>
    %dma_wait3A_240 = arith.constant 0 : i32
    %dma_wait3A_241 = tpu.memref_slice %arg3[%add3A_216, %dma_wait3A_240] : memref<326400x128xf32, #tpu.memory_space<hbm>> -> memref<64x128xf32, #tpu.memory_space<hbm>>
    %dma_wait3A_242 = arith.constant 0 : i32
    %dma_wait3A_243 = arith.constant 0 : i32
    %dma_wait3A_244 = tpu.memref_slice %arg10[%dma_wait3A_235, %dma_wait3A_242, %dma_wait3A_243] : memref<4x64x128xf32, #tpu.memory_space<vmem>> -> memref<1x64x128xf32, #tpu.memory_space<vmem>>
    %dma_wait3A_245 = tpu.memref_squeeze %dma_wait3A_244 : memref<1x64x128xf32, #tpu.memory_space<vmem>> -> memref<64x128xf32, #tpu.memory_space<vmem>>
    %dma_wait3A_246 = arith.constant 0 : i32
    %dma_wait3A_247 = tpu.memref_slice %arg3[%add3A_216, %dma_wait3A_246] : memref<326400x128xf32, #tpu.memory_space<hbm>> -> memref<64x128xf32, #tpu.memory_space<hbm>>
    tpu.wait_dma2 semaphore(%arg14 : memref<!tpu.dma_semaphore, #tpu.memory_space<semaphore_mem>>) src(%dma_wait3A_247 : memref<64x128xf32, #tpu.memory_space<hbm>>) dst(%dma_wait3A_245 : memref<64x128xf32, #tpu.memory_space<vmem>>)
    %dma_start3A_248 = arith.constant 1 : i32
    %dma_start3A_249 = arith.constant 1 : i32
    %dma_start3A_250 = arith.constant 0 : i32
    %dma_start3A_251 = arith.constant 0 : i32
    %dma_start3A_252 = tpu.memref_slice %arg10[%dma_start3A_249, %dma_start3A_250, %dma_start3A_251] : memref<4x64x128xf32, #tpu.memory_space<vmem>> -> memref<1x64x128xf32, #tpu.memory_space<vmem>>
    %dma_start3A_253 = tpu.memref_squeeze %dma_start3A_252 : memref<1x64x128xf32, #tpu.memory_space<vmem>> -> memref<64x128xf32, #tpu.memory_space<vmem>>
    %dma_start3A_254 = arith.constant 0 : i32
    %dma_start3A_255 = tpu.memref_slice %arg8[%dma_start3A_248, %dma_start3A_254] : memref<4x64xi32, #tpu.memory_space<vmem>> -> memref<1x64xi32, #tpu.memory_space<vmem>>
    %dma_start3A_256 = tpu.memref_squeeze %dma_start3A_255 : memref<1x64xi32, #tpu.memory_space<vmem>> -> memref<64xi32, #tpu.memory_space<vmem>>
    %dma_start3A_257 = arith.constant 0 : i32
    %dma_start3A_258 = arith.constant 0 : i32
    %dma_start3A_259 = tpu.memref_slice %arg2[%dma_start3A_257, %dma_start3A_258] : memref<10000x128xf32, #tpu.memory_space<hbm>> -> memref<10000x128xf32, #tpu.memory_space<hbm>>
    tpu.enqueue_indirect_dma source(%dma_start3A_259 : memref<10000x128xf32, #tpu.memory_space<hbm>>) target(%dma_start3A_253 : memref<64x128xf32, #tpu.memory_space<vmem>>) offsets(%dma_start3A_256 : memref<64xi32, #tpu.memory_space<vmem>>) semaphore(%arg18 : memref<!tpu.dma_semaphore, #tpu.memory_space<semaphore_mem>>) {add = true}
    %jit3A_260 = arith.constant 4 : i32
    %div3A = arith.divsi %select_n3A, %jit3A_260 : i32
    %sign3A = arith.constant 0 : i32
    %sign3A_261 = arith.cmpi sgt, %select_n3A, %sign3A : i32
    %sign3A_262 = arith.extui %sign3A_261 : i1 to i32
    %sign3A_263 = arith.constant 0 : i32
    %sign3A_264 = arith.cmpi slt, %select_n3A, %sign3A_263 : i32
    %sign3A_265 = arith.extui %sign3A_264 : i1 to i32
    %sign3A_266 = arith.subi %sign3A_262, %sign3A_265 : i32
    %sign3A_267 = arith.constant 0 : i32
    %sign3A_268 = arith.cmpi sgt, %jit3A_260, %sign3A_267 : i32
    %sign3A_269 = arith.extui %sign3A_268 : i1 to i32
    %sign3A_270 = arith.constant 0 : i32
    %sign3A_271 = arith.cmpi slt, %jit3A_260, %sign3A_270 : i32
    %sign3A_272 = arith.extui %sign3A_271 : i1 to i32
    %sign3A_273 = arith.subi %sign3A_269, %sign3A_272 : i32
    %ne3A = arith.cmpi ne, %sign3A_266, %sign3A_273 : i32
    %rem3A = arith.remsi %select_n3A, %jit3A_260 : i32
    %ne3A_274 = arith.constant 0 : i32
    %ne3A_275 = arith.cmpi ne, %rem3A, %ne3A_274 : i32
    %and3A = arith.andi %ne3A, %ne3A_275 : i1
    %sub3A = arith.constant 1 : i32
    %sub3A_276 = arith.subi %div3A, %sub3A : i32
    %select_n3A_277 = arith.select %and3A, %sub3A_276, %div3A : i32
    %while3A = arith.constant 0 : i32
    %while3A_278 = arith.constant 0 : i32
    %while3A_279 = arith.subi %select_n3A_277, %while3A_278 : i32
    %while3A_280 = arith.addi %while3A_278, %while3A_279 : i32
    %while3A_281 = arith.constant 1 : i32
    %while3A_282 = arith.divsi %while3A_279, %while3A_281 : i32
    %while3A_283 = arith.muli %while3A_282, %while3A_281 : i32
    %while3A_284 = arith.addi %while3A_278, %while3A_283 : i32
    %while3A_285 = arith.constant 1 : i32
    scf.for %while3A_302 = %while3A_278 to %while3A_284 step %while3A_285  : i32 {
      %mul3A_303 = arith.constant 4 : i32
      %mul3A_304 = arith.muli %mul3A_303, %while3A_302 : i32
      %add3A_305 = arith.constant 0 : i32
      %add3A_306 = arith.addi %mul3A_304, %add3A_305 : i32
      %add3A_307 = arith.constant 2 : i32
      %add3A_308 = arith.addi %add3A_306, %add3A_307 : i32
      %sub3A_309 = arith.constant 1 : i32
      %sub3A_310 = arith.subi %select_n3A, %sub3A_309 : i32
      %le3A = arith.cmpi sle, %add3A_308, %sub3A_310 : i32
      %convert_element_type3A = arith.extui %le3A : i1 to i32
      %cond3A = arith.constant 0 : i32
      %cond3A_311 = arith.cmpi ne, %convert_element_type3A, %cond3A : i32
      scf.if %cond3A_311 {
        %add3A_590 = arith.constant 2 : i32
        %add3A_591 = arith.addi %add3A_306, %add3A_590 : i32
        %mul3A_592 = arith.constant 64 : i32
        %mul3A_593 = arith.muli %add3A_591, %mul3A_592 : i32
        %add3A_594 = arith.addi %select_n3A_72, %mul3A_593 : i32
        %dma_wait3A_595 = arith.constant 2 : i32
        %dma_wait3A_596 = arith.constant 0 : i32
        %dma_wait3A_597 = tpu.memref_slice %arg8[%dma_wait3A_595, %dma_wait3A_596] : memref<4x64xi32, #tpu.memory_space<vmem>> -> memref<1x64xi32, #tpu.memory_space<vmem>>
        %dma_wait3A_598 = tpu.memref_squeeze %dma_wait3A_597 : memref<1x64xi32, #tpu.memory_space<vmem>> -> memref<64xi32, #tpu.memory_space<vmem>>
        %dma_wait3A_599 = tpu.memref_slice %arg4[%add3A_594] : memref<323584xi32, #tpu.memory_space<hbm>> -> memref<64xi32, #tpu.memory_space<hbm>>
        %dma_wait3A_600 = arith.constant 0 : i32
        %dma_wait3A_601 = tpu.memref_slice %arg8[%dma_wait3A_595, %dma_wait3A_600] : memref<4x64xi32, #tpu.memory_space<vmem>> -> memref<1x64xi32, #tpu.memory_space<vmem>>
        %dma_wait3A_602 = tpu.memref_squeeze %dma_wait3A_601 : memref<1x64xi32, #tpu.memory_space<vmem>> -> memref<64xi32, #tpu.memory_space<vmem>>
        %dma_wait3A_603 = tpu.memref_slice %arg4[%add3A_594] : memref<323584xi32, #tpu.memory_space<hbm>> -> memref<64xi32, #tpu.memory_space<hbm>>
        tpu.wait_dma2 semaphore(%arg15 : memref<!tpu.dma_semaphore, #tpu.memory_space<semaphore_mem>>) src(%dma_wait3A_603 : memref<64xi32, #tpu.memory_space<hbm>>) dst(%dma_wait3A_602 : memref<64xi32, #tpu.memory_space<vmem>>)
        %dma_wait3A_604 = arith.constant 2 : i32
        %dma_wait3A_605 = arith.constant 0 : i32
        %dma_wait3A_606 = tpu.memref_slice %arg9[%dma_wait3A_604, %dma_wait3A_605] : memref<4x64xi32, #tpu.memory_space<vmem>> -> memref<1x64xi32, #tpu.memory_space<vmem>>
        %dma_wait3A_607 = tpu.memref_squeeze %dma_wait3A_606 : memref<1x64xi32, #tpu.memory_space<vmem>> -> memref<64xi32, #tpu.memory_space<vmem>>
        %dma_wait3A_608 = tpu.memref_slice %arg5[%add3A_594] : memref<323584xi32, #tpu.memory_space<hbm>> -> memref<64xi32, #tpu.memory_space<hbm>>
        %dma_wait3A_609 = arith.constant 0 : i32
        %dma_wait3A_610 = tpu.memref_slice %arg9[%dma_wait3A_604, %dma_wait3A_609] : memref<4x64xi32, #tpu.memory_space<vmem>> -> memref<1x64xi32, #tpu.memory_space<vmem>>
        %dma_wait3A_611 = tpu.memref_squeeze %dma_wait3A_610 : memref<1x64xi32, #tpu.memory_space<vmem>> -> memref<64xi32, #tpu.memory_space<vmem>>
        %dma_wait3A_612 = tpu.memref_slice %arg5[%add3A_594] : memref<323584xi32, #tpu.memory_space<hbm>> -> memref<64xi32, #tpu.memory_space<hbm>>
        tpu.wait_dma2 semaphore(%arg15 : memref<!tpu.dma_semaphore, #tpu.memory_space<semaphore_mem>>) src(%dma_wait3A_612 : memref<64xi32, #tpu.memory_space<hbm>>) dst(%dma_wait3A_611 : memref<64xi32, #tpu.memory_space<vmem>>)
        %dma_wait3A_613 = arith.constant 2 : i32
        %dma_wait3A_614 = arith.constant 0 : i32
        %dma_wait3A_615 = arith.constant 0 : i32
        %dma_wait3A_616 = tpu.memref_slice %arg10[%dma_wait3A_613, %dma_wait3A_614, %dma_wait3A_615] : memref<4x64x128xf32, #tpu.memory_space<vmem>> -> memref<1x64x128xf32, #tpu.memory_space<vmem>>
        %dma_wait3A_617 = tpu.memref_squeeze %dma_wait3A_616 : memref<1x64x128xf32, #tpu.memory_space<vmem>> -> memref<64x128xf32, #tpu.memory_space<vmem>>
        %dma_wait3A_618 = arith.constant 0 : i32
        %dma_wait3A_619 = tpu.memref_slice %arg3[%add3A_594, %dma_wait3A_618] : memref<326400x128xf32, #tpu.memory_space<hbm>> -> memref<64x128xf32, #tpu.memory_space<hbm>>
        %dma_wait3A_620 = arith.constant 0 : i32
        %dma_wait3A_621 = arith.constant 0 : i32
        %dma_wait3A_622 = tpu.memref_slice %arg10[%dma_wait3A_613, %dma_wait3A_620, %dma_wait3A_621] : memref<4x64x128xf32, #tpu.memory_space<vmem>> -> memref<1x64x128xf32, #tpu.memory_space<vmem>>
        %dma_wait3A_623 = tpu.memref_squeeze %dma_wait3A_622 : memref<1x64x128xf32, #tpu.memory_space<vmem>> -> memref<64x128xf32, #tpu.memory_space<vmem>>
        %dma_wait3A_624 = arith.constant 0 : i32
        %dma_wait3A_625 = tpu.memref_slice %arg3[%add3A_594, %dma_wait3A_624] : memref<326400x128xf32, #tpu.memory_space<hbm>> -> memref<64x128xf32, #tpu.memory_space<hbm>>
        tpu.wait_dma2 semaphore(%arg15 : memref<!tpu.dma_semaphore, #tpu.memory_space<semaphore_mem>>) src(%dma_wait3A_625 : memref<64x128xf32, #tpu.memory_space<hbm>>) dst(%dma_wait3A_623 : memref<64x128xf32, #tpu.memory_space<vmem>>)
        %dma_start3A_626 = arith.constant 2 : i32
        %dma_start3A_627 = arith.constant 2 : i32
        %dma_start3A_628 = arith.constant 0 : i32
        %dma_start3A_629 = arith.constant 0 : i32
        %dma_start3A_630 = tpu.memref_slice %arg10[%dma_start3A_627, %dma_start3A_628, %dma_start3A_629] : memref<4x64x128xf32, #tpu.memory_space<vmem>> -> memref<1x64x128xf32, #tpu.memory_space<vmem>>
        %dma_start3A_631 = tpu.memref_squeeze %dma_start3A_630 : memref<1x64x128xf32, #tpu.memory_space<vmem>> -> memref<64x128xf32, #tpu.memory_space<vmem>>
        %dma_start3A_632 = arith.constant 0 : i32
        %dma_start3A_633 = tpu.memref_slice %arg8[%dma_start3A_626, %dma_start3A_632] : memref<4x64xi32, #tpu.memory_space<vmem>> -> memref<1x64xi32, #tpu.memory_space<vmem>>
        %dma_start3A_634 = tpu.memref_squeeze %dma_start3A_633 : memref<1x64xi32, #tpu.memory_space<vmem>> -> memref<64xi32, #tpu.memory_space<vmem>>
        %dma_start3A_635 = arith.constant 0 : i32
        %dma_start3A_636 = arith.constant 0 : i32
        %dma_start3A_637 = tpu.memref_slice %arg2[%dma_start3A_635, %dma_start3A_636] : memref<10000x128xf32, #tpu.memory_space<hbm>> -> memref<10000x128xf32, #tpu.memory_space<hbm>>
        tpu.enqueue_indirect_dma source(%dma_start3A_637 : memref<10000x128xf32, #tpu.memory_space<hbm>>) target(%dma_start3A_631 : memref<64x128xf32, #tpu.memory_space<vmem>>) offsets(%dma_start3A_634 : memref<64xi32, #tpu.memory_space<vmem>>) semaphore(%arg19 : memref<!tpu.dma_semaphore, #tpu.memory_space<semaphore_mem>>) {add = true}
      } else {
      }
      %dma_wait3A_312 = arith.constant 0 : i32
      %dma_wait3A_313 = arith.constant 0 : i32
      %dma_wait3A_314 = arith.constant 0 : i32
      %dma_wait3A_315 = arith.constant 0 : i32
      %dma_wait3A_316 = tpu.memref_slice %arg10[%dma_wait3A_313, %dma_wait3A_314, %dma_wait3A_315] : memref<4x64x128xf32, #tpu.memory_space<vmem>> -> memref<1x64x128xf32, #tpu.memory_space<vmem>>
      %dma_wait3A_317 = tpu.memref_squeeze %dma_wait3A_316 : memref<1x64x128xf32, #tpu.memory_space<vmem>> -> memref<64x128xf32, #tpu.memory_space<vmem>>
      %dma_wait3A_318 = arith.constant 0 : i32
      %dma_wait3A_319 = tpu.memref_slice %arg8[%dma_wait3A_312, %dma_wait3A_318] : memref<4x64xi32, #tpu.memory_space<vmem>> -> memref<1x64xi32, #tpu.memory_space<vmem>>
      %dma_wait3A_320 = tpu.memref_squeeze %dma_wait3A_319 : memref<1x64xi32, #tpu.memory_space<vmem>> -> memref<64xi32, #tpu.memory_space<vmem>>
      %dma_wait3A_321 = arith.constant 0 : i32
      %dma_wait3A_322 = arith.constant 0 : i32
      %dma_wait3A_323 = tpu.memref_slice %arg2[%dma_wait3A_321, %dma_wait3A_322] : memref<10000x128xf32, #tpu.memory_space<hbm>> -> memref<10000x128xf32, #tpu.memory_space<hbm>>
      tpu.wait_indirect_dma semaphore(%arg17 : memref<!tpu.dma_semaphore, #tpu.memory_space<semaphore_mem>>) src(%dma_wait3A_323 : memref<10000x128xf32, #tpu.memory_space<hbm>>) dst(%dma_wait3A_317 : memref<64x128xf32, #tpu.memory_space<vmem>>)
      %scan3A_324 = arith.constant 0 : i32
      %scan3A_325 = arith.constant 0 : i32
      %scan3A_326 = arith.constant 64 : i32
      %scan3A_327 = arith.addi %scan3A_325, %scan3A_326 : i32
      %scan3A_328 = arith.constant 1 : i32
      scf.for %scan3A_590 = %scan3A_325 to %scan3A_327 step %scan3A_328  : i32 {
        %get3A_591 = arith.constant 0 : i32
        %get3A_592 = arith.index_cast %get3A_591 : i32 to index
        %get3A_593 = arith.index_cast %scan3A_590 : i32 to index
        %get3A_594 = arith.constant 0 : index
        %get3A_595 = tpu.vector_load %arg10[%get3A_592, %get3A_593, %get3A_594] {strides = array<i32>} : memref<4x64x128xf32, #tpu.memory_space<vmem>>, vector<16xf32>,
        %max3A = arith.constant 0.000000e+00 : f32
        %max3A_596 = vector.broadcast %max3A : f32 to vector<16xf32>
        %max3A_597 = arith.maximumf %get3A_595, %max3A_596 : vector<16xf32>
        %swap3A = arith.constant 0 : i32
        %swap3A_598 = arith.index_cast %swap3A : i32 to index
        %swap3A_599 = arith.index_cast %scan3A_590 : i32 to index
        %swap3A_600 = arith.constant 0 : index
        %swap3A_601 = tpu.vector_load %arg10[%swap3A_598, %swap3A_599, %swap3A_600] {strides = array<i32>} : memref<4x64x128xf32, #tpu.memory_space<vmem>>, vector<16xf32>,
        tpu.vector_store %arg10[%swap3A_598, %swap3A_599, %swap3A_600], %max3A_597 {strides = array<i32>} : memref<4x64x128xf32, #tpu.memory_space<vmem>>, vector<16xf32>,
        %get3A_602 = arith.constant 0 : i32
        %get3A_603 = arith.index_cast %get3A_602 : i32 to index
        %get3A_604 = arith.index_cast %scan3A_590 : i32 to index
        %get3A_605 = arith.constant 16 : index
        %get3A_606 = tpu.vector_load %arg10[%get3A_603, %get3A_604, %get3A_605] {strides = array<i32>} : memref<4x64x128xf32, #tpu.memory_space<vmem>>, vector<16xf32>,
        %max3A_607 = arith.constant 0.000000e+00 : f32
        %max3A_608 = vector.broadcast %max3A_607 : f32 to vector<16xf32>
        %max3A_609 = arith.maximumf %get3A_606, %max3A_608 : vector<16xf32>
        %swap3A_610 = arith.constant 0 : i32
        %swap3A_611 = arith.index_cast %swap3A_610 : i32 to index
        %swap3A_612 = arith.index_cast %scan3A_590 : i32 to index
        %swap3A_613 = arith.constant 16 : index
        %swap3A_614 = tpu.vector_load %arg10[%swap3A_611, %swap3A_612, %swap3A_613] {strides = array<i32>} : memref<4x64x128xf32, #tpu.memory_space<vmem>>, vector<16xf32>,
        tpu.vector_store %arg10[%swap3A_611, %swap3A_612, %swap3A_613], %max3A_609 {strides = array<i32>} : memref<4x64x128xf32, #tpu.memory_space<vmem>>, vector<16xf32>,
        %get3A_615 = arith.constant 0 : i32
        %get3A_616 = arith.index_cast %get3A_615 : i32 to index
        %get3A_617 = arith.index_cast %scan3A_590 : i32 to index
        %get3A_618 = arith.constant 32 : index
        %get3A_619 = tpu.vector_load %arg10[%get3A_616, %get3A_617, %get3A_618] {strides = array<i32>} : memref<4x64x128xf32, #tpu.memory_space<vmem>>, vector<16xf32>,
        %max3A_620 = arith.constant 0.000000e+00 : f32
        %max3A_621 = vector.broadcast %max3A_620 : f32 to vector<16xf32>
        %max3A_622 = arith.maximumf %get3A_619, %max3A_621 : vector<16xf32>
        %swap3A_623 = arith.constant 0 : i32
        %swap3A_624 = arith.index_cast %swap3A_623 : i32 to index
        %swap3A_625 = arith.index_cast %scan3A_590 : i32 to index
        %swap3A_626 = arith.constant 32 : index
        %swap3A_627 = tpu.vector_load %arg10[%swap3A_624, %swap3A_625, %swap3A_626] {strides = array<i32>} : memref<4x64x128xf32, #tpu.memory_space<vmem>>, vector<16xf32>,
        tpu.vector_store %arg10[%swap3A_624, %swap3A_625, %swap3A_626], %max3A_622 {strides = array<i32>} : memref<4x64x128xf32, #tpu.memory_space<vmem>>, vector<16xf32>,
        %get3A_628 = arith.constant 0 : i32
        %get3A_629 = arith.index_cast %get3A_628 : i32 to index
        %get3A_630 = arith.index_cast %scan3A_590 : i32 to index
        %get3A_631 = arith.constant 48 : index
        %get3A_632 = tpu.vector_load %arg10[%get3A_629, %get3A_630, %get3A_631] {strides = array<i32>} : memref<4x64x128xf32, #tpu.memory_space<vmem>>, vector<16xf32>,
        %max3A_633 = arith.constant 0.000000e+00 : f32
        %max3A_634 = vector.broadcast %max3A_633 : f32 to vector<16xf32>
        %max3A_635 = arith.maximumf %get3A_632, %max3A_634 : vector<16xf32>
        %swap3A_636 = arith.constant 0 : i32
        %swap3A_637 = arith.index_cast %swap3A_636 : i32 to index
        %swap3A_638 = arith.index_cast %scan3A_590 : i32 to index
        %swap3A_639 = arith.constant 48 : index
        %swap3A_640 = tpu.vector_load %arg10[%swap3A_637, %swap3A_638, %swap3A_639] {strides = array<i32>} : memref<4x64x128xf32, #tpu.memory_space<vmem>>, vector<16xf32>,
        tpu.vector_store %arg10[%swap3A_637, %swap3A_638, %swap3A_639], %max3A_635 {strides = array<i32>} : memref<4x64x128xf32, #tpu.memory_space<vmem>>, vector<16xf32>,
        %get3A_641 = arith.constant 0 : i32
        %get3A_642 = arith.index_cast %get3A_641 : i32 to index
        %get3A_643 = arith.index_cast %scan3A_590 : i32 to index
        %get3A_644 = arith.constant 64 : index
        %get3A_645 = tpu.vector_load %arg10[%get3A_642, %get3A_643, %get3A_644] {strides = array<i32>} : memref<4x64x128xf32, #tpu.memory_space<vmem>>, vector<16xf32>,
        %max3A_646 = arith.constant 0.000000e+00 : f32
        %max3A_647 = vector.broadcast %max3A_646 : f32 to vector<16xf32>
        %max3A_648 = arith.maximumf %get3A_645, %max3A_647 : vector<16xf32>
        %swap3A_649 = arith.constant 0 : i32
        %swap3A_650 = arith.index_cast %swap3A_649 : i32 to index
        %swap3A_651 = arith.index_cast %scan3A_590 : i32 to index
        %swap3A_652 = arith.constant 64 : index
        %swap3A_653 = tpu.vector_load %arg10[%swap3A_650, %swap3A_651, %swap3A_652] {strides = array<i32>} : memref<4x64x128xf32, #tpu.memory_space<vmem>>, vector<16xf32>,
        tpu.vector_store %arg10[%swap3A_650, %swap3A_651, %swap3A_652], %max3A_648 {strides = array<i32>} : memref<4x64x128xf32, #tpu.memory_space<vmem>>, vector<16xf32>,
        %get3A_654 = arith.constant 0 : i32
        %get3A_655 = arith.index_cast %get3A_654 : i32 to index
        %get3A_656 = arith.index_cast %scan3A_590 : i32 to index
        %get3A_657 = arith.constant 80 : index
        %get3A_658 = tpu.vector_load %arg10[%get3A_655, %get3A_656, %get3A_657] {strides = array<i32>} : memref<4x64x128xf32, #tpu.memory_space<vmem>>, vector<16xf32>,
        %max3A_659 = arith.constant 0.000000e+00 : f32
        %max3A_660 = vector.broadcast %max3A_659 : f32 to vector<16xf32>
        %max3A_661 = arith.maximumf %get3A_658, %max3A_660 : vector<16xf32>
        %swap3A_662 = arith.constant 0 : i32
        %swap3A_663 = arith.index_cast %swap3A_662 : i32 to index
        %swap3A_664 = arith.index_cast %scan3A_590 : i32 to index
        %swap3A_665 = arith.constant 80 : index
        %swap3A_666 = tpu.vector_load %arg10[%swap3A_663, %swap3A_664, %swap3A_665] {strides = array<i32>} : memref<4x64x128xf32, #tpu.memory_space<vmem>>, vector<16xf32>,
        tpu.vector_store %arg10[%swap3A_663, %swap3A_664, %swap3A_665], %max3A_661 {strides = array<i32>} : memref<4x64x128xf32, #tpu.memory_space<vmem>>, vector<16xf32>,
        %get3A_667 = arith.constant 0 : i32
        %get3A_668 = arith.index_cast %get3A_667 : i32 to index
        %get3A_669 = arith.index_cast %scan3A_590 : i32 to index
        %get3A_670 = arith.constant 96 : index
        %get3A_671 = tpu.vector_load %arg10[%get3A_668, %get3A_669, %get3A_670] {strides = array<i32>} : memref<4x64x128xf32, #tpu.memory_space<vmem>>, vector<16xf32>,
        %max3A_672 = arith.constant 0.000000e+00 : f32
        %max3A_673 = vector.broadcast %max3A_672 : f32 to vector<16xf32>
        %max3A_674 = arith.maximumf %get3A_671, %max3A_673 : vector<16xf32>
        %swap3A_675 = arith.constant 0 : i32
        %swap3A_676 = arith.index_cast %swap3A_675 : i32 to index
        %swap3A_677 = arith.index_cast %scan3A_590 : i32 to index
        %swap3A_678 = arith.constant 96 : index
        %swap3A_679 = tpu.vector_load %arg10[%swap3A_676, %swap3A_677, %swap3A_678] {strides = array<i32>} : memref<4x64x128xf32, #tpu.memory_space<vmem>>, vector<16xf32>,
        tpu.vector_store %arg10[%swap3A_676, %swap3A_677, %swap3A_678], %max3A_674 {strides = array<i32>} : memref<4x64x128xf32, #tpu.memory_space<vmem>>, vector<16xf32>,
        %get3A_680 = arith.constant 0 : i32
        %get3A_681 = arith.index_cast %get3A_680 : i32 to index
        %get3A_682 = arith.index_cast %scan3A_590 : i32 to index
        %get3A_683 = arith.constant 112 : index
        %get3A_684 = tpu.vector_load %arg10[%get3A_681, %get3A_682, %get3A_683] {strides = array<i32>} : memref<4x64x128xf32, #tpu.memory_space<vmem>>, vector<16xf32>,
        %max3A_685 = arith.constant 0.000000e+00 : f32
        %max3A_686 = vector.broadcast %max3A_685 : f32 to vector<16xf32>
        %max3A_687 = arith.maximumf %get3A_684, %max3A_686 : vector<16xf32>
        %swap3A_688 = arith.constant 0 : i32
        %swap3A_689 = arith.index_cast %swap3A_688 : i32 to index
        %swap3A_690 = arith.index_cast %scan3A_590 : i32 to index
        %swap3A_691 = arith.constant 112 : index
        %swap3A_692 = tpu.vector_load %arg10[%swap3A_689, %swap3A_690, %swap3A_691] {strides = array<i32>} : memref<4x64x128xf32, #tpu.memory_space<vmem>>, vector<16xf32>,
        tpu.vector_store %arg10[%swap3A_689, %swap3A_690, %swap3A_691], %max3A_687 {strides = array<i32>} : memref<4x64x128xf32, #tpu.memory_space<vmem>>, vector<16xf32>,
      }
      %scan3A_329 = arith.constant 64 : i32
      %dma_start3A_330 = arith.constant 0 : i32
      %dma_start3A_331 = arith.constant 0 : i32
      %dma_start3A_332 = arith.constant 0 : i32
      %dma_start3A_333 = arith.constant 0 : i32
      %dma_start3A_334 = tpu.memref_slice %arg10[%dma_start3A_330, %dma_start3A_332, %dma_start3A_333] : memref<4x64x128xf32, #tpu.memory_space<vmem>> -> memref<1x64x128xf32, #tpu.memory_space<vmem>>
      %dma_start3A_335 = tpu.memref_squeeze %dma_start3A_334 : memref<1x64x128xf32, #tpu.memory_space<vmem>> -> memref<64x128xf32, #tpu.memory_space<vmem>>
      %dma_start3A_336 = arith.constant 0 : i32
      %dma_start3A_337 = tpu.memref_slice %arg9[%dma_start3A_331, %dma_start3A_336] : memref<4x64xi32, #tpu.memory_space<vmem>> -> memref<1x64xi32, #tpu.memory_space<vmem>>
      %dma_start3A_338 = tpu.memref_squeeze %dma_start3A_337 : memref<1x64xi32, #tpu.memory_space<vmem>> -> memref<64xi32, #tpu.memory_space<vmem>>
      %dma_start3A_339 = arith.constant 0 : i32
      %dma_start3A_340 = arith.constant 0 : i32
      %dma_start3A_341 = tpu.memref_slice %arg12[%dma_start3A_339, %dma_start3A_340] : memref<10240x128xf32, #tpu.memory_space<vmem_shared>> -> memref<10240x128xf32, #tpu.memory_space<vmem_shared>>
      tpu.enqueue_indirect_dma source(%dma_start3A_335 : memref<64x128xf32, #tpu.memory_space<vmem>>) target(%dma_start3A_341 : memref<10240x128xf32, #tpu.memory_space<vmem_shared>>) offsets(%dma_start3A_338 : memref<64xi32, #tpu.memory_space<vmem>>) semaphore(%arg21 : memref<!tpu.dma_semaphore, #tpu.memory_space<semaphore_mem>>) {add = true}
      %broadcast_in_dim3A_342 = arith.constant 1.000000e+00 : f32
      %broadcast_in_dim3A_343 = vector.broadcast %broadcast_in_dim3A_342 : f32 to vector<16xf32>
      %get3A = arith.constant 0 : i32
      %get3A_344 = arith.index_cast %get3A : i32 to index
      %get3A_345 = arith.constant 0 : index
      %get3A_346 = tpu.vector_load %arg9[%get3A_344, %get3A_345] {strides = array<i32>} : memref<4x64xi32, #tpu.memory_space<vmem>>, vector<16xi32>,
      tpu.vector_store_idx %arg11[%get3A_346], %broadcast_in_dim3A_343 {add = true} : memref<10240xf32, #tpu.memory_space<vmem>>[vector<16xi32>], vector<16xf32>,
      %get3A_347 = arith.constant 0 : i32
      %get3A_348 = arith.index_cast %get3A_347 : i32 to index
      %get3A_349 = arith.constant 16 : index
      %get3A_350 = tpu.vector_load %arg9[%get3A_348, %get3A_349] {strides = array<i32>} : memref<4x64xi32, #tpu.memory_space<vmem>>, vector<16xi32>,
      tpu.vector_store_idx %arg11[%get3A_350], %broadcast_in_dim3A_343 {add = true} : memref<10240xf32, #tpu.memory_space<vmem>>[vector<16xi32>], vector<16xf32>,
      %get3A_351 = arith.constant 0 : i32
      %get3A_352 = arith.index_cast %get3A_351 : i32 to index
      %get3A_353 = arith.constant 32 : index
      %get3A_354 = tpu.vector_load %arg9[%get3A_352, %get3A_353] {strides = array<i32>} : memref<4x64xi32, #tpu.memory_space<vmem>>, vector<16xi32>,
      tpu.vector_store_idx %arg11[%get3A_354], %broadcast_in_dim3A_343 {add = true} : memref<10240xf32, #tpu.memory_space<vmem>>[vector<16xi32>], vector<16xf32>,
      %get3A_355 = arith.constant 0 : i32
      %get3A_356 = arith.index_cast %get3A_355 : i32 to index
      %get3A_357 = arith.constant 48 : index
      %get3A_358 = tpu.vector_load %arg9[%get3A_356, %get3A_357] {strides = array<i32>} : memref<4x64xi32, #tpu.memory_space<vmem>>, vector<16xi32>,
      tpu.vector_store_idx %arg11[%get3A_358], %broadcast_in_dim3A_343 {add = true} : memref<10240xf32, #tpu.memory_space<vmem>>[vector<16xi32>], vector<16xf32>,
      %ge3A = arith.constant 1 : i32
      %ge3A_359 = arith.cmpi sge, %add3A_306, %ge3A : i32
      %convert_element_type3A_360 = arith.extui %ge3A_359 : i1 to i32
      %cond3A_361 = arith.constant 0 : i32
      %cond3A_362 = arith.cmpi ne, %convert_element_type3A_360, %cond3A_361 : i32
      scf.if %cond3A_362 {
        %dma_wait3A_590 = arith.constant 3 : i32
        %dma_wait3A_591 = arith.constant 3 : i32
        %dma_wait3A_592 = arith.constant 0 : i32
        %dma_wait3A_593 = arith.constant 0 : i32
        %dma_wait3A_594 = tpu.memref_slice %arg10[%dma_wait3A_590, %dma_wait3A_592, %dma_wait3A_593] : memref<4x64x128xf32, #tpu.memory_space<vmem>> -> memref<1x64x128xf32, #tpu.memory_space<vmem>>
        %dma_wait3A_595 = tpu.memref_squeeze %dma_wait3A_594 : memref<1x64x128xf32, #tpu.memory_space<vmem>> -> memref<64x128xf32, #tpu.memory_space<vmem>>
        %dma_wait3A_596 = arith.constant 0 : i32
        %dma_wait3A_597 = tpu.memref_slice %arg9[%dma_wait3A_591, %dma_wait3A_596] : memref<4x64xi32, #tpu.memory_space<vmem>> -> memref<1x64xi32, #tpu.memory_space<vmem>>
        %dma_wait3A_598 = tpu.memref_squeeze %dma_wait3A_597 : memref<1x64xi32, #tpu.memory_space<vmem>> -> memref<64xi32, #tpu.memory_space<vmem>>
        %dma_wait3A_599 = arith.constant 0 : i32
        %dma_wait3A_600 = arith.constant 0 : i32
        %dma_wait3A_601 = tpu.memref_slice %arg12[%dma_wait3A_599, %dma_wait3A_600] : memref<10240x128xf32, #tpu.memory_space<vmem_shared>> -> memref<10240x128xf32, #tpu.memory_space<vmem_shared>>
        tpu.wait_indirect_dma semaphore(%arg24 : memref<!tpu.dma_semaphore, #tpu.memory_space<semaphore_mem>>) src(%dma_wait3A_595 : memref<64x128xf32, #tpu.memory_space<vmem>>) dst(%dma_wait3A_601 : memref<10240x128xf32, #tpu.memory_space<vmem_shared>>)
      } else {
      }
      %add3A_363 = arith.constant 3 : i32
      %add3A_364 = arith.addi %add3A_306, %add3A_363 : i32
      %sub3A_365 = arith.constant 1 : i32
      %sub3A_366 = arith.subi %select_n3A, %sub3A_365 : i32
      %le3A_367 = arith.cmpi sle, %add3A_364, %sub3A_366 : i32
      %convert_element_type3A_368 = arith.extui %le3A_367 : i1 to i32
      %cond3A_369 = arith.constant 0 : i32
      %cond3A_370 = arith.cmpi ne, %convert_element_type3A_368, %cond3A_369 : i32
      scf.if %cond3A_370 {
        %add3A_590 = arith.constant 3 : i32
        %add3A_591 = arith.addi %add3A_306, %add3A_590 : i32
        %mul3A_592 = arith.constant 64 : i32
        %mul3A_593 = arith.muli %add3A_591, %mul3A_592 : i32
        %add3A_594 = arith.addi %select_n3A_72, %mul3A_593 : i32
        %dma_start3A_595 = arith.constant 3 : i32
        %dma_start3A_596 = arith.constant 0 : i32
        %dma_start3A_597 = tpu.memref_slice %arg8[%dma_start3A_595, %dma_start3A_596] : memref<4x64xi32, #tpu.memory_space<vmem>> -> memref<1x64xi32, #tpu.memory_space<vmem>>
        %dma_start3A_598 = tpu.memref_squeeze %dma_start3A_597 : memref<1x64xi32, #tpu.memory_space<vmem>> -> memref<64xi32, #tpu.memory_space<vmem>>
        %dma_start3A_599 = tpu.memref_slice %arg4[%add3A_594] : memref<323584xi32, #tpu.memory_space<hbm>> -> memref<64xi32, #tpu.memory_space<hbm>>
        %dma_start3A_600 = arith.constant 0 : i32
        %dma_start3A_601 = tpu.memref_slice %arg8[%dma_start3A_595, %dma_start3A_600] : memref<4x64xi32, #tpu.memory_space<vmem>> -> memref<1x64xi32, #tpu.memory_space<vmem>>
        %dma_start3A_602 = tpu.memref_squeeze %dma_start3A_601 : memref<1x64xi32, #tpu.memory_space<vmem>> -> memref<64xi32, #tpu.memory_space<vmem>>
        %dma_start3A_603 = tpu.memref_slice %arg4[%add3A_594] : memref<323584xi32, #tpu.memory_space<hbm>> -> memref<64xi32, #tpu.memory_space<hbm>>
        tpu.enqueue_dma source(%dma_start3A_603 : memref<64xi32, #tpu.memory_space<hbm>>) target(%dma_start3A_602 : memref<64xi32, #tpu.memory_space<vmem>>) target_semaphore(%arg16 : memref<!tpu.dma_semaphore, #tpu.memory_space<semaphore_mem>>)
        %dma_start3A_604 = arith.constant 3 : i32
        %dma_start3A_605 = arith.constant 0 : i32
        %dma_start3A_606 = tpu.memref_slice %arg9[%dma_start3A_604, %dma_start3A_605] : memref<4x64xi32, #tpu.memory_space<vmem>> -> memref<1x64xi32, #tpu.memory_space<vmem>>
        %dma_start3A_607 = tpu.memref_squeeze %dma_start3A_606 : memref<1x64xi32, #tpu.memory_space<vmem>> -> memref<64xi32, #tpu.memory_space<vmem>>
        %dma_start3A_608 = tpu.memref_slice %arg5[%add3A_594] : memref<323584xi32, #tpu.memory_space<hbm>> -> memref<64xi32, #tpu.memory_space<hbm>>
        %dma_start3A_609 = arith.constant 0 : i32
        %dma_start3A_610 = tpu.memref_slice %arg9[%dma_start3A_604, %dma_start3A_609] : memref<4x64xi32, #tpu.memory_space<vmem>> -> memref<1x64xi32, #tpu.memory_space<vmem>>
        %dma_start3A_611 = tpu.memref_squeeze %dma_start3A_610 : memref<1x64xi32, #tpu.memory_space<vmem>> -> memref<64xi32, #tpu.memory_space<vmem>>
        %dma_start3A_612 = tpu.memref_slice %arg5[%add3A_594] : memref<323584xi32, #tpu.memory_space<hbm>> -> memref<64xi32, #tpu.memory_space<hbm>>
        tpu.enqueue_dma source(%dma_start3A_612 : memref<64xi32, #tpu.memory_space<hbm>>) target(%dma_start3A_611 : memref<64xi32, #tpu.memory_space<vmem>>) target_semaphore(%arg16 : memref<!tpu.dma_semaphore, #tpu.memory_space<semaphore_mem>>)
        %dma_start3A_613 = arith.constant 3 : i32
        %dma_start3A_614 = arith.constant 0 : i32
        %dma_start3A_615 = arith.constant 0 : i32
        %dma_start3A_616 = tpu.memref_slice %arg10[%dma_start3A_613, %dma_start3A_614, %dma_start3A_615] : memref<4x64x128xf32, #tpu.memory_space<vmem>> -> memref<1x64x128xf32, #tpu.memory_space<vmem>>
        %dma_start3A_617 = tpu.memref_squeeze %dma_start3A_616 : memref<1x64x128xf32, #tpu.memory_space<vmem>> -> memref<64x128xf32, #tpu.memory_space<vmem>>
        %dma_start3A_618 = arith.constant 0 : i32
        %dma_start3A_619 = tpu.memref_slice %arg3[%add3A_594, %dma_start3A_618] : memref<326400x128xf32, #tpu.memory_space<hbm>> -> memref<64x128xf32, #tpu.memory_space<hbm>>
        %dma_start3A_620 = arith.constant 0 : i32
        %dma_start3A_621 = arith.constant 0 : i32
        %dma_start3A_622 = tpu.memref_slice %arg10[%dma_start3A_613, %dma_start3A_620, %dma_start3A_621] : memref<4x64x128xf32, #tpu.memory_space<vmem>> -> memref<1x64x128xf32, #tpu.memory_space<vmem>>
        %dma_start3A_623 = tpu.memref_squeeze %dma_start3A_622 : memref<1x64x128xf32, #tpu.memory_space<vmem>> -> memref<64x128xf32, #tpu.memory_space<vmem>>
        %dma_start3A_624 = arith.constant 0 : i32
        %dma_start3A_625 = tpu.memref_slice %arg3[%add3A_594, %dma_start3A_624] : memref<326400x128xf32, #tpu.memory_space<hbm>> -> memref<64x128xf32, #tpu.memory_space<hbm>>
        tpu.enqueue_dma source(%dma_start3A_625 : memref<64x128xf32, #tpu.memory_space<hbm>>) target(%dma_start3A_623 : memref<64x128xf32, #tpu.memory_space<vmem>>) target_semaphore(%arg16 : memref<!tpu.dma_semaphore, #tpu.memory_space<semaphore_mem>>)
      } else {
      }
      %mul3A_371 = arith.constant 4 : i32
      %mul3A_372 = arith.muli %mul3A_371, %while3A_302 : i32
      %add3A_373 = arith.constant 1 : i32
      %add3A_374 = arith.addi %mul3A_372, %add3A_373 : i32
      %add3A_375 = arith.constant 2 : i32
      %add3A_376 = arith.addi %add3A_374, %add3A_375 : i32
      %sub3A_377 = arith.constant 1 : i32
      %sub3A_378 = arith.subi %select_n3A, %sub3A_377 : i32
      %le3A_379 = arith.cmpi sle, %add3A_376, %sub3A_378 : i32
      %convert_element_type3A_380 = arith.extui %le3A_379 : i1 to i32
      %cond3A_381 = arith.constant 0 : i32
      %cond3A_382 = arith.cmpi ne, %convert_element_type3A_380, %cond3A_381 : i32
      scf.if %cond3A_382 {
        %add3A_590 = arith.constant 2 : i32
        %add3A_591 = arith.addi %add3A_374, %add3A_590 : i32
        %mul3A_592 = arith.constant 64 : i32
        %mul3A_593 = arith.muli %add3A_591, %mul3A_592 : i32
        %add3A_594 = arith.addi %select_n3A_72, %mul3A_593 : i32
        %dma_wait3A_595 = arith.constant 3 : i32
        %dma_wait3A_596 = arith.constant 0 : i32
        %dma_wait3A_597 = tpu.memref_slice %arg8[%dma_wait3A_595, %dma_wait3A_596] : memref<4x64xi32, #tpu.memory_space<vmem>> -> memref<1x64xi32, #tpu.memory_space<vmem>>
        %dma_wait3A_598 = tpu.memref_squeeze %dma_wait3A_597 : memref<1x64xi32, #tpu.memory_space<vmem>> -> memref<64xi32, #tpu.memory_space<vmem>>
        %dma_wait3A_599 = tpu.memref_slice %arg4[%add3A_594] : memref<323584xi32, #tpu.memory_space<hbm>> -> memref<64xi32, #tpu.memory_space<hbm>>
        %dma_wait3A_600 = arith.constant 0 : i32
        %dma_wait3A_601 = tpu.memref_slice %arg8[%dma_wait3A_595, %dma_wait3A_600] : memref<4x64xi32, #tpu.memory_space<vmem>> -> memref<1x64xi32, #tpu.memory_space<vmem>>
        %dma_wait3A_602 = tpu.memref_squeeze %dma_wait3A_601 : memref<1x64xi32, #tpu.memory_space<vmem>> -> memref<64xi32, #tpu.memory_space<vmem>>
        %dma_wait3A_603 = tpu.memref_slice %arg4[%add3A_594] : memref<323584xi32, #tpu.memory_space<hbm>> -> memref<64xi32, #tpu.memory_space<hbm>>
        tpu.wait_dma2 semaphore(%arg16 : memref<!tpu.dma_semaphore, #tpu.memory_space<semaphore_mem>>) src(%dma_wait3A_603 : memref<64xi32, #tpu.memory_space<hbm>>) dst(%dma_wait3A_602 : memref<64xi32, #tpu.memory_space<vmem>>)
        %dma_wait3A_604 = arith.constant 3 : i32
        %dma_wait3A_605 = arith.constant 0 : i32
        %dma_wait3A_606 = tpu.memref_slice %arg9[%dma_wait3A_604, %dma_wait3A_605] : memref<4x64xi32, #tpu.memory_space<vmem>> -> memref<1x64xi32, #tpu.memory_space<vmem>>
        %dma_wait3A_607 = tpu.memref_squeeze %dma_wait3A_606 : memref<1x64xi32, #tpu.memory_space<vmem>> -> memref<64xi32, #tpu.memory_space<vmem>>
        %dma_wait3A_608 = tpu.memref_slice %arg5[%add3A_594] : memref<323584xi32, #tpu.memory_space<hbm>> -> memref<64xi32, #tpu.memory_space<hbm>>
        %dma_wait3A_609 = arith.constant 0 : i32
        %dma_wait3A_610 = tpu.memref_slice %arg9[%dma_wait3A_604, %dma_wait3A_609] : memref<4x64xi32, #tpu.memory_space<vmem>> -> memref<1x64xi32, #tpu.memory_space<vmem>>
        %dma_wait3A_611 = tpu.memref_squeeze %dma_wait3A_610 : memref<1x64xi32, #tpu.memory_space<vmem>> -> memref<64xi32, #tpu.memory_space<vmem>>
        %dma_wait3A_612 = tpu.memref_slice %arg5[%add3A_594] : memref<323584xi32, #tpu.memory_space<hbm>> -> memref<64xi32, #tpu.memory_space<hbm>>
        tpu.wait_dma2 semaphore(%arg16 : memref<!tpu.dma_semaphore, #tpu.memory_space<semaphore_mem>>) src(%dma_wait3A_612 : memref<64xi32, #tpu.memory_space<hbm>>) dst(%dma_wait3A_611 : memref<64xi32, #tpu.memory_space<vmem>>)
        %dma_wait3A_613 = arith.constant 3 : i32
        %dma_wait3A_614 = arith.constant 0 : i32
        %dma_wait3A_615 = arith.constant 0 : i32
        %dma_wait3A_616 = tpu.memref_slice %arg10[%dma_wait3A_613, %dma_wait3A_614, %dma_wait3A_615] : memref<4x64x128xf32, #tpu.memory_space<vmem>> -> memref<1x64x128xf32, #tpu.memory_space<vmem>>
        %dma_wait3A_617 = tpu.memref_squeeze %dma_wait3A_616 : memref<1x64x128xf32, #tpu.memory_space<vmem>> -> memref<64x128xf32, #tpu.memory_space<vmem>>
        %dma_wait3A_618 = arith.constant 0 : i32
        %dma_wait3A_619 = tpu.memref_slice %arg3[%add3A_594, %dma_wait3A_618] : memref<326400x128xf32, #tpu.memory_space<hbm>> -> memref<64x128xf32, #tpu.memory_space<hbm>>
        %dma_wait3A_620 = arith.constant 0 : i32
        %dma_wait3A_621 = arith.constant 0 : i32
        %dma_wait3A_622 = tpu.memref_slice %arg10[%dma_wait3A_613, %dma_wait3A_620, %dma_wait3A_621] : memref<4x64x128xf32, #tpu.memory_space<vmem>> -> memref<1x64x128xf32, #tpu.memory_space<vmem>>
        %dma_wait3A_623 = tpu.memref_squeeze %dma_wait3A_622 : memref<1x64x128xf32, #tpu.memory_space<vmem>> -> memref<64x128xf32, #tpu.memory_space<vmem>>
        %dma_wait3A_624 = arith.constant 0 : i32
        %dma_wait3A_625 = tpu.memref_slice %arg3[%add3A_594, %dma_wait3A_624] : memref<326400x128xf32, #tpu.memory_space<hbm>> -> memref<64x128xf32, #tpu.memory_space<hbm>>
        tpu.wait_dma2 semaphore(%arg16 : memref<!tpu.dma_semaphore, #tpu.memory_space<semaphore_mem>>) src(%dma_wait3A_625 : memref<64x128xf32, #tpu.memory_space<hbm>>) dst(%dma_wait3A_623 : memref<64x128xf32, #tpu.memory_space<vmem>>)
        %dma_start3A_626 = arith.constant 3 : i32
        %dma_start3A_627 = arith.constant 3 : i32
        %dma_start3A_628 = arith.constant 0 : i32
        %dma_start3A_629 = arith.constant 0 : i32
        %dma_start3A_630 = tpu.memref_slice %arg10[%dma_start3A_627, %dma_start3A_628, %dma_start3A_629] : memref<4x64x128xf32, #tpu.memory_space<vmem>> -> memref<1x64x128xf32, #tpu.memory_space<vmem>>
        %dma_start3A_631 = tpu.memref_squeeze %dma_start3A_630 : memref<1x64x128xf32, #tpu.memory_space<vmem>> -> memref<64x128xf32, #tpu.memory_space<vmem>>
        %dma_start3A_632 = arith.constant 0 : i32
        %dma_start3A_633 = tpu.memref_slice %arg8[%dma_start3A_626, %dma_start3A_632] : memref<4x64xi32, #tpu.memory_space<vmem>> -> memref<1x64xi32, #tpu.memory_space<vmem>>
        %dma_start3A_634 = tpu.memref_squeeze %dma_start3A_633 : memref<1x64xi32, #tpu.memory_space<vmem>> -> memref<64xi32, #tpu.memory_space<vmem>>
        %dma_start3A_635 = arith.constant 0 : i32
        %dma_start3A_636 = arith.constant 0 : i32
        %dma_start3A_637 = tpu.memref_slice %arg2[%dma_start3A_635, %dma_start3A_636] : memref<10000x128xf32, #tpu.memory_space<hbm>> -> memref<10000x128xf32, #tpu.memory_space<hbm>>
        tpu.enqueue_indirect_dma source(%dma_start3A_637 : memref<10000x128xf32, #tpu.memory_space<hbm>>) target(%dma_start3A_631 : memref<64x128xf32, #tpu.memory_space<vmem>>) offsets(%dma_start3A_634 : memref<64xi32, #tpu.memory_space<vmem>>) semaphore(%arg20 : memref<!tpu.dma_semaphore, #tpu.memory_space<semaphore_mem>>) {add = true}
      } else {
      }
      %dma_wait3A_383 = arith.constant 1 : i32
      %dma_wait3A_384 = arith.constant 1 : i32
      %dma_wait3A_385 = arith.constant 0 : i32
      %dma_wait3A_386 = arith.constant 0 : i32
      %dma_wait3A_387 = tpu.memref_slice %arg10[%dma_wait3A_384, %dma_wait3A_385, %dma_wait3A_386] : memref<4x64x128xf32, #tpu.memory_space<vmem>> -> memref<1x64x128xf32, #tpu.memory_space<vmem>>
      %dma_wait3A_388 = tpu.memref_squeeze %dma_wait3A_387 : memref<1x64x128xf32, #tpu.memory_space<vmem>> -> memref<64x128xf32, #tpu.memory_space<vmem>>
      %dma_wait3A_389 = arith.constant 0 : i32
      %dma_wait3A_390 = tpu.memref_slice %arg8[%dma_wait3A_383, %dma_wait3A_389] : memref<4x64xi32, #tpu.memory_space<vmem>> -> memref<1x64xi32, #tpu.memory_space<vmem>>
      %dma_wait3A_391 = tpu.memref_squeeze %dma_wait3A_390 : memref<1x64xi32, #tpu.memory_space<vmem>> -> memref<64xi32, #tpu.memory_space<vmem>>
      %dma_wait3A_392 = arith.constant 0 : i32
      %dma_wait3A_393 = arith.constant 0 : i32
      %dma_wait3A_394 = tpu.memref_slice %arg2[%dma_wait3A_392, %dma_wait3A_393] : memref<10000x128xf32, #tpu.memory_space<hbm>> -> memref<10000x128xf32, #tpu.memory_space<hbm>>
      tpu.wait_indirect_dma semaphore(%arg18 : memref<!tpu.dma_semaphore, #tpu.memory_space<semaphore_mem>>) src(%dma_wait3A_394 : memref<10000x128xf32, #tpu.memory_space<hbm>>) dst(%dma_wait3A_388 : memref<64x128xf32, #tpu.memory_space<vmem>>)
      %scan3A_395 = arith.constant 0 : i32
      %scan3A_396 = arith.constant 0 : i32
      %scan3A_397 = arith.constant 64 : i32
      %scan3A_398 = arith.addi %scan3A_396, %scan3A_397 : i32
      %scan3A_399 = arith.constant 1 : i32
      scf.for %scan3A_590 = %scan3A_396 to %scan3A_398 step %scan3A_399  : i32 {
        %get3A_591 = arith.constant 1 : i32
        %get3A_592 = arith.index_cast %get3A_591 : i32 to index
        %get3A_593 = arith.index_cast %scan3A_590 : i32 to index
        %get3A_594 = arith.constant 0 : index
        %get3A_595 = tpu.vector_load %arg10[%get3A_592, %get3A_593, %get3A_594] {strides = array<i32>} : memref<4x64x128xf32, #tpu.memory_space<vmem>>, vector<16xf32>,
        %max3A = arith.constant 0.000000e+00 : f32
        %max3A_596 = vector.broadcast %max3A : f32 to vector<16xf32>
        %max3A_597 = arith.maximumf %get3A_595, %max3A_596 : vector<16xf32>
        %swap3A = arith.constant 1 : i32
        %swap3A_598 = arith.index_cast %swap3A : i32 to index
        %swap3A_599 = arith.index_cast %scan3A_590 : i32 to index
        %swap3A_600 = arith.constant 0 : index
        %swap3A_601 = tpu.vector_load %arg10[%swap3A_598, %swap3A_599, %swap3A_600] {strides = array<i32>} : memref<4x64x128xf32, #tpu.memory_space<vmem>>, vector<16xf32>,
        tpu.vector_store %arg10[%swap3A_598, %swap3A_599, %swap3A_600], %max3A_597 {strides = array<i32>} : memref<4x64x128xf32, #tpu.memory_space<vmem>>, vector<16xf32>,
        %get3A_602 = arith.constant 1 : i32
        %get3A_603 = arith.index_cast %get3A_602 : i32 to index
        %get3A_604 = arith.index_cast %scan3A_590 : i32 to index
        %get3A_605 = arith.constant 16 : index
        %get3A_606 = tpu.vector_load %arg10[%get3A_603, %get3A_604, %get3A_605] {strides = array<i32>} : memref<4x64x128xf32, #tpu.memory_space<vmem>>, vector<16xf32>,
        %max3A_607 = arith.constant 0.000000e+00 : f32
        %max3A_608 = vector.broadcast %max3A_607 : f32 to vector<16xf32>
        %max3A_609 = arith.maximumf %get3A_606, %max3A_608 : vector<16xf32>
        %swap3A_610 = arith.constant 1 : i32
        %swap3A_611 = arith.index_cast %swap3A_610 : i32 to index
        %swap3A_612 = arith.index_cast %scan3A_590 : i32 to index
        %swap3A_613 = arith.constant 16 : index
        %swap3A_614 = tpu.vector_load %arg10[%swap3A_611, %swap3A_612, %swap3A_613] {strides = array<i32>} : memref<4x64x128xf32, #tpu.memory_space<vmem>>, vector<16xf32>,
        tpu.vector_store %arg10[%swap3A_611, %swap3A_612, %swap3A_613], %max3A_609 {strides = array<i32>} : memref<4x64x128xf32, #tpu.memory_space<vmem>>, vector<16xf32>,
        %get3A_615 = arith.constant 1 : i32
        %get3A_616 = arith.index_cast %get3A_615 : i32 to index
        %get3A_617 = arith.index_cast %scan3A_590 : i32 to index
        %get3A_618 = arith.constant 32 : index
        %get3A_619 = tpu.vector_load %arg10[%get3A_616, %get3A_617, %get3A_618] {strides = array<i32>} : memref<4x64x128xf32, #tpu.memory_space<vmem>>, vector<16xf32>,
        %max3A_620 = arith.constant 0.000000e+00 : f32
        %max3A_621 = vector.broadcast %max3A_620 : f32 to vector<16xf32>
        %max3A_622 = arith.maximumf %get3A_619, %max3A_621 : vector<16xf32>
        %swap3A_623 = arith.constant 1 : i32
        %swap3A_624 = arith.index_cast %swap3A_623 : i32 to index
        %swap3A_625 = arith.index_cast %scan3A_590 : i32 to index
        %swap3A_626 = arith.constant 32 : index
        %swap3A_627 = tpu.vector_load %arg10[%swap3A_624, %swap3A_625, %swap3A_626] {strides = array<i32>} : memref<4x64x128xf32, #tpu.memory_space<vmem>>, vector<16xf32>,
        tpu.vector_store %arg10[%swap3A_624, %swap3A_625, %swap3A_626], %max3A_622 {strides = array<i32>} : memref<4x64x128xf32, #tpu.memory_space<vmem>>, vector<16xf32>,
        %get3A_628 = arith.constant 1 : i32
        %get3A_629 = arith.index_cast %get3A_628 : i32 to index
        %get3A_630 = arith.index_cast %scan3A_590 : i32 to index
        %get3A_631 = arith.constant 48 : index
        %get3A_632 = tpu.vector_load %arg10[%get3A_629, %get3A_630, %get3A_631] {strides = array<i32>} : memref<4x64x128xf32, #tpu.memory_space<vmem>>, vector<16xf32>,
        %max3A_633 = arith.constant 0.000000e+00 : f32
        %max3A_634 = vector.broadcast %max3A_633 : f32 to vector<16xf32>
        %max3A_635 = arith.maximumf %get3A_632, %max3A_634 : vector<16xf32>
        %swap3A_636 = arith.constant 1 : i32
        %swap3A_637 = arith.index_cast %swap3A_636 : i32 to index
        %swap3A_638 = arith.index_cast %scan3A_590 : i32 to index
        %swap3A_639 = arith.constant 48 : index
        %swap3A_640 = tpu.vector_load %arg10[%swap3A_637, %swap3A_638, %swap3A_639] {strides = array<i32>} : memref<4x64x128xf32, #tpu.memory_space<vmem>>, vector<16xf32>,
        tpu.vector_store %arg10[%swap3A_637, %swap3A_638, %swap3A_639], %max3A_635 {strides = array<i32>} : memref<4x64x128xf32, #tpu.memory_space<vmem>>, vector<16xf32>,
        %get3A_641 = arith.constant 1 : i32
        %get3A_642 = arith.index_cast %get3A_641 : i32 to index
        %get3A_643 = arith.index_cast %scan3A_590 : i32 to index
        %get3A_644 = arith.constant 64 : index
        %get3A_645 = tpu.vector_load %arg10[%get3A_642, %get3A_643, %get3A_644] {strides = array<i32>} : memref<4x64x128xf32, #tpu.memory_space<vmem>>, vector<16xf32>,
        %max3A_646 = arith.constant 0.000000e+00 : f32
        %max3A_647 = vector.broadcast %max3A_646 : f32 to vector<16xf32>
        %max3A_648 = arith.maximumf %get3A_645, %max3A_647 : vector<16xf32>
        %swap3A_649 = arith.constant 1 : i32
        %swap3A_650 = arith.index_cast %swap3A_649 : i32 to index
        %swap3A_651 = arith.index_cast %scan3A_590 : i32 to index
        %swap3A_652 = arith.constant 64 : index
        %swap3A_653 = tpu.vector_load %arg10[%swap3A_650, %swap3A_651, %swap3A_652] {strides = array<i32>} : memref<4x64x128xf32, #tpu.memory_space<vmem>>, vector<16xf32>,
        tpu.vector_store %arg10[%swap3A_650, %swap3A_651, %swap3A_652], %max3A_648 {strides = array<i32>} : memref<4x64x128xf32, #tpu.memory_space<vmem>>, vector<16xf32>,
        %get3A_654 = arith.constant 1 : i32
        %get3A_655 = arith.index_cast %get3A_654 : i32 to index
        %get3A_656 = arith.index_cast %scan3A_590 : i32 to index
        %get3A_657 = arith.constant 80 : index
        %get3A_658 = tpu.vector_load %arg10[%get3A_655, %get3A_656, %get3A_657] {strides = array<i32>} : memref<4x64x128xf32, #tpu.memory_space<vmem>>, vector<16xf32>,
        %max3A_659 = arith.constant 0.000000e+00 : f32
        %max3A_660 = vector.broadcast %max3A_659 : f32 to vector<16xf32>
        %max3A_661 = arith.maximumf %get3A_658, %max3A_660 : vector<16xf32>
        %swap3A_662 = arith.constant 1 : i32
        %swap3A_663 = arith.index_cast %swap3A_662 : i32 to index
        %swap3A_664 = arith.index_cast %scan3A_590 : i32 to index
        %swap3A_665 = arith.constant 80 : index
        %swap3A_666 = tpu.vector_load %arg10[%swap3A_663, %swap3A_664, %swap3A_665] {strides = array<i32>} : memref<4x64x128xf32, #tpu.memory_space<vmem>>, vector<16xf32>,
        tpu.vector_store %arg10[%swap3A_663, %swap3A_664, %swap3A_665], %max3A_661 {strides = array<i32>} : memref<4x64x128xf32, #tpu.memory_space<vmem>>, vector<16xf32>,
        %get3A_667 = arith.constant 1 : i32
        %get3A_668 = arith.index_cast %get3A_667 : i32 to index
        %get3A_669 = arith.index_cast %scan3A_590 : i32 to index
        %get3A_670 = arith.constant 96 : index
        %get3A_671 = tpu.vector_load %arg10[%get3A_668, %get3A_669, %get3A_670] {strides = array<i32>} : memref<4x64x128xf32, #tpu.memory_space<vmem>>, vector<16xf32>,
        %max3A_672 = arith.constant 0.000000e+00 : f32
        %max3A_673 = vector.broadcast %max3A_672 : f32 to vector<16xf32>
        %max3A_674 = arith.maximumf %get3A_671, %max3A_673 : vector<16xf32>
        %swap3A_675 = arith.constant 1 : i32
        %swap3A_676 = arith.index_cast %swap3A_675 : i32 to index
        %swap3A_677 = arith.index_cast %scan3A_590 : i32 to index
        %swap3A_678 = arith.constant 96 : index
        %swap3A_679 = tpu.vector_load %arg10[%swap3A_676, %swap3A_677, %swap3A_678] {strides = array<i32>} : memref<4x64x128xf32, #tpu.memory_space<vmem>>, vector<16xf32>,
        tpu.vector_store %arg10[%swap3A_676, %swap3A_677, %swap3A_678], %max3A_674 {strides = array<i32>} : memref<4x64x128xf32, #tpu.memory_space<vmem>>, vector<16xf32>,
        %get3A_680 = arith.constant 1 : i32
        %get3A_681 = arith.index_cast %get3A_680 : i32 to index
        %get3A_682 = arith.index_cast %scan3A_590 : i32 to index
        %get3A_683 = arith.constant 112 : index
        %get3A_684 = tpu.vector_load %arg10[%get3A_681, %get3A_682, %get3A_683] {strides = array<i32>} : memref<4x64x128xf32, #tpu.memory_space<vmem>>, vector<16xf32>,
        %max3A_685 = arith.constant 0.000000e+00 : f32
        %max3A_686 = vector.broadcast %max3A_685 : f32 to vector<16xf32>
        %max3A_687 = arith.maximumf %get3A_684, %max3A_686 : vector<16xf32>
        %swap3A_688 = arith.constant 1 : i32
        %swap3A_689 = arith.index_cast %swap3A_688 : i32 to index
        %swap3A_690 = arith.index_cast %scan3A_590 : i32 to index
        %swap3A_691 = arith.constant 112 : index
        %swap3A_692 = tpu.vector_load %arg10[%swap3A_689, %swap3A_690, %swap3A_691] {strides = array<i32>} : memref<4x64x128xf32, #tpu.memory_space<vmem>>, vector<16xf32>,
        tpu.vector_store %arg10[%swap3A_689, %swap3A_690, %swap3A_691], %max3A_687 {strides = array<i32>} : memref<4x64x128xf32, #tpu.memory_space<vmem>>, vector<16xf32>,
      }
      %scan3A_400 = arith.constant 64 : i32
      %dma_start3A_401 = arith.constant 1 : i32
      %dma_start3A_402 = arith.constant 1 : i32
      %dma_start3A_403 = arith.constant 0 : i32
      %dma_start3A_404 = arith.constant 0 : i32
      %dma_start3A_405 = tpu.memref_slice %arg10[%dma_start3A_401, %dma_start3A_403, %dma_start3A_404] : memref<4x64x128xf32, #tpu.memory_space<vmem>> -> memref<1x64x128xf32, #tpu.memory_space<vmem>>
      %dma_start3A_406 = tpu.memref_squeeze %dma_start3A_405 : memref<1x64x128xf32, #tpu.memory_space<vmem>> -> memref<64x128xf32, #tpu.memory_space<vmem>>
      %dma_start3A_407 = arith.constant 0 : i32
      %dma_start3A_408 = tpu.memref_slice %arg9[%dma_start3A_402, %dma_start3A_407] : memref<4x64xi32, #tpu.memory_space<vmem>> -> memref<1x64xi32, #tpu.memory_space<vmem>>
      %dma_start3A_409 = tpu.memref_squeeze %dma_start3A_408 : memref<1x64xi32, #tpu.memory_space<vmem>> -> memref<64xi32, #tpu.memory_space<vmem>>
      %dma_start3A_410 = arith.constant 0 : i32
      %dma_start3A_411 = arith.constant 0 : i32
      %dma_start3A_412 = tpu.memref_slice %arg12[%dma_start3A_410, %dma_start3A_411] : memref<10240x128xf32, #tpu.memory_space<vmem_shared>> -> memref<10240x128xf32, #tpu.memory_space<vmem_shared>>
      tpu.enqueue_indirect_dma source(%dma_start3A_406 : memref<64x128xf32, #tpu.memory_space<vmem>>) target(%dma_start3A_412 : memref<10240x128xf32, #tpu.memory_space<vmem_shared>>) offsets(%dma_start3A_409 : memref<64xi32, #tpu.memory_space<vmem>>) semaphore(%arg22 : memref<!tpu.dma_semaphore, #tpu.memory_space<semaphore_mem>>) {add = true}
      %broadcast_in_dim3A_413 = arith.constant 1.000000e+00 : f32
      %broadcast_in_dim3A_414 = vector.broadcast %broadcast_in_dim3A_413 : f32 to vector<16xf32>
      %get3A_415 = arith.constant 1 : i32
      %get3A_416 = arith.index_cast %get3A_415 : i32 to index
      %get3A_417 = arith.constant 0 : index
      %get3A_418 = tpu.vector_load %arg9[%get3A_416, %get3A_417] {strides = array<i32>} : memref<4x64xi32, #tpu.memory_space<vmem>>, vector<16xi32>,
      tpu.vector_store_idx %arg11[%get3A_418], %broadcast_in_dim3A_414 {add = true} : memref<10240xf32, #tpu.memory_space<vmem>>[vector<16xi32>], vector<16xf32>,
      %get3A_419 = arith.constant 1 : i32
      %get3A_420 = arith.index_cast %get3A_419 : i32 to index
      %get3A_421 = arith.constant 16 : index
      %get3A_422 = tpu.vector_load %arg9[%get3A_420, %get3A_421] {strides = array<i32>} : memref<4x64xi32, #tpu.memory_space<vmem>>, vector<16xi32>,
      tpu.vector_store_idx %arg11[%get3A_422], %broadcast_in_dim3A_414 {add = true} : memref<10240xf32, #tpu.memory_space<vmem>>[vector<16xi32>], vector<16xf32>,
      %get3A_423 = arith.constant 1 : i32
      %get3A_424 = arith.index_cast %get3A_423 : i32 to index
      %get3A_425 = arith.constant 32 : index
      %get3A_426 = tpu.vector_load %arg9[%get3A_424, %get3A_425] {strides = array<i32>} : memref<4x64xi32, #tpu.memory_space<vmem>>, vector<16xi32>,
      tpu.vector_store_idx %arg11[%get3A_426], %broadcast_in_dim3A_414 {add = true} : memref<10240xf32, #tpu.memory_space<vmem>>[vector<16xi32>], vector<16xf32>,
      %get3A_427 = arith.constant 1 : i32
      %get3A_428 = arith.index_cast %get3A_427 : i32 to index
      %get3A_429 = arith.constant 48 : index
      %get3A_430 = tpu.vector_load %arg9[%get3A_428, %get3A_429] {strides = array<i32>} : memref<4x64xi32, #tpu.memory_space<vmem>>, vector<16xi32>,
      tpu.vector_store_idx %arg11[%get3A_430], %broadcast_in_dim3A_414 {add = true} : memref<10240xf32, #tpu.memory_space<vmem>>[vector<16xi32>], vector<16xf32>,
      %ge3A_431 = arith.constant 1 : i32
      %ge3A_432 = arith.cmpi sge, %add3A_374, %ge3A_431 : i32
      %convert_element_type3A_433 = arith.extui %ge3A_432 : i1 to i32
      %cond3A_434 = arith.constant 0 : i32
      %cond3A_435 = arith.cmpi ne, %convert_element_type3A_433, %cond3A_434 : i32
      scf.if %cond3A_435 {
        %dma_wait3A_590 = arith.constant 0 : i32
        %dma_wait3A_591 = arith.constant 0 : i32
        %dma_wait3A_592 = arith.constant 0 : i32
        %dma_wait3A_593 = arith.constant 0 : i32
        %dma_wait3A_594 = tpu.memref_slice %arg10[%dma_wait3A_590, %dma_wait3A_592, %dma_wait3A_593] : memref<4x64x128xf32, #tpu.memory_space<vmem>> -> memref<1x64x128xf32, #tpu.memory_space<vmem>>
        %dma_wait3A_595 = tpu.memref_squeeze %dma_wait3A_594 : memref<1x64x128xf32, #tpu.memory_space<vmem>> -> memref<64x128xf32, #tpu.memory_space<vmem>>
        %dma_wait3A_596 = arith.constant 0 : i32
        %dma_wait3A_597 = tpu.memref_slice %arg9[%dma_wait3A_591, %dma_wait3A_596] : memref<4x64xi32, #tpu.memory_space<vmem>> -> memref<1x64xi32, #tpu.memory_space<vmem>>
        %dma_wait3A_598 = tpu.memref_squeeze %dma_wait3A_597 : memref<1x64xi32, #tpu.memory_space<vmem>> -> memref<64xi32, #tpu.memory_space<vmem>>
        %dma_wait3A_599 = arith.constant 0 : i32
        %dma_wait3A_600 = arith.constant 0 : i32
        %dma_wait3A_601 = tpu.memref_slice %arg12[%dma_wait3A_599, %dma_wait3A_600] : memref<10240x128xf32, #tpu.memory_space<vmem_shared>> -> memref<10240x128xf32, #tpu.memory_space<vmem_shared>>
        tpu.wait_indirect_dma semaphore(%arg21 : memref<!tpu.dma_semaphore, #tpu.memory_space<semaphore_mem>>) src(%dma_wait3A_595 : memref<64x128xf32, #tpu.memory_space<vmem>>) dst(%dma_wait3A_601 : memref<10240x128xf32, #tpu.memory_space<vmem_shared>>)
      } else {
      }
      %add3A_436 = arith.constant 3 : i32
      %add3A_437 = arith.addi %add3A_374, %add3A_436 : i32
      %sub3A_438 = arith.constant 1 : i32
      %sub3A_439 = arith.subi %select_n3A, %sub3A_438 : i32
      %le3A_440 = arith.cmpi sle, %add3A_437, %sub3A_439 : i32
      %convert_element_type3A_441 = arith.extui %le3A_440 : i1 to i32
      %cond3A_442 = arith.constant 0 : i32
      %cond3A_443 = arith.cmpi ne, %convert_element_type3A_441, %cond3A_442 : i32
      scf.if %cond3A_443 {
        %add3A_590 = arith.constant 3 : i32
        %add3A_591 = arith.addi %add3A_374, %add3A_590 : i32
        %mul3A_592 = arith.constant 64 : i32
        %mul3A_593 = arith.muli %add3A_591, %mul3A_592 : i32
        %add3A_594 = arith.addi %select_n3A_72, %mul3A_593 : i32
        %dma_start3A_595 = arith.constant 0 : i32
        %dma_start3A_596 = arith.constant 0 : i32
        %dma_start3A_597 = tpu.memref_slice %arg8[%dma_start3A_595, %dma_start3A_596] : memref<4x64xi32, #tpu.memory_space<vmem>> -> memref<1x64xi32, #tpu.memory_space<vmem>>
        %dma_start3A_598 = tpu.memref_squeeze %dma_start3A_597 : memref<1x64xi32, #tpu.memory_space<vmem>> -> memref<64xi32, #tpu.memory_space<vmem>>
        %dma_start3A_599 = tpu.memref_slice %arg4[%add3A_594] : memref<323584xi32, #tpu.memory_space<hbm>> -> memref<64xi32, #tpu.memory_space<hbm>>
        %dma_start3A_600 = arith.constant 0 : i32
        %dma_start3A_601 = tpu.memref_slice %arg8[%dma_start3A_595, %dma_start3A_600] : memref<4x64xi32, #tpu.memory_space<vmem>> -> memref<1x64xi32, #tpu.memory_space<vmem>>
        %dma_start3A_602 = tpu.memref_squeeze %dma_start3A_601 : memref<1x64xi32, #tpu.memory_space<vmem>> -> memref<64xi32, #tpu.memory_space<vmem>>
        %dma_start3A_603 = tpu.memref_slice %arg4[%add3A_594] : memref<323584xi32, #tpu.memory_space<hbm>> -> memref<64xi32, #tpu.memory_space<hbm>>
        tpu.enqueue_dma source(%dma_start3A_603 : memref<64xi32, #tpu.memory_space<hbm>>) target(%dma_start3A_602 : memref<64xi32, #tpu.memory_space<vmem>>) target_semaphore(%arg13 : memref<!tpu.dma_semaphore, #tpu.memory_space<semaphore_mem>>)
        %dma_start3A_604 = arith.constant 0 : i32
        %dma_start3A_605 = arith.constant 0 : i32
        %dma_start3A_606 = tpu.memref_slice %arg9[%dma_start3A_604, %dma_start3A_605] : memref<4x64xi32, #tpu.memory_space<vmem>> -> memref<1x64xi32, #tpu.memory_space<vmem>>
        %dma_start3A_607 = tpu.memref_squeeze %dma_start3A_606 : memref<1x64xi32, #tpu.memory_space<vmem>> -> memref<64xi32, #tpu.memory_space<vmem>>
        %dma_start3A_608 = tpu.memref_slice %arg5[%add3A_594] : memref<323584xi32, #tpu.memory_space<hbm>> -> memref<64xi32, #tpu.memory_space<hbm>>
        %dma_start3A_609 = arith.constant 0 : i32
        %dma_start3A_610 = tpu.memref_slice %arg9[%dma_start3A_604, %dma_start3A_609] : memref<4x64xi32, #tpu.memory_space<vmem>> -> memref<1x64xi32, #tpu.memory_space<vmem>>
        %dma_start3A_611 = tpu.memref_squeeze %dma_start3A_610 : memref<1x64xi32, #tpu.memory_space<vmem>> -> memref<64xi32, #tpu.memory_space<vmem>>
        %dma_start3A_612 = tpu.memref_slice %arg5[%add3A_594] : memref<323584xi32, #tpu.memory_space<hbm>> -> memref<64xi32, #tpu.memory_space<hbm>>
        tpu.enqueue_dma source(%dma_start3A_612 : memref<64xi32, #tpu.memory_space<hbm>>) target(%dma_start3A_611 : memref<64xi32, #tpu.memory_space<vmem>>) target_semaphore(%arg13 : memref<!tpu.dma_semaphore, #tpu.memory_space<semaphore_mem>>)
        %dma_start3A_613 = arith.constant 0 : i32
        %dma_start3A_614 = arith.constant 0 : i32
        %dma_start3A_615 = arith.constant 0 : i32
        %dma_start3A_616 = tpu.memref_slice %arg10[%dma_start3A_613, %dma_start3A_614, %dma_start3A_615] : memref<4x64x128xf32, #tpu.memory_space<vmem>> -> memref<1x64x128xf32, #tpu.memory_space<vmem>>
        %dma_start3A_617 = tpu.memref_squeeze %dma_start3A_616 : memref<1x64x128xf32, #tpu.memory_space<vmem>> -> memref<64x128xf32, #tpu.memory_space<vmem>>
        %dma_start3A_618 = arith.constant 0 : i32
        %dma_start3A_619 = tpu.memref_slice %arg3[%add3A_594, %dma_start3A_618] : memref<326400x128xf32, #tpu.memory_space<hbm>> -> memref<64x128xf32, #tpu.memory_space<hbm>>
        %dma_start3A_620 = arith.constant 0 : i32
        %dma_start3A_621 = arith.constant 0 : i32
        %dma_start3A_622 = tpu.memref_slice %arg10[%dma_start3A_613, %dma_start3A_620, %dma_start3A_621] : memref<4x64x128xf32, #tpu.memory_space<vmem>> -> memref<1x64x128xf32, #tpu.memory_space<vmem>>
        %dma_start3A_623 = tpu.memref_squeeze %dma_start3A_622 : memref<1x64x128xf32, #tpu.memory_space<vmem>> -> memref<64x128xf32, #tpu.memory_space<vmem>>
        %dma_start3A_624 = arith.constant 0 : i32
        %dma_start3A_625 = tpu.memref_slice %arg3[%add3A_594, %dma_start3A_624] : memref<326400x128xf32, #tpu.memory_space<hbm>> -> memref<64x128xf32, #tpu.memory_space<hbm>>
        tpu.enqueue_dma source(%dma_start3A_625 : memref<64x128xf32, #tpu.memory_space<hbm>>) target(%dma_start3A_623 : memref<64x128xf32, #tpu.memory_space<vmem>>) target_semaphore(%arg13 : memref<!tpu.dma_semaphore, #tpu.memory_space<semaphore_mem>>)
      } else {
      }
      %mul3A_444 = arith.constant 4 : i32
      %mul3A_445 = arith.muli %mul3A_444, %while3A_302 : i32
      %add3A_446 = arith.constant 2 : i32
      %add3A_447 = arith.addi %mul3A_445, %add3A_446 : i32
      %add3A_448 = arith.constant 2 : i32
      %add3A_449 = arith.addi %add3A_447, %add3A_448 : i32
      %sub3A_450 = arith.constant 1 : i32
      %sub3A_451 = arith.subi %select_n3A, %sub3A_450 : i32
      %le3A_452 = arith.cmpi sle, %add3A_449, %sub3A_451 : i32
      %convert_element_type3A_453 = arith.extui %le3A_452 : i1 to i32
      %cond3A_454 = arith.constant 0 : i32
      %cond3A_455 = arith.cmpi ne, %convert_element_type3A_453, %cond3A_454 : i32
      scf.if %cond3A_455 {
        %add3A_590 = arith.constant 2 : i32
        %add3A_591 = arith.addi %add3A_447, %add3A_590 : i32
        %mul3A_592 = arith.constant 64 : i32
        %mul3A_593 = arith.muli %add3A_591, %mul3A_592 : i32
        %add3A_594 = arith.addi %select_n3A_72, %mul3A_593 : i32
        %dma_wait3A_595 = arith.constant 0 : i32
        %dma_wait3A_596 = arith.constant 0 : i32
        %dma_wait3A_597 = tpu.memref_slice %arg8[%dma_wait3A_595, %dma_wait3A_596] : memref<4x64xi32, #tpu.memory_space<vmem>> -> memref<1x64xi32, #tpu.memory_space<vmem>>
        %dma_wait3A_598 = tpu.memref_squeeze %dma_wait3A_597 : memref<1x64xi32, #tpu.memory_space<vmem>> -> memref<64xi32, #tpu.memory_space<vmem>>
        %dma_wait3A_599 = tpu.memref_slice %arg4[%add3A_594] : memref<323584xi32, #tpu.memory_space<hbm>> -> memref<64xi32, #tpu.memory_space<hbm>>
        %dma_wait3A_600 = arith.constant 0 : i32
        %dma_wait3A_601 = tpu.memref_slice %arg8[%dma_wait3A_595, %dma_wait3A_600] : memref<4x64xi32, #tpu.memory_space<vmem>> -> memref<1x64xi32, #tpu.memory_space<vmem>>
        %dma_wait3A_602 = tpu.memref_squeeze %dma_wait3A_601 : memref<1x64xi32, #tpu.memory_space<vmem>> -> memref<64xi32, #tpu.memory_space<vmem>>
        %dma_wait3A_603 = tpu.memref_slice %arg4[%add3A_594] : memref<323584xi32, #tpu.memory_space<hbm>> -> memref<64xi32, #tpu.memory_space<hbm>>
        tpu.wait_dma2 semaphore(%arg13 : memref<!tpu.dma_semaphore, #tpu.memory_space<semaphore_mem>>) src(%dma_wait3A_603 : memref<64xi32, #tpu.memory_space<hbm>>) dst(%dma_wait3A_602 : memref<64xi32, #tpu.memory_space<vmem>>)
        %dma_wait3A_604 = arith.constant 0 : i32
        %dma_wait3A_605 = arith.constant 0 : i32
        %dma_wait3A_606 = tpu.memref_slice %arg9[%dma_wait3A_604, %dma_wait3A_605] : memref<4x64xi32, #tpu.memory_space<vmem>> -> memref<1x64xi32, #tpu.memory_space<vmem>>
        %dma_wait3A_607 = tpu.memref_squeeze %dma_wait3A_606 : memref<1x64xi32, #tpu.memory_space<vmem>> -> memref<64xi32, #tpu.memory_space<vmem>>
        %dma_wait3A_608 = tpu.memref_slice %arg5[%add3A_594] : memref<323584xi32, #tpu.memory_space<hbm>> -> memref<64xi32, #tpu.memory_space<hbm>>
        %dma_wait3A_609 = arith.constant 0 : i32
        %dma_wait3A_610 = tpu.memref_slice %arg9[%dma_wait3A_604, %dma_wait3A_609] : memref<4x64xi32, #tpu.memory_space<vmem>> -> memref<1x64xi32, #tpu.memory_space<vmem>>
        %dma_wait3A_611 = tpu.memref_squeeze %dma_wait3A_610 : memref<1x64xi32, #tpu.memory_space<vmem>> -> memref<64xi32, #tpu.memory_space<vmem>>
        %dma_wait3A_612 = tpu.memref_slice %arg5[%add3A_594] : memref<323584xi32, #tpu.memory_space<hbm>> -> memref<64xi32, #tpu.memory_space<hbm>>
        tpu.wait_dma2 semaphore(%arg13 : memref<!tpu.dma_semaphore, #tpu.memory_space<semaphore_mem>>) src(%dma_wait3A_612 : memref<64xi32, #tpu.memory_space<hbm>>) dst(%dma_wait3A_611 : memref<64xi32, #tpu.memory_space<vmem>>)
        %dma_wait3A_613 = arith.constant 0 : i32
        %dma_wait3A_614 = arith.constant 0 : i32
        %dma_wait3A_615 = arith.constant 0 : i32
        %dma_wait3A_616 = tpu.memref_slice %arg10[%dma_wait3A_613, %dma_wait3A_614, %dma_wait3A_615] : memref<4x64x128xf32, #tpu.memory_space<vmem>> -> memref<1x64x128xf32, #tpu.memory_space<vmem>>
        %dma_wait3A_617 = tpu.memref_squeeze %dma_wait3A_616 : memref<1x64x128xf32, #tpu.memory_space<vmem>> -> memref<64x128xf32, #tpu.memory_space<vmem>>
        %dma_wait3A_618 = arith.constant 0 : i32
        %dma_wait3A_619 = tpu.memref_slice %arg3[%add3A_594, %dma_wait3A_618] : memref<326400x128xf32, #tpu.memory_space<hbm>> -> memref<64x128xf32, #tpu.memory_space<hbm>>
        %dma_wait3A_620 = arith.constant 0 : i32
        %dma_wait3A_621 = arith.constant 0 : i32
        %dma_wait3A_622 = tpu.memref_slice %arg10[%dma_wait3A_613, %dma_wait3A_620, %dma_wait3A_621] : memref<4x64x128xf32, #tpu.memory_space<vmem>> -> memref<1x64x128xf32, #tpu.memory_space<vmem>>
        %dma_wait3A_623 = tpu.memref_squeeze %dma_wait3A_622 : memref<1x64x128xf32, #tpu.memory_space<vmem>> -> memref<64x128xf32, #tpu.memory_space<vmem>>
        %dma_wait3A_624 = arith.constant 0 : i32
        %dma_wait3A_625 = tpu.memref_slice %arg3[%add3A_594, %dma_wait3A_624] : memref<326400x128xf32, #tpu.memory_space<hbm>> -> memref<64x128xf32, #tpu.memory_space<hbm>>
        tpu.wait_dma2 semaphore(%arg13 : memref<!tpu.dma_semaphore, #tpu.memory_space<semaphore_mem>>) src(%dma_wait3A_625 : memref<64x128xf32, #tpu.memory_space<hbm>>) dst(%dma_wait3A_623 : memref<64x128xf32, #tpu.memory_space<vmem>>)
        %dma_start3A_626 = arith.constant 0 : i32
        %dma_start3A_627 = arith.constant 0 : i32
        %dma_start3A_628 = arith.constant 0 : i32
        %dma_start3A_629 = arith.constant 0 : i32
        %dma_start3A_630 = tpu.memref_slice %arg10[%dma_start3A_627, %dma_start3A_628, %dma_start3A_629] : memref<4x64x128xf32, #tpu.memory_space<vmem>> -> memref<1x64x128xf32, #tpu.memory_space<vmem>>
        %dma_start3A_631 = tpu.memref_squeeze %dma_start3A_630 : memref<1x64x128xf32, #tpu.memory_space<vmem>> -> memref<64x128xf32, #tpu.memory_space<vmem>>
        %dma_start3A_632 = arith.constant 0 : i32
        %dma_start3A_633 = tpu.memref_slice %arg8[%dma_start3A_626, %dma_start3A_632] : memref<4x64xi32, #tpu.memory_space<vmem>> -> memref<1x64xi32, #tpu.memory_space<vmem>>
        %dma_start3A_634 = tpu.memref_squeeze %dma_start3A_633 : memref<1x64xi32, #tpu.memory_space<vmem>> -> memref<64xi32, #tpu.memory_space<vmem>>
        %dma_start3A_635 = arith.constant 0 : i32
        %dma_start3A_636 = arith.constant 0 : i32
        %dma_start3A_637 = tpu.memref_slice %arg2[%dma_start3A_635, %dma_start3A_636] : memref<10000x128xf32, #tpu.memory_space<hbm>> -> memref<10000x128xf32, #tpu.memory_space<hbm>>
        tpu.enqueue_indirect_dma source(%dma_start3A_637 : memref<10000x128xf32, #tpu.memory_space<hbm>>) target(%dma_start3A_631 : memref<64x128xf32, #tpu.memory_space<vmem>>) offsets(%dma_start3A_634 : memref<64xi32, #tpu.memory_space<vmem>>) semaphore(%arg17 : memref<!tpu.dma_semaphore, #tpu.memory_space<semaphore_mem>>) {add = true}
      } else {
      }
      %dma_wait3A_456 = arith.constant 2 : i32
      %dma_wait3A_457 = arith.constant 2 : i32
      %dma_wait3A_458 = arith.constant 0 : i32
      %dma_wait3A_459 = arith.constant 0 : i32
      %dma_wait3A_460 = tpu.memref_slice %arg10[%dma_wait3A_457, %dma_wait3A_458, %dma_wait3A_459] : memref<4x64x128xf32, #tpu.memory_space<vmem>> -> memref<1x64x128xf32, #tpu.memory_space<vmem>>
      %dma_wait3A_461 = tpu.memref_squeeze %dma_wait3A_460 : memref<1x64x128xf32, #tpu.memory_space<vmem>> -> memref<64x128xf32, #tpu.memory_space<vmem>>
      %dma_wait3A_462 = arith.constant 0 : i32
      %dma_wait3A_463 = tpu.memref_slice %arg8[%dma_wait3A_456, %dma_wait3A_462] : memref<4x64xi32, #tpu.memory_space<vmem>> -> memref<1x64xi32, #tpu.memory_space<vmem>>
      %dma_wait3A_464 = tpu.memref_squeeze %dma_wait3A_463 : memref<1x64xi32, #tpu.memory_space<vmem>> -> memref<64xi32, #tpu.memory_space<vmem>>
      %dma_wait3A_465 = arith.constant 0 : i32
      %dma_wait3A_466 = arith.constant 0 : i32
      %dma_wait3A_467 = tpu.memref_slice %arg2[%dma_wait3A_465, %dma_wait3A_466] : memref<10000x128xf32, #tpu.memory_space<hbm>> -> memref<10000x128xf32, #tpu.memory_space<hbm>>
      tpu.wait_indirect_dma semaphore(%arg19 : memref<!tpu.dma_semaphore, #tpu.memory_space<semaphore_mem>>) src(%dma_wait3A_467 : memref<10000x128xf32, #tpu.memory_space<hbm>>) dst(%dma_wait3A_461 : memref<64x128xf32, #tpu.memory_space<vmem>>)
      %scan3A_468 = arith.constant 0 : i32
      %scan3A_469 = arith.constant 0 : i32
      %scan3A_470 = arith.constant 64 : i32
      %scan3A_471 = arith.addi %scan3A_469, %scan3A_470 : i32
      %scan3A_472 = arith.constant 1 : i32
      scf.for %scan3A_590 = %scan3A_469 to %scan3A_471 step %scan3A_472  : i32 {
        %get3A_591 = arith.constant 2 : i32
        %get3A_592 = arith.index_cast %get3A_591 : i32 to index
        %get3A_593 = arith.index_cast %scan3A_590 : i32 to index
        %get3A_594 = arith.constant 0 : index
        %get3A_595 = tpu.vector_load %arg10[%get3A_592, %get3A_593, %get3A_594] {strides = array<i32>} : memref<4x64x128xf32, #tpu.memory_space<vmem>>, vector<16xf32>,
        %max3A = arith.constant 0.000000e+00 : f32
        %max3A_596 = vector.broadcast %max3A : f32 to vector<16xf32>
        %max3A_597 = arith.maximumf %get3A_595, %max3A_596 : vector<16xf32>
        %swap3A = arith.constant 2 : i32
        %swap3A_598 = arith.index_cast %swap3A : i32 to index
        %swap3A_599 = arith.index_cast %scan3A_590 : i32 to index
        %swap3A_600 = arith.constant 0 : index
        %swap3A_601 = tpu.vector_load %arg10[%swap3A_598, %swap3A_599, %swap3A_600] {strides = array<i32>} : memref<4x64x128xf32, #tpu.memory_space<vmem>>, vector<16xf32>,
        tpu.vector_store %arg10[%swap3A_598, %swap3A_599, %swap3A_600], %max3A_597 {strides = array<i32>} : memref<4x64x128xf32, #tpu.memory_space<vmem>>, vector<16xf32>,
        %get3A_602 = arith.constant 2 : i32
        %get3A_603 = arith.index_cast %get3A_602 : i32 to index
        %get3A_604 = arith.index_cast %scan3A_590 : i32 to index
        %get3A_605 = arith.constant 16 : index
        %get3A_606 = tpu.vector_load %arg10[%get3A_603, %get3A_604, %get3A_605] {strides = array<i32>} : memref<4x64x128xf32, #tpu.memory_space<vmem>>, vector<16xf32>,
        %max3A_607 = arith.constant 0.000000e+00 : f32
        %max3A_608 = vector.broadcast %max3A_607 : f32 to vector<16xf32>
        %max3A_609 = arith.maximumf %get3A_606, %max3A_608 : vector<16xf32>
        %swap3A_610 = arith.constant 2 : i32
        %swap3A_611 = arith.index_cast %swap3A_610 : i32 to index
        %swap3A_612 = arith.index_cast %scan3A_590 : i32 to index
        %swap3A_613 = arith.constant 16 : index
        %swap3A_614 = tpu.vector_load %arg10[%swap3A_611, %swap3A_612, %swap3A_613] {strides = array<i32>} : memref<4x64x128xf32, #tpu.memory_space<vmem>>, vector<16xf32>,
        tpu.vector_store %arg10[%swap3A_611, %swap3A_612, %swap3A_613], %max3A_609 {strides = array<i32>} : memref<4x64x128xf32, #tpu.memory_space<vmem>>, vector<16xf32>,
        %get3A_615 = arith.constant 2 : i32
        %get3A_616 = arith.index_cast %get3A_615 : i32 to index
        %get3A_617 = arith.index_cast %scan3A_590 : i32 to index
        %get3A_618 = arith.constant 32 : index
        %get3A_619 = tpu.vector_load %arg10[%get3A_616, %get3A_617, %get3A_618] {strides = array<i32>} : memref<4x64x128xf32, #tpu.memory_space<vmem>>, vector<16xf32>,
        %max3A_620 = arith.constant 0.000000e+00 : f32
        %max3A_621 = vector.broadcast %max3A_620 : f32 to vector<16xf32>
        %max3A_622 = arith.maximumf %get3A_619, %max3A_621 : vector<16xf32>
        %swap3A_623 = arith.constant 2 : i32
        %swap3A_624 = arith.index_cast %swap3A_623 : i32 to index
        %swap3A_625 = arith.index_cast %scan3A_590 : i32 to index
        %swap3A_626 = arith.constant 32 : index
        %swap3A_627 = tpu.vector_load %arg10[%swap3A_624, %swap3A_625, %swap3A_626] {strides = array<i32>} : memref<4x64x128xf32, #tpu.memory_space<vmem>>, vector<16xf32>,
        tpu.vector_store %arg10[%swap3A_624, %swap3A_625, %swap3A_626], %max3A_622 {strides = array<i32>} : memref<4x64x128xf32, #tpu.memory_space<vmem>>, vector<16xf32>,
        %get3A_628 = arith.constant 2 : i32
        %get3A_629 = arith.index_cast %get3A_628 : i32 to index
        %get3A_630 = arith.index_cast %scan3A_590 : i32 to index
        %get3A_631 = arith.constant 48 : index
        %get3A_632 = tpu.vector_load %arg10[%get3A_629, %get3A_630, %get3A_631] {strides = array<i32>} : memref<4x64x128xf32, #tpu.memory_space<vmem>>, vector<16xf32>,
        %max3A_633 = arith.constant 0.000000e+00 : f32
        %max3A_634 = vector.broadcast %max3A_633 : f32 to vector<16xf32>
        %max3A_635 = arith.maximumf %get3A_632, %max3A_634 : vector<16xf32>
        %swap3A_636 = arith.constant 2 : i32
        %swap3A_637 = arith.index_cast %swap3A_636 : i32 to index
        %swap3A_638 = arith.index_cast %scan3A_590 : i32 to index
        %swap3A_639 = arith.constant 48 : index
        %swap3A_640 = tpu.vector_load %arg10[%swap3A_637, %swap3A_638, %swap3A_639] {strides = array<i32>} : memref<4x64x128xf32, #tpu.memory_space<vmem>>, vector<16xf32>,
        tpu.vector_store %arg10[%swap3A_637, %swap3A_638, %swap3A_639], %max3A_635 {strides = array<i32>} : memref<4x64x128xf32, #tpu.memory_space<vmem>>, vector<16xf32>,
        %get3A_641 = arith.constant 2 : i32
        %get3A_642 = arith.index_cast %get3A_641 : i32 to index
        %get3A_643 = arith.index_cast %scan3A_590 : i32 to index
        %get3A_644 = arith.constant 64 : index
        %get3A_645 = tpu.vector_load %arg10[%get3A_642, %get3A_643, %get3A_644] {strides = array<i32>} : memref<4x64x128xf32, #tpu.memory_space<vmem>>, vector<16xf32>,
        %max3A_646 = arith.constant 0.000000e+00 : f32
        %max3A_647 = vector.broadcast %max3A_646 : f32 to vector<16xf32>
        %max3A_648 = arith.maximumf %get3A_645, %max3A_647 : vector<16xf32>
        %swap3A_649 = arith.constant 2 : i32
        %swap3A_650 = arith.index_cast %swap3A_649 : i32 to index
        %swap3A_651 = arith.index_cast %scan3A_590 : i32 to index
        %swap3A_652 = arith.constant 64 : index
        %swap3A_653 = tpu.vector_load %arg10[%swap3A_650, %swap3A_651, %swap3A_652] {strides = array<i32>} : memref<4x64x128xf32, #tpu.memory_space<vmem>>, vector<16xf32>,
        tpu.vector_store %arg10[%swap3A_650, %swap3A_651, %swap3A_652], %max3A_648 {strides = array<i32>} : memref<4x64x128xf32, #tpu.memory_space<vmem>>, vector<16xf32>,
        %get3A_654 = arith.constant 2 : i32
        %get3A_655 = arith.index_cast %get3A_654 : i32 to index
        %get3A_656 = arith.index_cast %scan3A_590 : i32 to index
        %get3A_657 = arith.constant 80 : index
        %get3A_658 = tpu.vector_load %arg10[%get3A_655, %get3A_656, %get3A_657] {strides = array<i32>} : memref<4x64x128xf32, #tpu.memory_space<vmem>>, vector<16xf32>,
        %max3A_659 = arith.constant 0.000000e+00 : f32
        %max3A_660 = vector.broadcast %max3A_659 : f32 to vector<16xf32>
        %max3A_661 = arith.maximumf %get3A_658, %max3A_660 : vector<16xf32>
        %swap3A_662 = arith.constant 2 : i32
        %swap3A_663 = arith.index_cast %swap3A_662 : i32 to index
        %swap3A_664 = arith.index_cast %scan3A_590 : i32 to index
        %swap3A_665 = arith.constant 80 : index
        %swap3A_666 = tpu.vector_load %arg10[%swap3A_663, %swap3A_664, %swap3A_665] {strides = array<i32>} : memref<4x64x128xf32, #tpu.memory_space<vmem>>, vector<16xf32>,
        tpu.vector_store %arg10[%swap3A_663, %swap3A_664, %swap3A_665], %max3A_661 {strides = array<i32>} : memref<4x64x128xf32, #tpu.memory_space<vmem>>, vector<16xf32>,
        %get3A_667 = arith.constant 2 : i32
        %get3A_668 = arith.index_cast %get3A_667 : i32 to index
        %get3A_669 = arith.index_cast %scan3A_590 : i32 to index
        %get3A_670 = arith.constant 96 : index
        %get3A_671 = tpu.vector_load %arg10[%get3A_668, %get3A_669, %get3A_670] {strides = array<i32>} : memref<4x64x128xf32, #tpu.memory_space<vmem>>, vector<16xf32>,
        %max3A_672 = arith.constant 0.000000e+00 : f32
        %max3A_673 = vector.broadcast %max3A_672 : f32 to vector<16xf32>
        %max3A_674 = arith.maximumf %get3A_671, %max3A_673 : vector<16xf32>
        %swap3A_675 = arith.constant 2 : i32
        %swap3A_676 = arith.index_cast %swap3A_675 : i32 to index
        %swap3A_677 = arith.index_cast %scan3A_590 : i32 to index
        %swap3A_678 = arith.constant 96 : index
        %swap3A_679 = tpu.vector_load %arg10[%swap3A_676, %swap3A_677, %swap3A_678] {strides = array<i32>} : memref<4x64x128xf32, #tpu.memory_space<vmem>>, vector<16xf32>,
        tpu.vector_store %arg10[%swap3A_676, %swap3A_677, %swap3A_678], %max3A_674 {strides = array<i32>} : memref<4x64x128xf32, #tpu.memory_space<vmem>>, vector<16xf32>,
        %get3A_680 = arith.constant 2 : i32
        %get3A_681 = arith.index_cast %get3A_680 : i32 to index
        %get3A_682 = arith.index_cast %scan3A_590 : i32 to index
        %get3A_683 = arith.constant 112 : index
        %get3A_684 = tpu.vector_load %arg10[%get3A_681, %get3A_682, %get3A_683] {strides = array<i32>} : memref<4x64x128xf32, #tpu.memory_space<vmem>>, vector<16xf32>,
        %max3A_685 = arith.constant 0.000000e+00 : f32
        %max3A_686 = vector.broadcast %max3A_685 : f32 to vector<16xf32>
        %max3A_687 = arith.maximumf %get3A_684, %max3A_686 : vector<16xf32>
        %swap3A_688 = arith.constant 2 : i32
        %swap3A_689 = arith.index_cast %swap3A_688 : i32 to index
        %swap3A_690 = arith.index_cast %scan3A_590 : i32 to index
        %swap3A_691 = arith.constant 112 : index
        %swap3A_692 = tpu.vector_load %arg10[%swap3A_689, %swap3A_690, %swap3A_691] {strides = array<i32>} : memref<4x64x128xf32, #tpu.memory_space<vmem>>, vector<16xf32>,
        tpu.vector_store %arg10[%swap3A_689, %swap3A_690, %swap3A_691], %max3A_687 {strides = array<i32>} : memref<4x64x128xf32, #tpu.memory_space<vmem>>, vector<16xf32>,
      }
      %scan3A_473 = arith.constant 64 : i32
      %dma_start3A_474 = arith.constant 2 : i32
      %dma_start3A_475 = arith.constant 2 : i32
      %dma_start3A_476 = arith.constant 0 : i32
      %dma_start3A_477 = arith.constant 0 : i32
      %dma_start3A_478 = tpu.memref_slice %arg10[%dma_start3A_474, %dma_start3A_476, %dma_start3A_477] : memref<4x64x128xf32, #tpu.memory_space<vmem>> -> memref<1x64x128xf32, #tpu.memory_space<vmem>>
      %dma_start3A_479 = tpu.memref_squeeze %dma_start3A_478 : memref<1x64x128xf32, #tpu.memory_space<vmem>> -> memref<64x128xf32, #tpu.memory_space<vmem>>
      %dma_start3A_480 = arith.constant 0 : i32
      %dma_start3A_481 = tpu.memref_slice %arg9[%dma_start3A_475, %dma_start3A_480] : memref<4x64xi32, #tpu.memory_space<vmem>> -> memref<1x64xi32, #tpu.memory_space<vmem>>
      %dma_start3A_482 = tpu.memref_squeeze %dma_start3A_481 : memref<1x64xi32, #tpu.memory_space<vmem>> -> memref<64xi32, #tpu.memory_space<vmem>>
      %dma_start3A_483 = arith.constant 0 : i32
      %dma_start3A_484 = arith.constant 0 : i32
      %dma_start3A_485 = tpu.memref_slice %arg12[%dma_start3A_483, %dma_start3A_484] : memref<10240x128xf32, #tpu.memory_space<vmem_shared>> -> memref<10240x128xf32, #tpu.memory_space<vmem_shared>>
      tpu.enqueue_indirect_dma source(%dma_start3A_479 : memref<64x128xf32, #tpu.memory_space<vmem>>) target(%dma_start3A_485 : memref<10240x128xf32, #tpu.memory_space<vmem_shared>>) offsets(%dma_start3A_482 : memref<64xi32, #tpu.memory_space<vmem>>) semaphore(%arg23 : memref<!tpu.dma_semaphore, #tpu.memory_space<semaphore_mem>>) {add = true}
      %broadcast_in_dim3A_486 = arith.constant 1.000000e+00 : f32
      %broadcast_in_dim3A_487 = vector.broadcast %broadcast_in_dim3A_486 : f32 to vector<16xf32>
      %get3A_488 = arith.constant 2 : i32
      %get3A_489 = arith.index_cast %get3A_488 : i32 to index
      %get3A_490 = arith.constant 0 : index
      %get3A_491 = tpu.vector_load %arg9[%get3A_489, %get3A_490] {strides = array<i32>} : memref<4x64xi32, #tpu.memory_space<vmem>>, vector<16xi32>,
      tpu.vector_store_idx %arg11[%get3A_491], %broadcast_in_dim3A_487 {add = true} : memref<10240xf32, #tpu.memory_space<vmem>>[vector<16xi32>], vector<16xf32>,
      %get3A_492 = arith.constant 2 : i32
      %get3A_493 = arith.index_cast %get3A_492 : i32 to index
      %get3A_494 = arith.constant 16 : index
      %get3A_495 = tpu.vector_load %arg9[%get3A_493, %get3A_494] {strides = array<i32>} : memref<4x64xi32, #tpu.memory_space<vmem>>, vector<16xi32>,
      tpu.vector_store_idx %arg11[%get3A_495], %broadcast_in_dim3A_487 {add = true} : memref<10240xf32, #tpu.memory_space<vmem>>[vector<16xi32>], vector<16xf32>,
      %get3A_496 = arith.constant 2 : i32
      %get3A_497 = arith.index_cast %get3A_496 : i32 to index
      %get3A_498 = arith.constant 32 : index
      %get3A_499 = tpu.vector_load %arg9[%get3A_497, %get3A_498] {strides = array<i32>} : memref<4x64xi32, #tpu.memory_space<vmem>>, vector<16xi32>,
      tpu.vector_store_idx %arg11[%get3A_499], %broadcast_in_dim3A_487 {add = true} : memref<10240xf32, #tpu.memory_space<vmem>>[vector<16xi32>], vector<16xf32>,
      %get3A_500 = arith.constant 2 : i32
      %get3A_501 = arith.index_cast %get3A_500 : i32 to index
      %get3A_502 = arith.constant 48 : index
      %get3A_503 = tpu.vector_load %arg9[%get3A_501, %get3A_502] {strides = array<i32>} : memref<4x64xi32, #tpu.memory_space<vmem>>, vector<16xi32>,
      tpu.vector_store_idx %arg11[%get3A_503], %broadcast_in_dim3A_487 {add = true} : memref<10240xf32, #tpu.memory_space<vmem>>[vector<16xi32>], vector<16xf32>,
      %ge3A_504 = arith.constant 1 : i32
      %ge3A_505 = arith.cmpi sge, %add3A_447, %ge3A_504 : i32
      %convert_element_type3A_506 = arith.extui %ge3A_505 : i1 to i32
      %cond3A_507 = arith.constant 0 : i32
      %cond3A_508 = arith.cmpi ne, %convert_element_type3A_506, %cond3A_507 : i32
      scf.if %cond3A_508 {
        %dma_wait3A_590 = arith.constant 1 : i32
        %dma_wait3A_591 = arith.constant 1 : i32
        %dma_wait3A_592 = arith.constant 0 : i32
        %dma_wait3A_593 = arith.constant 0 : i32
        %dma_wait3A_594 = tpu.memref_slice %arg10[%dma_wait3A_590, %dma_wait3A_592, %dma_wait3A_593] : memref<4x64x128xf32, #tpu.memory_space<vmem>> -> memref<1x64x128xf32, #tpu.memory_space<vmem>>
        %dma_wait3A_595 = tpu.memref_squeeze %dma_wait3A_594 : memref<1x64x128xf32, #tpu.memory_space<vmem>> -> memref<64x128xf32, #tpu.memory_space<vmem>>
        %dma_wait3A_596 = arith.constant 0 : i32
        %dma_wait3A_597 = tpu.memref_slice %arg9[%dma_wait3A_591, %dma_wait3A_596] : memref<4x64xi32, #tpu.memory_space<vmem>> -> memref<1x64xi32, #tpu.memory_space<vmem>>
        %dma_wait3A_598 = tpu.memref_squeeze %dma_wait3A_597 : memref<1x64xi32, #tpu.memory_space<vmem>> -> memref<64xi32, #tpu.memory_space<vmem>>
        %dma_wait3A_599 = arith.constant 0 : i32
        %dma_wait3A_600 = arith.constant 0 : i32
        %dma_wait3A_601 = tpu.memref_slice %arg12[%dma_wait3A_599, %dma_wait3A_600] : memref<10240x128xf32, #tpu.memory_space<vmem_shared>> -> memref<10240x128xf32, #tpu.memory_space<vmem_shared>>
        tpu.wait_indirect_dma semaphore(%arg22 : memref<!tpu.dma_semaphore, #tpu.memory_space<semaphore_mem>>) src(%dma_wait3A_595 : memref<64x128xf32, #tpu.memory_space<vmem>>) dst(%dma_wait3A_601 : memref<10240x128xf32, #tpu.memory_space<vmem_shared>>)
      } else {
      }
      %add3A_509 = arith.constant 3 : i32
      %add3A_510 = arith.addi %add3A_447, %add3A_509 : i32
      %sub3A_511 = arith.constant 1 : i32
      %sub3A_512 = arith.subi %select_n3A, %sub3A_511 : i32
      %le3A_513 = arith.cmpi sle, %add3A_510, %sub3A_512 : i32
      %convert_element_type3A_514 = arith.extui %le3A_513 : i1 to i32
      %cond3A_515 = arith.constant 0 : i32
      %cond3A_516 = arith.cmpi ne, %convert_element_type3A_514, %cond3A_515 : i32
      scf.if %cond3A_516 {
        %add3A_590 = arith.constant 3 : i32
        %add3A_591 = arith.addi %add3A_447, %add3A_590 : i32
        %mul3A_592 = arith.constant 64 : i32
        %mul3A_593 = arith.muli %add3A_591, %mul3A_592 : i32
        %add3A_594 = arith.addi %select_n3A_72, %mul3A_593 : i32
        %dma_start3A_595 = arith.constant 1 : i32
        %dma_start3A_596 = arith.constant 0 : i32
        %dma_start3A_597 = tpu.memref_slice %arg8[%dma_start3A_595, %dma_start3A_596] : memref<4x64xi32, #tpu.memory_space<vmem>> -> memref<1x64xi32, #tpu.memory_space<vmem>>
        %dma_start3A_598 = tpu.memref_squeeze %dma_start3A_597 : memref<1x64xi32, #tpu.memory_space<vmem>> -> memref<64xi32, #tpu.memory_space<vmem>>
        %dma_start3A_599 = tpu.memref_slice %arg4[%add3A_594] : memref<323584xi32, #tpu.memory_space<hbm>> -> memref<64xi32, #tpu.memory_space<hbm>>
        %dma_start3A_600 = arith.constant 0 : i32
        %dma_start3A_601 = tpu.memref_slice %arg8[%dma_start3A_595, %dma_start3A_600] : memref<4x64xi32, #tpu.memory_space<vmem>> -> memref<1x64xi32, #tpu.memory_space<vmem>>
        %dma_start3A_602 = tpu.memref_squeeze %dma_start3A_601 : memref<1x64xi32, #tpu.memory_space<vmem>> -> memref<64xi32, #tpu.memory_space<vmem>>
        %dma_start3A_603 = tpu.memref_slice %arg4[%add3A_594] : memref<323584xi32, #tpu.memory_space<hbm>> -> memref<64xi32, #tpu.memory_space<hbm>>
        tpu.enqueue_dma source(%dma_start3A_603 : memref<64xi32, #tpu.memory_space<hbm>>) target(%dma_start3A_602 : memref<64xi32, #tpu.memory_space<vmem>>) target_semaphore(%arg14 : memref<!tpu.dma_semaphore, #tpu.memory_space<semaphore_mem>>)
        %dma_start3A_604 = arith.constant 1 : i32
        %dma_start3A_605 = arith.constant 0 : i32
        %dma_start3A_606 = tpu.memref_slice %arg9[%dma_start3A_604, %dma_start3A_605] : memref<4x64xi32, #tpu.memory_space<vmem>> -> memref<1x64xi32, #tpu.memory_space<vmem>>
        %dma_start3A_607 = tpu.memref_squeeze %dma_start3A_606 : memref<1x64xi32, #tpu.memory_space<vmem>> -> memref<64xi32, #tpu.memory_space<vmem>>
        %dma_start3A_608 = tpu.memref_slice %arg5[%add3A_594] : memref<323584xi32, #tpu.memory_space<hbm>> -> memref<64xi32, #tpu.memory_space<hbm>>
        %dma_start3A_609 = arith.constant 0 : i32
        %dma_start3A_610 = tpu.memref_slice %arg9[%dma_start3A_604, %dma_start3A_609] : memref<4x64xi32, #tpu.memory_space<vmem>> -> memref<1x64xi32, #tpu.memory_space<vmem>>
        %dma_start3A_611 = tpu.memref_squeeze %dma_start3A_610 : memref<1x64xi32, #tpu.memory_space<vmem>> -> memref<64xi32, #tpu.memory_space<vmem>>
        %dma_start3A_612 = tpu.memref_slice %arg5[%add3A_594] : memref<323584xi32, #tpu.memory_space<hbm>> -> memref<64xi32, #tpu.memory_space<hbm>>
        tpu.enqueue_dma source(%dma_start3A_612 : memref<64xi32, #tpu.memory_space<hbm>>) target(%dma_start3A_611 : memref<64xi32, #tpu.memory_space<vmem>>) target_semaphore(%arg14 : memref<!tpu.dma_semaphore, #tpu.memory_space<semaphore_mem>>)
        %dma_start3A_613 = arith.constant 1 : i32
        %dma_start3A_614 = arith.constant 0 : i32
        %dma_start3A_615 = arith.constant 0 : i32
        %dma_start3A_616 = tpu.memref_slice %arg10[%dma_start3A_613, %dma_start3A_614, %dma_start3A_615] : memref<4x64x128xf32, #tpu.memory_space<vmem>> -> memref<1x64x128xf32, #tpu.memory_space<vmem>>
        %dma_start3A_617 = tpu.memref_squeeze %dma_start3A_616 : memref<1x64x128xf32, #tpu.memory_space<vmem>> -> memref<64x128xf32, #tpu.memory_space<vmem>>
        %dma_start3A_618 = arith.constant 0 : i32
        %dma_start3A_619 = tpu.memref_slice %arg3[%add3A_594, %dma_start3A_618] : memref<326400x128xf32, #tpu.memory_space<hbm>> -> memref<64x128xf32, #tpu.memory_space<hbm>>
        %dma_start3A_620 = arith.constant 0 : i32
        %dma_start3A_621 = arith.constant 0 : i32
        %dma_start3A_622 = tpu.memref_slice %arg10[%dma_start3A_613, %dma_start3A_620, %dma_start3A_621] : memref<4x64x128xf32, #tpu.memory_space<vmem>> -> memref<1x64x128xf32, #tpu.memory_space<vmem>>
        %dma_start3A_623 = tpu.memref_squeeze %dma_start3A_622 : memref<1x64x128xf32, #tpu.memory_space<vmem>> -> memref<64x128xf32, #tpu.memory_space<vmem>>
        %dma_start3A_624 = arith.constant 0 : i32
        %dma_start3A_625 = tpu.memref_slice %arg3[%add3A_594, %dma_start3A_624] : memref<326400x128xf32, #tpu.memory_space<hbm>> -> memref<64x128xf32, #tpu.memory_space<hbm>>
        tpu.enqueue_dma source(%dma_start3A_625 : memref<64x128xf32, #tpu.memory_space<hbm>>) target(%dma_start3A_623 : memref<64x128xf32, #tpu.memory_space<vmem>>) target_semaphore(%arg14 : memref<!tpu.dma_semaphore, #tpu.memory_space<semaphore_mem>>)
      } else {
      }
      %mul3A_517 = arith.constant 4 : i32
      %mul3A_518 = arith.muli %mul3A_517, %while3A_302 : i32
      %add3A_519 = arith.constant 3 : i32
      %add3A_520 = arith.addi %mul3A_518, %add3A_519 : i32
      %add3A_521 = arith.constant 2 : i32
      %add3A_522 = arith.addi %add3A_520, %add3A_521 : i32
      %sub3A_523 = arith.constant 1 : i32
      %sub3A_524 = arith.subi %select_n3A, %sub3A_523 : i32
      %le3A_525 = arith.cmpi sle, %add3A_522, %sub3A_524 : i32
      %convert_element_type3A_526 = arith.extui %le3A_525 : i1 to i32
      %cond3A_527 = arith.constant 0 : i32
      %cond3A_528 = arith.cmpi ne, %convert_element_type3A_526, %cond3A_527 : i32
      scf.if %cond3A_528 {
        %add3A_590 = arith.constant 2 : i32
        %add3A_591 = arith.addi %add3A_520, %add3A_590 : i32
        %mul3A_592 = arith.constant 64 : i32
        %mul3A_593 = arith.muli %add3A_591, %mul3A_592 : i32
        %add3A_594 = arith.addi %select_n3A_72, %mul3A_593 : i32
        %dma_wait3A_595 = arith.constant 1 : i32
        %dma_wait3A_596 = arith.constant 0 : i32
        %dma_wait3A_597 = tpu.memref_slice %arg8[%dma_wait3A_595, %dma_wait3A_596] : memref<4x64xi32, #tpu.memory_space<vmem>> -> memref<1x64xi32, #tpu.memory_space<vmem>>
        %dma_wait3A_598 = tpu.memref_squeeze %dma_wait3A_597 : memref<1x64xi32, #tpu.memory_space<vmem>> -> memref<64xi32, #tpu.memory_space<vmem>>
        %dma_wait3A_599 = tpu.memref_slice %arg4[%add3A_594] : memref<323584xi32, #tpu.memory_space<hbm>> -> memref<64xi32, #tpu.memory_space<hbm>>
        %dma_wait3A_600 = arith.constant 0 : i32
        %dma_wait3A_601 = tpu.memref_slice %arg8[%dma_wait3A_595, %dma_wait3A_600] : memref<4x64xi32, #tpu.memory_space<vmem>> -> memref<1x64xi32, #tpu.memory_space<vmem>>
        %dma_wait3A_602 = tpu.memref_squeeze %dma_wait3A_601 : memref<1x64xi32, #tpu.memory_space<vmem>> -> memref<64xi32, #tpu.memory_space<vmem>>
        %dma_wait3A_603 = tpu.memref_slice %arg4[%add3A_594] : memref<323584xi32, #tpu.memory_space<hbm>> -> memref<64xi32, #tpu.memory_space<hbm>>
        tpu.wait_dma2 semaphore(%arg14 : memref<!tpu.dma_semaphore, #tpu.memory_space<semaphore_mem>>) src(%dma_wait3A_603 : memref<64xi32, #tpu.memory_space<hbm>>) dst(%dma_wait3A_602 : memref<64xi32, #tpu.memory_space<vmem>>)
        %dma_wait3A_604 = arith.constant 1 : i32
        %dma_wait3A_605 = arith.constant 0 : i32
        %dma_wait3A_606 = tpu.memref_slice %arg9[%dma_wait3A_604, %dma_wait3A_605] : memref<4x64xi32, #tpu.memory_space<vmem>> -> memref<1x64xi32, #tpu.memory_space<vmem>>
        %dma_wait3A_607 = tpu.memref_squeeze %dma_wait3A_606 : memref<1x64xi32, #tpu.memory_space<vmem>> -> memref<64xi32, #tpu.memory_space<vmem>>
        %dma_wait3A_608 = tpu.memref_slice %arg5[%add3A_594] : memref<323584xi32, #tpu.memory_space<hbm>> -> memref<64xi32, #tpu.memory_space<hbm>>
        %dma_wait3A_609 = arith.constant 0 : i32
        %dma_wait3A_610 = tpu.memref_slice %arg9[%dma_wait3A_604, %dma_wait3A_609] : memref<4x64xi32, #tpu.memory_space<vmem>> -> memref<1x64xi32, #tpu.memory_space<vmem>>
        %dma_wait3A_611 = tpu.memref_squeeze %dma_wait3A_610 : memref<1x64xi32, #tpu.memory_space<vmem>> -> memref<64xi32, #tpu.memory_space<vmem>>
        %dma_wait3A_612 = tpu.memref_slice %arg5[%add3A_594] : memref<323584xi32, #tpu.memory_space<hbm>> -> memref<64xi32, #tpu.memory_space<hbm>>
        tpu.wait_dma2 semaphore(%arg14 : memref<!tpu.dma_semaphore, #tpu.memory_space<semaphore_mem>>) src(%dma_wait3A_612 : memref<64xi32, #tpu.memory_space<hbm>>) dst(%dma_wait3A_611 : memref<64xi32, #tpu.memory_space<vmem>>)
        %dma_wait3A_613 = arith.constant 1 : i32
        %dma_wait3A_614 = arith.constant 0 : i32
        %dma_wait3A_615 = arith.constant 0 : i32
        %dma_wait3A_616 = tpu.memref_slice %arg10[%dma_wait3A_613, %dma_wait3A_614, %dma_wait3A_615] : memref<4x64x128xf32, #tpu.memory_space<vmem>> -> memref<1x64x128xf32, #tpu.memory_space<vmem>>
        %dma_wait3A_617 = tpu.memref_squeeze %dma_wait3A_616 : memref<1x64x128xf32, #tpu.memory_space<vmem>> -> memref<64x128xf32, #tpu.memory_space<vmem>>
        %dma_wait3A_618 = arith.constant 0 : i32
        %dma_wait3A_619 = tpu.memref_slice %arg3[%add3A_594, %dma_wait3A_618] : memref<326400x128xf32, #tpu.memory_space<hbm>> -> memref<64x128xf32, #tpu.memory_space<hbm>>
        %dma_wait3A_620 = arith.constant 0 : i32
        %dma_wait3A_621 = arith.constant 0 : i32
        %dma_wait3A_622 = tpu.memref_slice %arg10[%dma_wait3A_613, %dma_wait3A_620, %dma_wait3A_621] : memref<4x64x128xf32, #tpu.memory_space<vmem>> -> memref<1x64x128xf32, #tpu.memory_space<vmem>>
        %dma_wait3A_623 = tpu.memref_squeeze %dma_wait3A_622 : memref<1x64x128xf32, #tpu.memory_space<vmem>> -> memref<64x128xf32, #tpu.memory_space<vmem>>
        %dma_wait3A_624 = arith.constant 0 : i32
        %dma_wait3A_625 = tpu.memref_slice %arg3[%add3A_594, %dma_wait3A_624] : memref<326400x128xf32, #tpu.memory_space<hbm>> -> memref<64x128xf32, #tpu.memory_space<hbm>>
        tpu.wait_dma2 semaphore(%arg14 : memref<!tpu.dma_semaphore, #tpu.memory_space<semaphore_mem>>) src(%dma_wait3A_625 : memref<64x128xf32, #tpu.memory_space<hbm>>) dst(%dma_wait3A_623 : memref<64x128xf32, #tpu.memory_space<vmem>>)
        %dma_start3A_626 = arith.constant 1 : i32
        %dma_start3A_627 = arith.constant 1 : i32
        %dma_start3A_628 = arith.constant 0 : i32
        %dma_start3A_629 = arith.constant 0 : i32
        %dma_start3A_630 = tpu.memref_slice %arg10[%dma_start3A_627, %dma_start3A_628, %dma_start3A_629] : memref<4x64x128xf32, #tpu.memory_space<vmem>> -> memref<1x64x128xf32, #tpu.memory_space<vmem>>
        %dma_start3A_631 = tpu.memref_squeeze %dma_start3A_630 : memref<1x64x128xf32, #tpu.memory_space<vmem>> -> memref<64x128xf32, #tpu.memory_space<vmem>>
        %dma_start3A_632 = arith.constant 0 : i32
        %dma_start3A_633 = tpu.memref_slice %arg8[%dma_start3A_626, %dma_start3A_632] : memref<4x64xi32, #tpu.memory_space<vmem>> -> memref<1x64xi32, #tpu.memory_space<vmem>>
        %dma_start3A_634 = tpu.memref_squeeze %dma_start3A_633 : memref<1x64xi32, #tpu.memory_space<vmem>> -> memref<64xi32, #tpu.memory_space<vmem>>
        %dma_start3A_635 = arith.constant 0 : i32
        %dma_start3A_636 = arith.constant 0 : i32
        %dma_start3A_637 = tpu.memref_slice %arg2[%dma_start3A_635, %dma_start3A_636] : memref<10000x128xf32, #tpu.memory_space<hbm>> -> memref<10000x128xf32, #tpu.memory_space<hbm>>
        tpu.enqueue_indirect_dma source(%dma_start3A_637 : memref<10000x128xf32, #tpu.memory_space<hbm>>) target(%dma_start3A_631 : memref<64x128xf32, #tpu.memory_space<vmem>>) offsets(%dma_start3A_634 : memref<64xi32, #tpu.memory_space<vmem>>) semaphore(%arg18 : memref<!tpu.dma_semaphore, #tpu.memory_space<semaphore_mem>>) {add = true}
      } else {
      }
      %dma_wait3A_529 = arith.constant 3 : i32
      %dma_wait3A_530 = arith.constant 3 : i32
      %dma_wait3A_531 = arith.constant 0 : i32
      %dma_wait3A_532 = arith.constant 0 : i32
      %dma_wait3A_533 = tpu.memref_slice %arg10[%dma_wait3A_530, %dma_wait3A_531, %dma_wait3A_532] : memref<4x64x128xf32, #tpu.memory_space<vmem>> -> memref<1x64x128xf32, #tpu.memory_space<vmem>>
      %dma_wait3A_534 = tpu.memref_squeeze %dma_wait3A_533 : memref<1x64x128xf32, #tpu.memory_space<vmem>> -> memref<64x128xf32, #tpu.memory_space<vmem>>
      %dma_wait3A_535 = arith.constant 0 : i32
      %dma_wait3A_536 = tpu.memref_slice %arg8[%dma_wait3A_529, %dma_wait3A_535] : memref<4x64xi32, #tpu.memory_space<vmem>> -> memref<1x64xi32, #tpu.memory_space<vmem>>
      %dma_wait3A_537 = tpu.memref_squeeze %dma_wait3A_536 : memref<1x64xi32, #tpu.memory_space<vmem>> -> memref<64xi32, #tpu.memory_space<vmem>>
      %dma_wait3A_538 = arith.constant 0 : i32
      %dma_wait3A_539 = arith.constant 0 : i32
      %dma_wait3A_540 = tpu.memref_slice %arg2[%dma_wait3A_538, %dma_wait3A_539] : memref<10000x128xf32, #tpu.memory_space<hbm>> -> memref<10000x128xf32, #tpu.memory_space<hbm>>
      tpu.wait_indirect_dma semaphore(%arg20 : memref<!tpu.dma_semaphore, #tpu.memory_space<semaphore_mem>>) src(%dma_wait3A_540 : memref<10000x128xf32, #tpu.memory_space<hbm>>) dst(%dma_wait3A_534 : memref<64x128xf32, #tpu.memory_space<vmem>>)
      %scan3A_541 = arith.constant 0 : i32
      %scan3A_542 = arith.constant 0 : i32
      %scan3A_543 = arith.constant 64 : i32
      %scan3A_544 = arith.addi %scan3A_542, %scan3A_543 : i32
      %scan3A_545 = arith.constant 1 : i32
      scf.for %scan3A_590 = %scan3A_542 to %scan3A_544 step %scan3A_545  : i32 {
        %get3A_591 = arith.constant 3 : i32
        %get3A_592 = arith.index_cast %get3A_591 : i32 to index
        %get3A_593 = arith.index_cast %scan3A_590 : i32 to index
        %get3A_594 = arith.constant 0 : index
        %get3A_595 = tpu.vector_load %arg10[%get3A_592, %get3A_593, %get3A_594] {strides = array<i32>} : memref<4x64x128xf32, #tpu.memory_space<vmem>>, vector<16xf32>,
        %max3A = arith.constant 0.000000e+00 : f32
        %max3A_596 = vector.broadcast %max3A : f32 to vector<16xf32>
        %max3A_597 = arith.maximumf %get3A_595, %max3A_596 : vector<16xf32>
        %swap3A = arith.constant 3 : i32
        %swap3A_598 = arith.index_cast %swap3A : i32 to index
        %swap3A_599 = arith.index_cast %scan3A_590 : i32 to index
        %swap3A_600 = arith.constant 0 : index
        %swap3A_601 = tpu.vector_load %arg10[%swap3A_598, %swap3A_599, %swap3A_600] {strides = array<i32>} : memref<4x64x128xf32, #tpu.memory_space<vmem>>, vector<16xf32>,
        tpu.vector_store %arg10[%swap3A_598, %swap3A_599, %swap3A_600], %max3A_597 {strides = array<i32>} : memref<4x64x128xf32, #tpu.memory_space<vmem>>, vector<16xf32>,
        %get3A_602 = arith.constant 3 : i32
        %get3A_603 = arith.index_cast %get3A_602 : i32 to index
        %get3A_604 = arith.index_cast %scan3A_590 : i32 to index
        %get3A_605 = arith.constant 16 : index
        %get3A_606 = tpu.vector_load %arg10[%get3A_603, %get3A_604, %get3A_605] {strides = array<i32>} : memref<4x64x128xf32, #tpu.memory_space<vmem>>, vector<16xf32>,
        %max3A_607 = arith.constant 0.000000e+00 : f32
        %max3A_608 = vector.broadcast %max3A_607 : f32 to vector<16xf32>
        %max3A_609 = arith.maximumf %get3A_606, %max3A_608 : vector<16xf32>
        %swap3A_610 = arith.constant 3 : i32
        %swap3A_611 = arith.index_cast %swap3A_610 : i32 to index
        %swap3A_612 = arith.index_cast %scan3A_590 : i32 to index
        %swap3A_613 = arith.constant 16 : index
        %swap3A_614 = tpu.vector_load %arg10[%swap3A_611, %swap3A_612, %swap3A_613] {strides = array<i32>} : memref<4x64x128xf32, #tpu.memory_space<vmem>>, vector<16xf32>,
        tpu.vector_store %arg10[%swap3A_611, %swap3A_612, %swap3A_613], %max3A_609 {strides = array<i32>} : memref<4x64x128xf32, #tpu.memory_space<vmem>>, vector<16xf32>,
        %get3A_615 = arith.constant 3 : i32
        %get3A_616 = arith.index_cast %get3A_615 : i32 to index
        %get3A_617 = arith.index_cast %scan3A_590 : i32 to index
        %get3A_618 = arith.constant 32 : index
        %get3A_619 = tpu.vector_load %arg10[%get3A_616, %get3A_617, %get3A_618] {strides = array<i32>} : memref<4x64x128xf32, #tpu.memory_space<vmem>>, vector<16xf32>,
        %max3A_620 = arith.constant 0.000000e+00 : f32
        %max3A_621 = vector.broadcast %max3A_620 : f32 to vector<16xf32>
        %max3A_622 = arith.maximumf %get3A_619, %max3A_621 : vector<16xf32>
        %swap3A_623 = arith.constant 3 : i32
        %swap3A_624 = arith.index_cast %swap3A_623 : i32 to index
        %swap3A_625 = arith.index_cast %scan3A_590 : i32 to index
        %swap3A_626 = arith.constant 32 : index
        %swap3A_627 = tpu.vector_load %arg10[%swap3A_624, %swap3A_625, %swap3A_626] {strides = array<i32>} : memref<4x64x128xf32, #tpu.memory_space<vmem>>, vector<16xf32>,
        tpu.vector_store %arg10[%swap3A_624, %swap3A_625, %swap3A_626], %max3A_622 {strides = array<i32>} : memref<4x64x128xf32, #tpu.memory_space<vmem>>, vector<16xf32>,
        %get3A_628 = arith.constant 3 : i32
        %get3A_629 = arith.index_cast %get3A_628 : i32 to index
        %get3A_630 = arith.index_cast %scan3A_590 : i32 to index
        %get3A_631 = arith.constant 48 : index
        %get3A_632 = tpu.vector_load %arg10[%get3A_629, %get3A_630, %get3A_631] {strides = array<i32>} : memref<4x64x128xf32, #tpu.memory_space<vmem>>, vector<16xf32>,
        %max3A_633 = arith.constant 0.000000e+00 : f32
        %max3A_634 = vector.broadcast %max3A_633 : f32 to vector<16xf32>
        %max3A_635 = arith.maximumf %get3A_632, %max3A_634 : vector<16xf32>
        %swap3A_636 = arith.constant 3 : i32
        %swap3A_637 = arith.index_cast %swap3A_636 : i32 to index
        %swap3A_638 = arith.index_cast %scan3A_590 : i32 to index
        %swap3A_639 = arith.constant 48 : index
        %swap3A_640 = tpu.vector_load %arg10[%swap3A_637, %swap3A_638, %swap3A_639] {strides = array<i32>} : memref<4x64x128xf32, #tpu.memory_space<vmem>>, vector<16xf32>,
        tpu.vector_store %arg10[%swap3A_637, %swap3A_638, %swap3A_639], %max3A_635 {strides = array<i32>} : memref<4x64x128xf32, #tpu.memory_space<vmem>>, vector<16xf32>,
        %get3A_641 = arith.constant 3 : i32
        %get3A_642 = arith.index_cast %get3A_641 : i32 to index
        %get3A_643 = arith.index_cast %scan3A_590 : i32 to index
        %get3A_644 = arith.constant 64 : index
        %get3A_645 = tpu.vector_load %arg10[%get3A_642, %get3A_643, %get3A_644] {strides = array<i32>} : memref<4x64x128xf32, #tpu.memory_space<vmem>>, vector<16xf32>,
        %max3A_646 = arith.constant 0.000000e+00 : f32
        %max3A_647 = vector.broadcast %max3A_646 : f32 to vector<16xf32>
        %max3A_648 = arith.maximumf %get3A_645, %max3A_647 : vector<16xf32>
        %swap3A_649 = arith.constant 3 : i32
        %swap3A_650 = arith.index_cast %swap3A_649 : i32 to index
        %swap3A_651 = arith.index_cast %scan3A_590 : i32 to index
        %swap3A_652 = arith.constant 64 : index
        %swap3A_653 = tpu.vector_load %arg10[%swap3A_650, %swap3A_651, %swap3A_652] {strides = array<i32>} : memref<4x64x128xf32, #tpu.memory_space<vmem>>, vector<16xf32>,
        tpu.vector_store %arg10[%swap3A_650, %swap3A_651, %swap3A_652], %max3A_648 {strides = array<i32>} : memref<4x64x128xf32, #tpu.memory_space<vmem>>, vector<16xf32>,
        %get3A_654 = arith.constant 3 : i32
        %get3A_655 = arith.index_cast %get3A_654 : i32 to index
        %get3A_656 = arith.index_cast %scan3A_590 : i32 to index
        %get3A_657 = arith.constant 80 : index
        %get3A_658 = tpu.vector_load %arg10[%get3A_655, %get3A_656, %get3A_657] {strides = array<i32>} : memref<4x64x128xf32, #tpu.memory_space<vmem>>, vector<16xf32>,
        %max3A_659 = arith.constant 0.000000e+00 : f32
        %max3A_660 = vector.broadcast %max3A_659 : f32 to vector<16xf32>
        %max3A_661 = arith.maximumf %get3A_658, %max3A_660 : vector<16xf32>
        %swap3A_662 = arith.constant 3 : i32
        %swap3A_663 = arith.index_cast %swap3A_662 : i32 to index
        %swap3A_664 = arith.index_cast %scan3A_590 : i32 to index
        %swap3A_665 = arith.constant 80 : index
        %swap3A_666 = tpu.vector_load %arg10[%swap3A_663, %swap3A_664, %swap3A_665] {strides = array<i32>} : memref<4x64x128xf32, #tpu.memory_space<vmem>>, vector<16xf32>,
        tpu.vector_store %arg10[%swap3A_663, %swap3A_664, %swap3A_665], %max3A_661 {strides = array<i32>} : memref<4x64x128xf32, #tpu.memory_space<vmem>>, vector<16xf32>,
        %get3A_667 = arith.constant 3 : i32
        %get3A_668 = arith.index_cast %get3A_667 : i32 to index
        %get3A_669 = arith.index_cast %scan3A_590 : i32 to index
        %get3A_670 = arith.constant 96 : index
        %get3A_671 = tpu.vector_load %arg10[%get3A_668, %get3A_669, %get3A_670] {strides = array<i32>} : memref<4x64x128xf32, #tpu.memory_space<vmem>>, vector<16xf32>,
        %max3A_672 = arith.constant 0.000000e+00 : f32
        %max3A_673 = vector.broadcast %max3A_672 : f32 to vector<16xf32>
        %max3A_674 = arith.maximumf %get3A_671, %max3A_673 : vector<16xf32>
        %swap3A_675 = arith.constant 3 : i32
        %swap3A_676 = arith.index_cast %swap3A_675 : i32 to index
        %swap3A_677 = arith.index_cast %scan3A_590 : i32 to index
        %swap3A_678 = arith.constant 96 : index
        %swap3A_679 = tpu.vector_load %arg10[%swap3A_676, %swap3A_677, %swap3A_678] {strides = array<i32>} : memref<4x64x128xf32, #tpu.memory_space<vmem>>, vector<16xf32>,
        tpu.vector_store %arg10[%swap3A_676, %swap3A_677, %swap3A_678], %max3A_674 {strides = array<i32>} : memref<4x64x128xf32, #tpu.memory_space<vmem>>, vector<16xf32>,
        %get3A_680 = arith.constant 3 : i32
        %get3A_681 = arith.index_cast %get3A_680 : i32 to index
        %get3A_682 = arith.index_cast %scan3A_590 : i32 to index
        %get3A_683 = arith.constant 112 : index
        %get3A_684 = tpu.vector_load %arg10[%get3A_681, %get3A_682, %get3A_683] {strides = array<i32>} : memref<4x64x128xf32, #tpu.memory_space<vmem>>, vector<16xf32>,
        %max3A_685 = arith.constant 0.000000e+00 : f32
        %max3A_686 = vector.broadcast %max3A_685 : f32 to vector<16xf32>
        %max3A_687 = arith.maximumf %get3A_684, %max3A_686 : vector<16xf32>
        %swap3A_688 = arith.constant 3 : i32
        %swap3A_689 = arith.index_cast %swap3A_688 : i32 to index
        %swap3A_690 = arith.index_cast %scan3A_590 : i32 to index
        %swap3A_691 = arith.constant 112 : index
        %swap3A_692 = tpu.vector_load %arg10[%swap3A_689, %swap3A_690, %swap3A_691] {strides = array<i32>} : memref<4x64x128xf32, #tpu.memory_space<vmem>>, vector<16xf32>,
        tpu.vector_store %arg10[%swap3A_689, %swap3A_690, %swap3A_691], %max3A_687 {strides = array<i32>} : memref<4x64x128xf32, #tpu.memory_space<vmem>>, vector<16xf32>,
      }
      %scan3A_546 = arith.constant 64 : i32
      %dma_start3A_547 = arith.constant 3 : i32
      %dma_start3A_548 = arith.constant 3 : i32
      %dma_start3A_549 = arith.constant 0 : i32
      %dma_start3A_550 = arith.constant 0 : i32
      %dma_start3A_551 = tpu.memref_slice %arg10[%dma_start3A_547, %dma_start3A_549, %dma_start3A_550] : memref<4x64x128xf32, #tpu.memory_space<vmem>> -> memref<1x64x128xf32, #tpu.memory_space<vmem>>
      %dma_start3A_552 = tpu.memref_squeeze %dma_start3A_551 : memref<1x64x128xf32, #tpu.memory_space<vmem>> -> memref<64x128xf32, #tpu.memory_space<vmem>>
      %dma_start3A_553 = arith.constant 0 : i32
      %dma_start3A_554 = tpu.memref_slice %arg9[%dma_start3A_548, %dma_start3A_553] : memref<4x64xi32, #tpu.memory_space<vmem>> -> memref<1x64xi32, #tpu.memory_space<vmem>>
      %dma_start3A_555 = tpu.memref_squeeze %dma_start3A_554 : memref<1x64xi32, #tpu.memory_space<vmem>> -> memref<64xi32, #tpu.memory_space<vmem>>
      %dma_start3A_556 = arith.constant 0 : i32
      %dma_start3A_557 = arith.constant 0 : i32
      %dma_start3A_558 = tpu.memref_slice %arg12[%dma_start3A_556, %dma_start3A_557] : memref<10240x128xf32, #tpu.memory_space<vmem_shared>> -> memref<10240x128xf32, #tpu.memory_space<vmem_shared>>
      tpu.enqueue_indirect_dma source(%dma_start3A_552 : memref<64x128xf32, #tpu.memory_space<vmem>>) target(%dma_start3A_558 : memref<10240x128xf32, #tpu.memory_space<vmem_shared>>) offsets(%dma_start3A_555 : memref<64xi32, #tpu.memory_space<vmem>>) semaphore(%arg24 : memref<!tpu.dma_semaphore, #tpu.memory_space<semaphore_mem>>) {add = true}
      %broadcast_in_dim3A_559 = arith.constant 1.000000e+00 : f32
      %broadcast_in_dim3A_560 = vector.broadcast %broadcast_in_dim3A_559 : f32 to vector<16xf32>
      %get3A_561 = arith.constant 3 : i32
      %get3A_562 = arith.index_cast %get3A_561 : i32 to index
      %get3A_563 = arith.constant 0 : index
      %get3A_564 = tpu.vector_load %arg9[%get3A_562, %get3A_563] {strides = array<i32>} : memref<4x64xi32, #tpu.memory_space<vmem>>, vector<16xi32>,
      tpu.vector_store_idx %arg11[%get3A_564], %broadcast_in_dim3A_560 {add = true} : memref<10240xf32, #tpu.memory_space<vmem>>[vector<16xi32>], vector<16xf32>,
      %get3A_565 = arith.constant 3 : i32
      %get3A_566 = arith.index_cast %get3A_565 : i32 to index
      %get3A_567 = arith.constant 16 : index
      %get3A_568 = tpu.vector_load %arg9[%get3A_566, %get3A_567] {strides = array<i32>} : memref<4x64xi32, #tpu.memory_space<vmem>>, vector<16xi32>,
      tpu.vector_store_idx %arg11[%get3A_568], %broadcast_in_dim3A_560 {add = true} : memref<10240xf32, #tpu.memory_space<vmem>>[vector<16xi32>], vector<16xf32>,
      %get3A_569 = arith.constant 3 : i32
      %get3A_570 = arith.index_cast %get3A_569 : i32 to index
      %get3A_571 = arith.constant 32 : index
      %get3A_572 = tpu.vector_load %arg9[%get3A_570, %get3A_571] {strides = array<i32>} : memref<4x64xi32, #tpu.memory_space<vmem>>, vector<16xi32>,
      tpu.vector_store_idx %arg11[%get3A_572], %broadcast_in_dim3A_560 {add = true} : memref<10240xf32, #tpu.memory_space<vmem>>[vector<16xi32>], vector<16xf32>,
      %get3A_573 = arith.constant 3 : i32
      %get3A_574 = arith.index_cast %get3A_573 : i32 to index
      %get3A_575 = arith.constant 48 : index
      %get3A_576 = tpu.vector_load %arg9[%get3A_574, %get3A_575] {strides = array<i32>} : memref<4x64xi32, #tpu.memory_space<vmem>>, vector<16xi32>,
      tpu.vector_store_idx %arg11[%get3A_576], %broadcast_in_dim3A_560 {add = true} : memref<10240xf32, #tpu.memory_space<vmem>>[vector<16xi32>], vector<16xf32>,
      %ge3A_577 = arith.constant 1 : i32
      %ge3A_578 = arith.cmpi sge, %add3A_520, %ge3A_577 : i32
      %convert_element_type3A_579 = arith.extui %ge3A_578 : i1 to i32
      %cond3A_580 = arith.constant 0 : i32
      %cond3A_581 = arith.cmpi ne, %convert_element_type3A_579, %cond3A_580 : i32
      scf.if %cond3A_581 {
        %dma_wait3A_590 = arith.constant 2 : i32
        %dma_wait3A_591 = arith.constant 2 : i32
        %dma_wait3A_592 = arith.constant 0 : i32
        %dma_wait3A_593 = arith.constant 0 : i32
        %dma_wait3A_594 = tpu.memref_slice %arg10[%dma_wait3A_590, %dma_wait3A_592, %dma_wait3A_593] : memref<4x64x128xf32, #tpu.memory_space<vmem>> -> memref<1x64x128xf32, #tpu.memory_space<vmem>>
        %dma_wait3A_595 = tpu.memref_squeeze %dma_wait3A_594 : memref<1x64x128xf32, #tpu.memory_space<vmem>> -> memref<64x128xf32, #tpu.memory_space<vmem>>
        %dma_wait3A_596 = arith.constant 0 : i32
        %dma_wait3A_597 = tpu.memref_slice %arg9[%dma_wait3A_591, %dma_wait3A_596] : memref<4x64xi32, #tpu.memory_space<vmem>> -> memref<1x64xi32, #tpu.memory_space<vmem>>
        %dma_wait3A_598 = tpu.memref_squeeze %dma_wait3A_597 : memref<1x64xi32, #tpu.memory_space<vmem>> -> memref<64xi32, #tpu.memory_space<vmem>>
        %dma_wait3A_599 = arith.constant 0 : i32
        %dma_wait3A_600 = arith.constant 0 : i32
        %dma_wait3A_601 = tpu.memref_slice %arg12[%dma_wait3A_599, %dma_wait3A_600] : memref<10240x128xf32, #tpu.memory_space<vmem_shared>> -> memref<10240x128xf32, #tpu.memory_space<vmem_shared>>
        tpu.wait_indirect_dma semaphore(%arg23 : memref<!tpu.dma_semaphore, #tpu.memory_space<semaphore_mem>>) src(%dma_wait3A_595 : memref<64x128xf32, #tpu.memory_space<vmem>>) dst(%dma_wait3A_601 : memref<10240x128xf32, #tpu.memory_space<vmem_shared>>)
      } else {
      }
      %add3A_582 = arith.constant 3 : i32
      %add3A_583 = arith.addi %add3A_520, %add3A_582 : i32
      %sub3A_584 = arith.constant 1 : i32
      %sub3A_585 = arith.subi %select_n3A, %sub3A_584 : i32
      %le3A_586 = arith.cmpi sle, %add3A_583, %sub3A_585 : i32
      %convert_element_type3A_587 = arith.extui %le3A_586 : i1 to i32
      %cond3A_588 = arith.constant 0 : i32
      %cond3A_589 = arith.cmpi ne, %convert_element_type3A_587, %cond3A_588 : i32
      scf.if %cond3A_589 {
        %add3A_590 = arith.constant 3 : i32
        %add3A_591 = arith.addi %add3A_520, %add3A_590 : i32
        %mul3A_592 = arith.constant 64 : i32
        %mul3A_593 = arith.muli %add3A_591, %mul3A_592 : i32
        %add3A_594 = arith.addi %select_n3A_72, %mul3A_593 : i32
        %dma_start3A_595 = arith.constant 2 : i32
        %dma_start3A_596 = arith.constant 0 : i32
        %dma_start3A_597 = tpu.memref_slice %arg8[%dma_start3A_595, %dma_start3A_596] : memref<4x64xi32, #tpu.memory_space<vmem>> -> memref<1x64xi32, #tpu.memory_space<vmem>>
        %dma_start3A_598 = tpu.memref_squeeze %dma_start3A_597 : memref<1x64xi32, #tpu.memory_space<vmem>> -> memref<64xi32, #tpu.memory_space<vmem>>
        %dma_start3A_599 = tpu.memref_slice %arg4[%add3A_594] : memref<323584xi32, #tpu.memory_space<hbm>> -> memref<64xi32, #tpu.memory_space<hbm>>
        %dma_start3A_600 = arith.constant 0 : i32
        %dma_start3A_601 = tpu.memref_slice %arg8[%dma_start3A_595, %dma_start3A_600] : memref<4x64xi32, #tpu.memory_space<vmem>> -> memref<1x64xi32, #tpu.memory_space<vmem>>
        %dma_start3A_602 = tpu.memref_squeeze %dma_start3A_601 : memref<1x64xi32, #tpu.memory_space<vmem>> -> memref<64xi32, #tpu.memory_space<vmem>>
        %dma_start3A_603 = tpu.memref_slice %arg4[%add3A_594] : memref<323584xi32, #tpu.memory_space<hbm>> -> memref<64xi32, #tpu.memory_space<hbm>>
        tpu.enqueue_dma source(%dma_start3A_603 : memref<64xi32, #tpu.memory_space<hbm>>) target(%dma_start3A_602 : memref<64xi32, #tpu.memory_space<vmem>>) target_semaphore(%arg15 : memref<!tpu.dma_semaphore, #tpu.memory_space<semaphore_mem>>)
        %dma_start3A_604 = arith.constant 2 : i32
        %dma_start3A_605 = arith.constant 0 : i32
        %dma_start3A_606 = tpu.memref_slice %arg9[%dma_start3A_604, %dma_start3A_605] : memref<4x64xi32, #tpu.memory_space<vmem>> -> memref<1x64xi32, #tpu.memory_space<vmem>>
        %dma_start3A_607 = tpu.memref_squeeze %dma_start3A_606 : memref<1x64xi32, #tpu.memory_space<vmem>> -> memref<64xi32, #tpu.memory_space<vmem>>
        %dma_start3A_608 = tpu.memref_slice %arg5[%add3A_594] : memref<323584xi32, #tpu.memory_space<hbm>> -> memref<64xi32, #tpu.memory_space<hbm>>
        %dma_start3A_609 = arith.constant 0 : i32
        %dma_start3A_610 = tpu.memref_slice %arg9[%dma_start3A_604, %dma_start3A_609] : memref<4x64xi32, #tpu.memory_space<vmem>> -> memref<1x64xi32, #tpu.memory_space<vmem>>
        %dma_start3A_611 = tpu.memref_squeeze %dma_start3A_610 : memref<1x64xi32, #tpu.memory_space<vmem>> -> memref<64xi32, #tpu.memory_space<vmem>>
        %dma_start3A_612 = tpu.memref_slice %arg5[%add3A_594] : memref<323584xi32, #tpu.memory_space<hbm>> -> memref<64xi32, #tpu.memory_space<hbm>>
        tpu.enqueue_dma source(%dma_start3A_612 : memref<64xi32, #tpu.memory_space<hbm>>) target(%dma_start3A_611 : memref<64xi32, #tpu.memory_space<vmem>>) target_semaphore(%arg15 : memref<!tpu.dma_semaphore, #tpu.memory_space<semaphore_mem>>)
        %dma_start3A_613 = arith.constant 2 : i32
        %dma_start3A_614 = arith.constant 0 : i32
        %dma_start3A_615 = arith.constant 0 : i32
        %dma_start3A_616 = tpu.memref_slice %arg10[%dma_start3A_613, %dma_start3A_614, %dma_start3A_615] : memref<4x64x128xf32, #tpu.memory_space<vmem>> -> memref<1x64x128xf32, #tpu.memory_space<vmem>>
        %dma_start3A_617 = tpu.memref_squeeze %dma_start3A_616 : memref<1x64x128xf32, #tpu.memory_space<vmem>> -> memref<64x128xf32, #tpu.memory_space<vmem>>
        %dma_start3A_618 = arith.constant 0 : i32
        %dma_start3A_619 = tpu.memref_slice %arg3[%add3A_594, %dma_start3A_618] : memref<326400x128xf32, #tpu.memory_space<hbm>> -> memref<64x128xf32, #tpu.memory_space<hbm>>
        %dma_start3A_620 = arith.constant 0 : i32
        %dma_start3A_621 = arith.constant 0 : i32
        %dma_start3A_622 = tpu.memref_slice %arg10[%dma_start3A_613, %dma_start3A_620, %dma_start3A_621] : memref<4x64x128xf32, #tpu.memory_space<vmem>> -> memref<1x64x128xf32, #tpu.memory_space<vmem>>
        %dma_start3A_623 = tpu.memref_squeeze %dma_start3A_622 : memref<1x64x128xf32, #tpu.memory_space<vmem>> -> memref<64x128xf32, #tpu.memory_space<vmem>>
        %dma_start3A_624 = arith.constant 0 : i32
        %dma_start3A_625 = tpu.memref_slice %arg3[%add3A_594, %dma_start3A_624] : memref<326400x128xf32, #tpu.memory_space<hbm>> -> memref<64x128xf32, #tpu.memory_space<hbm>>
        tpu.enqueue_dma source(%dma_start3A_625 : memref<64x128xf32, #tpu.memory_space<hbm>>) target(%dma_start3A_623 : memref<64x128xf32, #tpu.memory_space<vmem>>) target_semaphore(%arg15 : memref<!tpu.dma_semaphore, #tpu.memory_space<semaphore_mem>>)
      } else {
      }
    }
    %while3A_286 = arith.constant 1 : i32
    scf.for %while3A_302 = %while3A_284 to %while3A_280 step %while3A_286  : i32 {
      %mul3A_303 = arith.constant 4 : i32
      %mul3A_304 = arith.muli %mul3A_303, %while3A_302 : i32
      %add3A_305 = arith.constant 0 : i32
      %add3A_306 = arith.addi %mul3A_304, %add3A_305 : i32
      %add3A_307 = arith.constant 2 : i32
      %add3A_308 = arith.addi %add3A_306, %add3A_307 : i32
      %sub3A_309 = arith.constant 1 : i32
      %sub3A_310 = arith.subi %select_n3A, %sub3A_309 : i32
      %le3A = arith.cmpi sle, %add3A_308, %sub3A_310 : i32
      %convert_element_type3A = arith.extui %le3A : i1 to i32
      %cond3A = arith.constant 0 : i32
      %cond3A_311 = arith.cmpi ne, %convert_element_type3A, %cond3A : i32
      scf.if %cond3A_311 {
        %add3A_590 = arith.constant 2 : i32
        %add3A_591 = arith.addi %add3A_306, %add3A_590 : i32
        %mul3A_592 = arith.constant 64 : i32
        %mul3A_593 = arith.muli %add3A_591, %mul3A_592 : i32
        %add3A_594 = arith.addi %select_n3A_72, %mul3A_593 : i32
        %dma_wait3A_595 = arith.constant 2 : i32
        %dma_wait3A_596 = arith.constant 0 : i32
        %dma_wait3A_597 = tpu.memref_slice %arg8[%dma_wait3A_595, %dma_wait3A_596] : memref<4x64xi32, #tpu.memory_space<vmem>> -> memref<1x64xi32, #tpu.memory_space<vmem>>
        %dma_wait3A_598 = tpu.memref_squeeze %dma_wait3A_597 : memref<1x64xi32, #tpu.memory_space<vmem>> -> memref<64xi32, #tpu.memory_space<vmem>>
        %dma_wait3A_599 = tpu.memref_slice %arg4[%add3A_594] : memref<323584xi32, #tpu.memory_space<hbm>> -> memref<64xi32, #tpu.memory_space<hbm>>
        %dma_wait3A_600 = arith.constant 0 : i32
        %dma_wait3A_601 = tpu.memref_slice %arg8[%dma_wait3A_595, %dma_wait3A_600] : memref<4x64xi32, #tpu.memory_space<vmem>> -> memref<1x64xi32, #tpu.memory_space<vmem>>
        %dma_wait3A_602 = tpu.memref_squeeze %dma_wait3A_601 : memref<1x64xi32, #tpu.memory_space<vmem>> -> memref<64xi32, #tpu.memory_space<vmem>>
        %dma_wait3A_603 = tpu.memref_slice %arg4[%add3A_594] : memref<323584xi32, #tpu.memory_space<hbm>> -> memref<64xi32, #tpu.memory_space<hbm>>
        tpu.wait_dma2 semaphore(%arg15 : memref<!tpu.dma_semaphore, #tpu.memory_space<semaphore_mem>>) src(%dma_wait3A_603 : memref<64xi32, #tpu.memory_space<hbm>>) dst(%dma_wait3A_602 : memref<64xi32, #tpu.memory_space<vmem>>)
        %dma_wait3A_604 = arith.constant 2 : i32
        %dma_wait3A_605 = arith.constant 0 : i32
        %dma_wait3A_606 = tpu.memref_slice %arg9[%dma_wait3A_604, %dma_wait3A_605] : memref<4x64xi32, #tpu.memory_space<vmem>> -> memref<1x64xi32, #tpu.memory_space<vmem>>
        %dma_wait3A_607 = tpu.memref_squeeze %dma_wait3A_606 : memref<1x64xi32, #tpu.memory_space<vmem>> -> memref<64xi32, #tpu.memory_space<vmem>>
        %dma_wait3A_608 = tpu.memref_slice %arg5[%add3A_594] : memref<323584xi32, #tpu.memory_space<hbm>> -> memref<64xi32, #tpu.memory_space<hbm>>
        %dma_wait3A_609 = arith.constant 0 : i32
        %dma_wait3A_610 = tpu.memref_slice %arg9[%dma_wait3A_604, %dma_wait3A_609] : memref<4x64xi32, #tpu.memory_space<vmem>> -> memref<1x64xi32, #tpu.memory_space<vmem>>
        %dma_wait3A_611 = tpu.memref_squeeze %dma_wait3A_610 : memref<1x64xi32, #tpu.memory_space<vmem>> -> memref<64xi32, #tpu.memory_space<vmem>>
        %dma_wait3A_612 = tpu.memref_slice %arg5[%add3A_594] : memref<323584xi32, #tpu.memory_space<hbm>> -> memref<64xi32, #tpu.memory_space<hbm>>
        tpu.wait_dma2 semaphore(%arg15 : memref<!tpu.dma_semaphore, #tpu.memory_space<semaphore_mem>>) src(%dma_wait3A_612 : memref<64xi32, #tpu.memory_space<hbm>>) dst(%dma_wait3A_611 : memref<64xi32, #tpu.memory_space<vmem>>)
        %dma_wait3A_613 = arith.constant 2 : i32
        %dma_wait3A_614 = arith.constant 0 : i32
        %dma_wait3A_615 = arith.constant 0 : i32
        %dma_wait3A_616 = tpu.memref_slice %arg10[%dma_wait3A_613, %dma_wait3A_614, %dma_wait3A_615] : memref<4x64x128xf32, #tpu.memory_space<vmem>> -> memref<1x64x128xf32, #tpu.memory_space<vmem>>
        %dma_wait3A_617 = tpu.memref_squeeze %dma_wait3A_616 : memref<1x64x128xf32, #tpu.memory_space<vmem>> -> memref<64x128xf32, #tpu.memory_space<vmem>>
        %dma_wait3A_618 = arith.constant 0 : i32
        %dma_wait3A_619 = tpu.memref_slice %arg3[%add3A_594, %dma_wait3A_618] : memref<326400x128xf32, #tpu.memory_space<hbm>> -> memref<64x128xf32, #tpu.memory_space<hbm>>
        %dma_wait3A_620 = arith.constant 0 : i32
        %dma_wait3A_621 = arith.constant 0 : i32
        %dma_wait3A_622 = tpu.memref_slice %arg10[%dma_wait3A_613, %dma_wait3A_620, %dma_wait3A_621] : memref<4x64x128xf32, #tpu.memory_space<vmem>> -> memref<1x64x128xf32, #tpu.memory_space<vmem>>
        %dma_wait3A_623 = tpu.memref_squeeze %dma_wait3A_622 : memref<1x64x128xf32, #tpu.memory_space<vmem>> -> memref<64x128xf32, #tpu.memory_space<vmem>>
        %dma_wait3A_624 = arith.constant 0 : i32
        %dma_wait3A_625 = tpu.memref_slice %arg3[%add3A_594, %dma_wait3A_624] : memref<326400x128xf32, #tpu.memory_space<hbm>> -> memref<64x128xf32, #tpu.memory_space<hbm>>
        tpu.wait_dma2 semaphore(%arg15 : memref<!tpu.dma_semaphore, #tpu.memory_space<semaphore_mem>>) src(%dma_wait3A_625 : memref<64x128xf32, #tpu.memory_space<hbm>>) dst(%dma_wait3A_623 : memref<64x128xf32, #tpu.memory_space<vmem>>)
        %dma_start3A_626 = arith.constant 2 : i32
        %dma_start3A_627 = arith.constant 2 : i32
        %dma_start3A_628 = arith.constant 0 : i32
        %dma_start3A_629 = arith.constant 0 : i32
        %dma_start3A_630 = tpu.memref_slice %arg10[%dma_start3A_627, %dma_start3A_628, %dma_start3A_629] : memref<4x64x128xf32, #tpu.memory_space<vmem>> -> memref<1x64x128xf32, #tpu.memory_space<vmem>>
        %dma_start3A_631 = tpu.memref_squeeze %dma_start3A_630 : memref<1x64x128xf32, #tpu.memory_space<vmem>> -> memref<64x128xf32, #tpu.memory_space<vmem>>
        %dma_start3A_632 = arith.constant 0 : i32
        %dma_start3A_633 = tpu.memref_slice %arg8[%dma_start3A_626, %dma_start3A_632] : memref<4x64xi32, #tpu.memory_space<vmem>> -> memref<1x64xi32, #tpu.memory_space<vmem>>
        %dma_start3A_634 = tpu.memref_squeeze %dma_start3A_633 : memref<1x64xi32, #tpu.memory_space<vmem>> -> memref<64xi32, #tpu.memory_space<vmem>>
        %dma_start3A_635 = arith.constant 0 : i32
        %dma_start3A_636 = arith.constant 0 : i32
        %dma_start3A_637 = tpu.memref_slice %arg2[%dma_start3A_635, %dma_start3A_636] : memref<10000x128xf32, #tpu.memory_space<hbm>> -> memref<10000x128xf32, #tpu.memory_space<hbm>>
        tpu.enqueue_indirect_dma source(%dma_start3A_637 : memref<10000x128xf32, #tpu.memory_space<hbm>>) target(%dma_start3A_631 : memref<64x128xf32, #tpu.memory_space<vmem>>) offsets(%dma_start3A_634 : memref<64xi32, #tpu.memory_space<vmem>>) semaphore(%arg19 : memref<!tpu.dma_semaphore, #tpu.memory_space<semaphore_mem>>) {add = true}
      } else {
      }
      %dma_wait3A_312 = arith.constant 0 : i32
      %dma_wait3A_313 = arith.constant 0 : i32
      %dma_wait3A_314 = arith.constant 0 : i32
      %dma_wait3A_315 = arith.constant 0 : i32
      %dma_wait3A_316 = tpu.memref_slice %arg10[%dma_wait3A_313, %dma_wait3A_314, %dma_wait3A_315] : memref<4x64x128xf32, #tpu.memory_space<vmem>> -> memref<1x64x128xf32, #tpu.memory_space<vmem>>
      %dma_wait3A_317 = tpu.memref_squeeze %dma_wait3A_316 : memref<1x64x128xf32, #tpu.memory_space<vmem>> -> memref<64x128xf32, #tpu.memory_space<vmem>>
      %dma_wait3A_318 = arith.constant 0 : i32
      %dma_wait3A_319 = tpu.memref_slice %arg8[%dma_wait3A_312, %dma_wait3A_318] : memref<4x64xi32, #tpu.memory_space<vmem>> -> memref<1x64xi32, #tpu.memory_space<vmem>>
      %dma_wait3A_320 = tpu.memref_squeeze %dma_wait3A_319 : memref<1x64xi32, #tpu.memory_space<vmem>> -> memref<64xi32, #tpu.memory_space<vmem>>
      %dma_wait3A_321 = arith.constant 0 : i32
      %dma_wait3A_322 = arith.constant 0 : i32
      %dma_wait3A_323 = tpu.memref_slice %arg2[%dma_wait3A_321, %dma_wait3A_322] : memref<10000x128xf32, #tpu.memory_space<hbm>> -> memref<10000x128xf32, #tpu.memory_space<hbm>>
      tpu.wait_indirect_dma semaphore(%arg17 : memref<!tpu.dma_semaphore, #tpu.memory_space<semaphore_mem>>) src(%dma_wait3A_323 : memref<10000x128xf32, #tpu.memory_space<hbm>>) dst(%dma_wait3A_317 : memref<64x128xf32, #tpu.memory_space<vmem>>)
      %scan3A_324 = arith.constant 0 : i32
      %scan3A_325 = arith.constant 0 : i32
      %scan3A_326 = arith.constant 64 : i32
      %scan3A_327 = arith.addi %scan3A_325, %scan3A_326 : i32
      %scan3A_328 = arith.constant 1 : i32
      scf.for %scan3A_590 = %scan3A_325 to %scan3A_327 step %scan3A_328  : i32 {
        %get3A_591 = arith.constant 0 : i32
        %get3A_592 = arith.index_cast %get3A_591 : i32 to index
        %get3A_593 = arith.index_cast %scan3A_590 : i32 to index
        %get3A_594 = arith.constant 0 : index
        %get3A_595 = tpu.vector_load %arg10[%get3A_592, %get3A_593, %get3A_594] {strides = array<i32>} : memref<4x64x128xf32, #tpu.memory_space<vmem>>, vector<16xf32>,
        %max3A = arith.constant 0.000000e+00 : f32
        %max3A_596 = vector.broadcast %max3A : f32 to vector<16xf32>
        %max3A_597 = arith.maximumf %get3A_595, %max3A_596 : vector<16xf32>
        %swap3A = arith.constant 0 : i32
        %swap3A_598 = arith.index_cast %swap3A : i32 to index
        %swap3A_599 = arith.index_cast %scan3A_590 : i32 to index
        %swap3A_600 = arith.constant 0 : index
        %swap3A_601 = tpu.vector_load %arg10[%swap3A_598, %swap3A_599, %swap3A_600] {strides = array<i32>} : memref<4x64x128xf32, #tpu.memory_space<vmem>>, vector<16xf32>,
        tpu.vector_store %arg10[%swap3A_598, %swap3A_599, %swap3A_600], %max3A_597 {strides = array<i32>} : memref<4x64x128xf32, #tpu.memory_space<vmem>>, vector<16xf32>,
        %get3A_602 = arith.constant 0 : i32
        %get3A_603 = arith.index_cast %get3A_602 : i32 to index
        %get3A_604 = arith.index_cast %scan3A_590 : i32 to index
        %get3A_605 = arith.constant 16 : index
        %get3A_606 = tpu.vector_load %arg10[%get3A_603, %get3A_604, %get3A_605] {strides = array<i32>} : memref<4x64x128xf32, #tpu.memory_space<vmem>>, vector<16xf32>,
        %max3A_607 = arith.constant 0.000000e+00 : f32
        %max3A_608 = vector.broadcast %max3A_607 : f32 to vector<16xf32>
        %max3A_609 = arith.maximumf %get3A_606, %max3A_608 : vector<16xf32>
        %swap3A_610 = arith.constant 0 : i32
        %swap3A_611 = arith.index_cast %swap3A_610 : i32 to index
        %swap3A_612 = arith.index_cast %scan3A_590 : i32 to index
        %swap3A_613 = arith.constant 16 : index
        %swap3A_614 = tpu.vector_load %arg10[%swap3A_611, %swap3A_612, %swap3A_613] {strides = array<i32>} : memref<4x64x128xf32, #tpu.memory_space<vmem>>, vector<16xf32>,
        tpu.vector_store %arg10[%swap3A_611, %swap3A_612, %swap3A_613], %max3A_609 {strides = array<i32>} : memref<4x64x128xf32, #tpu.memory_space<vmem>>, vector<16xf32>,
        %get3A_615 = arith.constant 0 : i32
        %get3A_616 = arith.index_cast %get3A_615 : i32 to index
        %get3A_617 = arith.index_cast %scan3A_590 : i32 to index
        %get3A_618 = arith.constant 32 : index
        %get3A_619 = tpu.vector_load %arg10[%get3A_616, %get3A_617, %get3A_618] {strides = array<i32>} : memref<4x64x128xf32, #tpu.memory_space<vmem>>, vector<16xf32>,
        %max3A_620 = arith.constant 0.000000e+00 : f32
        %max3A_621 = vector.broadcast %max3A_620 : f32 to vector<16xf32>
        %max3A_622 = arith.maximumf %get3A_619, %max3A_621 : vector<16xf32>
        %swap3A_623 = arith.constant 0 : i32
        %swap3A_624 = arith.index_cast %swap3A_623 : i32 to index
        %swap3A_625 = arith.index_cast %scan3A_590 : i32 to index
        %swap3A_626 = arith.constant 32 : index
        %swap3A_627 = tpu.vector_load %arg10[%swap3A_624, %swap3A_625, %swap3A_626] {strides = array<i32>} : memref<4x64x128xf32, #tpu.memory_space<vmem>>, vector<16xf32>,
        tpu.vector_store %arg10[%swap3A_624, %swap3A_625, %swap3A_626], %max3A_622 {strides = array<i32>} : memref<4x64x128xf32, #tpu.memory_space<vmem>>, vector<16xf32>,
        %get3A_628 = arith.constant 0 : i32
        %get3A_629 = arith.index_cast %get3A_628 : i32 to index
        %get3A_630 = arith.index_cast %scan3A_590 : i32 to index
        %get3A_631 = arith.constant 48 : index
        %get3A_632 = tpu.vector_load %arg10[%get3A_629, %get3A_630, %get3A_631] {strides = array<i32>} : memref<4x64x128xf32, #tpu.memory_space<vmem>>, vector<16xf32>,
        %max3A_633 = arith.constant 0.000000e+00 : f32
        %max3A_634 = vector.broadcast %max3A_633 : f32 to vector<16xf32>
        %max3A_635 = arith.maximumf %get3A_632, %max3A_634 : vector<16xf32>
        %swap3A_636 = arith.constant 0 : i32
        %swap3A_637 = arith.index_cast %swap3A_636 : i32 to index
        %swap3A_638 = arith.index_cast %scan3A_590 : i32 to index
        %swap3A_639 = arith.constant 48 : index
        %swap3A_640 = tpu.vector_load %arg10[%swap3A_637, %swap3A_638, %swap3A_639] {strides = array<i32>} : memref<4x64x128xf32, #tpu.memory_space<vmem>>, vector<16xf32>,
        tpu.vector_store %arg10[%swap3A_637, %swap3A_638, %swap3A_639], %max3A_635 {strides = array<i32>} : memref<4x64x128xf32, #tpu.memory_space<vmem>>, vector<16xf32>,
        %get3A_641 = arith.constant 0 : i32
        %get3A_642 = arith.index_cast %get3A_641 : i32 to index
        %get3A_643 = arith.index_cast %scan3A_590 : i32 to index
        %get3A_644 = arith.constant 64 : index
        %get3A_645 = tpu.vector_load %arg10[%get3A_642, %get3A_643, %get3A_644] {strides = array<i32>} : memref<4x64x128xf32, #tpu.memory_space<vmem>>, vector<16xf32>,
        %max3A_646 = arith.constant 0.000000e+00 : f32
        %max3A_647 = vector.broadcast %max3A_646 : f32 to vector<16xf32>
        %max3A_648 = arith.maximumf %get3A_645, %max3A_647 : vector<16xf32>
        %swap3A_649 = arith.constant 0 : i32
        %swap3A_650 = arith.index_cast %swap3A_649 : i32 to index
        %swap3A_651 = arith.index_cast %scan3A_590 : i32 to index
        %swap3A_652 = arith.constant 64 : index
        %swap3A_653 = tpu.vector_load %arg10[%swap3A_650, %swap3A_651, %swap3A_652] {strides = array<i32>} : memref<4x64x128xf32, #tpu.memory_space<vmem>>, vector<16xf32>,
        tpu.vector_store %arg10[%swap3A_650, %swap3A_651, %swap3A_652], %max3A_648 {strides = array<i32>} : memref<4x64x128xf32, #tpu.memory_space<vmem>>, vector<16xf32>,
        %get3A_654 = arith.constant 0 : i32
        %get3A_655 = arith.index_cast %get3A_654 : i32 to index
        %get3A_656 = arith.index_cast %scan3A_590 : i32 to index
        %get3A_657 = arith.constant 80 : index
        %get3A_658 = tpu.vector_load %arg10[%get3A_655, %get3A_656, %get3A_657] {strides = array<i32>} : memref<4x64x128xf32, #tpu.memory_space<vmem>>, vector<16xf32>,
        %max3A_659 = arith.constant 0.000000e+00 : f32
        %max3A_660 = vector.broadcast %max3A_659 : f32 to vector<16xf32>
        %max3A_661 = arith.maximumf %get3A_658, %max3A_660 : vector<16xf32>
        %swap3A_662 = arith.constant 0 : i32
        %swap3A_663 = arith.index_cast %swap3A_662 : i32 to index
        %swap3A_664 = arith.index_cast %scan3A_590 : i32 to index
        %swap3A_665 = arith.constant 80 : index
        %swap3A_666 = tpu.vector_load %arg10[%swap3A_663, %swap3A_664, %swap3A_665] {strides = array<i32>} : memref<4x64x128xf32, #tpu.memory_space<vmem>>, vector<16xf32>,
        tpu.vector_store %arg10[%swap3A_663, %swap3A_664, %swap3A_665], %max3A_661 {strides = array<i32>} : memref<4x64x128xf32, #tpu.memory_space<vmem>>, vector<16xf32>,
        %get3A_667 = arith.constant 0 : i32
        %get3A_668 = arith.index_cast %get3A_667 : i32 to index
        %get3A_669 = arith.index_cast %scan3A_590 : i32 to index
        %get3A_670 = arith.constant 96 : index
        %get3A_671 = tpu.vector_load %arg10[%get3A_668, %get3A_669, %get3A_670] {strides = array<i32>} : memref<4x64x128xf32, #tpu.memory_space<vmem>>, vector<16xf32>,
        %max3A_672 = arith.constant 0.000000e+00 : f32
        %max3A_673 = vector.broadcast %max3A_672 : f32 to vector<16xf32>
        %max3A_674 = arith.maximumf %get3A_671, %max3A_673 : vector<16xf32>
        %swap3A_675 = arith.constant 0 : i32
        %swap3A_676 = arith.index_cast %swap3A_675 : i32 to index
        %swap3A_677 = arith.index_cast %scan3A_590 : i32 to index
        %swap3A_678 = arith.constant 96 : index
        %swap3A_679 = tpu.vector_load %arg10[%swap3A_676, %swap3A_677, %swap3A_678] {strides = array<i32>} : memref<4x64x128xf32, #tpu.memory_space<vmem>>, vector<16xf32>,
        tpu.vector_store %arg10[%swap3A_676, %swap3A_677, %swap3A_678], %max3A_674 {strides = array<i32>} : memref<4x64x128xf32, #tpu.memory_space<vmem>>, vector<16xf32>,
        %get3A_680 = arith.constant 0 : i32
        %get3A_681 = arith.index_cast %get3A_680 : i32 to index
        %get3A_682 = arith.index_cast %scan3A_590 : i32 to index
        %get3A_683 = arith.constant 112 : index
        %get3A_684 = tpu.vector_load %arg10[%get3A_681, %get3A_682, %get3A_683] {strides = array<i32>} : memref<4x64x128xf32, #tpu.memory_space<vmem>>, vector<16xf32>,
        %max3A_685 = arith.constant 0.000000e+00 : f32
        %max3A_686 = vector.broadcast %max3A_685 : f32 to vector<16xf32>
        %max3A_687 = arith.maximumf %get3A_684, %max3A_686 : vector<16xf32>
        %swap3A_688 = arith.constant 0 : i32
        %swap3A_689 = arith.index_cast %swap3A_688 : i32 to index
        %swap3A_690 = arith.index_cast %scan3A_590 : i32 to index
        %swap3A_691 = arith.constant 112 : index
        %swap3A_692 = tpu.vector_load %arg10[%swap3A_689, %swap3A_690, %swap3A_691] {strides = array<i32>} : memref<4x64x128xf32, #tpu.memory_space<vmem>>, vector<16xf32>,
        tpu.vector_store %arg10[%swap3A_689, %swap3A_690, %swap3A_691], %max3A_687 {strides = array<i32>} : memref<4x64x128xf32, #tpu.memory_space<vmem>>, vector<16xf32>,
      }
      %scan3A_329 = arith.constant 64 : i32
      %dma_start3A_330 = arith.constant 0 : i32
      %dma_start3A_331 = arith.constant 0 : i32
      %dma_start3A_332 = arith.constant 0 : i32
      %dma_start3A_333 = arith.constant 0 : i32
      %dma_start3A_334 = tpu.memref_slice %arg10[%dma_start3A_330, %dma_start3A_332, %dma_start3A_333] : memref<4x64x128xf32, #tpu.memory_space<vmem>> -> memref<1x64x128xf32, #tpu.memory_space<vmem>>
      %dma_start3A_335 = tpu.memref_squeeze %dma_start3A_334 : memref<1x64x128xf32, #tpu.memory_space<vmem>> -> memref<64x128xf32, #tpu.memory_space<vmem>>
      %dma_start3A_336 = arith.constant 0 : i32
      %dma_start3A_337 = tpu.memref_slice %arg9[%dma_start3A_331, %dma_start3A_336] : memref<4x64xi32, #tpu.memory_space<vmem>> -> memref<1x64xi32, #tpu.memory_space<vmem>>
      %dma_start3A_338 = tpu.memref_squeeze %dma_start3A_337 : memref<1x64xi32, #tpu.memory_space<vmem>> -> memref<64xi32, #tpu.memory_space<vmem>>
      %dma_start3A_339 = arith.constant 0 : i32
      %dma_start3A_340 = arith.constant 0 : i32
      %dma_start3A_341 = tpu.memref_slice %arg12[%dma_start3A_339, %dma_start3A_340] : memref<10240x128xf32, #tpu.memory_space<vmem_shared>> -> memref<10240x128xf32, #tpu.memory_space<vmem_shared>>
      tpu.enqueue_indirect_dma source(%dma_start3A_335 : memref<64x128xf32, #tpu.memory_space<vmem>>) target(%dma_start3A_341 : memref<10240x128xf32, #tpu.memory_space<vmem_shared>>) offsets(%dma_start3A_338 : memref<64xi32, #tpu.memory_space<vmem>>) semaphore(%arg21 : memref<!tpu.dma_semaphore, #tpu.memory_space<semaphore_mem>>) {add = true}
      %broadcast_in_dim3A_342 = arith.constant 1.000000e+00 : f32
      %broadcast_in_dim3A_343 = vector.broadcast %broadcast_in_dim3A_342 : f32 to vector<16xf32>
      %get3A = arith.constant 0 : i32
      %get3A_344 = arith.index_cast %get3A : i32 to index
      %get3A_345 = arith.constant 0 : index
      %get3A_346 = tpu.vector_load %arg9[%get3A_344, %get3A_345] {strides = array<i32>} : memref<4x64xi32, #tpu.memory_space<vmem>>, vector<16xi32>,
      tpu.vector_store_idx %arg11[%get3A_346], %broadcast_in_dim3A_343 {add = true} : memref<10240xf32, #tpu.memory_space<vmem>>[vector<16xi32>], vector<16xf32>,
      %get3A_347 = arith.constant 0 : i32
      %get3A_348 = arith.index_cast %get3A_347 : i32 to index
      %get3A_349 = arith.constant 16 : index
      %get3A_350 = tpu.vector_load %arg9[%get3A_348, %get3A_349] {strides = array<i32>} : memref<4x64xi32, #tpu.memory_space<vmem>>, vector<16xi32>,
      tpu.vector_store_idx %arg11[%get3A_350], %broadcast_in_dim3A_343 {add = true} : memref<10240xf32, #tpu.memory_space<vmem>>[vector<16xi32>], vector<16xf32>,
      %get3A_351 = arith.constant 0 : i32
      %get3A_352 = arith.index_cast %get3A_351 : i32 to index
      %get3A_353 = arith.constant 32 : index
      %get3A_354 = tpu.vector_load %arg9[%get3A_352, %get3A_353] {strides = array<i32>} : memref<4x64xi32, #tpu.memory_space<vmem>>, vector<16xi32>,
      tpu.vector_store_idx %arg11[%get3A_354], %broadcast_in_dim3A_343 {add = true} : memref<10240xf32, #tpu.memory_space<vmem>>[vector<16xi32>], vector<16xf32>,
      %get3A_355 = arith.constant 0 : i32
      %get3A_356 = arith.index_cast %get3A_355 : i32 to index
      %get3A_357 = arith.constant 48 : index
      %get3A_358 = tpu.vector_load %arg9[%get3A_356, %get3A_357] {strides = array<i32>} : memref<4x64xi32, #tpu.memory_space<vmem>>, vector<16xi32>,
      tpu.vector_store_idx %arg11[%get3A_358], %broadcast_in_dim3A_343 {add = true} : memref<10240xf32, #tpu.memory_space<vmem>>[vector<16xi32>], vector<16xf32>,
      %ge3A = arith.constant 1 : i32
      %ge3A_359 = arith.cmpi sge, %add3A_306, %ge3A : i32
      %convert_element_type3A_360 = arith.extui %ge3A_359 : i1 to i32
      %cond3A_361 = arith.constant 0 : i32
      %cond3A_362 = arith.cmpi ne, %convert_element_type3A_360, %cond3A_361 : i32
      scf.if %cond3A_362 {
        %dma_wait3A_590 = arith.constant 3 : i32
        %dma_wait3A_591 = arith.constant 3 : i32
        %dma_wait3A_592 = arith.constant 0 : i32
        %dma_wait3A_593 = arith.constant 0 : i32
        %dma_wait3A_594 = tpu.memref_slice %arg10[%dma_wait3A_590, %dma_wait3A_592, %dma_wait3A_593] : memref<4x64x128xf32, #tpu.memory_space<vmem>> -> memref<1x64x128xf32, #tpu.memory_space<vmem>>
        %dma_wait3A_595 = tpu.memref_squeeze %dma_wait3A_594 : memref<1x64x128xf32, #tpu.memory_space<vmem>> -> memref<64x128xf32, #tpu.memory_space<vmem>>
        %dma_wait3A_596 = arith.constant 0 : i32
        %dma_wait3A_597 = tpu.memref_slice %arg9[%dma_wait3A_591, %dma_wait3A_596] : memref<4x64xi32, #tpu.memory_space<vmem>> -> memref<1x64xi32, #tpu.memory_space<vmem>>
        %dma_wait3A_598 = tpu.memref_squeeze %dma_wait3A_597 : memref<1x64xi32, #tpu.memory_space<vmem>> -> memref<64xi32, #tpu.memory_space<vmem>>
        %dma_wait3A_599 = arith.constant 0 : i32
        %dma_wait3A_600 = arith.constant 0 : i32
        %dma_wait3A_601 = tpu.memref_slice %arg12[%dma_wait3A_599, %dma_wait3A_600] : memref<10240x128xf32, #tpu.memory_space<vmem_shared>> -> memref<10240x128xf32, #tpu.memory_space<vmem_shared>>
        tpu.wait_indirect_dma semaphore(%arg24 : memref<!tpu.dma_semaphore, #tpu.memory_space<semaphore_mem>>) src(%dma_wait3A_595 : memref<64x128xf32, #tpu.memory_space<vmem>>) dst(%dma_wait3A_601 : memref<10240x128xf32, #tpu.memory_space<vmem_shared>>)
      } else {
      }
      %add3A_363 = arith.constant 3 : i32
      %add3A_364 = arith.addi %add3A_306, %add3A_363 : i32
      %sub3A_365 = arith.constant 1 : i32
      %sub3A_366 = arith.subi %select_n3A, %sub3A_365 : i32
      %le3A_367 = arith.cmpi sle, %add3A_364, %sub3A_366 : i32
      %convert_element_type3A_368 = arith.extui %le3A_367 : i1 to i32
      %cond3A_369 = arith.constant 0 : i32
      %cond3A_370 = arith.cmpi ne, %convert_element_type3A_368, %cond3A_369 : i32
      scf.if %cond3A_370 {
        %add3A_590 = arith.constant 3 : i32
        %add3A_591 = arith.addi %add3A_306, %add3A_590 : i32
        %mul3A_592 = arith.constant 64 : i32
        %mul3A_593 = arith.muli %add3A_591, %mul3A_592 : i32
        %add3A_594 = arith.addi %select_n3A_72, %mul3A_593 : i32
        %dma_start3A_595 = arith.constant 3 : i32
        %dma_start3A_596 = arith.constant 0 : i32
        %dma_start3A_597 = tpu.memref_slice %arg8[%dma_start3A_595, %dma_start3A_596] : memref<4x64xi32, #tpu.memory_space<vmem>> -> memref<1x64xi32, #tpu.memory_space<vmem>>
        %dma_start3A_598 = tpu.memref_squeeze %dma_start3A_597 : memref<1x64xi32, #tpu.memory_space<vmem>> -> memref<64xi32, #tpu.memory_space<vmem>>
        %dma_start3A_599 = tpu.memref_slice %arg4[%add3A_594] : memref<323584xi32, #tpu.memory_space<hbm>> -> memref<64xi32, #tpu.memory_space<hbm>>
        %dma_start3A_600 = arith.constant 0 : i32
        %dma_start3A_601 = tpu.memref_slice %arg8[%dma_start3A_595, %dma_start3A_600] : memref<4x64xi32, #tpu.memory_space<vmem>> -> memref<1x64xi32, #tpu.memory_space<vmem>>
        %dma_start3A_602 = tpu.memref_squeeze %dma_start3A_601 : memref<1x64xi32, #tpu.memory_space<vmem>> -> memref<64xi32, #tpu.memory_space<vmem>>
        %dma_start3A_603 = tpu.memref_slice %arg4[%add3A_594] : memref<323584xi32, #tpu.memory_space<hbm>> -> memref<64xi32, #tpu.memory_space<hbm>>
        tpu.enqueue_dma source(%dma_start3A_603 : memref<64xi32, #tpu.memory_space<hbm>>) target(%dma_start3A_602 : memref<64xi32, #tpu.memory_space<vmem>>) target_semaphore(%arg16 : memref<!tpu.dma_semaphore, #tpu.memory_space<semaphore_mem>>)
        %dma_start3A_604 = arith.constant 3 : i32
        %dma_start3A_605 = arith.constant 0 : i32
        %dma_start3A_606 = tpu.memref_slice %arg9[%dma_start3A_604, %dma_start3A_605] : memref<4x64xi32, #tpu.memory_space<vmem>> -> memref<1x64xi32, #tpu.memory_space<vmem>>
        %dma_start3A_607 = tpu.memref_squeeze %dma_start3A_606 : memref<1x64xi32, #tpu.memory_space<vmem>> -> memref<64xi32, #tpu.memory_space<vmem>>
        %dma_start3A_608 = tpu.memref_slice %arg5[%add3A_594] : memref<323584xi32, #tpu.memory_space<hbm>> -> memref<64xi32, #tpu.memory_space<hbm>>
        %dma_start3A_609 = arith.constant 0 : i32
        %dma_start3A_610 = tpu.memref_slice %arg9[%dma_start3A_604, %dma_start3A_609] : memref<4x64xi32, #tpu.memory_space<vmem>> -> memref<1x64xi32, #tpu.memory_space<vmem>>
        %dma_start3A_611 = tpu.memref_squeeze %dma_start3A_610 : memref<1x64xi32, #tpu.memory_space<vmem>> -> memref<64xi32, #tpu.memory_space<vmem>>
        %dma_start3A_612 = tpu.memref_slice %arg5[%add3A_594] : memref<323584xi32, #tpu.memory_space<hbm>> -> memref<64xi32, #tpu.memory_space<hbm>>
        tpu.enqueue_dma source(%dma_start3A_612 : memref<64xi32, #tpu.memory_space<hbm>>) target(%dma_start3A_611 : memref<64xi32, #tpu.memory_space<vmem>>) target_semaphore(%arg16 : memref<!tpu.dma_semaphore, #tpu.memory_space<semaphore_mem>>)
        %dma_start3A_613 = arith.constant 3 : i32
        %dma_start3A_614 = arith.constant 0 : i32
        %dma_start3A_615 = arith.constant 0 : i32
        %dma_start3A_616 = tpu.memref_slice %arg10[%dma_start3A_613, %dma_start3A_614, %dma_start3A_615] : memref<4x64x128xf32, #tpu.memory_space<vmem>> -> memref<1x64x128xf32, #tpu.memory_space<vmem>>
        %dma_start3A_617 = tpu.memref_squeeze %dma_start3A_616 : memref<1x64x128xf32, #tpu.memory_space<vmem>> -> memref<64x128xf32, #tpu.memory_space<vmem>>
        %dma_start3A_618 = arith.constant 0 : i32
        %dma_start3A_619 = tpu.memref_slice %arg3[%add3A_594, %dma_start3A_618] : memref<326400x128xf32, #tpu.memory_space<hbm>> -> memref<64x128xf32, #tpu.memory_space<hbm>>
        %dma_start3A_620 = arith.constant 0 : i32
        %dma_start3A_621 = arith.constant 0 : i32
        %dma_start3A_622 = tpu.memref_slice %arg10[%dma_start3A_613, %dma_start3A_620, %dma_start3A_621] : memref<4x64x128xf32, #tpu.memory_space<vmem>> -> memref<1x64x128xf32, #tpu.memory_space<vmem>>
        %dma_start3A_623 = tpu.memref_squeeze %dma_start3A_622 : memref<1x64x128xf32, #tpu.memory_space<vmem>> -> memref<64x128xf32, #tpu.memory_space<vmem>>
        %dma_start3A_624 = arith.constant 0 : i32
        %dma_start3A_625 = tpu.memref_slice %arg3[%add3A_594, %dma_start3A_624] : memref<326400x128xf32, #tpu.memory_space<hbm>> -> memref<64x128xf32, #tpu.memory_space<hbm>>
        tpu.enqueue_dma source(%dma_start3A_625 : memref<64x128xf32, #tpu.memory_space<hbm>>) target(%dma_start3A_623 : memref<64x128xf32, #tpu.memory_space<vmem>>) target_semaphore(%arg16 : memref<!tpu.dma_semaphore, #tpu.memory_space<semaphore_mem>>)
      } else {
      }
      %mul3A_371 = arith.constant 4 : i32
      %mul3A_372 = arith.muli %mul3A_371, %while3A_302 : i32
      %add3A_373 = arith.constant 1 : i32
      %add3A_374 = arith.addi %mul3A_372, %add3A_373 : i32
      %add3A_375 = arith.constant 2 : i32
      %add3A_376 = arith.addi %add3A_374, %add3A_375 : i32
      %sub3A_377 = arith.constant 1 : i32
      %sub3A_378 = arith.subi %select_n3A, %sub3A_377 : i32
      %le3A_379 = arith.cmpi sle, %add3A_376, %sub3A_378 : i32
      %convert_element_type3A_380 = arith.extui %le3A_379 : i1 to i32
      %cond3A_381 = arith.constant 0 : i32
      %cond3A_382 = arith.cmpi ne, %convert_element_type3A_380, %cond3A_381 : i32
      scf.if %cond3A_382 {
        %add3A_590 = arith.constant 2 : i32
        %add3A_591 = arith.addi %add3A_374, %add3A_590 : i32
        %mul3A_592 = arith.constant 64 : i32
        %mul3A_593 = arith.muli %add3A_591, %mul3A_592 : i32
        %add3A_594 = arith.addi %select_n3A_72, %mul3A_593 : i32
        %dma_wait3A_595 = arith.constant 3 : i32
        %dma_wait3A_596 = arith.constant 0 : i32
        %dma_wait3A_597 = tpu.memref_slice %arg8[%dma_wait3A_595, %dma_wait3A_596] : memref<4x64xi32, #tpu.memory_space<vmem>> -> memref<1x64xi32, #tpu.memory_space<vmem>>
        %dma_wait3A_598 = tpu.memref_squeeze %dma_wait3A_597 : memref<1x64xi32, #tpu.memory_space<vmem>> -> memref<64xi32, #tpu.memory_space<vmem>>
        %dma_wait3A_599 = tpu.memref_slice %arg4[%add3A_594] : memref<323584xi32, #tpu.memory_space<hbm>> -> memref<64xi32, #tpu.memory_space<hbm>>
        %dma_wait3A_600 = arith.constant 0 : i32
        %dma_wait3A_601 = tpu.memref_slice %arg8[%dma_wait3A_595, %dma_wait3A_600] : memref<4x64xi32, #tpu.memory_space<vmem>> -> memref<1x64xi32, #tpu.memory_space<vmem>>
        %dma_wait3A_602 = tpu.memref_squeeze %dma_wait3A_601 : memref<1x64xi32, #tpu.memory_space<vmem>> -> memref<64xi32, #tpu.memory_space<vmem>>
        %dma_wait3A_603 = tpu.memref_slice %arg4[%add3A_594] : memref<323584xi32, #tpu.memory_space<hbm>> -> memref<64xi32, #tpu.memory_space<hbm>>
        tpu.wait_dma2 semaphore(%arg16 : memref<!tpu.dma_semaphore, #tpu.memory_space<semaphore_mem>>) src(%dma_wait3A_603 : memref<64xi32, #tpu.memory_space<hbm>>) dst(%dma_wait3A_602 : memref<64xi32, #tpu.memory_space<vmem>>)
        %dma_wait3A_604 = arith.constant 3 : i32
        %dma_wait3A_605 = arith.constant 0 : i32
        %dma_wait3A_606 = tpu.memref_slice %arg9[%dma_wait3A_604, %dma_wait3A_605] : memref<4x64xi32, #tpu.memory_space<vmem>> -> memref<1x64xi32, #tpu.memory_space<vmem>>
        %dma_wait3A_607 = tpu.memref_squeeze %dma_wait3A_606 : memref<1x64xi32, #tpu.memory_space<vmem>> -> memref<64xi32, #tpu.memory_space<vmem>>
        %dma_wait3A_608 = tpu.memref_slice %arg5[%add3A_594] : memref<323584xi32, #tpu.memory_space<hbm>> -> memref<64xi32, #tpu.memory_space<hbm>>
        %dma_wait3A_609 = arith.constant 0 : i32
        %dma_wait3A_610 = tpu.memref_slice %arg9[%dma_wait3A_604, %dma_wait3A_609] : memref<4x64xi32, #tpu.memory_space<vmem>> -> memref<1x64xi32, #tpu.memory_space<vmem>>
        %dma_wait3A_611 = tpu.memref_squeeze %dma_wait3A_610 : memref<1x64xi32, #tpu.memory_space<vmem>> -> memref<64xi32, #tpu.memory_space<vmem>>
        %dma_wait3A_612 = tpu.memref_slice %arg5[%add3A_594] : memref<323584xi32, #tpu.memory_space<hbm>> -> memref<64xi32, #tpu.memory_space<hbm>>
        tpu.wait_dma2 semaphore(%arg16 : memref<!tpu.dma_semaphore, #tpu.memory_space<semaphore_mem>>) src(%dma_wait3A_612 : memref<64xi32, #tpu.memory_space<hbm>>) dst(%dma_wait3A_611 : memref<64xi32, #tpu.memory_space<vmem>>)
        %dma_wait3A_613 = arith.constant 3 : i32
        %dma_wait3A_614 = arith.constant 0 : i32
        %dma_wait3A_615 = arith.constant 0 : i32
        %dma_wait3A_616 = tpu.memref_slice %arg10[%dma_wait3A_613, %dma_wait3A_614, %dma_wait3A_615] : memref<4x64x128xf32, #tpu.memory_space<vmem>> -> memref<1x64x128xf32, #tpu.memory_space<vmem>>
        %dma_wait3A_617 = tpu.memref_squeeze %dma_wait3A_616 : memref<1x64x128xf32, #tpu.memory_space<vmem>> -> memref<64x128xf32, #tpu.memory_space<vmem>>
        %dma_wait3A_618 = arith.constant 0 : i32
        %dma_wait3A_619 = tpu.memref_slice %arg3[%add3A_594, %dma_wait3A_618] : memref<326400x128xf32, #tpu.memory_space<hbm>> -> memref<64x128xf32, #tpu.memory_space<hbm>>
        %dma_wait3A_620 = arith.constant 0 : i32
        %dma_wait3A_621 = arith.constant 0 : i32
        %dma_wait3A_622 = tpu.memref_slice %arg10[%dma_wait3A_613, %dma_wait3A_620, %dma_wait3A_621] : memref<4x64x128xf32, #tpu.memory_space<vmem>> -> memref<1x64x128xf32, #tpu.memory_space<vmem>>
        %dma_wait3A_623 = tpu.memref_squeeze %dma_wait3A_622 : memref<1x64x128xf32, #tpu.memory_space<vmem>> -> memref<64x128xf32, #tpu.memory_space<vmem>>
        %dma_wait3A_624 = arith.constant 0 : i32
        %dma_wait3A_625 = tpu.memref_slice %arg3[%add3A_594, %dma_wait3A_624] : memref<326400x128xf32, #tpu.memory_space<hbm>> -> memref<64x128xf32, #tpu.memory_space<hbm>>
        tpu.wait_dma2 semaphore(%arg16 : memref<!tpu.dma_semaphore, #tpu.memory_space<semaphore_mem>>) src(%dma_wait3A_625 : memref<64x128xf32, #tpu.memory_space<hbm>>) dst(%dma_wait3A_623 : memref<64x128xf32, #tpu.memory_space<vmem>>)
        %dma_start3A_626 = arith.constant 3 : i32
        %dma_start3A_627 = arith.constant 3 : i32
        %dma_start3A_628 = arith.constant 0 : i32
        %dma_start3A_629 = arith.constant 0 : i32
        %dma_start3A_630 = tpu.memref_slice %arg10[%dma_start3A_627, %dma_start3A_628, %dma_start3A_629] : memref<4x64x128xf32, #tpu.memory_space<vmem>> -> memref<1x64x128xf32, #tpu.memory_space<vmem>>
        %dma_start3A_631 = tpu.memref_squeeze %dma_start3A_630 : memref<1x64x128xf32, #tpu.memory_space<vmem>> -> memref<64x128xf32, #tpu.memory_space<vmem>>
        %dma_start3A_632 = arith.constant 0 : i32
        %dma_start3A_633 = tpu.memref_slice %arg8[%dma_start3A_626, %dma_start3A_632] : memref<4x64xi32, #tpu.memory_space<vmem>> -> memref<1x64xi32, #tpu.memory_space<vmem>>
        %dma_start3A_634 = tpu.memref_squeeze %dma_start3A_633 : memref<1x64xi32, #tpu.memory_space<vmem>> -> memref<64xi32, #tpu.memory_space<vmem>>
        %dma_start3A_635 = arith.constant 0 : i32
        %dma_start3A_636 = arith.constant 0 : i32
        %dma_start3A_637 = tpu.memref_slice %arg2[%dma_start3A_635, %dma_start3A_636] : memref<10000x128xf32, #tpu.memory_space<hbm>> -> memref<10000x128xf32, #tpu.memory_space<hbm>>
        tpu.enqueue_indirect_dma source(%dma_start3A_637 : memref<10000x128xf32, #tpu.memory_space<hbm>>) target(%dma_start3A_631 : memref<64x128xf32, #tpu.memory_space<vmem>>) offsets(%dma_start3A_634 : memref<64xi32, #tpu.memory_space<vmem>>) semaphore(%arg20 : memref<!tpu.dma_semaphore, #tpu.memory_space<semaphore_mem>>) {add = true}
      } else {
      }
      %dma_wait3A_383 = arith.constant 1 : i32
      %dma_wait3A_384 = arith.constant 1 : i32
      %dma_wait3A_385 = arith.constant 0 : i32
      %dma_wait3A_386 = arith.constant 0 : i32
      %dma_wait3A_387 = tpu.memref_slice %arg10[%dma_wait3A_384, %dma_wait3A_385, %dma_wait3A_386] : memref<4x64x128xf32, #tpu.memory_space<vmem>> -> memref<1x64x128xf32, #tpu.memory_space<vmem>>
      %dma_wait3A_388 = tpu.memref_squeeze %dma_wait3A_387 : memref<1x64x128xf32, #tpu.memory_space<vmem>> -> memref<64x128xf32, #tpu.memory_space<vmem>>
      %dma_wait3A_389 = arith.constant 0 : i32
      %dma_wait3A_390 = tpu.memref_slice %arg8[%dma_wait3A_383, %dma_wait3A_389] : memref<4x64xi32, #tpu.memory_space<vmem>> -> memref<1x64xi32, #tpu.memory_space<vmem>>
      %dma_wait3A_391 = tpu.memref_squeeze %dma_wait3A_390 : memref<1x64xi32, #tpu.memory_space<vmem>> -> memref<64xi32, #tpu.memory_space<vmem>>
      %dma_wait3A_392 = arith.constant 0 : i32
      %dma_wait3A_393 = arith.constant 0 : i32
      %dma_wait3A_394 = tpu.memref_slice %arg2[%dma_wait3A_392, %dma_wait3A_393] : memref<10000x128xf32, #tpu.memory_space<hbm>> -> memref<10000x128xf32, #tpu.memory_space<hbm>>
      tpu.wait_indirect_dma semaphore(%arg18 : memref<!tpu.dma_semaphore, #tpu.memory_space<semaphore_mem>>) src(%dma_wait3A_394 : memref<10000x128xf32, #tpu.memory_space<hbm>>) dst(%dma_wait3A_388 : memref<64x128xf32, #tpu.memory_space<vmem>>)
      %scan3A_395 = arith.constant 0 : i32
      %scan3A_396 = arith.constant 0 : i32
      %scan3A_397 = arith.constant 64 : i32
      %scan3A_398 = arith.addi %scan3A_396, %scan3A_397 : i32
      %scan3A_399 = arith.constant 1 : i32
      scf.for %scan3A_590 = %scan3A_396 to %scan3A_398 step %scan3A_399  : i32 {
        %get3A_591 = arith.constant 1 : i32
        %get3A_592 = arith.index_cast %get3A_591 : i32 to index
        %get3A_593 = arith.index_cast %scan3A_590 : i32 to index
        %get3A_594 = arith.constant 0 : index
        %get3A_595 = tpu.vector_load %arg10[%get3A_592, %get3A_593, %get3A_594] {strides = array<i32>} : memref<4x64x128xf32, #tpu.memory_space<vmem>>, vector<16xf32>,
        %max3A = arith.constant 0.000000e+00 : f32
        %max3A_596 = vector.broadcast %max3A : f32 to vector<16xf32>
        %max3A_597 = arith.maximumf %get3A_595, %max3A_596 : vector<16xf32>
        %swap3A = arith.constant 1 : i32
        %swap3A_598 = arith.index_cast %swap3A : i32 to index
        %swap3A_599 = arith.index_cast %scan3A_590 : i32 to index
        %swap3A_600 = arith.constant 0 : index
        %swap3A_601 = tpu.vector_load %arg10[%swap3A_598, %swap3A_599, %swap3A_600] {strides = array<i32>} : memref<4x64x128xf32, #tpu.memory_space<vmem>>, vector<16xf32>,
        tpu.vector_store %arg10[%swap3A_598, %swap3A_599, %swap3A_600], %max3A_597 {strides = array<i32>} : memref<4x64x128xf32, #tpu.memory_space<vmem>>, vector<16xf32>,
        %get3A_602 = arith.constant 1 : i32
        %get3A_603 = arith.index_cast %get3A_602 : i32 to index
        %get3A_604 = arith.index_cast %scan3A_590 : i32 to index
        %get3A_605 = arith.constant 16 : index
        %get3A_606 = tpu.vector_load %arg10[%get3A_603, %get3A_604, %get3A_605] {strides = array<i32>} : memref<4x64x128xf32, #tpu.memory_space<vmem>>, vector<16xf32>,
        %max3A_607 = arith.constant 0.000000e+00 : f32
        %max3A_608 = vector.broadcast %max3A_607 : f32 to vector<16xf32>
        %max3A_609 = arith.maximumf %get3A_606, %max3A_608 : vector<16xf32>
        %swap3A_610 = arith.constant 1 : i32
        %swap3A_611 = arith.index_cast %swap3A_610 : i32 to index
        %swap3A_612 = arith.index_cast %scan3A_590 : i32 to index
        %swap3A_613 = arith.constant 16 : index
        %swap3A_614 = tpu.vector_load %arg10[%swap3A_611, %swap3A_612, %swap3A_613] {strides = array<i32>} : memref<4x64x128xf32, #tpu.memory_space<vmem>>, vector<16xf32>,
        tpu.vector_store %arg10[%swap3A_611, %swap3A_612, %swap3A_613], %max3A_609 {strides = array<i32>} : memref<4x64x128xf32, #tpu.memory_space<vmem>>, vector<16xf32>,
        %get3A_615 = arith.constant 1 : i32
        %get3A_616 = arith.index_cast %get3A_615 : i32 to index
        %get3A_617 = arith.index_cast %scan3A_590 : i32 to index
        %get3A_618 = arith.constant 32 : index
        %get3A_619 = tpu.vector_load %arg10[%get3A_616, %get3A_617, %get3A_618] {strides = array<i32>} : memref<4x64x128xf32, #tpu.memory_space<vmem>>, vector<16xf32>,
        %max3A_620 = arith.constant 0.000000e+00 : f32
        %max3A_621 = vector.broadcast %max3A_620 : f32 to vector<16xf32>
        %max3A_622 = arith.maximumf %get3A_619, %max3A_621 : vector<16xf32>
        %swap3A_623 = arith.constant 1 : i32
        %swap3A_624 = arith.index_cast %swap3A_623 : i32 to index
        %swap3A_625 = arith.index_cast %scan3A_590 : i32 to index
        %swap3A_626 = arith.constant 32 : index
        %swap3A_627 = tpu.vector_load %arg10[%swap3A_624, %swap3A_625, %swap3A_626] {strides = array<i32>} : memref<4x64x128xf32, #tpu.memory_space<vmem>>, vector<16xf32>,
        tpu.vector_store %arg10[%swap3A_624, %swap3A_625, %swap3A_626], %max3A_622 {strides = array<i32>} : memref<4x64x128xf32, #tpu.memory_space<vmem>>, vector<16xf32>,
        %get3A_628 = arith.constant 1 : i32
        %get3A_629 = arith.index_cast %get3A_628 : i32 to index
        %get3A_630 = arith.index_cast %scan3A_590 : i32 to index
        %get3A_631 = arith.constant 48 : index
        %get3A_632 = tpu.vector_load %arg10[%get3A_629, %get3A_630, %get3A_631] {strides = array<i32>} : memref<4x64x128xf32, #tpu.memory_space<vmem>>, vector<16xf32>,
        %max3A_633 = arith.constant 0.000000e+00 : f32
        %max3A_634 = vector.broadcast %max3A_633 : f32 to vector<16xf32>
        %max3A_635 = arith.maximumf %get3A_632, %max3A_634 : vector<16xf32>
        %swap3A_636 = arith.constant 1 : i32
        %swap3A_637 = arith.index_cast %swap3A_636 : i32 to index
        %swap3A_638 = arith.index_cast %scan3A_590 : i32 to index
        %swap3A_639 = arith.constant 48 : index
        %swap3A_640 = tpu.vector_load %arg10[%swap3A_637, %swap3A_638, %swap3A_639] {strides = array<i32>} : memref<4x64x128xf32, #tpu.memory_space<vmem>>, vector<16xf32>,
        tpu.vector_store %arg10[%swap3A_637, %swap3A_638, %swap3A_639], %max3A_635 {strides = array<i32>} : memref<4x64x128xf32, #tpu.memory_space<vmem>>, vector<16xf32>,
        %get3A_641 = arith.constant 1 : i32
        %get3A_642 = arith.index_cast %get3A_641 : i32 to index
        %get3A_643 = arith.index_cast %scan3A_590 : i32 to index
        %get3A_644 = arith.constant 64 : index
        %get3A_645 = tpu.vector_load %arg10[%get3A_642, %get3A_643, %get3A_644] {strides = array<i32>} : memref<4x64x128xf32, #tpu.memory_space<vmem>>, vector<16xf32>,
        %max3A_646 = arith.constant 0.000000e+00 : f32
        %max3A_647 = vector.broadcast %max3A_646 : f32 to vector<16xf32>
        %max3A_648 = arith.maximumf %get3A_645, %max3A_647 : vector<16xf32>
        %swap3A_649 = arith.constant 1 : i32
        %swap3A_650 = arith.index_cast %swap3A_649 : i32 to index
        %swap3A_651 = arith.index_cast %scan3A_590 : i32 to index
        %swap3A_652 = arith.constant 64 : index
        %swap3A_653 = tpu.vector_load %arg10[%swap3A_650, %swap3A_651, %swap3A_652] {strides = array<i32>} : memref<4x64x128xf32, #tpu.memory_space<vmem>>, vector<16xf32>,
        tpu.vector_store %arg10[%swap3A_650, %swap3A_651, %swap3A_652], %max3A_648 {strides = array<i32>} : memref<4x64x128xf32, #tpu.memory_space<vmem>>, vector<16xf32>,
        %get3A_654 = arith.constant 1 : i32
        %get3A_655 = arith.index_cast %get3A_654 : i32 to index
        %get3A_656 = arith.index_cast %scan3A_590 : i32 to index
        %get3A_657 = arith.constant 80 : index
        %get3A_658 = tpu.vector_load %arg10[%get3A_655, %get3A_656, %get3A_657] {strides = array<i32>} : memref<4x64x128xf32, #tpu.memory_space<vmem>>, vector<16xf32>,
        %max3A_659 = arith.constant 0.000000e+00 : f32
        %max3A_660 = vector.broadcast %max3A_659 : f32 to vector<16xf32>
        %max3A_661 = arith.maximumf %get3A_658, %max3A_660 : vector<16xf32>
        %swap3A_662 = arith.constant 1 : i32
        %swap3A_663 = arith.index_cast %swap3A_662 : i32 to index
        %swap3A_664 = arith.index_cast %scan3A_590 : i32 to index
        %swap3A_665 = arith.constant 80 : index
        %swap3A_666 = tpu.vector_load %arg10[%swap3A_663, %swap3A_664, %swap3A_665] {strides = array<i32>} : memref<4x64x128xf32, #tpu.memory_space<vmem>>, vector<16xf32>,
        tpu.vector_store %arg10[%swap3A_663, %swap3A_664, %swap3A_665], %max3A_661 {strides = array<i32>} : memref<4x64x128xf32, #tpu.memory_space<vmem>>, vector<16xf32>,
        %get3A_667 = arith.constant 1 : i32
        %get3A_668 = arith.index_cast %get3A_667 : i32 to index
        %get3A_669 = arith.index_cast %scan3A_590 : i32 to index
        %get3A_670 = arith.constant 96 : index
        %get3A_671 = tpu.vector_load %arg10[%get3A_668, %get3A_669, %get3A_670] {strides = array<i32>} : memref<4x64x128xf32, #tpu.memory_space<vmem>>, vector<16xf32>,
        %max3A_672 = arith.constant 0.000000e+00 : f32
        %max3A_673 = vector.broadcast %max3A_672 : f32 to vector<16xf32>
        %max3A_674 = arith.maximumf %get3A_671, %max3A_673 : vector<16xf32>
        %swap3A_675 = arith.constant 1 : i32
        %swap3A_676 = arith.index_cast %swap3A_675 : i32 to index
        %swap3A_677 = arith.index_cast %scan3A_590 : i32 to index
        %swap3A_678 = arith.constant 96 : index
        %swap3A_679 = tpu.vector_load %arg10[%swap3A_676, %swap3A_677, %swap3A_678] {strides = array<i32>} : memref<4x64x128xf32, #tpu.memory_space<vmem>>, vector<16xf32>,
        tpu.vector_store %arg10[%swap3A_676, %swap3A_677, %swap3A_678], %max3A_674 {strides = array<i32>} : memref<4x64x128xf32, #tpu.memory_space<vmem>>, vector<16xf32>,
        %get3A_680 = arith.constant 1 : i32
        %get3A_681 = arith.index_cast %get3A_680 : i32 to index
        %get3A_682 = arith.index_cast %scan3A_590 : i32 to index
        %get3A_683 = arith.constant 112 : index
        %get3A_684 = tpu.vector_load %arg10[%get3A_681, %get3A_682, %get3A_683] {strides = array<i32>} : memref<4x64x128xf32, #tpu.memory_space<vmem>>, vector<16xf32>,
        %max3A_685 = arith.constant 0.000000e+00 : f32
        %max3A_686 = vector.broadcast %max3A_685 : f32 to vector<16xf32>
        %max3A_687 = arith.maximumf %get3A_684, %max3A_686 : vector<16xf32>
        %swap3A_688 = arith.constant 1 : i32
        %swap3A_689 = arith.index_cast %swap3A_688 : i32 to index
        %swap3A_690 = arith.index_cast %scan3A_590 : i32 to index
        %swap3A_691 = arith.constant 112 : index
        %swap3A_692 = tpu.vector_load %arg10[%swap3A_689, %swap3A_690, %swap3A_691] {strides = array<i32>} : memref<4x64x128xf32, #tpu.memory_space<vmem>>, vector<16xf32>,
        tpu.vector_store %arg10[%swap3A_689, %swap3A_690, %swap3A_691], %max3A_687 {strides = array<i32>} : memref<4x64x128xf32, #tpu.memory_space<vmem>>, vector<16xf32>,
      }
      %scan3A_400 = arith.constant 64 : i32
      %dma_start3A_401 = arith.constant 1 : i32
      %dma_start3A_402 = arith.constant 1 : i32
      %dma_start3A_403 = arith.constant 0 : i32
      %dma_start3A_404 = arith.constant 0 : i32
      %dma_start3A_405 = tpu.memref_slice %arg10[%dma_start3A_401, %dma_start3A_403, %dma_start3A_404] : memref<4x64x128xf32, #tpu.memory_space<vmem>> -> memref<1x64x128xf32, #tpu.memory_space<vmem>>
      %dma_start3A_406 = tpu.memref_squeeze %dma_start3A_405 : memref<1x64x128xf32, #tpu.memory_space<vmem>> -> memref<64x128xf32, #tpu.memory_space<vmem>>
      %dma_start3A_407 = arith.constant 0 : i32
      %dma_start3A_408 = tpu.memref_slice %arg9[%dma_start3A_402, %dma_start3A_407] : memref<4x64xi32, #tpu.memory_space<vmem>> -> memref<1x64xi32, #tpu.memory_space<vmem>>
      %dma_start3A_409 = tpu.memref_squeeze %dma_start3A_408 : memref<1x64xi32, #tpu.memory_space<vmem>> -> memref<64xi32, #tpu.memory_space<vmem>>
      %dma_start3A_410 = arith.constant 0 : i32
      %dma_start3A_411 = arith.constant 0 : i32
      %dma_start3A_412 = tpu.memref_slice %arg12[%dma_start3A_410, %dma_start3A_411] : memref<10240x128xf32, #tpu.memory_space<vmem_shared>> -> memref<10240x128xf32, #tpu.memory_space<vmem_shared>>
      tpu.enqueue_indirect_dma source(%dma_start3A_406 : memref<64x128xf32, #tpu.memory_space<vmem>>) target(%dma_start3A_412 : memref<10240x128xf32, #tpu.memory_space<vmem_shared>>) offsets(%dma_start3A_409 : memref<64xi32, #tpu.memory_space<vmem>>) semaphore(%arg22 : memref<!tpu.dma_semaphore, #tpu.memory_space<semaphore_mem>>) {add = true}
      %broadcast_in_dim3A_413 = arith.constant 1.000000e+00 : f32
      %broadcast_in_dim3A_414 = vector.broadcast %broadcast_in_dim3A_413 : f32 to vector<16xf32>
      %get3A_415 = arith.constant 1 : i32
      %get3A_416 = arith.index_cast %get3A_415 : i32 to index
      %get3A_417 = arith.constant 0 : index
      %get3A_418 = tpu.vector_load %arg9[%get3A_416, %get3A_417] {strides = array<i32>} : memref<4x64xi32, #tpu.memory_space<vmem>>, vector<16xi32>,
      tpu.vector_store_idx %arg11[%get3A_418], %broadcast_in_dim3A_414 {add = true} : memref<10240xf32, #tpu.memory_space<vmem>>[vector<16xi32>], vector<16xf32>,
      %get3A_419 = arith.constant 1 : i32
      %get3A_420 = arith.index_cast %get3A_419 : i32 to index
      %get3A_421 = arith.constant 16 : index
      %get3A_422 = tpu.vector_load %arg9[%get3A_420, %get3A_421] {strides = array<i32>} : memref<4x64xi32, #tpu.memory_space<vmem>>, vector<16xi32>,
      tpu.vector_store_idx %arg11[%get3A_422], %broadcast_in_dim3A_414 {add = true} : memref<10240xf32, #tpu.memory_space<vmem>>[vector<16xi32>], vector<16xf32>,
      %get3A_423 = arith.constant 1 : i32
      %get3A_424 = arith.index_cast %get3A_423 : i32 to index
      %get3A_425 = arith.constant 32 : index
      %get3A_426 = tpu.vector_load %arg9[%get3A_424, %get3A_425] {strides = array<i32>} : memref<4x64xi32, #tpu.memory_space<vmem>>, vector<16xi32>,
      tpu.vector_store_idx %arg11[%get3A_426], %broadcast_in_dim3A_414 {add = true} : memref<10240xf32, #tpu.memory_space<vmem>>[vector<16xi32>], vector<16xf32>,
      %get3A_427 = arith.constant 1 : i32
      %get3A_428 = arith.index_cast %get3A_427 : i32 to index
      %get3A_429 = arith.constant 48 : index
      %get3A_430 = tpu.vector_load %arg9[%get3A_428, %get3A_429] {strides = array<i32>} : memref<4x64xi32, #tpu.memory_space<vmem>>, vector<16xi32>,
      tpu.vector_store_idx %arg11[%get3A_430], %broadcast_in_dim3A_414 {add = true} : memref<10240xf32, #tpu.memory_space<vmem>>[vector<16xi32>], vector<16xf32>,
      %ge3A_431 = arith.constant 1 : i32
      %ge3A_432 = arith.cmpi sge, %add3A_374, %ge3A_431 : i32
      %convert_element_type3A_433 = arith.extui %ge3A_432 : i1 to i32
      %cond3A_434 = arith.constant 0 : i32
      %cond3A_435 = arith.cmpi ne, %convert_element_type3A_433, %cond3A_434 : i32
      scf.if %cond3A_435 {
        %dma_wait3A_590 = arith.constant 0 : i32
        %dma_wait3A_591 = arith.constant 0 : i32
        %dma_wait3A_592 = arith.constant 0 : i32
        %dma_wait3A_593 = arith.constant 0 : i32
        %dma_wait3A_594 = tpu.memref_slice %arg10[%dma_wait3A_590, %dma_wait3A_592, %dma_wait3A_593] : memref<4x64x128xf32, #tpu.memory_space<vmem>> -> memref<1x64x128xf32, #tpu.memory_space<vmem>>
        %dma_wait3A_595 = tpu.memref_squeeze %dma_wait3A_594 : memref<1x64x128xf32, #tpu.memory_space<vmem>> -> memref<64x128xf32, #tpu.memory_space<vmem>>
        %dma_wait3A_596 = arith.constant 0 : i32
        %dma_wait3A_597 = tpu.memref_slice %arg9[%dma_wait3A_591, %dma_wait3A_596] : memref<4x64xi32, #tpu.memory_space<vmem>> -> memref<1x64xi32, #tpu.memory_space<vmem>>
        %dma_wait3A_598 = tpu.memref_squeeze %dma_wait3A_597 : memref<1x64xi32, #tpu.memory_space<vmem>> -> memref<64xi32, #tpu.memory_space<vmem>>
        %dma_wait3A_599 = arith.constant 0 : i32
        %dma_wait3A_600 = arith.constant 0 : i32
        %dma_wait3A_601 = tpu.memref_slice %arg12[%dma_wait3A_599, %dma_wait3A_600] : memref<10240x128xf32, #tpu.memory_space<vmem_shared>> -> memref<10240x128xf32, #tpu.memory_space<vmem_shared>>
        tpu.wait_indirect_dma semaphore(%arg21 : memref<!tpu.dma_semaphore, #tpu.memory_space<semaphore_mem>>) src(%dma_wait3A_595 : memref<64x128xf32, #tpu.memory_space<vmem>>) dst(%dma_wait3A_601 : memref<10240x128xf32, #tpu.memory_space<vmem_shared>>)
      } else {
      }
      %add3A_436 = arith.constant 3 : i32
      %add3A_437 = arith.addi %add3A_374, %add3A_436 : i32
      %sub3A_438 = arith.constant 1 : i32
      %sub3A_439 = arith.subi %select_n3A, %sub3A_438 : i32
      %le3A_440 = arith.cmpi sle, %add3A_437, %sub3A_439 : i32
      %convert_element_type3A_441 = arith.extui %le3A_440 : i1 to i32
      %cond3A_442 = arith.constant 0 : i32
      %cond3A_443 = arith.cmpi ne, %convert_element_type3A_441, %cond3A_442 : i32
      scf.if %cond3A_443 {
        %add3A_590 = arith.constant 3 : i32
        %add3A_591 = arith.addi %add3A_374, %add3A_590 : i32
        %mul3A_592 = arith.constant 64 : i32
        %mul3A_593 = arith.muli %add3A_591, %mul3A_592 : i32
        %add3A_594 = arith.addi %select_n3A_72, %mul3A_593 : i32
        %dma_start3A_595 = arith.constant 0 : i32
        %dma_start3A_596 = arith.constant 0 : i32
        %dma_start3A_597 = tpu.memref_slice %arg8[%dma_start3A_595, %dma_start3A_596] : memref<4x64xi32, #tpu.memory_space<vmem>> -> memref<1x64xi32, #tpu.memory_space<vmem>>
        %dma_start3A_598 = tpu.memref_squeeze %dma_start3A_597 : memref<1x64xi32, #tpu.memory_space<vmem>> -> memref<64xi32, #tpu.memory_space<vmem>>
        %dma_start3A_599 = tpu.memref_slice %arg4[%add3A_594] : memref<323584xi32, #tpu.memory_space<hbm>> -> memref<64xi32, #tpu.memory_space<hbm>>
        %dma_start3A_600 = arith.constant 0 : i32
        %dma_start3A_601 = tpu.memref_slice %arg8[%dma_start3A_595, %dma_start3A_600] : memref<4x64xi32, #tpu.memory_space<vmem>> -> memref<1x64xi32, #tpu.memory_space<vmem>>
        %dma_start3A_602 = tpu.memref_squeeze %dma_start3A_601 : memref<1x64xi32, #tpu.memory_space<vmem>> -> memref<64xi32, #tpu.memory_space<vmem>>
        %dma_start3A_603 = tpu.memref_slice %arg4[%add3A_594] : memref<323584xi32, #tpu.memory_space<hbm>> -> memref<64xi32, #tpu.memory_space<hbm>>
        tpu.enqueue_dma source(%dma_start3A_603 : memref<64xi32, #tpu.memory_space<hbm>>) target(%dma_start3A_602 : memref<64xi32, #tpu.memory_space<vmem>>) target_semaphore(%arg13 : memref<!tpu.dma_semaphore, #tpu.memory_space<semaphore_mem>>)
        %dma_start3A_604 = arith.constant 0 : i32
        %dma_start3A_605 = arith.constant 0 : i32
        %dma_start3A_606 = tpu.memref_slice %arg9[%dma_start3A_604, %dma_start3A_605] : memref<4x64xi32, #tpu.memory_space<vmem>> -> memref<1x64xi32, #tpu.memory_space<vmem>>
        %dma_start3A_607 = tpu.memref_squeeze %dma_start3A_606 : memref<1x64xi32, #tpu.memory_space<vmem>> -> memref<64xi32, #tpu.memory_space<vmem>>
        %dma_start3A_608 = tpu.memref_slice %arg5[%add3A_594] : memref<323584xi32, #tpu.memory_space<hbm>> -> memref<64xi32, #tpu.memory_space<hbm>>
        %dma_start3A_609 = arith.constant 0 : i32
        %dma_start3A_610 = tpu.memref_slice %arg9[%dma_start3A_604, %dma_start3A_609] : memref<4x64xi32, #tpu.memory_space<vmem>> -> memref<1x64xi32, #tpu.memory_space<vmem>>
        %dma_start3A_611 = tpu.memref_squeeze %dma_start3A_610 : memref<1x64xi32, #tpu.memory_space<vmem>> -> memref<64xi32, #tpu.memory_space<vmem>>
        %dma_start3A_612 = tpu.memref_slice %arg5[%add3A_594] : memref<323584xi32, #tpu.memory_space<hbm>> -> memref<64xi32, #tpu.memory_space<hbm>>
        tpu.enqueue_dma source(%dma_start3A_612 : memref<64xi32, #tpu.memory_space<hbm>>) target(%dma_start3A_611 : memref<64xi32, #tpu.memory_space<vmem>>) target_semaphore(%arg13 : memref<!tpu.dma_semaphore, #tpu.memory_space<semaphore_mem>>)
        %dma_start3A_613 = arith.constant 0 : i32
        %dma_start3A_614 = arith.constant 0 : i32
        %dma_start3A_615 = arith.constant 0 : i32
        %dma_start3A_616 = tpu.memref_slice %arg10[%dma_start3A_613, %dma_start3A_614, %dma_start3A_615] : memref<4x64x128xf32, #tpu.memory_space<vmem>> -> memref<1x64x128xf32, #tpu.memory_space<vmem>>
        %dma_start3A_617 = tpu.memref_squeeze %dma_start3A_616 : memref<1x64x128xf32, #tpu.memory_space<vmem>> -> memref<64x128xf32, #tpu.memory_space<vmem>>
        %dma_start3A_618 = arith.constant 0 : i32
        %dma_start3A_619 = tpu.memref_slice %arg3[%add3A_594, %dma_start3A_618] : memref<326400x128xf32, #tpu.memory_space<hbm>> -> memref<64x128xf32, #tpu.memory_space<hbm>>
        %dma_start3A_620 = arith.constant 0 : i32
        %dma_start3A_621 = arith.constant 0 : i32
        %dma_start3A_622 = tpu.memref_slice %arg10[%dma_start3A_613, %dma_start3A_620, %dma_start3A_621] : memref<4x64x128xf32, #tpu.memory_space<vmem>> -> memref<1x64x128xf32, #tpu.memory_space<vmem>>
        %dma_start3A_623 = tpu.memref_squeeze %dma_start3A_622 : memref<1x64x128xf32, #tpu.memory_space<vmem>> -> memref<64x128xf32, #tpu.memory_space<vmem>>
        %dma_start3A_624 = arith.constant 0 : i32
        %dma_start3A_625 = tpu.memref_slice %arg3[%add3A_594, %dma_start3A_624] : memref<326400x128xf32, #tpu.memory_space<hbm>> -> memref<64x128xf32, #tpu.memory_space<hbm>>
        tpu.enqueue_dma source(%dma_start3A_625 : memref<64x128xf32, #tpu.memory_space<hbm>>) target(%dma_start3A_623 : memref<64x128xf32, #tpu.memory_space<vmem>>) target_semaphore(%arg13 : memref<!tpu.dma_semaphore, #tpu.memory_space<semaphore_mem>>)
      } else {
      }
      %mul3A_444 = arith.constant 4 : i32
      %mul3A_445 = arith.muli %mul3A_444, %while3A_302 : i32
      %add3A_446 = arith.constant 2 : i32
      %add3A_447 = arith.addi %mul3A_445, %add3A_446 : i32
      %add3A_448 = arith.constant 2 : i32
      %add3A_449 = arith.addi %add3A_447, %add3A_448 : i32
      %sub3A_450 = arith.constant 1 : i32
      %sub3A_451 = arith.subi %select_n3A, %sub3A_450 : i32
      %le3A_452 = arith.cmpi sle, %add3A_449, %sub3A_451 : i32
      %convert_element_type3A_453 = arith.extui %le3A_452 : i1 to i32
      %cond3A_454 = arith.constant 0 : i32
      %cond3A_455 = arith.cmpi ne, %convert_element_type3A_453, %cond3A_454 : i32
      scf.if %cond3A_455 {
        %add3A_590 = arith.constant 2 : i32
        %add3A_591 = arith.addi %add3A_447, %add3A_590 : i32
        %mul3A_592 = arith.constant 64 : i32
        %mul3A_593 = arith.muli %add3A_591, %mul3A_592 : i32
        %add3A_594 = arith.addi %select_n3A_72, %mul3A_593 : i32
        %dma_wait3A_595 = arith.constant 0 : i32
        %dma_wait3A_596 = arith.constant 0 : i32
        %dma_wait3A_597 = tpu.memref_slice %arg8[%dma_wait3A_595, %dma_wait3A_596] : memref<4x64xi32, #tpu.memory_space<vmem>> -> memref<1x64xi32, #tpu.memory_space<vmem>>
        %dma_wait3A_598 = tpu.memref_squeeze %dma_wait3A_597 : memref<1x64xi32, #tpu.memory_space<vmem>> -> memref<64xi32, #tpu.memory_space<vmem>>
        %dma_wait3A_599 = tpu.memref_slice %arg4[%add3A_594] : memref<323584xi32, #tpu.memory_space<hbm>> -> memref<64xi32, #tpu.memory_space<hbm>>
        %dma_wait3A_600 = arith.constant 0 : i32
        %dma_wait3A_601 = tpu.memref_slice %arg8[%dma_wait3A_595, %dma_wait3A_600] : memref<4x64xi32, #tpu.memory_space<vmem>> -> memref<1x64xi32, #tpu.memory_space<vmem>>
        %dma_wait3A_602 = tpu.memref_squeeze %dma_wait3A_601 : memref<1x64xi32, #tpu.memory_space<vmem>> -> memref<64xi32, #tpu.memory_space<vmem>>
        %dma_wait3A_603 = tpu.memref_slice %arg4[%add3A_594] : memref<323584xi32, #tpu.memory_space<hbm>> -> memref<64xi32, #tpu.memory_space<hbm>>
        tpu.wait_dma2 semaphore(%arg13 : memref<!tpu.dma_semaphore, #tpu.memory_space<semaphore_mem>>) src(%dma_wait3A_603 : memref<64xi32, #tpu.memory_space<hbm>>) dst(%dma_wait3A_602 : memref<64xi32, #tpu.memory_space<vmem>>)
        %dma_wait3A_604 = arith.constant 0 : i32
        %dma_wait3A_605 = arith.constant 0 : i32
        %dma_wait3A_606 = tpu.memref_slice %arg9[%dma_wait3A_604, %dma_wait3A_605] : memref<4x64xi32, #tpu.memory_space<vmem>> -> memref<1x64xi32, #tpu.memory_space<vmem>>
        %dma_wait3A_607 = tpu.memref_squeeze %dma_wait3A_606 : memref<1x64xi32, #tpu.memory_space<vmem>> -> memref<64xi32, #tpu.memory_space<vmem>>
        %dma_wait3A_608 = tpu.memref_slice %arg5[%add3A_594] : memref<323584xi32, #tpu.memory_space<hbm>> -> memref<64xi32, #tpu.memory_space<hbm>>
        %dma_wait3A_609 = arith.constant 0 : i32
        %dma_wait3A_610 = tpu.memref_slice %arg9[%dma_wait3A_604, %dma_wait3A_609] : memref<4x64xi32, #tpu.memory_space<vmem>> -> memref<1x64xi32, #tpu.memory_space<vmem>>
        %dma_wait3A_611 = tpu.memref_squeeze %dma_wait3A_610 : memref<1x64xi32, #tpu.memory_space<vmem>> -> memref<64xi32, #tpu.memory_space<vmem>>
        %dma_wait3A_612 = tpu.memref_slice %arg5[%add3A_594] : memref<323584xi32, #tpu.memory_space<hbm>> -> memref<64xi32, #tpu.memory_space<hbm>>
        tpu.wait_dma2 semaphore(%arg13 : memref<!tpu.dma_semaphore, #tpu.memory_space<semaphore_mem>>) src(%dma_wait3A_612 : memref<64xi32, #tpu.memory_space<hbm>>) dst(%dma_wait3A_611 : memref<64xi32, #tpu.memory_space<vmem>>)
        %dma_wait3A_613 = arith.constant 0 : i32
        %dma_wait3A_614 = arith.constant 0 : i32
        %dma_wait3A_615 = arith.constant 0 : i32
        %dma_wait3A_616 = tpu.memref_slice %arg10[%dma_wait3A_613, %dma_wait3A_614, %dma_wait3A_615] : memref<4x64x128xf32, #tpu.memory_space<vmem>> -> memref<1x64x128xf32, #tpu.memory_space<vmem>>
        %dma_wait3A_617 = tpu.memref_squeeze %dma_wait3A_616 : memref<1x64x128xf32, #tpu.memory_space<vmem>> -> memref<64x128xf32, #tpu.memory_space<vmem>>
        %dma_wait3A_618 = arith.constant 0 : i32
        %dma_wait3A_619 = tpu.memref_slice %arg3[%add3A_594, %dma_wait3A_618] : memref<326400x128xf32, #tpu.memory_space<hbm>> -> memref<64x128xf32, #tpu.memory_space<hbm>>
        %dma_wait3A_620 = arith.constant 0 : i32
        %dma_wait3A_621 = arith.constant 0 : i32
        %dma_wait3A_622 = tpu.memref_slice %arg10[%dma_wait3A_613, %dma_wait3A_620, %dma_wait3A_621] : memref<4x64x128xf32, #tpu.memory_space<vmem>> -> memref<1x64x128xf32, #tpu.memory_space<vmem>>
        %dma_wait3A_623 = tpu.memref_squeeze %dma_wait3A_622 : memref<1x64x128xf32, #tpu.memory_space<vmem>> -> memref<64x128xf32, #tpu.memory_space<vmem>>
        %dma_wait3A_624 = arith.constant 0 : i32
        %dma_wait3A_625 = tpu.memref_slice %arg3[%add3A_594, %dma_wait3A_624] : memref<326400x128xf32, #tpu.memory_space<hbm>> -> memref<64x128xf32, #tpu.memory_space<hbm>>
        tpu.wait_dma2 semaphore(%arg13 : memref<!tpu.dma_semaphore, #tpu.memory_space<semaphore_mem>>) src(%dma_wait3A_625 : memref<64x128xf32, #tpu.memory_space<hbm>>) dst(%dma_wait3A_623 : memref<64x128xf32, #tpu.memory_space<vmem>>)
        %dma_start3A_626 = arith.constant 0 : i32
        %dma_start3A_627 = arith.constant 0 : i32
        %dma_start3A_628 = arith.constant 0 : i32
        %dma_start3A_629 = arith.constant 0 : i32
        %dma_start3A_630 = tpu.memref_slice %arg10[%dma_start3A_627, %dma_start3A_628, %dma_start3A_629] : memref<4x64x128xf32, #tpu.memory_space<vmem>> -> memref<1x64x128xf32, #tpu.memory_space<vmem>>
        %dma_start3A_631 = tpu.memref_squeeze %dma_start3A_630 : memref<1x64x128xf32, #tpu.memory_space<vmem>> -> memref<64x128xf32, #tpu.memory_space<vmem>>
        %dma_start3A_632 = arith.constant 0 : i32
        %dma_start3A_633 = tpu.memref_slice %arg8[%dma_start3A_626, %dma_start3A_632] : memref<4x64xi32, #tpu.memory_space<vmem>> -> memref<1x64xi32, #tpu.memory_space<vmem>>
        %dma_start3A_634 = tpu.memref_squeeze %dma_start3A_633 : memref<1x64xi32, #tpu.memory_space<vmem>> -> memref<64xi32, #tpu.memory_space<vmem>>
        %dma_start3A_635 = arith.constant 0 : i32
        %dma_start3A_636 = arith.constant 0 : i32
        %dma_start3A_637 = tpu.memref_slice %arg2[%dma_start3A_635, %dma_start3A_636] : memref<10000x128xf32, #tpu.memory_space<hbm>> -> memref<10000x128xf32, #tpu.memory_space<hbm>>
        tpu.enqueue_indirect_dma source(%dma_start3A_637 : memref<10000x128xf32, #tpu.memory_space<hbm>>) target(%dma_start3A_631 : memref<64x128xf32, #tpu.memory_space<vmem>>) offsets(%dma_start3A_634 : memref<64xi32, #tpu.memory_space<vmem>>) semaphore(%arg17 : memref<!tpu.dma_semaphore, #tpu.memory_space<semaphore_mem>>) {add = true}
      } else {
      }
      %dma_wait3A_456 = arith.constant 2 : i32
      %dma_wait3A_457 = arith.constant 2 : i32
      %dma_wait3A_458 = arith.constant 0 : i32
      %dma_wait3A_459 = arith.constant 0 : i32
      %dma_wait3A_460 = tpu.memref_slice %arg10[%dma_wait3A_457, %dma_wait3A_458, %dma_wait3A_459] : memref<4x64x128xf32, #tpu.memory_space<vmem>> -> memref<1x64x128xf32, #tpu.memory_space<vmem>>
      %dma_wait3A_461 = tpu.memref_squeeze %dma_wait3A_460 : memref<1x64x128xf32, #tpu.memory_space<vmem>> -> memref<64x128xf32, #tpu.memory_space<vmem>>
      %dma_wait3A_462 = arith.constant 0 : i32
      %dma_wait3A_463 = tpu.memref_slice %arg8[%dma_wait3A_456, %dma_wait3A_462] : memref<4x64xi32, #tpu.memory_space<vmem>> -> memref<1x64xi32, #tpu.memory_space<vmem>>
      %dma_wait3A_464 = tpu.memref_squeeze %dma_wait3A_463 : memref<1x64xi32, #tpu.memory_space<vmem>> -> memref<64xi32, #tpu.memory_space<vmem>>
      %dma_wait3A_465 = arith.constant 0 : i32
      %dma_wait3A_466 = arith.constant 0 : i32
      %dma_wait3A_467 = tpu.memref_slice %arg2[%dma_wait3A_465, %dma_wait3A_466] : memref<10000x128xf32, #tpu.memory_space<hbm>> -> memref<10000x128xf32, #tpu.memory_space<hbm>>
      tpu.wait_indirect_dma semaphore(%arg19 : memref<!tpu.dma_semaphore, #tpu.memory_space<semaphore_mem>>) src(%dma_wait3A_467 : memref<10000x128xf32, #tpu.memory_space<hbm>>) dst(%dma_wait3A_461 : memref<64x128xf32, #tpu.memory_space<vmem>>)
      %scan3A_468 = arith.constant 0 : i32
      %scan3A_469 = arith.constant 0 : i32
      %scan3A_470 = arith.constant 64 : i32
      %scan3A_471 = arith.addi %scan3A_469, %scan3A_470 : i32
      %scan3A_472 = arith.constant 1 : i32
      scf.for %scan3A_590 = %scan3A_469 to %scan3A_471 step %scan3A_472  : i32 {
        %get3A_591 = arith.constant 2 : i32
        %get3A_592 = arith.index_cast %get3A_591 : i32 to index
        %get3A_593 = arith.index_cast %scan3A_590 : i32 to index
        %get3A_594 = arith.constant 0 : index
        %get3A_595 = tpu.vector_load %arg10[%get3A_592, %get3A_593, %get3A_594] {strides = array<i32>} : memref<4x64x128xf32, #tpu.memory_space<vmem>>, vector<16xf32>,
        %max3A = arith.constant 0.000000e+00 : f32
        %max3A_596 = vector.broadcast %max3A : f32 to vector<16xf32>
        %max3A_597 = arith.maximumf %get3A_595, %max3A_596 : vector<16xf32>
        %swap3A = arith.constant 2 : i32
        %swap3A_598 = arith.index_cast %swap3A : i32 to index
        %swap3A_599 = arith.index_cast %scan3A_590 : i32 to index
        %swap3A_600 = arith.constant 0 : index
        %swap3A_601 = tpu.vector_load %arg10[%swap3A_598, %swap3A_599, %swap3A_600] {strides = array<i32>} : memref<4x64x128xf32, #tpu.memory_space<vmem>>, vector<16xf32>,
        tpu.vector_store %arg10[%swap3A_598, %swap3A_599, %swap3A_600], %max3A_597 {strides = array<i32>} : memref<4x64x128xf32, #tpu.memory_space<vmem>>, vector<16xf32>,
        %get3A_602 = arith.constant 2 : i32
        %get3A_603 = arith.index_cast %get3A_602 : i32 to index
        %get3A_604 = arith.index_cast %scan3A_590 : i32 to index
        %get3A_605 = arith.constant 16 : index
        %get3A_606 = tpu.vector_load %arg10[%get3A_603, %get3A_604, %get3A_605] {strides = array<i32>} : memref<4x64x128xf32, #tpu.memory_space<vmem>>, vector<16xf32>,
        %max3A_607 = arith.constant 0.000000e+00 : f32
        %max3A_608 = vector.broadcast %max3A_607 : f32 to vector<16xf32>
        %max3A_609 = arith.maximumf %get3A_606, %max3A_608 : vector<16xf32>
        %swap3A_610 = arith.constant 2 : i32
        %swap3A_611 = arith.index_cast %swap3A_610 : i32 to index
        %swap3A_612 = arith.index_cast %scan3A_590 : i32 to index
        %swap3A_613 = arith.constant 16 : index
        %swap3A_614 = tpu.vector_load %arg10[%swap3A_611, %swap3A_612, %swap3A_613] {strides = array<i32>} : memref<4x64x128xf32, #tpu.memory_space<vmem>>, vector<16xf32>,
        tpu.vector_store %arg10[%swap3A_611, %swap3A_612, %swap3A_613], %max3A_609 {strides = array<i32>} : memref<4x64x128xf32, #tpu.memory_space<vmem>>, vector<16xf32>,
        %get3A_615 = arith.constant 2 : i32
        %get3A_616 = arith.index_cast %get3A_615 : i32 to index
        %get3A_617 = arith.index_cast %scan3A_590 : i32 to index
        %get3A_618 = arith.constant 32 : index
        %get3A_619 = tpu.vector_load %arg10[%get3A_616, %get3A_617, %get3A_618] {strides = array<i32>} : memref<4x64x128xf32, #tpu.memory_space<vmem>>, vector<16xf32>,
        %max3A_620 = arith.constant 0.000000e+00 : f32
        %max3A_621 = vector.broadcast %max3A_620 : f32 to vector<16xf32>
        %max3A_622 = arith.maximumf %get3A_619, %max3A_621 : vector<16xf32>
        %swap3A_623 = arith.constant 2 : i32
        %swap3A_624 = arith.index_cast %swap3A_623 : i32 to index
        %swap3A_625 = arith.index_cast %scan3A_590 : i32 to index
        %swap3A_626 = arith.constant 32 : index
        %swap3A_627 = tpu.vector_load %arg10[%swap3A_624, %swap3A_625, %swap3A_626] {strides = array<i32>} : memref<4x64x128xf32, #tpu.memory_space<vmem>>, vector<16xf32>,
        tpu.vector_store %arg10[%swap3A_624, %swap3A_625, %swap3A_626], %max3A_622 {strides = array<i32>} : memref<4x64x128xf32, #tpu.memory_space<vmem>>, vector<16xf32>,
        %get3A_628 = arith.constant 2 : i32
        %get3A_629 = arith.index_cast %get3A_628 : i32 to index
        %get3A_630 = arith.index_cast %scan3A_590 : i32 to index
        %get3A_631 = arith.constant 48 : index
        %get3A_632 = tpu.vector_load %arg10[%get3A_629, %get3A_630, %get3A_631] {strides = array<i32>} : memref<4x64x128xf32, #tpu.memory_space<vmem>>, vector<16xf32>,
        %max3A_633 = arith.constant 0.000000e+00 : f32
        %max3A_634 = vector.broadcast %max3A_633 : f32 to vector<16xf32>
        %max3A_635 = arith.maximumf %get3A_632, %max3A_634 : vector<16xf32>
        %swap3A_636 = arith.constant 2 : i32
        %swap3A_637 = arith.index_cast %swap3A_636 : i32 to index
        %swap3A_638 = arith.index_cast %scan3A_590 : i32 to index
        %swap3A_639 = arith.constant 48 : index
        %swap3A_640 = tpu.vector_load %arg10[%swap3A_637, %swap3A_638, %swap3A_639] {strides = array<i32>} : memref<4x64x128xf32, #tpu.memory_space<vmem>>, vector<16xf32>,
        tpu.vector_store %arg10[%swap3A_637, %swap3A_638, %swap3A_639], %max3A_635 {strides = array<i32>} : memref<4x64x128xf32, #tpu.memory_space<vmem>>, vector<16xf32>,
        %get3A_641 = arith.constant 2 : i32
        %get3A_642 = arith.index_cast %get3A_641 : i32 to index
        %get3A_643 = arith.index_cast %scan3A_590 : i32 to index
        %get3A_644 = arith.constant 64 : index
        %get3A_645 = tpu.vector_load %arg10[%get3A_642, %get3A_643, %get3A_644] {strides = array<i32>} : memref<4x64x128xf32, #tpu.memory_space<vmem>>, vector<16xf32>,
        %max3A_646 = arith.constant 0.000000e+00 : f32
        %max3A_647 = vector.broadcast %max3A_646 : f32 to vector<16xf32>
        %max3A_648 = arith.maximumf %get3A_645, %max3A_647 : vector<16xf32>
        %swap3A_649 = arith.constant 2 : i32
        %swap3A_650 = arith.index_cast %swap3A_649 : i32 to index
        %swap3A_651 = arith.index_cast %scan3A_590 : i32 to index
        %swap3A_652 = arith.constant 64 : index
        %swap3A_653 = tpu.vector_load %arg10[%swap3A_650, %swap3A_651, %swap3A_652] {strides = array<i32>} : memref<4x64x128xf32, #tpu.memory_space<vmem>>, vector<16xf32>,
        tpu.vector_store %arg10[%swap3A_650, %swap3A_651, %swap3A_652], %max3A_648 {strides = array<i32>} : memref<4x64x128xf32, #tpu.memory_space<vmem>>, vector<16xf32>,
        %get3A_654 = arith.constant 2 : i32
        %get3A_655 = arith.index_cast %get3A_654 : i32 to index
        %get3A_656 = arith.index_cast %scan3A_590 : i32 to index
        %get3A_657 = arith.constant 80 : index
        %get3A_658 = tpu.vector_load %arg10[%get3A_655, %get3A_656, %get3A_657] {strides = array<i32>} : memref<4x64x128xf32, #tpu.memory_space<vmem>>, vector<16xf32>,
        %max3A_659 = arith.constant 0.000000e+00 : f32
        %max3A_660 = vector.broadcast %max3A_659 : f32 to vector<16xf32>
        %max3A_661 = arith.maximumf %get3A_658, %max3A_660 : vector<16xf32>
        %swap3A_662 = arith.constant 2 : i32
        %swap3A_663 = arith.index_cast %swap3A_662 : i32 to index
        %swap3A_664 = arith.index_cast %scan3A_590 : i32 to index
        %swap3A_665 = arith.constant 80 : index
        %swap3A_666 = tpu.vector_load %arg10[%swap3A_663, %swap3A_664, %swap3A_665] {strides = array<i32>} : memref<4x64x128xf32, #tpu.memory_space<vmem>>, vector<16xf32>,
        tpu.vector_store %arg10[%swap3A_663, %swap3A_664, %swap3A_665], %max3A_661 {strides = array<i32>} : memref<4x64x128xf32, #tpu.memory_space<vmem>>, vector<16xf32>,
        %get3A_667 = arith.constant 2 : i32
        %get3A_668 = arith.index_cast %get3A_667 : i32 to index
        %get3A_669 = arith.index_cast %scan3A_590 : i32 to index
        %get3A_670 = arith.constant 96 : index
        %get3A_671 = tpu.vector_load %arg10[%get3A_668, %get3A_669, %get3A_670] {strides = array<i32>} : memref<4x64x128xf32, #tpu.memory_space<vmem>>, vector<16xf32>,
        %max3A_672 = arith.constant 0.000000e+00 : f32
        %max3A_673 = vector.broadcast %max3A_672 : f32 to vector<16xf32>
        %max3A_674 = arith.maximumf %get3A_671, %max3A_673 : vector<16xf32>
        %swap3A_675 = arith.constant 2 : i32
        %swap3A_676 = arith.index_cast %swap3A_675 : i32 to index
        %swap3A_677 = arith.index_cast %scan3A_590 : i32 to index
        %swap3A_678 = arith.constant 96 : index
        %swap3A_679 = tpu.vector_load %arg10[%swap3A_676, %swap3A_677, %swap3A_678] {strides = array<i32>} : memref<4x64x128xf32, #tpu.memory_space<vmem>>, vector<16xf32>,
        tpu.vector_store %arg10[%swap3A_676, %swap3A_677, %swap3A_678], %max3A_674 {strides = array<i32>} : memref<4x64x128xf32, #tpu.memory_space<vmem>>, vector<16xf32>,
        %get3A_680 = arith.constant 2 : i32
        %get3A_681 = arith.index_cast %get3A_680 : i32 to index
        %get3A_682 = arith.index_cast %scan3A_590 : i32 to index
        %get3A_683 = arith.constant 112 : index
        %get3A_684 = tpu.vector_load %arg10[%get3A_681, %get3A_682, %get3A_683] {strides = array<i32>} : memref<4x64x128xf32, #tpu.memory_space<vmem>>, vector<16xf32>,
        %max3A_685 = arith.constant 0.000000e+00 : f32
        %max3A_686 = vector.broadcast %max3A_685 : f32 to vector<16xf32>
        %max3A_687 = arith.maximumf %get3A_684, %max3A_686 : vector<16xf32>
        %swap3A_688 = arith.constant 2 : i32
        %swap3A_689 = arith.index_cast %swap3A_688 : i32 to index
        %swap3A_690 = arith.index_cast %scan3A_590 : i32 to index
        %swap3A_691 = arith.constant 112 : index
        %swap3A_692 = tpu.vector_load %arg10[%swap3A_689, %swap3A_690, %swap3A_691] {strides = array<i32>} : memref<4x64x128xf32, #tpu.memory_space<vmem>>, vector<16xf32>,
        tpu.vector_store %arg10[%swap3A_689, %swap3A_690, %swap3A_691], %max3A_687 {strides = array<i32>} : memref<4x64x128xf32, #tpu.memory_space<vmem>>, vector<16xf32>,
      }
      %scan3A_473 = arith.constant 64 : i32
      %dma_start3A_474 = arith.constant 2 : i32
      %dma_start3A_475 = arith.constant 2 : i32
      %dma_start3A_476 = arith.constant 0 : i32
      %dma_start3A_477 = arith.constant 0 : i32
      %dma_start3A_478 = tpu.memref_slice %arg10[%dma_start3A_474, %dma_start3A_476, %dma_start3A_477] : memref<4x64x128xf32, #tpu.memory_space<vmem>> -> memref<1x64x128xf32, #tpu.memory_space<vmem>>
      %dma_start3A_479 = tpu.memref_squeeze %dma_start3A_478 : memref<1x64x128xf32, #tpu.memory_space<vmem>> -> memref<64x128xf32, #tpu.memory_space<vmem>>
      %dma_start3A_480 = arith.constant 0 : i32
      %dma_start3A_481 = tpu.memref_slice %arg9[%dma_start3A_475, %dma_start3A_480] : memref<4x64xi32, #tpu.memory_space<vmem>> -> memref<1x64xi32, #tpu.memory_space<vmem>>
      %dma_start3A_482 = tpu.memref_squeeze %dma_start3A_481 : memref<1x64xi32, #tpu.memory_space<vmem>> -> memref<64xi32, #tpu.memory_space<vmem>>
      %dma_start3A_483 = arith.constant 0 : i32
      %dma_start3A_484 = arith.constant 0 : i32
      %dma_start3A_485 = tpu.memref_slice %arg12[%dma_start3A_483, %dma_start3A_484] : memref<10240x128xf32, #tpu.memory_space<vmem_shared>> -> memref<10240x128xf32, #tpu.memory_space<vmem_shared>>
      tpu.enqueue_indirect_dma source(%dma_start3A_479 : memref<64x128xf32, #tpu.memory_space<vmem>>) target(%dma_start3A_485 : memref<10240x128xf32, #tpu.memory_space<vmem_shared>>) offsets(%dma_start3A_482 : memref<64xi32, #tpu.memory_space<vmem>>) semaphore(%arg23 : memref<!tpu.dma_semaphore, #tpu.memory_space<semaphore_mem>>) {add = true}
      %broadcast_in_dim3A_486 = arith.constant 1.000000e+00 : f32
      %broadcast_in_dim3A_487 = vector.broadcast %broadcast_in_dim3A_486 : f32 to vector<16xf32>
      %get3A_488 = arith.constant 2 : i32
      %get3A_489 = arith.index_cast %get3A_488 : i32 to index
      %get3A_490 = arith.constant 0 : index
      %get3A_491 = tpu.vector_load %arg9[%get3A_489, %get3A_490] {strides = array<i32>} : memref<4x64xi32, #tpu.memory_space<vmem>>, vector<16xi32>,
      tpu.vector_store_idx %arg11[%get3A_491], %broadcast_in_dim3A_487 {add = true} : memref<10240xf32, #tpu.memory_space<vmem>>[vector<16xi32>], vector<16xf32>,
      %get3A_492 = arith.constant 2 : i32
      %get3A_493 = arith.index_cast %get3A_492 : i32 to index
      %get3A_494 = arith.constant 16 : index
      %get3A_495 = tpu.vector_load %arg9[%get3A_493, %get3A_494] {strides = array<i32>} : memref<4x64xi32, #tpu.memory_space<vmem>>, vector<16xi32>,
      tpu.vector_store_idx %arg11[%get3A_495], %broadcast_in_dim3A_487 {add = true} : memref<10240xf32, #tpu.memory_space<vmem>>[vector<16xi32>], vector<16xf32>,
      %get3A_496 = arith.constant 2 : i32
      %get3A_497 = arith.index_cast %get3A_496 : i32 to index
      %get3A_498 = arith.constant 32 : index
      %get3A_499 = tpu.vector_load %arg9[%get3A_497, %get3A_498] {strides = array<i32>} : memref<4x64xi32, #tpu.memory_space<vmem>>, vector<16xi32>,
      tpu.vector_store_idx %arg11[%get3A_499], %broadcast_in_dim3A_487 {add = true} : memref<10240xf32, #tpu.memory_space<vmem>>[vector<16xi32>], vector<16xf32>,
      %get3A_500 = arith.constant 2 : i32
      %get3A_501 = arith.index_cast %get3A_500 : i32 to index
      %get3A_502 = arith.constant 48 : index
      %get3A_503 = tpu.vector_load %arg9[%get3A_501, %get3A_502] {strides = array<i32>} : memref<4x64xi32, #tpu.memory_space<vmem>>, vector<16xi32>,
      tpu.vector_store_idx %arg11[%get3A_503], %broadcast_in_dim3A_487 {add = true} : memref<10240xf32, #tpu.memory_space<vmem>>[vector<16xi32>], vector<16xf32>,
      %ge3A_504 = arith.constant 1 : i32
      %ge3A_505 = arith.cmpi sge, %add3A_447, %ge3A_504 : i32
      %convert_element_type3A_506 = arith.extui %ge3A_505 : i1 to i32
      %cond3A_507 = arith.constant 0 : i32
      %cond3A_508 = arith.cmpi ne, %convert_element_type3A_506, %cond3A_507 : i32
      scf.if %cond3A_508 {
        %dma_wait3A_590 = arith.constant 1 : i32
        %dma_wait3A_591 = arith.constant 1 : i32
        %dma_wait3A_592 = arith.constant 0 : i32
        %dma_wait3A_593 = arith.constant 0 : i32
        %dma_wait3A_594 = tpu.memref_slice %arg10[%dma_wait3A_590, %dma_wait3A_592, %dma_wait3A_593] : memref<4x64x128xf32, #tpu.memory_space<vmem>> -> memref<1x64x128xf32, #tpu.memory_space<vmem>>
        %dma_wait3A_595 = tpu.memref_squeeze %dma_wait3A_594 : memref<1x64x128xf32, #tpu.memory_space<vmem>> -> memref<64x128xf32, #tpu.memory_space<vmem>>
        %dma_wait3A_596 = arith.constant 0 : i32
        %dma_wait3A_597 = tpu.memref_slice %arg9[%dma_wait3A_591, %dma_wait3A_596] : memref<4x64xi32, #tpu.memory_space<vmem>> -> memref<1x64xi32, #tpu.memory_space<vmem>>
        %dma_wait3A_598 = tpu.memref_squeeze %dma_wait3A_597 : memref<1x64xi32, #tpu.memory_space<vmem>> -> memref<64xi32, #tpu.memory_space<vmem>>
        %dma_wait3A_599 = arith.constant 0 : i32
        %dma_wait3A_600 = arith.constant 0 : i32
        %dma_wait3A_601 = tpu.memref_slice %arg12[%dma_wait3A_599, %dma_wait3A_600] : memref<10240x128xf32, #tpu.memory_space<vmem_shared>> -> memref<10240x128xf32, #tpu.memory_space<vmem_shared>>
        tpu.wait_indirect_dma semaphore(%arg22 : memref<!tpu.dma_semaphore, #tpu.memory_space<semaphore_mem>>) src(%dma_wait3A_595 : memref<64x128xf32, #tpu.memory_space<vmem>>) dst(%dma_wait3A_601 : memref<10240x128xf32, #tpu.memory_space<vmem_shared>>)
      } else {
      }
      %add3A_509 = arith.constant 3 : i32
      %add3A_510 = arith.addi %add3A_447, %add3A_509 : i32
      %sub3A_511 = arith.constant 1 : i32
      %sub3A_512 = arith.subi %select_n3A, %sub3A_511 : i32
      %le3A_513 = arith.cmpi sle, %add3A_510, %sub3A_512 : i32
      %convert_element_type3A_514 = arith.extui %le3A_513 : i1 to i32
      %cond3A_515 = arith.constant 0 : i32
      %cond3A_516 = arith.cmpi ne, %convert_element_type3A_514, %cond3A_515 : i32
      scf.if %cond3A_516 {
        %add3A_590 = arith.constant 3 : i32
        %add3A_591 = arith.addi %add3A_447, %add3A_590 : i32
        %mul3A_592 = arith.constant 64 : i32
        %mul3A_593 = arith.muli %add3A_591, %mul3A_592 : i32
        %add3A_594 = arith.addi %select_n3A_72, %mul3A_593 : i32
        %dma_start3A_595 = arith.constant 1 : i32
        %dma_start3A_596 = arith.constant 0 : i32
        %dma_start3A_597 = tpu.memref_slice %arg8[%dma_start3A_595, %dma_start3A_596] : memref<4x64xi32, #tpu.memory_space<vmem>> -> memref<1x64xi32, #tpu.memory_space<vmem>>
        %dma_start3A_598 = tpu.memref_squeeze %dma_start3A_597 : memref<1x64xi32, #tpu.memory_space<vmem>> -> memref<64xi32, #tpu.memory_space<vmem>>
        %dma_start3A_599 = tpu.memref_slice %arg4[%add3A_594] : memref<323584xi32, #tpu.memory_space<hbm>> -> memref<64xi32, #tpu.memory_space<hbm>>
        %dma_start3A_600 = arith.constant 0 : i32
        %dma_start3A_601 = tpu.memref_slice %arg8[%dma_start3A_595, %dma_start3A_600] : memref<4x64xi32, #tpu.memory_space<vmem>> -> memref<1x64xi32, #tpu.memory_space<vmem>>
        %dma_start3A_602 = tpu.memref_squeeze %dma_start3A_601 : memref<1x64xi32, #tpu.memory_space<vmem>> -> memref<64xi32, #tpu.memory_space<vmem>>
        %dma_start3A_603 = tpu.memref_slice %arg4[%add3A_594] : memref<323584xi32, #tpu.memory_space<hbm>> -> memref<64xi32, #tpu.memory_space<hbm>>
        tpu.enqueue_dma source(%dma_start3A_603 : memref<64xi32, #tpu.memory_space<hbm>>) target(%dma_start3A_602 : memref<64xi32, #tpu.memory_space<vmem>>) target_semaphore(%arg14 : memref<!tpu.dma_semaphore, #tpu.memory_space<semaphore_mem>>)
        %dma_start3A_604 = arith.constant 1 : i32
        %dma_start3A_605 = arith.constant 0 : i32
        %dma_start3A_606 = tpu.memref_slice %arg9[%dma_start3A_604, %dma_start3A_605] : memref<4x64xi32, #tpu.memory_space<vmem>> -> memref<1x64xi32, #tpu.memory_space<vmem>>
        %dma_start3A_607 = tpu.memref_squeeze %dma_start3A_606 : memref<1x64xi32, #tpu.memory_space<vmem>> -> memref<64xi32, #tpu.memory_space<vmem>>
        %dma_start3A_608 = tpu.memref_slice %arg5[%add3A_594] : memref<323584xi32, #tpu.memory_space<hbm>> -> memref<64xi32, #tpu.memory_space<hbm>>
        %dma_start3A_609 = arith.constant 0 : i32
        %dma_start3A_610 = tpu.memref_slice %arg9[%dma_start3A_604, %dma_start3A_609] : memref<4x64xi32, #tpu.memory_space<vmem>> -> memref<1x64xi32, #tpu.memory_space<vmem>>
        %dma_start3A_611 = tpu.memref_squeeze %dma_start3A_610 : memref<1x64xi32, #tpu.memory_space<vmem>> -> memref<64xi32, #tpu.memory_space<vmem>>
        %dma_start3A_612 = tpu.memref_slice %arg5[%add3A_594] : memref<323584xi32, #tpu.memory_space<hbm>> -> memref<64xi32, #tpu.memory_space<hbm>>
        tpu.enqueue_dma source(%dma_start3A_612 : memref<64xi32, #tpu.memory_space<hbm>>) target(%dma_start3A_611 : memref<64xi32, #tpu.memory_space<vmem>>) target_semaphore(%arg14 : memref<!tpu.dma_semaphore, #tpu.memory_space<semaphore_mem>>)
        %dma_start3A_613 = arith.constant 1 : i32
        %dma_start3A_614 = arith.constant 0 : i32
        %dma_start3A_615 = arith.constant 0 : i32
        %dma_start3A_616 = tpu.memref_slice %arg10[%dma_start3A_613, %dma_start3A_614, %dma_start3A_615] : memref<4x64x128xf32, #tpu.memory_space<vmem>> -> memref<1x64x128xf32, #tpu.memory_space<vmem>>
        %dma_start3A_617 = tpu.memref_squeeze %dma_start3A_616 : memref<1x64x128xf32, #tpu.memory_space<vmem>> -> memref<64x128xf32, #tpu.memory_space<vmem>>
        %dma_start3A_618 = arith.constant 0 : i32
        %dma_start3A_619 = tpu.memref_slice %arg3[%add3A_594, %dma_start3A_618] : memref<326400x128xf32, #tpu.memory_space<hbm>> -> memref<64x128xf32, #tpu.memory_space<hbm>>
        %dma_start3A_620 = arith.constant 0 : i32
        %dma_start3A_621 = arith.constant 0 : i32
        %dma_start3A_622 = tpu.memref_slice %arg10[%dma_start3A_613, %dma_start3A_620, %dma_start3A_621] : memref<4x64x128xf32, #tpu.memory_space<vmem>> -> memref<1x64x128xf32, #tpu.memory_space<vmem>>
        %dma_start3A_623 = tpu.memref_squeeze %dma_start3A_622 : memref<1x64x128xf32, #tpu.memory_space<vmem>> -> memref<64x128xf32, #tpu.memory_space<vmem>>
        %dma_start3A_624 = arith.constant 0 : i32
        %dma_start3A_625 = tpu.memref_slice %arg3[%add3A_594, %dma_start3A_624] : memref<326400x128xf32, #tpu.memory_space<hbm>> -> memref<64x128xf32, #tpu.memory_space<hbm>>
        tpu.enqueue_dma source(%dma_start3A_625 : memref<64x128xf32, #tpu.memory_space<hbm>>) target(%dma_start3A_623 : memref<64x128xf32, #tpu.memory_space<vmem>>) target_semaphore(%arg14 : memref<!tpu.dma_semaphore, #tpu.memory_space<semaphore_mem>>)
      } else {
      }
      %mul3A_517 = arith.constant 4 : i32
      %mul3A_518 = arith.muli %mul3A_517, %while3A_302 : i32
      %add3A_519 = arith.constant 3 : i32
      %add3A_520 = arith.addi %mul3A_518, %add3A_519 : i32
      %add3A_521 = arith.constant 2 : i32
      %add3A_522 = arith.addi %add3A_520, %add3A_521 : i32
      %sub3A_523 = arith.constant 1 : i32
      %sub3A_524 = arith.subi %select_n3A, %sub3A_523 : i32
      %le3A_525 = arith.cmpi sle, %add3A_522, %sub3A_524 : i32
      %convert_element_type3A_526 = arith.extui %le3A_525 : i1 to i32
      %cond3A_527 = arith.constant 0 : i32
      %cond3A_528 = arith.cmpi ne, %convert_element_type3A_526, %cond3A_527 : i32
      scf.if %cond3A_528 {
        %add3A_590 = arith.constant 2 : i32
        %add3A_591 = arith.addi %add3A_520, %add3A_590 : i32
        %mul3A_592 = arith.constant 64 : i32
        %mul3A_593 = arith.muli %add3A_591, %mul3A_592 : i32
        %add3A_594 = arith.addi %select_n3A_72, %mul3A_593 : i32
        %dma_wait3A_595 = arith.constant 1 : i32
        %dma_wait3A_596 = arith.constant 0 : i32
        %dma_wait3A_597 = tpu.memref_slice %arg8[%dma_wait3A_595, %dma_wait3A_596] : memref<4x64xi32, #tpu.memory_space<vmem>> -> memref<1x64xi32, #tpu.memory_space<vmem>>
        %dma_wait3A_598 = tpu.memref_squeeze %dma_wait3A_597 : memref<1x64xi32, #tpu.memory_space<vmem>> -> memref<64xi32, #tpu.memory_space<vmem>>
        %dma_wait3A_599 = tpu.memref_slice %arg4[%add3A_594] : memref<323584xi32, #tpu.memory_space<hbm>> -> memref<64xi32, #tpu.memory_space<hbm>>
        %dma_wait3A_600 = arith.constant 0 : i32
        %dma_wait3A_601 = tpu.memref_slice %arg8[%dma_wait3A_595, %dma_wait3A_600] : memref<4x64xi32, #tpu.memory_space<vmem>> -> memref<1x64xi32, #tpu.memory_space<vmem>>
        %dma_wait3A_602 = tpu.memref_squeeze %dma_wait3A_601 : memref<1x64xi32, #tpu.memory_space<vmem>> -> memref<64xi32, #tpu.memory_space<vmem>>
        %dma_wait3A_603 = tpu.memref_slice %arg4[%add3A_594] : memref<323584xi32, #tpu.memory_space<hbm>> -> memref<64xi32, #tpu.memory_space<hbm>>
        tpu.wait_dma2 semaphore(%arg14 : memref<!tpu.dma_semaphore, #tpu.memory_space<semaphore_mem>>) src(%dma_wait3A_603 : memref<64xi32, #tpu.memory_space<hbm>>) dst(%dma_wait3A_602 : memref<64xi32, #tpu.memory_space<vmem>>)
        %dma_wait3A_604 = arith.constant 1 : i32
        %dma_wait3A_605 = arith.constant 0 : i32
        %dma_wait3A_606 = tpu.memref_slice %arg9[%dma_wait3A_604, %dma_wait3A_605] : memref<4x64xi32, #tpu.memory_space<vmem>> -> memref<1x64xi32, #tpu.memory_space<vmem>>
        %dma_wait3A_607 = tpu.memref_squeeze %dma_wait3A_606 : memref<1x64xi32, #tpu.memory_space<vmem>> -> memref<64xi32, #tpu.memory_space<vmem>>
        %dma_wait3A_608 = tpu.memref_slice %arg5[%add3A_594] : memref<323584xi32, #tpu.memory_space<hbm>> -> memref<64xi32, #tpu.memory_space<hbm>>
        %dma_wait3A_609 = arith.constant 0 : i32
        %dma_wait3A_610 = tpu.memref_slice %arg9[%dma_wait3A_604, %dma_wait3A_609] : memref<4x64xi32, #tpu.memory_space<vmem>> -> memref<1x64xi32, #tpu.memory_space<vmem>>
        %dma_wait3A_611 = tpu.memref_squeeze %dma_wait3A_610 : memref<1x64xi32, #tpu.memory_space<vmem>> -> memref<64xi32, #tpu.memory_space<vmem>>
        %dma_wait3A_612 = tpu.memref_slice %arg5[%add3A_594] : memref<323584xi32, #tpu.memory_space<hbm>> -> memref<64xi32, #tpu.memory_space<hbm>>
        tpu.wait_dma2 semaphore(%arg14 : memref<!tpu.dma_semaphore, #tpu.memory_space<semaphore_mem>>) src(%dma_wait3A_612 : memref<64xi32, #tpu.memory_space<hbm>>) dst(%dma_wait3A_611 : memref<64xi32, #tpu.memory_space<vmem>>)
        %dma_wait3A_613 = arith.constant 1 : i32
        %dma_wait3A_614 = arith.constant 0 : i32
        %dma_wait3A_615 = arith.constant 0 : i32
        %dma_wait3A_616 = tpu.memref_slice %arg10[%dma_wait3A_613, %dma_wait3A_614, %dma_wait3A_615] : memref<4x64x128xf32, #tpu.memory_space<vmem>> -> memref<1x64x128xf32, #tpu.memory_space<vmem>>
        %dma_wait3A_617 = tpu.memref_squeeze %dma_wait3A_616 : memref<1x64x128xf32, #tpu.memory_space<vmem>> -> memref<64x128xf32, #tpu.memory_space<vmem>>
        %dma_wait3A_618 = arith.constant 0 : i32
        %dma_wait3A_619 = tpu.memref_slice %arg3[%add3A_594, %dma_wait3A_618] : memref<326400x128xf32, #tpu.memory_space<hbm>> -> memref<64x128xf32, #tpu.memory_space<hbm>>
        %dma_wait3A_620 = arith.constant 0 : i32
        %dma_wait3A_621 = arith.constant 0 : i32
        %dma_wait3A_622 = tpu.memref_slice %arg10[%dma_wait3A_613, %dma_wait3A_620, %dma_wait3A_621] : memref<4x64x128xf32, #tpu.memory_space<vmem>> -> memref<1x64x128xf32, #tpu.memory_space<vmem>>
        %dma_wait3A_623 = tpu.memref_squeeze %dma_wait3A_622 : memref<1x64x128xf32, #tpu.memory_space<vmem>> -> memref<64x128xf32, #tpu.memory_space<vmem>>
        %dma_wait3A_624 = arith.constant 0 : i32
        %dma_wait3A_625 = tpu.memref_slice %arg3[%add3A_594, %dma_wait3A_624] : memref<326400x128xf32, #tpu.memory_space<hbm>> -> memref<64x128xf32, #tpu.memory_space<hbm>>
        tpu.wait_dma2 semaphore(%arg14 : memref<!tpu.dma_semaphore, #tpu.memory_space<semaphore_mem>>) src(%dma_wait3A_625 : memref<64x128xf32, #tpu.memory_space<hbm>>) dst(%dma_wait3A_623 : memref<64x128xf32, #tpu.memory_space<vmem>>)
        %dma_start3A_626 = arith.constant 1 : i32
        %dma_start3A_627 = arith.constant 1 : i32
        %dma_start3A_628 = arith.constant 0 : i32
        %dma_start3A_629 = arith.constant 0 : i32
        %dma_start3A_630 = tpu.memref_slice %arg10[%dma_start3A_627, %dma_start3A_628, %dma_start3A_629] : memref<4x64x128xf32, #tpu.memory_space<vmem>> -> memref<1x64x128xf32, #tpu.memory_space<vmem>>
        %dma_start3A_631 = tpu.memref_squeeze %dma_start3A_630 : memref<1x64x128xf32, #tpu.memory_space<vmem>> -> memref<64x128xf32, #tpu.memory_space<vmem>>
        %dma_start3A_632 = arith.constant 0 : i32
        %dma_start3A_633 = tpu.memref_slice %arg8[%dma_start3A_626, %dma_start3A_632] : memref<4x64xi32, #tpu.memory_space<vmem>> -> memref<1x64xi32, #tpu.memory_space<vmem>>
        %dma_start3A_634 = tpu.memref_squeeze %dma_start3A_633 : memref<1x64xi32, #tpu.memory_space<vmem>> -> memref<64xi32, #tpu.memory_space<vmem>>
        %dma_start3A_635 = arith.constant 0 : i32
        %dma_start3A_636 = arith.constant 0 : i32
        %dma_start3A_637 = tpu.memref_slice %arg2[%dma_start3A_635, %dma_start3A_636] : memref<10000x128xf32, #tpu.memory_space<hbm>> -> memref<10000x128xf32, #tpu.memory_space<hbm>>
        tpu.enqueue_indirect_dma source(%dma_start3A_637 : memref<10000x128xf32, #tpu.memory_space<hbm>>) target(%dma_start3A_631 : memref<64x128xf32, #tpu.memory_space<vmem>>) offsets(%dma_start3A_634 : memref<64xi32, #tpu.memory_space<vmem>>) semaphore(%arg18 : memref<!tpu.dma_semaphore, #tpu.memory_space<semaphore_mem>>) {add = true}
      } else {
      }
      %dma_wait3A_529 = arith.constant 3 : i32
      %dma_wait3A_530 = arith.constant 3 : i32
      %dma_wait3A_531 = arith.constant 0 : i32
      %dma_wait3A_532 = arith.constant 0 : i32
      %dma_wait3A_533 = tpu.memref_slice %arg10[%dma_wait3A_530, %dma_wait3A_531, %dma_wait3A_532] : memref<4x64x128xf32, #tpu.memory_space<vmem>> -> memref<1x64x128xf32, #tpu.memory_space<vmem>>
      %dma_wait3A_534 = tpu.memref_squeeze %dma_wait3A_533 : memref<1x64x128xf32, #tpu.memory_space<vmem>> -> memref<64x128xf32, #tpu.memory_space<vmem>>
      %dma_wait3A_535 = arith.constant 0 : i32
      %dma_wait3A_536 = tpu.memref_slice %arg8[%dma_wait3A_529, %dma_wait3A_535] : memref<4x64xi32, #tpu.memory_space<vmem>> -> memref<1x64xi32, #tpu.memory_space<vmem>>
      %dma_wait3A_537 = tpu.memref_squeeze %dma_wait3A_536 : memref<1x64xi32, #tpu.memory_space<vmem>> -> memref<64xi32, #tpu.memory_space<vmem>>
      %dma_wait3A_538 = arith.constant 0 : i32
      %dma_wait3A_539 = arith.constant 0 : i32
      %dma_wait3A_540 = tpu.memref_slice %arg2[%dma_wait3A_538, %dma_wait3A_539] : memref<10000x128xf32, #tpu.memory_space<hbm>> -> memref<10000x128xf32, #tpu.memory_space<hbm>>
      tpu.wait_indirect_dma semaphore(%arg20 : memref<!tpu.dma_semaphore, #tpu.memory_space<semaphore_mem>>) src(%dma_wait3A_540 : memref<10000x128xf32, #tpu.memory_space<hbm>>) dst(%dma_wait3A_534 : memref<64x128xf32, #tpu.memory_space<vmem>>)
      %scan3A_541 = arith.constant 0 : i32
      %scan3A_542 = arith.constant 0 : i32
      %scan3A_543 = arith.constant 64 : i32
      %scan3A_544 = arith.addi %scan3A_542, %scan3A_543 : i32
      %scan3A_545 = arith.constant 1 : i32
      scf.for %scan3A_590 = %scan3A_542 to %scan3A_544 step %scan3A_545  : i32 {
        %get3A_591 = arith.constant 3 : i32
        %get3A_592 = arith.index_cast %get3A_591 : i32 to index
        %get3A_593 = arith.index_cast %scan3A_590 : i32 to index
        %get3A_594 = arith.constant 0 : index
        %get3A_595 = tpu.vector_load %arg10[%get3A_592, %get3A_593, %get3A_594] {strides = array<i32>} : memref<4x64x128xf32, #tpu.memory_space<vmem>>, vector<16xf32>,
        %max3A = arith.constant 0.000000e+00 : f32
        %max3A_596 = vector.broadcast %max3A : f32 to vector<16xf32>
        %max3A_597 = arith.maximumf %get3A_595, %max3A_596 : vector<16xf32>
        %swap3A = arith.constant 3 : i32
        %swap3A_598 = arith.index_cast %swap3A : i32 to index
        %swap3A_599 = arith.index_cast %scan3A_590 : i32 to index
        %swap3A_600 = arith.constant 0 : index
        %swap3A_601 = tpu.vector_load %arg10[%swap3A_598, %swap3A_599, %swap3A_600] {strides = array<i32>} : memref<4x64x128xf32, #tpu.memory_space<vmem>>, vector<16xf32>,
        tpu.vector_store %arg10[%swap3A_598, %swap3A_599, %swap3A_600], %max3A_597 {strides = array<i32>} : memref<4x64x128xf32, #tpu.memory_space<vmem>>, vector<16xf32>,
        %get3A_602 = arith.constant 3 : i32
        %get3A_603 = arith.index_cast %get3A_602 : i32 to index
        %get3A_604 = arith.index_cast %scan3A_590 : i32 to index
        %get3A_605 = arith.constant 16 : index
        %get3A_606 = tpu.vector_load %arg10[%get3A_603, %get3A_604, %get3A_605] {strides = array<i32>} : memref<4x64x128xf32, #tpu.memory_space<vmem>>, vector<16xf32>,
        %max3A_607 = arith.constant 0.000000e+00 : f32
        %max3A_608 = vector.broadcast %max3A_607 : f32 to vector<16xf32>
        %max3A_609 = arith.maximumf %get3A_606, %max3A_608 : vector<16xf32>
        %swap3A_610 = arith.constant 3 : i32
        %swap3A_611 = arith.index_cast %swap3A_610 : i32 to index
        %swap3A_612 = arith.index_cast %scan3A_590 : i32 to index
        %swap3A_613 = arith.constant 16 : index
        %swap3A_614 = tpu.vector_load %arg10[%swap3A_611, %swap3A_612, %swap3A_613] {strides = array<i32>} : memref<4x64x128xf32, #tpu.memory_space<vmem>>, vector<16xf32>,
        tpu.vector_store %arg10[%swap3A_611, %swap3A_612, %swap3A_613], %max3A_609 {strides = array<i32>} : memref<4x64x128xf32, #tpu.memory_space<vmem>>, vector<16xf32>,
        %get3A_615 = arith.constant 3 : i32
        %get3A_616 = arith.index_cast %get3A_615 : i32 to index
        %get3A_617 = arith.index_cast %scan3A_590 : i32 to index
        %get3A_618 = arith.constant 32 : index
        %get3A_619 = tpu.vector_load %arg10[%get3A_616, %get3A_617, %get3A_618] {strides = array<i32>} : memref<4x64x128xf32, #tpu.memory_space<vmem>>, vector<16xf32>,
        %max3A_620 = arith.constant 0.000000e+00 : f32
        %max3A_621 = vector.broadcast %max3A_620 : f32 to vector<16xf32>
        %max3A_622 = arith.maximumf %get3A_619, %max3A_621 : vector<16xf32>
        %swap3A_623 = arith.constant 3 : i32
        %swap3A_624 = arith.index_cast %swap3A_623 : i32 to index
        %swap3A_625 = arith.index_cast %scan3A_590 : i32 to index
        %swap3A_626 = arith.constant 32 : index
        %swap3A_627 = tpu.vector_load %arg10[%swap3A_624, %swap3A_625, %swap3A_626] {strides = array<i32>} : memref<4x64x128xf32, #tpu.memory_space<vmem>>, vector<16xf32>,
        tpu.vector_store %arg10[%swap3A_624, %swap3A_625, %swap3A_626], %max3A_622 {strides = array<i32>} : memref<4x64x128xf32, #tpu.memory_space<vmem>>, vector<16xf32>,
        %get3A_628 = arith.constant 3 : i32
        %get3A_629 = arith.index_cast %get3A_628 : i32 to index
        %get3A_630 = arith.index_cast %scan3A_590 : i32 to index
        %get3A_631 = arith.constant 48 : index
        %get3A_632 = tpu.vector_load %arg10[%get3A_629, %get3A_630, %get3A_631] {strides = array<i32>} : memref<4x64x128xf32, #tpu.memory_space<vmem>>, vector<16xf32>,
        %max3A_633 = arith.constant 0.000000e+00 : f32
        %max3A_634 = vector.broadcast %max3A_633 : f32 to vector<16xf32>
        %max3A_635 = arith.maximumf %get3A_632, %max3A_634 : vector<16xf32>
        %swap3A_636 = arith.constant 3 : i32
        %swap3A_637 = arith.index_cast %swap3A_636 : i32 to index
        %swap3A_638 = arith.index_cast %scan3A_590 : i32 to index
        %swap3A_639 = arith.constant 48 : index
        %swap3A_640 = tpu.vector_load %arg10[%swap3A_637, %swap3A_638, %swap3A_639] {strides = array<i32>} : memref<4x64x128xf32, #tpu.memory_space<vmem>>, vector<16xf32>,
        tpu.vector_store %arg10[%swap3A_637, %swap3A_638, %swap3A_639], %max3A_635 {strides = array<i32>} : memref<4x64x128xf32, #tpu.memory_space<vmem>>, vector<16xf32>,
        %get3A_641 = arith.constant 3 : i32
        %get3A_642 = arith.index_cast %get3A_641 : i32 to index
        %get3A_643 = arith.index_cast %scan3A_590 : i32 to index
        %get3A_644 = arith.constant 64 : index
        %get3A_645 = tpu.vector_load %arg10[%get3A_642, %get3A_643, %get3A_644] {strides = array<i32>} : memref<4x64x128xf32, #tpu.memory_space<vmem>>, vector<16xf32>,
        %max3A_646 = arith.constant 0.000000e+00 : f32
        %max3A_647 = vector.broadcast %max3A_646 : f32 to vector<16xf32>
        %max3A_648 = arith.maximumf %get3A_645, %max3A_647 : vector<16xf32>
        %swap3A_649 = arith.constant 3 : i32
        %swap3A_650 = arith.index_cast %swap3A_649 : i32 to index
        %swap3A_651 = arith.index_cast %scan3A_590 : i32 to index
        %swap3A_652 = arith.constant 64 : index
        %swap3A_653 = tpu.vector_load %arg10[%swap3A_650, %swap3A_651, %swap3A_652] {strides = array<i32>} : memref<4x64x128xf32, #tpu.memory_space<vmem>>, vector<16xf32>,
        tpu.vector_store %arg10[%swap3A_650, %swap3A_651, %swap3A_652], %max3A_648 {strides = array<i32>} : memref<4x64x128xf32, #tpu.memory_space<vmem>>, vector<16xf32>,
        %get3A_654 = arith.constant 3 : i32
        %get3A_655 = arith.index_cast %get3A_654 : i32 to index
        %get3A_656 = arith.index_cast %scan3A_590 : i32 to index
        %get3A_657 = arith.constant 80 : index
        %get3A_658 = tpu.vector_load %arg10[%get3A_655, %get3A_656, %get3A_657] {strides = array<i32>} : memref<4x64x128xf32, #tpu.memory_space<vmem>>, vector<16xf32>,
        %max3A_659 = arith.constant 0.000000e+00 : f32
        %max3A_660 = vector.broadcast %max3A_659 : f32 to vector<16xf32>
        %max3A_661 = arith.maximumf %get3A_658, %max3A_660 : vector<16xf32>
        %swap3A_662 = arith.constant 3 : i32
        %swap3A_663 = arith.index_cast %swap3A_662 : i32 to index
        %swap3A_664 = arith.index_cast %scan3A_590 : i32 to index
        %swap3A_665 = arith.constant 80 : index
        %swap3A_666 = tpu.vector_load %arg10[%swap3A_663, %swap3A_664, %swap3A_665] {strides = array<i32>} : memref<4x64x128xf32, #tpu.memory_space<vmem>>, vector<16xf32>,
        tpu.vector_store %arg10[%swap3A_663, %swap3A_664, %swap3A_665], %max3A_661 {strides = array<i32>} : memref<4x64x128xf32, #tpu.memory_space<vmem>>, vector<16xf32>,
        %get3A_667 = arith.constant 3 : i32
        %get3A_668 = arith.index_cast %get3A_667 : i32 to index
        %get3A_669 = arith.index_cast %scan3A_590 : i32 to index
        %get3A_670 = arith.constant 96 : index
        %get3A_671 = tpu.vector_load %arg10[%get3A_668, %get3A_669, %get3A_670] {strides = array<i32>} : memref<4x64x128xf32, #tpu.memory_space<vmem>>, vector<16xf32>,
        %max3A_672 = arith.constant 0.000000e+00 : f32
        %max3A_673 = vector.broadcast %max3A_672 : f32 to vector<16xf32>
        %max3A_674 = arith.maximumf %get3A_671, %max3A_673 : vector<16xf32>
        %swap3A_675 = arith.constant 3 : i32
        %swap3A_676 = arith.index_cast %swap3A_675 : i32 to index
        %swap3A_677 = arith.index_cast %scan3A_590 : i32 to index
        %swap3A_678 = arith.constant 96 : index
        %swap3A_679 = tpu.vector_load %arg10[%swap3A_676, %swap3A_677, %swap3A_678] {strides = array<i32>} : memref<4x64x128xf32, #tpu.memory_space<vmem>>, vector<16xf32>,
        tpu.vector_store %arg10[%swap3A_676, %swap3A_677, %swap3A_678], %max3A_674 {strides = array<i32>} : memref<4x64x128xf32, #tpu.memory_space<vmem>>, vector<16xf32>,
        %get3A_680 = arith.constant 3 : i32
        %get3A_681 = arith.index_cast %get3A_680 : i32 to index
        %get3A_682 = arith.index_cast %scan3A_590 : i32 to index
        %get3A_683 = arith.constant 112 : index
        %get3A_684 = tpu.vector_load %arg10[%get3A_681, %get3A_682, %get3A_683] {strides = array<i32>} : memref<4x64x128xf32, #tpu.memory_space<vmem>>, vector<16xf32>,
        %max3A_685 = arith.constant 0.000000e+00 : f32
        %max3A_686 = vector.broadcast %max3A_685 : f32 to vector<16xf32>
        %max3A_687 = arith.maximumf %get3A_684, %max3A_686 : vector<16xf32>
        %swap3A_688 = arith.constant 3 : i32
        %swap3A_689 = arith.index_cast %swap3A_688 : i32 to index
        %swap3A_690 = arith.index_cast %scan3A_590 : i32 to index
        %swap3A_691 = arith.constant 112 : index
        %swap3A_692 = tpu.vector_load %arg10[%swap3A_689, %swap3A_690, %swap3A_691] {strides = array<i32>} : memref<4x64x128xf32, #tpu.memory_space<vmem>>, vector<16xf32>,
        tpu.vector_store %arg10[%swap3A_689, %swap3A_690, %swap3A_691], %max3A_687 {strides = array<i32>} : memref<4x64x128xf32, #tpu.memory_space<vmem>>, vector<16xf32>,
      }
      %scan3A_546 = arith.constant 64 : i32
      %dma_start3A_547 = arith.constant 3 : i32
      %dma_start3A_548 = arith.constant 3 : i32
      %dma_start3A_549 = arith.constant 0 : i32
      %dma_start3A_550 = arith.constant 0 : i32
      %dma_start3A_551 = tpu.memref_slice %arg10[%dma_start3A_547, %dma_start3A_549, %dma_start3A_550] : memref<4x64x128xf32, #tpu.memory_space<vmem>> -> memref<1x64x128xf32, #tpu.memory_space<vmem>>
      %dma_start3A_552 = tpu.memref_squeeze %dma_start3A_551 : memref<1x64x128xf32, #tpu.memory_space<vmem>> -> memref<64x128xf32, #tpu.memory_space<vmem>>
      %dma_start3A_553 = arith.constant 0 : i32
      %dma_start3A_554 = tpu.memref_slice %arg9[%dma_start3A_548, %dma_start3A_553] : memref<4x64xi32, #tpu.memory_space<vmem>> -> memref<1x64xi32, #tpu.memory_space<vmem>>
      %dma_start3A_555 = tpu.memref_squeeze %dma_start3A_554 : memref<1x64xi32, #tpu.memory_space<vmem>> -> memref<64xi32, #tpu.memory_space<vmem>>
      %dma_start3A_556 = arith.constant 0 : i32
      %dma_start3A_557 = arith.constant 0 : i32
      %dma_start3A_558 = tpu.memref_slice %arg12[%dma_start3A_556, %dma_start3A_557] : memref<10240x128xf32, #tpu.memory_space<vmem_shared>> -> memref<10240x128xf32, #tpu.memory_space<vmem_shared>>
      tpu.enqueue_indirect_dma source(%dma_start3A_552 : memref<64x128xf32, #tpu.memory_space<vmem>>) target(%dma_start3A_558 : memref<10240x128xf32, #tpu.memory_space<vmem_shared>>) offsets(%dma_start3A_555 : memref<64xi32, #tpu.memory_space<vmem>>) semaphore(%arg24 : memref<!tpu.dma_semaphore, #tpu.memory_space<semaphore_mem>>) {add = true}
      %broadcast_in_dim3A_559 = arith.constant 1.000000e+00 : f32
      %broadcast_in_dim3A_560 = vector.broadcast %broadcast_in_dim3A_559 : f32 to vector<16xf32>
      %get3A_561 = arith.constant 3 : i32
      %get3A_562 = arith.index_cast %get3A_561 : i32 to index
      %get3A_563 = arith.constant 0 : index
      %get3A_564 = tpu.vector_load %arg9[%get3A_562, %get3A_563] {strides = array<i32>} : memref<4x64xi32, #tpu.memory_space<vmem>>, vector<16xi32>,
      tpu.vector_store_idx %arg11[%get3A_564], %broadcast_in_dim3A_560 {add = true} : memref<10240xf32, #tpu.memory_space<vmem>>[vector<16xi32>], vector<16xf32>,
      %get3A_565 = arith.constant 3 : i32
      %get3A_566 = arith.index_cast %get3A_565 : i32 to index
      %get3A_567 = arith.constant 16 : index
      %get3A_568 = tpu.vector_load %arg9[%get3A_566, %get3A_567] {strides = array<i32>} : memref<4x64xi32, #tpu.memory_space<vmem>>, vector<16xi32>,
      tpu.vector_store_idx %arg11[%get3A_568], %broadcast_in_dim3A_560 {add = true} : memref<10240xf32, #tpu.memory_space<vmem>>[vector<16xi32>], vector<16xf32>,
      %get3A_569 = arith.constant 3 : i32
      %get3A_570 = arith.index_cast %get3A_569 : i32 to index
      %get3A_571 = arith.constant 32 : index
      %get3A_572 = tpu.vector_load %arg9[%get3A_570, %get3A_571] {strides = array<i32>} : memref<4x64xi32, #tpu.memory_space<vmem>>, vector<16xi32>,
      tpu.vector_store_idx %arg11[%get3A_572], %broadcast_in_dim3A_560 {add = true} : memref<10240xf32, #tpu.memory_space<vmem>>[vector<16xi32>], vector<16xf32>,
      %get3A_573 = arith.constant 3 : i32
      %get3A_574 = arith.index_cast %get3A_573 : i32 to index
      %get3A_575 = arith.constant 48 : index
      %get3A_576 = tpu.vector_load %arg9[%get3A_574, %get3A_575] {strides = array<i32>} : memref<4x64xi32, #tpu.memory_space<vmem>>, vector<16xi32>,
      tpu.vector_store_idx %arg11[%get3A_576], %broadcast_in_dim3A_560 {add = true} : memref<10240xf32, #tpu.memory_space<vmem>>[vector<16xi32>], vector<16xf32>,
      %ge3A_577 = arith.constant 1 : i32
      %ge3A_578 = arith.cmpi sge, %add3A_520, %ge3A_577 : i32
      %convert_element_type3A_579 = arith.extui %ge3A_578 : i1 to i32
      %cond3A_580 = arith.constant 0 : i32
      %cond3A_581 = arith.cmpi ne, %convert_element_type3A_579, %cond3A_580 : i32
      scf.if %cond3A_581 {
        %dma_wait3A_590 = arith.constant 2 : i32
        %dma_wait3A_591 = arith.constant 2 : i32
        %dma_wait3A_592 = arith.constant 0 : i32
        %dma_wait3A_593 = arith.constant 0 : i32
        %dma_wait3A_594 = tpu.memref_slice %arg10[%dma_wait3A_590, %dma_wait3A_592, %dma_wait3A_593] : memref<4x64x128xf32, #tpu.memory_space<vmem>> -> memref<1x64x128xf32, #tpu.memory_space<vmem>>
        %dma_wait3A_595 = tpu.memref_squeeze %dma_wait3A_594 : memref<1x64x128xf32, #tpu.memory_space<vmem>> -> memref<64x128xf32, #tpu.memory_space<vmem>>
        %dma_wait3A_596 = arith.constant 0 : i32
        %dma_wait3A_597 = tpu.memref_slice %arg9[%dma_wait3A_591, %dma_wait3A_596] : memref<4x64xi32, #tpu.memory_space<vmem>> -> memref<1x64xi32, #tpu.memory_space<vmem>>
        %dma_wait3A_598 = tpu.memref_squeeze %dma_wait3A_597 : memref<1x64xi32, #tpu.memory_space<vmem>> -> memref<64xi32, #tpu.memory_space<vmem>>
        %dma_wait3A_599 = arith.constant 0 : i32
        %dma_wait3A_600 = arith.constant 0 : i32
        %dma_wait3A_601 = tpu.memref_slice %arg12[%dma_wait3A_599, %dma_wait3A_600] : memref<10240x128xf32, #tpu.memory_space<vmem_shared>> -> memref<10240x128xf32, #tpu.memory_space<vmem_shared>>
        tpu.wait_indirect_dma semaphore(%arg23 : memref<!tpu.dma_semaphore, #tpu.memory_space<semaphore_mem>>) src(%dma_wait3A_595 : memref<64x128xf32, #tpu.memory_space<vmem>>) dst(%dma_wait3A_601 : memref<10240x128xf32, #tpu.memory_space<vmem_shared>>)
      } else {
      }
      %add3A_582 = arith.constant 3 : i32
      %add3A_583 = arith.addi %add3A_520, %add3A_582 : i32
      %sub3A_584 = arith.constant 1 : i32
      %sub3A_585 = arith.subi %select_n3A, %sub3A_584 : i32
      %le3A_586 = arith.cmpi sle, %add3A_583, %sub3A_585 : i32
      %convert_element_type3A_587 = arith.extui %le3A_586 : i1 to i32
      %cond3A_588 = arith.constant 0 : i32
      %cond3A_589 = arith.cmpi ne, %convert_element_type3A_587, %cond3A_588 : i32
      scf.if %cond3A_589 {
        %add3A_590 = arith.constant 3 : i32
        %add3A_591 = arith.addi %add3A_520, %add3A_590 : i32
        %mul3A_592 = arith.constant 64 : i32
        %mul3A_593 = arith.muli %add3A_591, %mul3A_592 : i32
        %add3A_594 = arith.addi %select_n3A_72, %mul3A_593 : i32
        %dma_start3A_595 = arith.constant 2 : i32
        %dma_start3A_596 = arith.constant 0 : i32
        %dma_start3A_597 = tpu.memref_slice %arg8[%dma_start3A_595, %dma_start3A_596] : memref<4x64xi32, #tpu.memory_space<vmem>> -> memref<1x64xi32, #tpu.memory_space<vmem>>
        %dma_start3A_598 = tpu.memref_squeeze %dma_start3A_597 : memref<1x64xi32, #tpu.memory_space<vmem>> -> memref<64xi32, #tpu.memory_space<vmem>>
        %dma_start3A_599 = tpu.memref_slice %arg4[%add3A_594] : memref<323584xi32, #tpu.memory_space<hbm>> -> memref<64xi32, #tpu.memory_space<hbm>>
        %dma_start3A_600 = arith.constant 0 : i32
        %dma_start3A_601 = tpu.memref_slice %arg8[%dma_start3A_595, %dma_start3A_600] : memref<4x64xi32, #tpu.memory_space<vmem>> -> memref<1x64xi32, #tpu.memory_space<vmem>>
        %dma_start3A_602 = tpu.memref_squeeze %dma_start3A_601 : memref<1x64xi32, #tpu.memory_space<vmem>> -> memref<64xi32, #tpu.memory_space<vmem>>
        %dma_start3A_603 = tpu.memref_slice %arg4[%add3A_594] : memref<323584xi32, #tpu.memory_space<hbm>> -> memref<64xi32, #tpu.memory_space<hbm>>
        tpu.enqueue_dma source(%dma_start3A_603 : memref<64xi32, #tpu.memory_space<hbm>>) target(%dma_start3A_602 : memref<64xi32, #tpu.memory_space<vmem>>) target_semaphore(%arg15 : memref<!tpu.dma_semaphore, #tpu.memory_space<semaphore_mem>>)
        %dma_start3A_604 = arith.constant 2 : i32
        %dma_start3A_605 = arith.constant 0 : i32
        %dma_start3A_606 = tpu.memref_slice %arg9[%dma_start3A_604, %dma_start3A_605] : memref<4x64xi32, #tpu.memory_space<vmem>> -> memref<1x64xi32, #tpu.memory_space<vmem>>
        %dma_start3A_607 = tpu.memref_squeeze %dma_start3A_606 : memref<1x64xi32, #tpu.memory_space<vmem>> -> memref<64xi32, #tpu.memory_space<vmem>>
        %dma_start3A_608 = tpu.memref_slice %arg5[%add3A_594] : memref<323584xi32, #tpu.memory_space<hbm>> -> memref<64xi32, #tpu.memory_space<hbm>>
        %dma_start3A_609 = arith.constant 0 : i32
        %dma_start3A_610 = tpu.memref_slice %arg9[%dma_start3A_604, %dma_start3A_609] : memref<4x64xi32, #tpu.memory_space<vmem>> -> memref<1x64xi32, #tpu.memory_space<vmem>>
        %dma_start3A_611 = tpu.memref_squeeze %dma_start3A_610 : memref<1x64xi32, #tpu.memory_space<vmem>> -> memref<64xi32, #tpu.memory_space<vmem>>
        %dma_start3A_612 = tpu.memref_slice %arg5[%add3A_594] : memref<323584xi32, #tpu.memory_space<hbm>> -> memref<64xi32, #tpu.memory_space<hbm>>
        tpu.enqueue_dma source(%dma_start3A_612 : memref<64xi32, #tpu.memory_space<hbm>>) target(%dma_start3A_611 : memref<64xi32, #tpu.memory_space<vmem>>) target_semaphore(%arg15 : memref<!tpu.dma_semaphore, #tpu.memory_space<semaphore_mem>>)
        %dma_start3A_613 = arith.constant 2 : i32
        %dma_start3A_614 = arith.constant 0 : i32
        %dma_start3A_615 = arith.constant 0 : i32
        %dma_start3A_616 = tpu.memref_slice %arg10[%dma_start3A_613, %dma_start3A_614, %dma_start3A_615] : memref<4x64x128xf32, #tpu.memory_space<vmem>> -> memref<1x64x128xf32, #tpu.memory_space<vmem>>
        %dma_start3A_617 = tpu.memref_squeeze %dma_start3A_616 : memref<1x64x128xf32, #tpu.memory_space<vmem>> -> memref<64x128xf32, #tpu.memory_space<vmem>>
        %dma_start3A_618 = arith.constant 0 : i32
        %dma_start3A_619 = tpu.memref_slice %arg3[%add3A_594, %dma_start3A_618] : memref<326400x128xf32, #tpu.memory_space<hbm>> -> memref<64x128xf32, #tpu.memory_space<hbm>>
        %dma_start3A_620 = arith.constant 0 : i32
        %dma_start3A_621 = arith.constant 0 : i32
        %dma_start3A_622 = tpu.memref_slice %arg10[%dma_start3A_613, %dma_start3A_620, %dma_start3A_621] : memref<4x64x128xf32, #tpu.memory_space<vmem>> -> memref<1x64x128xf32, #tpu.memory_space<vmem>>
        %dma_start3A_623 = tpu.memref_squeeze %dma_start3A_622 : memref<1x64x128xf32, #tpu.memory_space<vmem>> -> memref<64x128xf32, #tpu.memory_space<vmem>>
        %dma_start3A_624 = arith.constant 0 : i32
        %dma_start3A_625 = tpu.memref_slice %arg3[%add3A_594, %dma_start3A_624] : memref<326400x128xf32, #tpu.memory_space<hbm>> -> memref<64x128xf32, #tpu.memory_space<hbm>>
        tpu.enqueue_dma source(%dma_start3A_625 : memref<64x128xf32, #tpu.memory_space<hbm>>) target(%dma_start3A_623 : memref<64x128xf32, #tpu.memory_space<vmem>>) target_semaphore(%arg15 : memref<!tpu.dma_semaphore, #tpu.memory_space<semaphore_mem>>)
      } else {
      }
    }
    %dma_wait3A_287 = arith.constant 3 : i32
    %dma_wait3A_288 = arith.constant 3 : i32
    %dma_wait3A_289 = arith.constant 0 : i32
    %dma_wait3A_290 = arith.constant 0 : i32
    %dma_wait3A_291 = tpu.memref_slice %arg10[%dma_wait3A_287, %dma_wait3A_289, %dma_wait3A_290] : memref<4x64x128xf32, #tpu.memory_space<vmem>> -> memref<1x64x128xf32, #tpu.memory_space<vmem>>
    %dma_wait3A_292 = tpu.memref_squeeze %dma_wait3A_291 : memref<1x64x128xf32, #tpu.memory_space<vmem>> -> memref<64x128xf32, #tpu.memory_space<vmem>>
    %dma_wait3A_293 = arith.constant 0 : i32
    %dma_wait3A_294 = tpu.memref_slice %arg9[%dma_wait3A_288, %dma_wait3A_293] : memref<4x64xi32, #tpu.memory_space<vmem>> -> memref<1x64xi32, #tpu.memory_space<vmem>>
    %dma_wait3A_295 = tpu.memref_squeeze %dma_wait3A_294 : memref<1x64xi32, #tpu.memory_space<vmem>> -> memref<64xi32, #tpu.memory_space<vmem>>
    %dma_wait3A_296 = arith.constant 0 : i32
    %dma_wait3A_297 = arith.constant 0 : i32
    %dma_wait3A_298 = tpu.memref_slice %arg12[%dma_wait3A_296, %dma_wait3A_297] : memref<10240x128xf32, #tpu.memory_space<vmem_shared>> -> memref<10240x128xf32, #tpu.memory_space<vmem_shared>>
    tpu.wait_indirect_dma semaphore(%arg24 : memref<!tpu.dma_semaphore, #tpu.memory_space<semaphore_mem>>) src(%dma_wait3A_292 : memref<64x128xf32, #tpu.memory_space<vmem>>) dst(%dma_wait3A_298 : memref<10240x128xf32, #tpu.memory_space<vmem_shared>>)
    %barrier3A_299 = arith.constant 0 : index
    tpu.barrier barrier_id(%barrier3A_299)
    %mul3A_300 = arith.constant 640 : i32
    %mul3A_301 = arith.muli %arg1, %mul3A_300 : i32
    "tpu.region"() ({
      %run_scoped3A_302 = tpu.sem_alloc : memref<!tpu.dma_semaphore, #tpu.memory_space<semaphore_mem>>
      %dma_start3A_303 = arith.constant 0 : i32
      %dma_start3A_304 = tpu.memref_slice %arg6[%arg0, %mul3A_301, %dma_start3A_303] : memref<2x10240x128xf32, #tpu.memory_space<hbm>> -> memref<1x640x128xf32, #tpu.memory_space<hbm>>
      %dma_start3A_305 = tpu.memref_squeeze %dma_start3A_304 : memref<1x640x128xf32, #tpu.memory_space<hbm>> -> memref<640x128xf32, #tpu.memory_space<hbm>>
      %dma_start3A_306 = arith.constant 0 : i32
      %dma_start3A_307 = tpu.memref_slice %arg12[%mul3A_301, %dma_start3A_306] : memref<10240x128xf32, #tpu.memory_space<vmem_shared>> -> memref<640x128xf32, #tpu.memory_space<vmem_shared>>
      tpu.enqueue_dma source(%dma_start3A_307 : memref<640x128xf32, #tpu.memory_space<vmem_shared>>) target(%dma_start3A_305 : memref<640x128xf32, #tpu.memory_space<hbm>>) target_semaphore(%run_scoped3A_302 : memref<!tpu.dma_semaphore, #tpu.memory_space<semaphore_mem>>)
      %dma_wait3A_308 = arith.constant 0 : i32
      %dma_wait3A_309 = tpu.memref_slice %arg6[%arg0, %mul3A_301, %dma_wait3A_308] : memref<2x10240x128xf32, #tpu.memory_space<hbm>> -> memref<1x640x128xf32, #tpu.memory_space<hbm>>
      %dma_wait3A_310 = tpu.memref_squeeze %dma_wait3A_309 : memref<1x640x128xf32, #tpu.memory_space<hbm>> -> memref<640x128xf32, #tpu.memory_space<hbm>>
      %dma_wait3A_311 = arith.constant 0 : i32
      %dma_wait3A_312 = tpu.memref_slice %arg12[%mul3A_301, %dma_wait3A_311] : memref<10240x128xf32, #tpu.memory_space<vmem_shared>> -> memref<640x128xf32, #tpu.memory_space<vmem_shared>>
      tpu.wait_dma2 semaphore(%run_scoped3A_302 : memref<!tpu.dma_semaphore, #tpu.memory_space<semaphore_mem>>) src(%dma_wait3A_312 : memref<640x128xf32, #tpu.memory_space<vmem_shared>>) dst(%dma_wait3A_310 : memref<640x128xf32, #tpu.memory_space<hbm>>)
      tpu.yield
    }) : () -> ()
    "tpu.region"() ({
      %run_scoped3A_302 = tpu.sem_alloc : memref<!tpu.dma_semaphore, #tpu.memory_space<semaphore_mem>>
      %dma_start3A_303 = arith.constant 0 : i32
      %dma_start3A_304 = tpu.memref_slice %arg7[%add3A, %dma_start3A_303] : memref<32x10240xf32, #tpu.memory_space<hbm>> -> memref<1x10240xf32, #tpu.memory_space<hbm>>
      %dma_start3A_305 = tpu.memref_squeeze %dma_start3A_304 : memref<1x10240xf32, #tpu.memory_space<hbm>> -> memref<10240xf32, #tpu.memory_space<hbm>>
      %dma_start3A_306 = arith.constant 0 : i32
      %dma_start3A_307 = tpu.memref_slice %arg7[%add3A, %dma_start3A_306] : memref<32x10240xf32, #tpu.memory_space<hbm>> -> memref<1x10240xf32, #tpu.memory_space<hbm>>
      %dma_start3A_308 = tpu.memref_squeeze %dma_start3A_307 : memref<1x10240xf32, #tpu.memory_space<hbm>> -> memref<10240xf32, #tpu.memory_space<hbm>>
      tpu.enqueue_dma source(%arg11 : memref<10240xf32, #tpu.memory_space<vmem>>) target(%dma_start3A_308 : memref<10240xf32, #tpu.memory_space<hbm>>) target_semaphore(%run_scoped3A_302 : memref<!tpu.dma_semaphore, #tpu.memory_space<semaphore_mem>>)
      %dma_wait3A_309 = arith.constant 0 : i32
      %dma_wait3A_310 = tpu.memref_slice %arg7[%add3A, %dma_wait3A_309] : memref<32x10240xf32, #tpu.memory_space<hbm>> -> memref<1x10240xf32, #tpu.memory_space<hbm>>
      %dma_wait3A_311 = tpu.memref_squeeze %dma_wait3A_310 : memref<1x10240xf32, #tpu.memory_space<hbm>> -> memref<10240xf32, #tpu.memory_space<hbm>>
      %dma_wait3A_312 = arith.constant 0 : i32
      %dma_wait3A_313 = tpu.memref_slice %arg7[%add3A, %dma_wait3A_312] : memref<32x10240xf32, #tpu.memory_space<hbm>> -> memref<1x10240xf32, #tpu.memory_space<hbm>>
      %dma_wait3A_314 = tpu.memref_squeeze %dma_wait3A_313 : memref<1x10240xf32, #tpu.memory_space<hbm>> -> memref<10240xf32, #tpu.memory_space<hbm>>
      tpu.wait_dma2 semaphore(%run_scoped3A_302 : memref<!tpu.dma_semaphore, #tpu.memory_space<semaphore_mem>>) src(%arg11 : memref<10240xf32, #tpu.memory_space<vmem>>) dst(%dma_wait3A_314 : memref<10240xf32, #tpu.memory_space<hbm>>)
      tpu.yield
    }) : () -> ()
    return
  }
}

module attributes {stable_mosaic.version = 14 : i64} {
  func.func @_ea_body(%arg0: i32, %arg1: memref<16x6400xf32, #tpu.memory_space<vmem>>, %arg2: memref<16x128xf32, #tpu.memory_space<vmem>>, %arg3: memref<1x128xf32, #tpu.memory_space<vmem>>, %arg4: memref<6400x128xf32, #tpu.memory_space<vmem>>) attributes {dimension_semantics = [#tpu.dimension_semantics<arbitrary>], iteration_bounds = array<i64: 51>, scalar_prefetch = 0 : i64, scratch_operands = 0 : i64, tpu.core_type = #tpu.core_type<tc>, window_params = [{transform_indices = @transform_0, window_bounds = array<i64: 16, 6400>}, {pipeline_mode = #tpu.pipeline_mode<synchronous>, transform_indices = @transform_1, window_bounds = array<i64: 16, 128>}, {pipeline_mode = #tpu.pipeline_mode<synchronous>, transform_indices = @transform_2, window_bounds = array<i64: 1, 128>}, {transform_indices = @transform_3, window_bounds = array<i64: 6400, 128>}]} {
    %get3A = arith.constant 0 : index
    %get3A_0 = arith.constant 0 : index
    %get3A_1 = vector.load %arg1[%get3A, %get3A_0] : memref<16x6400xf32, #tpu.memory_space<vmem>>, vector<16x6400xf32>
    %get3A_2 = arith.constant 0 : index
    %get3A_3 = arith.constant 0 : index
    %get3A_4 = vector.load %arg2[%get3A_2, %get3A_3] : memref<16x128xf32, #tpu.memory_space<vmem>>, vector<16x128xf32>
    %dot_general3A = arith.constant dense<0.000000e+00> : vector<6400x128xf32>
    %dot_general3A_5 = tpu.matmul %get3A_1, %get3A_4, %dot_general3A {dimension_numbers = #tpu.dot_dimension_numbers<[0], [0], [1], [1], [0, 1, 1, 1], [], []>, transpose_lhs_hint = false} : vector<16x6400xf32>, vector<16x128xf32>, vector<6400x128xf32> -> vector<6400x128xf32>
    %get3A_6 = arith.constant 0 : index
    %get3A_7 = arith.constant 0 : index
    %get3A_8 = vector.load %arg3[%get3A_6, %get3A_7] : memref<1x128xf32, #tpu.memory_space<vmem>>, vector<1x128xf32>
    %add3A = vector.broadcast %get3A_8 : vector<1x128xf32> to vector<6400x128xf32>
    %add3A_9 = arith.addf %dot_general3A_5, %add3A : vector<6400x128xf32>
    %swap3A = arith.constant 0 : index
    %swap3A_10 = arith.constant 0 : index
    %swap3A_11 = vector.load %arg4[%swap3A, %swap3A_10] : memref<6400x128xf32, #tpu.memory_space<vmem>>, vector<6400x128xf32>
    tpu.vector_store %arg4[%swap3A, %swap3A_10], %add3A_9 {strides = array<i32>} : memref<6400x128xf32, #tpu.memory_space<vmem>>, vector<6400x128xf32>,
    return
  }
  func.func @transform_0(%arg0: i32) -> (i32, i32) {
    %min3A = arith.constant 49 : i32
    %min3A_0 = arith.minsi %arg0, %min3A : i32
    %c0_i32 = arith.constant 0 : i32
    %c0_i32_1 = arith.constant 0 : i32
    return %c0_i32, %min3A_0 : i32, i32
  }
  func.func @transform_1(%arg0: i32) -> (i32, i32) {
    %c0_i32 = arith.constant 0 : i32
    %c0_i32_0 = arith.constant 0 : i32
    %c0_i32_1 = arith.constant 0 : i32
    return %c0_i32, %c0_i32_0 : i32, i32
  }
  func.func @transform_2(%arg0: i32) -> (i32, i32) {
    %c0_i32 = arith.constant 0 : i32
    %c0_i32_0 = arith.constant 0 : i32
    %c0_i32_1 = arith.constant 0 : i32
    return %c0_i32, %c0_i32_0 : i32, i32
  }
  func.func @transform_3(%arg0: i32) -> (i32, i32) {
    %c0_i32 = arith.constant 0 : i32
    %c0_i32_0 = arith.constant 0 : i32
    return %arg0, %c0_i32 : i32, i32
  }
}

module attributes {stable_mosaic.version = 14 : i64} {
  func.func @_xa_body(%arg0: memref<10000x128xf32, #tpu.memory_space<vmem>>, %arg1: memref<128x128xf32, #tpu.memory_space<vmem>>, %arg2: memref<10000x128xf32, #tpu.memory_space<vmem>>) attributes {dimension_semantics = [], scalar_prefetch = 0 : i64, scratch_operands = 0 : i64, tpu.core_type = #tpu.core_type<tc>} {
    %get3A = arith.constant 0 : index
    %get3A_0 = arith.constant 0 : index
    %get3A_1 = vector.load %arg0[%get3A, %get3A_0] : memref<10000x128xf32, #tpu.memory_space<vmem>>, vector<10000x128xf32>
    %get3A_2 = arith.constant 0 : index
    %get3A_3 = arith.constant 0 : index
    %get3A_4 = vector.load %arg1[%get3A_2, %get3A_3] : memref<128x128xf32, #tpu.memory_space<vmem>>, vector<128x128xf32>
    %dot_general3A = arith.constant dense<0.000000e+00> : vector<10000x128xf32>
    %dot_general3A_5 = tpu.matmul %get3A_1, %get3A_4, %dot_general3A {dimension_numbers = #tpu.dot_dimension_numbers<[1], [0], [0], [1], [0, 0, 1, 1], [], []>, transpose_lhs_hint = false} : vector<10000x128xf32>, vector<128x128xf32>, vector<10000x128xf32> -> vector<10000x128xf32>
    %swap3A = arith.constant 0 : index
    %swap3A_6 = arith.constant 0 : index
    %swap3A_7 = vector.load %arg2[%swap3A, %swap3A_6] : memref<10000x128xf32, #tpu.memory_space<vmem>>, vector<10000x128xf32>
    tpu.vector_store %arg2[%swap3A, %swap3A_6], %dot_general3A_5 {strides = array<i32>} : memref<10000x128xf32, #tpu.memory_space<vmem>>, vector<10000x128xf32>,
    return
  }
}

module attributes {stable_mosaic.version = 14 : i64} {
  func.func @_post_body(%arg0: i32, %arg1: memref<2x1024x128xf32, #tpu.memory_space<vmem>>, %arg2: memref<32x1024xf32, #tpu.memory_space<vmem>>, %arg3: memref<1024x128xf32, #tpu.memory_space<vmem>>, %arg4: memref<1x1x1024xi32, #tpu.memory_space<vmem>>, %arg5: memref<16x128xf32, #tpu.memory_space<vmem>>, %arg6: memref<128x128xf32, #tpu.memory_space<vmem>>, %arg7: memref<1x128xf32, #tpu.memory_space<vmem>>, %arg8: memref<128x128xf32, #tpu.memory_space<vmem>>, %arg9: memref<128x128xf32, #tpu.memory_space<vmem>>, %arg10: memref<128x128xf32, #tpu.memory_space<vmem>>, %arg11: memref<1x128xf32, #tpu.memory_space<vmem>>, %arg12: memref<128x128xf32, #tpu.memory_space<vmem>>, %arg13: memref<1x128xf32, #tpu.memory_space<vmem>>, %arg14: memref<1024x128xf32, #tpu.memory_space<vmem>>) attributes {dimension_semantics = [#tpu.dimension_semantics<arbitrary>], iteration_bounds = array<i64: 10>, scalar_prefetch = 0 : i64, scratch_operands = 0 : i64, tpu.core_type = #tpu.core_type<tc>, window_params = [{transform_indices = @transform_0, window_bounds = array<i64: 2, 1024, 128>}, {transform_indices = @transform_1, window_bounds = array<i64: 32, 1024>}, {transform_indices = @transform_2, window_bounds = array<i64: 1024, 128>}, {transform_indices = @transform_3, window_bounds = array<i64: 1, 1, 1024>}, {pipeline_mode = #tpu.pipeline_mode<synchronous>, transform_indices = @transform_4, window_bounds = array<i64: 16, 128>}, {pipeline_mode = #tpu.pipeline_mode<synchronous>, transform_indices = @transform_5, window_bounds = array<i64: 128, 128>}, {pipeline_mode = #tpu.pipeline_mode<synchronous>, transform_indices = @transform_6, window_bounds = array<i64: 1, 128>}, {pipeline_mode = #tpu.pipeline_mode<synchronous>, transform_indices = @transform_7, window_bounds = array<i64: 128, 128>}, {pipeline_mode = #tpu.pipeline_mode<synchronous>, transform_indices = @transform_8, window_bounds = array<i64: 128, 128>}, {pipeline_mode = #tpu.pipeline_mode<synchronous>, transform_indices = @transform_9, window_bounds = array<i64: 128, 128>}, {pipeline_mode = #tpu.pipeline_mode<synchronous>, transform_indices = @transform_10, window_bounds = array<i64: 1, 128>}, {pipeline_mode = #tpu.pipeline_mode<synchronous>, transform_indices = @transform_11, window_bounds = array<i64: 128, 128>}, {pipeline_mode = #tpu.pipeline_mode<synchronous>, transform_indices = @transform_12, window_bounds = array<i64: 1, 128>}, {transform_indices = @transform_13, window_bounds = array<i64: 1024, 128>}]} {
    %get3A = arith.constant 0 : index
    %get3A_0 = arith.constant 0 : index
    %get3A_1 = arith.constant 0 : index
    %get3A_2 = vector.load %arg1[%get3A, %get3A_0, %get3A_1] : memref<2x1024x128xf32, #tpu.memory_space<vmem>>, vector<1x1024x128xf32>
    %get3A_3 = vector.shape_cast %get3A_2 : vector<1x1024x128xf32> to vector<1024x128xf32>
    %get3A_4 = arith.constant 1 : index
    %get3A_5 = arith.constant 0 : index
    %get3A_6 = arith.constant 0 : index
    %get3A_7 = vector.load %arg1[%get3A_4, %get3A_5, %get3A_6] : memref<2x1024x128xf32, #tpu.memory_space<vmem>>, vector<1x1024x128xf32>
    %get3A_8 = vector.shape_cast %get3A_7 : vector<1x1024x128xf32> to vector<1024x128xf32>
    %add3A = arith.addf %get3A_3, %get3A_8 : vector<1024x128xf32>
    %get3A_9 = arith.constant 0 : index
    %get3A_10 = arith.constant 0 : index
    %get3A_11 = vector.load %arg2[%get3A_9, %get3A_10] : memref<32x1024xf32, #tpu.memory_space<vmem>>, vector<32x1024xf32>
    %reduce_sum3A = arith.constant dense<0.000000e+00> : vector<1024xf32>
    %reduce_sum3A_12 = vector.multi_reduction <add>, %get3A_11, %reduce_sum3A [0] : vector<32x1024xf32> to vector<1024xf32>
    %broadcast_in_dim3A = vector.shape_cast %reduce_sum3A_12 : vector<1024xf32> to vector<1024x1xf32>
    %max3A = arith.constant 1.000000e+00 : f32
    %max3A_13 = vector.broadcast %max3A : f32 to vector<1024x1xf32>
    %max3A_14 = arith.maximumf %broadcast_in_dim3A, %max3A_13 : vector<1024x1xf32>
    %div3A = vector.broadcast %max3A_14 : vector<1024x1xf32> to vector<1024x128xf32>
    %div3A_15 = arith.divf %add3A, %div3A : vector<1024x128xf32>
    %gt3A = arith.constant 0.000000e+00 : f32
    %gt3A_16 = vector.broadcast %gt3A : f32 to vector<1024x1xf32>
    %gt3A_17 = arith.cmpf ogt, %broadcast_in_dim3A, %gt3A_16 : vector<1024x1xf32>
    %convert_element_type3A = arith.extui %gt3A_17 : vector<1024x1xi1> to vector<1024x1xi32>
    %convert_element_type3A_18 = arith.sitofp %convert_element_type3A : vector<1024x1xi32> to vector<1024x1xf32>
    %get3A_19 = arith.constant 0 : index
    %get3A_20 = arith.constant 0 : index
    %get3A_21 = vector.load %arg6[%get3A_19, %get3A_20] : memref<128x128xf32, #tpu.memory_space<vmem>>, vector<128x128xf32>
    %dot_general3A = arith.constant dense<0.000000e+00> : vector<1024x128xf32>
    %dot_general3A_22 = tpu.matmul %div3A_15, %get3A_21, %dot_general3A {dimension_numbers = #tpu.dot_dimension_numbers<[1], [0], [0], [1], [0, 0, 1, 1], [], []>, transpose_lhs_hint = false} : vector<1024x128xf32>, vector<128x128xf32>, vector<1024x128xf32> -> vector<1024x128xf32>
    %get3A_23 = arith.constant 0 : index
    %get3A_24 = arith.constant 0 : index
    %get3A_25 = vector.load %arg7[%get3A_23, %get3A_24] : memref<1x128xf32, #tpu.memory_space<vmem>>, vector<1x128xf32>
    %mul3A = vector.broadcast %get3A_25 : vector<1x128xf32> to vector<1024x128xf32>
    %mul3A_26 = vector.broadcast %convert_element_type3A_18 : vector<1024x1xf32> to vector<1024x128xf32>
    %mul3A_27 = arith.mulf %mul3A, %mul3A_26 : vector<1024x128xf32>
    %add3A_28 = arith.addf %dot_general3A_22, %mul3A_27 : vector<1024x128xf32>
    %get3A_29 = arith.constant 0 : index
    %get3A_30 = arith.constant 0 : index
    %get3A_31 = vector.load %arg5[%get3A_29, %get3A_30] : memref<16x128xf32, #tpu.memory_space<vmem>>, vector<16x128xf32>
    %get3A_32 = arith.constant 0 : index
    %get3A_33 = arith.constant 0 : index
    %get3A_34 = vector.load %arg10[%get3A_32, %get3A_33] : memref<128x128xf32, #tpu.memory_space<vmem>>, vector<128x128xf32>
    %dot_general3A_35 = arith.constant dense<0.000000e+00> : vector<16x128xf32>
    %dot_general3A_36 = tpu.matmul %get3A_31, %get3A_34, %dot_general3A_35 {dimension_numbers = #tpu.dot_dimension_numbers<[1], [0], [0], [1], [0, 0, 1, 1], [], []>, transpose_lhs_hint = false} : vector<16x128xf32>, vector<128x128xf32>, vector<16x128xf32> -> vector<16x128xf32>
    %get3A_37 = arith.constant 0 : index
    %get3A_38 = arith.constant 0 : index
    %get3A_39 = arith.constant 0 : index
    %get3A_40 = vector.load %arg4[%get3A_37, %get3A_38, %get3A_39] : memref<1x1x1024xi32, #tpu.memory_space<vmem>>, vector<1x1x1024xi32>
    %get3A_41 = vector.shape_cast %get3A_40 : vector<1x1x1024xi32> to vector<1024xi32>
    %broadcast_in_dim3A_42 = vector.shape_cast %get3A_41 : vector<1024xi32> to vector<1024x1xi32>
    %iota3A = tpu.iota {dimensions = array<i32: 1>} : vector<1x16xi32>
    %iota3A_43 = vector.shape_cast %iota3A : vector<1x16xi32> to vector<16xi32>
    %broadcast_in_dim3A_44 = vector.shape_cast %iota3A_43 : vector<16xi32> to vector<1x16xi32>
    %eq3A = vector.broadcast %broadcast_in_dim3A_42 : vector<1024x1xi32> to vector<1024x16xi32>
    %eq3A_45 = vector.broadcast %broadcast_in_dim3A_44 : vector<1x16xi32> to vector<1024x16xi32>
    %eq3A_46 = arith.cmpi eq, %eq3A, %eq3A_45 : vector<1024x16xi32>
    %convert_element_type3A_47 = arith.extui %eq3A_46 : vector<1024x16xi1> to vector<1024x16xi32>
    %convert_element_type3A_48 = arith.sitofp %convert_element_type3A_47 : vector<1024x16xi32> to vector<1024x16xf32>
    %get3A_49 = arith.constant 0 : index
    %get3A_50 = arith.constant 0 : index
    %get3A_51 = vector.load %arg3[%get3A_49, %get3A_50] : memref<1024x128xf32, #tpu.memory_space<vmem>>, vector<1024x128xf32>
    %get3A_52 = arith.constant 0 : index
    %get3A_53 = arith.constant 0 : index
    %get3A_54 = vector.load %arg8[%get3A_52, %get3A_53] : memref<128x128xf32, #tpu.memory_space<vmem>>, vector<128x128xf32>
    %dot_general3A_55 = arith.constant dense<0.000000e+00> : vector<1024x128xf32>
    %dot_general3A_56 = tpu.matmul %get3A_51, %get3A_54, %dot_general3A_55 {dimension_numbers = #tpu.dot_dimension_numbers<[1], [0], [0], [1], [0, 0, 1, 1], [], []>, transpose_lhs_hint = false} : vector<1024x128xf32>, vector<128x128xf32>, vector<1024x128xf32> -> vector<1024x128xf32>
    %get3A_57 = arith.constant 0 : index
    %get3A_58 = arith.constant 0 : index
    %get3A_59 = vector.load %arg9[%get3A_57, %get3A_58] : memref<128x128xf32, #tpu.memory_space<vmem>>, vector<128x128xf32>
    %dot_general3A_60 = arith.constant dense<0.000000e+00> : vector<1024x128xf32>
    %dot_general3A_61 = tpu.matmul %add3A_28, %get3A_59, %dot_general3A_60 {dimension_numbers = #tpu.dot_dimension_numbers<[1], [0], [0], [1], [0, 0, 1, 1], [], []>, transpose_lhs_hint = false} : vector<1024x128xf32>, vector<128x128xf32>, vector<1024x128xf32> -> vector<1024x128xf32>
    %add3A_62 = arith.addf %dot_general3A_56, %dot_general3A_61 : vector<1024x128xf32>
    %dot_general3A_63 = arith.constant dense<0.000000e+00> : vector<1024x128xf32>
    %dot_general3A_64 = tpu.matmul %convert_element_type3A_48, %dot_general3A_36, %dot_general3A_63 {dimension_numbers = #tpu.dot_dimension_numbers<[1], [0], [0], [1], [0, 0, 1, 1], [], []>, transpose_lhs_hint = false} : vector<1024x16xf32>, vector<16x128xf32>, vector<1024x128xf32> -> vector<1024x128xf32>
    %add3A_65 = arith.addf %add3A_62, %dot_general3A_64 : vector<1024x128xf32>
    %get3A_66 = arith.constant 0 : index
    %get3A_67 = arith.constant 0 : index
    %get3A_68 = vector.load %arg11[%get3A_66, %get3A_67] : memref<1x128xf32, #tpu.memory_space<vmem>>, vector<1x128xf32>
    %add3A_69 = vector.broadcast %get3A_68 : vector<1x128xf32> to vector<1024x128xf32>
    %add3A_70 = arith.addf %add3A_65, %add3A_69 : vector<1024x128xf32>
    %max3A_71 = arith.constant 0.000000e+00 : f32
    %max3A_72 = vector.broadcast %max3A_71 : f32 to vector<1024x128xf32>
    %max3A_73 = arith.maximumf %add3A_70, %max3A_72 : vector<1024x128xf32>
    %get3A_74 = arith.constant 0 : index
    %get3A_75 = arith.constant 0 : index
    %get3A_76 = vector.load %arg12[%get3A_74, %get3A_75] : memref<128x128xf32, #tpu.memory_space<vmem>>, vector<128x128xf32>
    %dot_general3A_77 = arith.constant dense<0.000000e+00> : vector<1024x128xf32>
    %dot_general3A_78 = tpu.matmul %max3A_73, %get3A_76, %dot_general3A_77 {dimension_numbers = #tpu.dot_dimension_numbers<[1], [0], [0], [1], [0, 0, 1, 1], [], []>, transpose_lhs_hint = false} : vector<1024x128xf32>, vector<128x128xf32>, vector<1024x128xf32> -> vector<1024x128xf32>
    %get3A_79 = arith.constant 0 : index
    %get3A_80 = arith.constant 0 : index
    %get3A_81 = vector.load %arg13[%get3A_79, %get3A_80] : memref<1x128xf32, #tpu.memory_space<vmem>>, vector<1x128xf32>
    %add3A_82 = vector.broadcast %get3A_81 : vector<1x128xf32> to vector<1024x128xf32>
    %add3A_83 = arith.addf %dot_general3A_78, %add3A_82 : vector<1024x128xf32>
    %swap3A = arith.constant 0 : index
    %swap3A_84 = arith.constant 0 : index
    %swap3A_85 = vector.load %arg14[%swap3A, %swap3A_84] : memref<1024x128xf32, #tpu.memory_space<vmem>>, vector<1024x128xf32>
    tpu.vector_store %arg14[%swap3A, %swap3A_84], %add3A_83 {strides = array<i32>} : memref<1024x128xf32, #tpu.memory_space<vmem>>, vector<1024x128xf32>,
    return
  }
  func.func @transform_0(%arg0: i32) -> (i32, i32, i32) {
    %c0_i32 = arith.constant 0 : i32
    %c0_i32_0 = arith.constant 0 : i32
    %c0_i32_1 = arith.constant 0 : i32
    return %c0_i32, %arg0, %c0_i32_0 : i32, i32, i32
  }
  func.func @transform_1(%arg0: i32) -> (i32, i32) {
    %c0_i32 = arith.constant 0 : i32
    %c0_i32_0 = arith.constant 0 : i32
    return %c0_i32, %arg0 : i32, i32
  }
  func.func @transform_2(%arg0: i32) -> (i32, i32) {
    %c0_i32 = arith.constant 0 : i32
    %c0_i32_0 = arith.constant 0 : i32
    return %arg0, %c0_i32 : i32, i32
  }
  func.func @transform_3(%arg0: i32) -> (i32, i32, i32) {
    %c0_i32 = arith.constant 0 : i32
    %c0_i32_0 = arith.constant 0 : i32
    %c0_i32_1 = arith.constant 0 : i32
    return %arg0, %c0_i32, %c0_i32_0 : i32, i32, i32
  }
  func.func @transform_4(%arg0: i32) -> (i32, i32) {
    %c0_i32 = arith.constant 0 : i32
    %c0_i32_0 = arith.constant 0 : i32
    %c0_i32_1 = arith.constant 0 : i32
    return %c0_i32, %c0_i32_0 : i32, i32
  }
  func.func @transform_5(%arg0: i32) -> (i32, i32) {
    %c0_i32 = arith.constant 0 : i32
    %c0_i32_0 = arith.constant 0 : i32
    %c0_i32_1 = arith.constant 0 : i32
    return %c0_i32, %c0_i32_0 : i32, i32
  }
  func.func @transform_6(%arg0: i32) -> (i32, i32) {
    %c0_i32 = arith.constant 0 : i32
    %c0_i32_0 = arith.constant 0 : i32
    %c0_i32_1 = arith.constant 0 : i32
    return %c0_i32, %c0_i32_0 : i32, i32
  }
  func.func @transform_7(%arg0: i32) -> (i32, i32) {
    %c0_i32 = arith.constant 0 : i32
    %c0_i32_0 = arith.constant 0 : i32
    %c0_i32_1 = arith.constant 0 : i32
    return %c0_i32, %c0_i32_0 : i32, i32
  }
  func.func @transform_8(%arg0: i32) -> (i32, i32) {
    %c0_i32 = arith.constant 0 : i32
    %c0_i32_0 = arith.constant 0 : i32
    %c0_i32_1 = arith.constant 0 : i32
    return %c0_i32, %c0_i32_0 : i32, i32
  }
  func.func @transform_9(%arg0: i32) -> (i32, i32) {
    %c0_i32 = arith.constant 0 : i32
    %c0_i32_0 = arith.constant 0 : i32
    %c0_i32_1 = arith.constant 0 : i32
    return %c0_i32, %c0_i32_0 : i32, i32
  }
  func.func @transform_10(%arg0: i32) -> (i32, i32) {
    %c0_i32 = arith.constant 0 : i32
    %c0_i32_0 = arith.constant 0 : i32
    %c0_i32_1 = arith.constant 0 : i32
    return %c0_i32, %c0_i32_0 : i32, i32
  }
  func.func @transform_11(%arg0: i32) -> (i32, i32) {
    %c0_i32 = arith.constant 0 : i32
    %c0_i32_0 = arith.constant 0 : i32
    %c0_i32_1 = arith.constant 0 : i32
    return %c0_i32, %c0_i32_0 : i32, i32
  }
  func.func @transform_12(%arg0: i32) -> (i32, i32) {
    %c0_i32 = arith.constant 0 : i32
    %c0_i32_0 = arith.constant 0 : i32
    %c0_i32_1 = arith.constant 0 : i32
    return %c0_i32, %c0_i32_0 : i32, i32
  }
  func.func @transform_13(%arg0: i32) -> (i32, i32) {
    %c0_i32 = arith.constant 0 : i32
    %c0_i32_0 = arith.constant 0 : i32
    return %arg0, %c0_i32 : i32, i32
  }
}

</mosaic_0001>

<sc_bundles>
// kernel: kernel.6.cloned.1.call-start
scs
__scs_entry_jumppad:
0x0: {  	(pc) =	sbr.rel $0x88, $3  }
0x1: {  	(tag) =	ssettag $0x0;
	lr =	simm.s32 $0x1  }
0x2: {  	[smem:$0x3F94] =	sst lr;
	_ =	strace $0xD0000000  }
0x3: {  	_ = 	snop  }
0x4: {  	_ = 	snop  }
0x5: {  	_ = 	snop  }
0x6: {  	_ = 	snop  }
0x7: {  	_ = 	snop  }
__scs_overlays_trampoline_lowered:
0x8: {  	[smem:$0x3FA3] =	sst s0  }
0x9: {  	[smem:$0x3FA4] =	sst s1  }
0xa: {  	[smem:$0x3FA5] =	sst s2  }
0xb: {  	[smem:$0x3FA6] =	sst s3  }
0xc: {  	[smem:$0x3FA7] =	sst s4  }
0xd: {  	[smem:$0x3FA8] =	sst s5  }
0xe: {  	[smem:$0x3FA9] =	sst s6  }
0xf: {  	[smem:$0x3FAA] =	sst s7  }
0x10: {  	[smem:$0x3FAB] =	sst s8  }
0x11: {  	[smem:$0x3FAC] =	sst s9;
	s0 =	simm.s32 @!p0 $0x0  }
0x12: {  	s1 =	sld [smem:$0x3F92];
	s0 =	simm.s32 @p0 $0x1  }
0x13: {  	[smem:$0x3FAD] =	sst s0;
	s0 =	simm.s32 @!p1 $0x0  }
0x14: {  	s2 =	sld [smem:$0x3F91];
	s0 =	simm.s32 @p1 $0x1  }
0x15: {  	[smem:$0x3FAE] =	sst s0;
	s0 =	simm.s32 @!p2 $0x0  }
0x16: {  	s3 =	sld [smem:$0x3FDB];
	s0 =	simm.s32 @p2 $0x1  }
0x17: {  	s4 =	simm.s32 $0x1BF5;
	[smem:$0x3FB0] =	sst s0  }
0x18: {  	s0 =	sld [smem:$0x3F93];
	_ =	swait.ge [sflag:s4], $0x0  }
0x19: {  	s7 =	sld [smem:$0x3F94]  }
0x1a: {  	s8 =	sadd.s32 $0xFFFFE003, lr  }
0x1b: {  	s9 =	sadd.s32 $0xFFFFFEF7, lr;
	s5 =	simm.s32 $0xFFFFFFFF;
	p2 =	slt.u32 s8, $0xFFFFF086  }
0x1c: {  	p1 =	slt.u32 s9, $0xF7A;
	s5 =	simm.s32 @!p2 $0x0  }
0x1d: {  	s5 =	simm.s32 @p1 $0x1;
	p0 =	seq.s32 s7, s2  }
0x1e: {  	s7 =	smul.u32 @!p0 $0xF7A, s2;
	p2 =	seq.s32 @!p0 s5, $0x0  }
0x1f: {  	s9 =	smul.u32 $0xF7A, s1;
	s8 =	simm.s32 @!p0 $0x1BF5;
	p2 =	por !p2, p0  }
0x20: {  	[sflag:s8] =	ssyncset.s32 @!p0 $0xFFFFF086;
	s6 =	sadd.s32 @!p0 s3, s7;
	s7 =	simm.s32 @!p0 $0x108  }
0x21: {  	s3 =	sadd.s32 s3, s9;
	s6 =	sadd.s32 @!p0 $0x88, s6;
	s7 =	simm.s32 @p2 $0x1082  }
0x22: {  	[simem:s7], [sflag:s8] =	dma.local @!p0 [hbm:s6], $0xF7A  }
0x23: {  	s9 =	sor.u32 $0xD0000000, s2;
	s6 =	simm.s32 $0x108;
	_ =	swait.ge @!p0 [sflag:s8], $0x0  }
0x24: {  	s3 =	sadd.s32 $0x88, s3;
	s6 =	simm.s32 @!p1 $0x1082;
	[sflag:s4] =	ssyncset.s32 $0xFFFFF086  }
0x25: {  	[simem:s6], [sflag:s4] =	dma.local [hbm:s3], $0xF7A  }
0x26: {  	[smem:$0x3F94] =	sst s1;
	(tag) =	ssettag s2;
	_ =	strace s9  }
0x27: {  	s1 =	sld [smem:$0x3FA4]  }
0x28: {  	s2 =	sld [smem:$0x3FA5]  }
0x29: {  	s4 =	sld [smem:$0x3FA7]  }
0x2a: {  	p0 =	seq.s32 s5, $0x0;
	s5 =	sld [smem:$0x3FA8]  }
0x2b: {  	s6 =	sld [smem:$0x3FA9]  }
0x2c: {  	s7 =	sld [smem:$0x3FAA]  }
0x2d: {  	s3 =	simm.s32 $0x108;
	s8 =	sld [smem:$0x3FAB]  }
0x2e: {  	s3 =	simm.s32 @!p0 $0x1082;
	s9 =	sld [smem:$0x3FAC]  }
0x2f: {  	lr =	sadd.s32 s0, s3;
	s0 =	sld [smem:$0x3FA3]  }
0x30: {  	s3 =	sld [smem:$0x3FA6]  }
0x31: {  	[smem:$0x3FAF] =	sst s10  }
0x32: {  	s10 =	sld [smem:$0x3FAD];
	_ =	sdelay $0x3  }
0x33: {  	p0 =	seq.s32 s10, $0x1;
	s10 =	sld [smem:$0x3FAF];
	_ =	sdelay $0x3  }
0x34: {  	[smem:$0x3FAF] =	sst s10  }
0x35: {  	s10 =	sld [smem:$0x3FAE];
	_ =	sdelay $0x3  }
0x36: {  	p1 =	seq.s32 s10, $0x1;
	s10 =	sld [smem:$0x3FAF];
	_ =	sdelay $0x3  }
0x37: {  	[smem:$0x3FAF] =	sst s10  }
0x38: {  	s10 =	sld [smem:$0x3FB0]  }
0x39: {  	_ = 	snop;
	(pc) =	sbr.ind lr, $3  }
0x3a: {  	_ = 	snop  }
0x3b: {  	_ = 	snop  }
0x3c: {  	p2 =	seq.s32 s10, $0x1;
	s10 =	sld [smem:$0x3FAF]  }
0x3d: {  	_ =	shalt  }
0x3e: {  	_ =	shalt  }
0x3f: {  	_ =	shalt  }
0x40: {  	_ =	shalt  }
0x41: {  	_ =	shalt  }
0x42: {  	_ =	shalt  }
0x43: {  	_ =	shalt  }
0x44: {  	_ =	shalt  }
0x45: {  	_ =	shalt  }
0x46: {  	_ =	shalt  }
0x47: {  	_ =	shalt  }
0x48: {  	_ =	shalt  }
0x49: {  	_ =	shalt  }
0x4a: {  	_ =	shalt  }
0x4b: {  	_ =	shalt  }
0x4c: {  	_ =	shalt  }
0x4d: {  	_ =	shalt  }
0x4e: {  	_ =	shalt  }
0x4f: {  	_ =	shalt  }
0x50: {  	_ =	shalt  }
0x51: {  	_ =	shalt  }
0x52: {  	_ =	shalt  }
0x53: {  	_ =	shalt  }
0x54: {  	_ =	shalt  }
0x55: {  	_ =	shalt  }
0x56: {  	_ =	shalt  }
0x57: {  	_ =	shalt  }
0x58: {  	_ =	shalt  }
0x59: {  	_ =	shalt  }
0x5a: {  	_ =	shalt  }
0x5b: {  	_ =	shalt  }
0x5c: {  	_ =	shalt  }
0x5d: {  	_ =	shalt  }
0x5e: {  	_ =	shalt  }
0x5f: {  	_ =	shalt  }
0x60: {  	_ =	shalt  }
0x61: {  	_ =	shalt  }
0x62: {  	_ =	shalt  }
0x63: {  	_ =	shalt  }
0x64: {  	_ =	shalt  }
0x65: {  	_ =	shalt  }
0x66: {  	_ =	shalt  }
0x67: {  	_ =	shalt  }
0x68: {  	_ =	shalt  }
0x69: {  	_ =	shalt  }
0x6a: {  	_ =	shalt  }
0x6b: {  	_ =	shalt  }
0x6c: {  	_ =	shalt  }
0x6d: {  	_ =	shalt  }
0x6e: {  	_ =	shalt  }
0x6f: {  	_ =	shalt  }
0x70: {  	_ =	shalt  }
0x71: {  	_ =	shalt  }
0x72: {  	_ =	shalt  }
0x73: {  	_ =	shalt  }
0x74: {  	_ =	shalt  }
0x75: {  	_ =	shalt  }
0x76: {  	_ =	shalt  }
0x77: {  	_ =	shalt  }
0x78: {  	_ =	shalt  }
0x79: {  	_ =	shalt  }
0x7a: {  	_ =	shalt  }
0x7b: {  	_ =	shalt  }
0x7c: {  	_ =	shalt  }
0x7d: {  	_ =	shalt  }
0x7e: {  	_ =	shalt  }
0x7f: {  	_ =	shalt  }
0x80: {  	_ =	shalt  }
0x81: {  	_ =	shalt  }
0x82: {  	_ =	shalt  }
0x83: {  	_ =	shalt  }
0x84: {  	_ =	shalt  }
0x85: {  	_ =	shalt  }
0x86: {  	_ =	shalt  }
0x87: {  	_ =	shalt  }
.Lfunc_end0:
.L_simem_size_0:
called_computation_lowered:
.L_overlay_start_0:
0x88: {  	s2 =	sld [smem:$0x3FD9]  }
0x89: {  	s3 =	sld [smem:$0x3FFE];
	_ =	sdelay $0x1  }
0x8a: {  	s1 =	srdreg.scid  }
0x8b: {  	s0 =	sand.u32 $0x1, s1  }
0x8c: {  	s17 =	sshll.u32 s0, $0xA;
	s2 =	sadd.s32 s3, s2  }
0x8d: {  	s2 =	sadd.s32 s2, s17  }
0x8e: {  	[smem:$0x3FBB] =	sst s2  }
0x8f: {  	_ = 	snop  }
0x90: {  	s2 =	sld [smem:$0x3FD0];
	(tm) =	ssettm $0x1  }
0x91: {  	s18 =	sld [smem:$0x3FFB];
	_ =	sdelay $0x3  }
0x92: {  	_ =	strace s18  }
0x93: {  	s3 =	sld [smem:$0x3FFC];
	_ =	sdelay $0x3  }
0x94: {  	_ =	strace s3  }
0x95: {  	s3 =	sld [smem:$0x3FFD];
	_ =	sdelay $0x3  }
0x96: {  	_ =	strace s3  }
0x97: {  	_ =	strace $0x8FFFFFFF  }
0x98: {  	s19 =	sld [smem:$0x3FDB];
	_ =	sdelay $0x1  }
0x99: {  	s4 =	simm.s32 $_scs_section_size  }
0x9a: {  	s5 =	simm.s32 $_size__tile_overlayer_lowered;
	s6 =	simm.s32 $_tile_overlayer_lowered  }
0x9b: {  	s22 =	simm.s32 $0x1BFF;
	s21 =	sshll.u32 s6, $0x1;
	s3 =	sadd.s32 s4, s19  }
0x9c: {  	s7 =	simm.s32 $0x0;
	s20 =	sshll.u32 s5, $0x1;
	s5 =	sadd.s32 s21, s3  }
0x9d: {  	[timem:s7], [sflag:s22] =	dma.local [hbm:s5], s20  }
0x9e: {  	_ =	swait.ge [sflag:s22], s20  }
0x9f: {  	s4 =	ssub.s32 $0x0, s20;
	[sflag:s22] =	ssyncset.done $0x0  }
0xa0: {  	[sflag:s22] =	ssyncadd.s32 s4;
	_ =	sdelay $0x1  }
0xa1: {  	s23 =	simm.s32 $0x1B8B  }
0xa2: {  	_ =	swait.ge [sflag:s23], $0x1  }
0xa3: {  	[sflag:s23] =	ssyncset.done $0x0  }
0xa4: {  	s25 =	simm.s32 $0x1B8E;
	s24 =	sld [smem:$0x3FFE];
	[sflag:s23] =	ssyncadd.s32 $0xFFFFFFFF  }
0xa5: {  	s26 =	simm.s32 $execute0_lowered;
	[smem:$0x3FD2] =	sst s25  }
0xa6: {  	s5 =	sshll.u32 s26, $0x1;
	_ =	strace $0x80000046;
	[dreg:$0x1] =	wrdreg $0xFFFFFFFF  }
0xa7: {  	s28 =	simm.s32 $_size_execute0_lowered;
	s3 =	sadd.s32 s3, s5;
	[dreg:$0x0] =	wrdreg $0x0  }
0xa8: {  	s5 =	sshll.u32 s28, $0x1;
	[dreg:$0x2] =	wrdreg s3  }
0xa9: {  	[dreg:$0x3] =	wrdreg s5  }
0xaa: {  	[dreg:$0x4] =	wrdreg $0xC0  }
0xab: {  	_ =	task [dreg:s7], $0x5FFFF  }
0xac: {  	[dreg:$0x1] =	wrdreg $0xFFFFFFFF  }
0xad: {  	[dreg:$0x0] =	wrdreg $0x60  }
0xae: {  	[dreg:$0x2] =	wrdreg s2  }
0xaf: {  	[dreg:$0x3] =	wrdreg s24  }
0xb0: {  	[dreg:$0x4] =	wrdreg $0xAC000  }
0xb1: {  	[dreg:$0x5] =	wrdreg $0x9  }
0xb2: {  	_ =	task.clear_ibuf [dreg:s7], $0x6FFFF;
	_ =	strace $0x90000046  }
0xb3: {  	s29 =	simm.s32 $0x9;
	_ =	strace $0x80000048  }
0xb4: {  	_ =	swait.ge [sflag:s29], $0x1  }
0xb5: {  	[sflag:s29] =	ssyncadd.s32 $0xFFFFFFFF  }
0xb6: {  	_ =	strace $0x90000048  }
0xb7: {  	_ =	sfence  }
0xb8: {  	s30 =	sld [smem:$0x0];
	_ =	sdelay $0x2  }
0xb9: {  	s31 =	sshll.u32 s1, $0xD;
	s1 =	sshrl.u32 s1, $0x2  }
0xba: {  	s3 =	sand.u32 $0x4000, s31;
	s1 =	sadd.s32 s1, s30  }
0xbb: {  	s0 =	sor.u32 s3, s0;
	s1 =	sshll.u32 s1, $0x11  }
0xbc: {  	s0 =	sor.u32 s1, s0  }
0xbd: {  	s0 =	sadd.s32 $0x8F2B, s0  }
0xbe: {  	[sflag:s0] =	ssyncadd.remote.s32 $0x1  }
0xbf: {  	_ =	sfence.sel $0xFFFF  }
0xc0: {  	[dreg:$0x0] =	wrdreg $0xFFFFFFFF;
	(pc) =	sbr.abs _section_cstart, $3  }
0xc1: {  	[dreg:$0x1] =	wrdreg $0xFFFFFFFF  }
0xc2: {  	_ =	task.clear_ibuf [dreg:s7], $0x2FFFF;
	_ =	strace $0x9FFFFFFF  }
0xc3: {  	(tm) =	ssettm $0x7FFFFFFF  }
tec
execute0_lowered:
.L_overlay_start_1:
0x0: {  	(tag) =	ssettag $0x1  }
0x1: {  	s1 =	rddreg [dreg:$0x0]  }
0x2: {  	s0 =	rddreg [dreg:$0x1]  }
0x3: {  	s2 =	rddreg [dreg:$0x2]  }
0x4: {  	s3 =	srdreg.scid;
	s14 =	simm.s32 $0x0;
	s12 =	stileid.u32  }
0x5: {  	s13 =	simm.s32 $0xE0;
	s28 =	simm.s32 $0x7;
	s6 =	smul.u32 $0x14000, s12  }
0x6: {  	s29 =	simm.s32 $0xA;
	s30 =	simm.s32 $0x8;
	s10 =	smul.u32 $0x50000, s12  }
0x7: {  	s3 =	sand.u32 $0x1, s3;
	[smem:$0x7FF] =	sst s14;
	s11 =	smul.u32 $0x1700, s12  }
0x8: {  	s5 =	sadd.s32 $0x16200, s0;
	s15 =	sshrl.u32 s12, $0x2;
	s4 =	smul.u32 $0x140000, s3  }
0x9: {  	s7 =	sshll.u32 s12, $0x8;
	_ =	strace $0x80000047;
	s8 =	smul.u32 $0x14000, s15  }
0xa: {  	s9 =	sshll.u32 s3, $0x7;
	s7 =	sand.u32 $0x300, s7;
	s16 =	ssub.s32 $0x2, s3  }
0xb: {  	p0 =	seq.s32 s3, $0x0;
	s9 =	sor.u32 s9, s7;
	s7 =	sadd.s32 $0xC400, s0  }
0xc: {  	s17 =	sshrl.u32 s16, $0x1;
	s18 =	sshrl.u32 s10, $0x2;
	s10 =	smul.u32 $0x3800, s12  }
0xd: {  	s13 =	simm.s32 @!p0 $0x5C;
	s4 =	sadd.s32 s6, s4;
	s6 =	sadd.s32 $0x2600, s0  }
0xe: {  	s8 =	sor.u32 s8, s9;
	s20 =	sadd.s32 s18, s2;
	s9 =	sadd.s32 $0x38000, s11  }
0xf: {  	s4 =	sshrl.u32 s4, $0x3;
	s19 =	sadd.s32 $0x2000, s20;
	[dreg:$0x5] =	wrdreg s20  }
0x10: {  	s8 =	sshrl.u32 s8, $0x3;
	s21 =	sadd.s32 $0x4000, s20;
	[dreg:$0x6] =	wrdreg s19  }
0x11: {  	s9 =	smov.u32 @p0 s10;
	s22 =	sadd.s32 $0x6000, s20;
	[dreg:$0x7] =	wrdreg s21  }
0x12: {  	[dreg:$0x8] =	wrdreg s22;
	s23 =	sshrl.u32 s9, $0x3;
	s22 =	sadd.s32 $0x8000, s20  }
0x13: {  	s4 =	sadd.s32 s4, s0;
	s24 =	sadd.s32 s6, s23;
	[dreg:$0x15] =	wrdreg s22  }
0x14: {  	s0 =	sadd.s32 s8, s0;
	s3 =	sadd.s32 s7, s23;
	[dreg:$0x9] =	wrdreg s24  }
0x15: {  	s8 =	ssub.s32 s16, s17;
	s19 =	sadd.s32 $0x511200, s4;
	[dreg:$0xa] =	wrdreg s3  }
0x16: {  	s25 =	sor.u32 $0x40, s9;
	s0 =	sadd.s32 $0x561200, s0;
	[dreg:$0x12] =	wrdreg s19  }
0x17: {  	s26 =	sshll.u32 s9, $0x4;
	s21 =	smax.u32 s8, $0x1;
	[dreg:$0x13] =	wrdreg s0  }
0x18: {  	s31 =	sshrl.u32 s25, $0x3;
	s23 =	sadd.s32 $0xA000, s20;
	[dreg:$0x14] =	wrdreg s21  }
0x19: {  	s10 =	sshll.u32 s25, $0x4;
	s25 =	sadd.s32 $0xE000, s20;
	[dreg:$0x16] =	wrdreg s23  }
0x1a: {  	s15 =	sor.u32 $0x80, s9;
	s3 =	sadd.s32 s5, s26;
	[dreg:$0x18] =	wrdreg s25  }
0x1b: {  	s16 =	sshrl.u32 s15, $0x3;
	s12 =	sadd.s32 s6, s31;
	[dreg:$0xb] =	wrdreg s3  }
0x1c: {  	s22 =	simm.s32 $0x80;
	s11 =	sadd.s32 s7, s31;
	[dreg:$0xc] =	wrdreg s12  }
0x1d: {  	s10 =	sadd.s32 s5, s10;
	s17 =	sadd.s32 s6, s16;
	[dreg:$0xd] =	wrdreg s11  }
0x1e: {  	s18 =	sadd.s32 s7, s16;
	s24 =	sadd.s32 $0xC000, s20;
	[dreg:$0xe] =	wrdreg s10  }
0x1f: {  	s26 =	sadd.s32 $0x10000, s20;
	s31 =	sadd.s32 $0x12000, s20;
	[dreg:$0xf] =	wrdreg s17  }
0x20: {  	s16 =	simm.s32 $0x280;
	s19 =	simm.s32 $0x4400;
	[dreg:$0x10] =	wrdreg s18  }
0x21: {  	s21 =	simm.s32 $0x40;
	s23 =	simm.s32 $0x5;
	[dreg:$0x17] =	wrdreg s24  }
0x22: {  	s25 =	simm.s32 $0x6;
	s3 =	sshll.u32 s15, $0x4;
	[dreg:$0x19] =	wrdreg s26  }
0x23: {  	[dreg:$0x1a] =	wrdreg s31;
	s10 =	sadd.s32 $0xFFFFFFFE, s13;
	s11 =	simm.s32 $0x400  }
0x24: {  	s12 =	simm.s32 $0xD;
	s17 =	simm.s32 $0x2400;
	s18 =	simm.s32 $0x300  }
0x25: {  	s24 =	simm.s32 $0x8400;
	s26 =	simm.s32 $0x9;
	s3 =	sadd.s32 s5, s3  }
0x26: {  	v0 =	vimm.f32 $0.0e+00;
	v1 =	vimm.f32 $1.000000000e+00;
	s15 =	simm.s32 $0xB;
	[dreg:$0x11] =	wrdreg s3;
	s3 =	sshrl.u32 s13, $0x2  }
.LBB2_1:
0x27: {  	s4 =	simm.s32 $0x0;
	s8 =	simm.s32 $0x200  }
.LBB2_2:
0x28: {  	p0 =	sne.s32 s8, $0x7E00;
	[tilespmem:s4+$0x470] =	vst v0  }
0x29: {  	[tilespmem:s4+$0x400] =	vst v0  }
0x2a: {  	[tilespmem:s4+$0x410] =	vst v0  }
.Ltmp0:
0x2b: {  	[tilespmem:s4+$0x420] =	vst v0;
	(pc) =	sbr.rel @p0 .LBB2_2-.Ltmp0, $4  }
0x2c: {  	[tilespmem:s4+$0x430] =	vst v0  }
0x2d: {  	[tilespmem:s4+$0x440] =	vst v0  }
0x2e: {  	[tilespmem:s4+$0x450] =	vst v0  }
0x2f: {  	[tilespmem:s4+$0x460] =	vst v0;
	s4 =	sshra.s32 s8, $0x2;
	s8 =	sadd.s32 $0x200, s8  }
0x30: {  	[tilespmem:s4+$0x470] =	vst v0  }
0x31: {  	[tilespmem:s4+$0x400] =	vst v0  }
0x32: {  	[tilespmem:s4+$0x410] =	vst v0  }
0x33: {  	[tilespmem:s4+$0x420] =	vst v0  }
0x34: {  	[tilespmem:s4+$0x430] =	vst v0  }
0x35: {  	[tilespmem:s4+$0x440] =	vst v0  }
0x36: {  	[tilespmem:s4+$0x450] =	vst v0  }
0x37: {  	[dreg:$0x4] =	wrdreg s14;
	[tilespmem:s4+$0x460] =	vst v0  }
0x38: {  	[spmem:s20] =	stream.linear.scatter [tilespmem:s11], [sflag:$0xD], $0x2000, $0x38;
	[tilespmem:$0x1EC00] =	vst v63  }
0x39: {  	_ =	swait.ge [sflag:s12], $0x2000  }
0x3a: {  	[sflag:s12] =	ssyncset.done $0x0  }
0x3b: {  	s0 =	rddreg [dreg:$0x6];
	[sflag:s12] =	ssyncadd.s32 $0xFFFFE000  }
0x3c: {  	[spmem:s0] =	stream.linear.scatter [tilespmem:s11], [sflag:$0xD], $0x2000, $0x38;
	[tilespmem:$0x1EC00] =	vst v63  }
0x3d: {  	_ =	swait.ge [sflag:s12], $0x2000  }
0x3e: {  	[sflag:s12] =	ssyncset.done $0x0  }
0x3f: {  	s14 =	rddreg [dreg:$0x7];
	[sflag:s12] =	ssyncadd.s32 $0xFFFFE000  }
0x40: {  	[spmem:s14] =	stream.linear.scatter [tilespmem:s11], [sflag:$0xD], $0x2000, $0x38;
	[tilespmem:$0x1EC00] =	vst v63  }
0x41: {  	_ =	swait.ge [sflag:s12], $0x2000  }
0x42: {  	[sflag:s12] =	ssyncset.done $0x0  }
0x43: {  	s20 =	rddreg [dreg:$0x8];
	[sflag:s12] =	ssyncadd.s32 $0xFFFFE000  }
0x44: {  	[spmem:s20] =	stream.linear.scatter [tilespmem:s11], [sflag:$0xD], $0x2000, $0x38;
	[tilespmem:$0x1EC00] =	vst v63  }
0x45: {  	_ =	swait.ge [sflag:s12], $0x2000  }
0x46: {  	[sflag:s12] =	ssyncset.done $0x0  }
0x47: {  	s31 =	rddreg [dreg:$0x15];
	[sflag:s12] =	ssyncadd.s32 $0xFFFFE000  }
0x48: {  	[spmem:s31] =	stream.linear.scatter [tilespmem:s11], [sflag:$0xD], $0x2000, $0x38;
	[tilespmem:$0x1EC00] =	vst v63  }
0x49: {  	_ =	swait.ge [sflag:s12], $0x2000  }
0x4a: {  	[sflag:s12] =	ssyncset.done $0x0  }
0x4b: {  	s4 =	rddreg [dreg:$0x16];
	[sflag:s12] =	ssyncadd.s32 $0xFFFFE000  }
0x4c: {  	[spmem:s4] =	stream.linear.scatter [tilespmem:s11], [sflag:$0xD], $0x2000, $0x38;
	[tilespmem:$0x1EC00] =	vst v63  }
0x4d: {  	_ =	swait.ge [sflag:s12], $0x2000  }
0x4e: {  	[sflag:s12] =	ssyncset.done $0x0  }
0x4f: {  	s8 =	rddreg [dreg:$0x17];
	[sflag:s12] =	ssyncadd.s32 $0xFFFFE000  }
0x50: {  	[spmem:s8] =	stream.linear.scatter [tilespmem:s11], [sflag:$0xD], $0x2000, $0x38;
	[tilespmem:$0x1EC00] =	vst v63  }
0x51: {  	_ =	swait.ge [sflag:s12], $0x2000  }
0x52: {  	[sflag:s12] =	ssyncset.done $0x0  }
0x53: {  	s14 =	rddreg [dreg:$0x18];
	[sflag:s12] =	ssyncadd.s32 $0xFFFFE000  }
0x54: {  	[spmem:s14] =	stream.linear.scatter [tilespmem:s11], [sflag:$0xD], $0x2000, $0x38;
	[tilespmem:$0x1EC00] =	vst v63  }
0x55: {  	_ =	swait.ge [sflag:s12], $0x2000  }
0x56: {  	[sflag:s12] =	ssyncset.done $0x0  }
0x57: {  	s20 =	rddreg [dreg:$0x19];
	[sflag:s12] =	ssyncadd.s32 $0xFFFFE000  }
0x58: {  	[spmem:s20] =	stream.linear.scatter [tilespmem:s11], [sflag:$0xD], $0x2000, $0x38;
	[tilespmem:$0x1EC00] =	vst v63  }
0x59: {  	_ =	swait.ge [sflag:s12], $0x2000  }
0x5a: {  	[sflag:s12] =	ssyncset.done $0x0  }
0x5b: {  	s31 =	rddreg [dreg:$0x1a];
	[sflag:s12] =	ssyncadd.s32 $0xFFFFE000  }
0x5c: {  	[spmem:s31] =	stream.linear.scatter [tilespmem:s11], [sflag:$0xD], $0x2000, $0x38;
	[tilespmem:$0x1EC00] =	vst v63  }
0x5d: {  	_ =	swait.ge [sflag:s12], $0x2000  }
0x5e: {  	[sflag:s12] =	ssyncset.done $0x0  }
0x5f: {  	s4 =	simm.s32 $0x40;
	s8 =	simm.s32 $0x0;
	[sflag:s12] =	ssyncadd.s32 $0xFFFFE000  }
.LBB2_4:
0x60: {  	p0 =	sne.s32 s4, $0x9FC0;
	[tilespmem:s8+$0x8400] =	vst v0;
	s8 =	smov.u32 s4;
	s4 =	sadd.s32 $0x40, s4  }
.Ltmp1:
0x61: {  	(pc) =	sbr.rel @p0 .LBB2_4-.Ltmp1, $2  }
0x62: {  	_ =	sdelay $0x2  }
0x63: {  	s8 =	sshra.s32 s8, $0x2  }
0x64: {  	[tilespmem:s8+$0x8400] =	vst v0  }
0x65: {  	[bflag:$0x0] =	sbarrier.arrive $0xFFFF  }
0x66: {  	s8 =	simm.s32 $0x0;
	s0 =	rddreg [dreg:$0x9]  }
0x67: {  	[tilespmem:s8], [sflag:$0x1] =	stream.linear.gather [hbm4b:s0+s8], $0x40, $0x38;
	[tilespmem:$0x1EC00] =	vst v63  }
0x68: {  	s4 =	simm.s32 $0x200;
	s14 =	rddreg [dreg:$0xa]  }
0x69: {  	[tilespmem:s4], [sflag:$0x1] =	stream.linear.gather [hbm4b:s14+s8], $0x40, $0x38;
	[tilespmem:$0x1EC00] =	vst v63  }
0x6a: {  	s20 =	rddreg [dreg:$0xb]  }
0x6b: {  	[tilespmem:s11], [sflag:$0x1] =	stream.linear.gather [hbm4b:s20+s8], $0x2000, $0x38;
	[tilespmem:$0x1EC00] =	vst v63  }
0x6c: {  	s31 =	rddreg [dreg:$0xc]  }
0x6d: {  	[tilespmem:s22], [sflag:$0x2] =	stream.linear.gather [hbm4b:s31+s8], $0x40, $0x38;
	[tilespmem:$0x1EC00] =	vst v63  }
0x6e: {  	s4 =	rddreg [dreg:$0xd]  }
0x6f: {  	[tilespmem:s16], [sflag:$0x2] =	stream.linear.gather [hbm4b:s4+s8], $0x40, $0x38;
	[tilespmem:$0x1EC00] =	vst v63  }
0x70: {  	s14 =	rddreg [dreg:$0xe]  }
0x71: {  	[tilespmem:s17], [sflag:$0x2] =	stream.linear.gather [hbm4b:s14+s8], $0x2000, $0x38;
	[tilespmem:$0x1EC00] =	vst v63  }
0x72: {  	s20 =	rddreg [dreg:$0xf];
	s31 =	simm.s32 $0x100  }
0x73: {  	[tilespmem:s31], [sflag:$0x3] =	stream.linear.gather [hbm4b:s20+s8], $0x40, $0x38;
	[tilespmem:$0x1EC00] =	vst v63  }
0x74: {  	s4 =	rddreg [dreg:$0x10]  }
0x75: {  	[tilespmem:s18], [sflag:$0x3] =	stream.linear.gather [hbm4b:s4+s8], $0x40, $0x38;
	[tilespmem:$0x1EC00] =	vst v63  }
0x76: {  	s14 =	rddreg [dreg:$0x11];
	s20 =	simm.s32 $0x1  }
0x77: {  	[tilespmem:s19], [sflag:$0x3] =	stream.linear.gather [hbm4b:s14+s8], $0x2000, $0x38;
	[tilespmem:$0x1EC00] =	vst v63  }
0x78: {  	_ =	swait.ge [sflag:s20], $0x40  }
0x79: {  	[sflag:s20] =	ssyncset.done $0x0  }
0x7a: {  	[sflag:s20] =	ssyncadd.s32 $0xFFFFFFC0  }
0x7b: {  	_ =	swait.ge [sflag:s20], $0x40  }
0x7c: {  	[sflag:s20] =	ssyncset.done $0x0  }
0x7d: {  	[sflag:s20] =	ssyncadd.s32 $0xFFFFFFC0  }
0x7e: {  	_ =	swait.ge [sflag:s20], $0x2000  }
0x7f: {  	[sflag:s20] =	ssyncset.done $0x0  }
0x80: {  	s31 =	simm.s32 $0x2;
	[sflag:s20] =	ssyncadd.s32 $0xFFFFE000  }
0x81: {  	[tilespmem:s11], [sflag:$0x5] =	stream.indirect.gather.add.f32 [hbm:s1], $0x80, s8, s21, $0xb8;
	[tilespmem:$0x1EC00] =	vst v63  }
0x82: {  	_ =	swait.ge [sflag:s31], $0x40  }
0x83: {  	[sflag:s31] =	ssyncset.done $0x0  }
0x84: {  	[sflag:s31] =	ssyncadd.s32 $0xFFFFFFC0  }
0x85: {  	_ =	swait.ge [sflag:s31], $0x40  }
0x86: {  	[sflag:s31] =	ssyncset.done $0x0  }
0x87: {  	[sflag:s31] =	ssyncadd.s32 $0xFFFFFFC0  }
0x88: {  	_ =	swait.ge [sflag:s31], $0x2000  }
0x89: {  	[sflag:s31] =	ssyncset.done $0x0  }
0x8a: {  	[sflag:s31] =	ssyncadd.s32 $0xFFFFE000  }
0x8b: {  	[tilespmem:s17], [sflag:$0x6] =	stream.indirect.gather.add.f32 [hbm:s1], $0x80, s22, s21, $0xb8;
	[tilespmem:$0x1EC00] =	vst v63  }
.LBB2_6:
0x8c: {  	s20 =	sshll.u32 s8, $0x2  }
0x8d: {  	p0 =	sge.u32 s20, s10  }
0x8e: {  	s4 =	simm.s32 @!p0 $0x3  }
0x8f: {  	_ =	swait.ge @!p0 [sflag:s4], $0x40  }
0x90: {  	[sflag:s4] =	ssyncset.done @!p0 $0x0  }
0x91: {  	[sflag:s4] =	ssyncadd.s32 @!p0 $0xFFFFFFC0  }
0x92: {  	_ =	swait.ge @!p0 [sflag:s4], $0x40  }
0x93: {  	[sflag:s4] =	ssyncset.done @!p0 $0x0  }
0x94: {  	[sflag:s4] =	ssyncadd.s32 @!p0 $0xFFFFFFC0  }
0x95: {  	_ =	swait.ge @!p0 [sflag:s4], $0x2000  }
0x96: {  	s22 =	simm.s32 @!p0 $0x100;
	[sflag:s4] =	ssyncset.done @!p0 $0x0  }
0x97: {  	s31 =	simm.s32 @!p0 $0x4400;
	[sflag:s4] =	ssyncadd.s32 @!p0 $0xFFFFE000;
	s4 =	simm.s32 @!p0 $0x40  }
0x98: {  	[tilespmem:s31], [sflag:$0x7] =	stream.indirect.gather.add.f32 @!p0 [hbm:s1], $0x80, s22, s4, $0xb8;
	[tilespmem:$0x1EC00] =	vst v63  }
0x99: {  	_ =	swait.ge [sflag:s23], $0x2000  }
0x9a: {  	[sflag:s23] =	ssyncset.done $0x0  }
0x9b: {  	s22 =	simm.s32 $0x0;
	[sflag:s23] =	ssyncadd.s32 $0xFFFFE000  }
0x9c: {  	v4 =	vld [tilespmem:s22+$0x400]  }
0x9d: {  	v6 =	vld [tilespmem:s22+$0x410]  }
0x9e: {  	v5 =	vld [tilespmem:s22+$0x420]  }
0x9f: {  	v3 =	vld [tilespmem:s22+$0x430]  }
0xa0: {  	v2 =	vld [tilespmem:s22+$0x440]  }
0xa1: {  	v7 =	vmax.f32 v4, $0.0e+00;
	v4 =	vld [tilespmem:s22+$0x450]  }
0xa2: {  	s4 =	simm.s32 $0x200;
	[tilespmem:s22+$0x400] =	vst v7;
	v7 =	vmax.f32 v6, $0.0e+00;
	v6 =	vld [tilespmem:s22+$0x460]  }
.LBB2_7:
0xa3: {  	s31 =	sshra.s32 s4, $0x2;
	p0 =	sne.s32 s4, $0x7E00;
	[tilespmem:s22+$0x410] =	vst v7;
	v5 =	vmax.f32 v5, $0.0e+00;
	v7 =	vld [tilespmem:s22+$0x470]  }
0xa4: {  	v8 =	vld [tilespmem:s31+$0x400];
	[tilespmem:s22+$0x420] =	vst v5;
	v3 =	vmax.f32 v3, $0.0e+00  }
0xa5: {  	v9 =	vld [tilespmem:s31+$0x410];
	[tilespmem:s22+$0x430] =	vst v3;
	v2 =	vmax.f32 v2, $0.0e+00  }
.Ltmp2:
0xa6: {  	v5 =	vld [tilespmem:s31+$0x420];
	[tilespmem:s22+$0x440] =	vst v2;
	v2 =	vmax.f32 v4, $0.0e+00;
	(pc) =	sbr.rel @p0 .LBB2_7-.Ltmp2, $4  }
0xa7: {  	v3 =	vld [tilespmem:s31+$0x430];
	[tilespmem:s22+$0x450] =	vst v2;
	v4 =	vmax.f32 v6, $0.0e+00  }
0xa8: {  	v2 =	vld [tilespmem:s31+$0x440];
	[tilespmem:s22+$0x460] =	vst v4;
	v6 =	vmax.f32 v7, $0.0e+00  }
0xa9: {  	v7 =	vmax.f32 v8, $0.0e+00;
	v4 =	vld [tilespmem:s31+$0x450];
	[tilespmem:s22+$0x470] =	vst v6;
	s22 =	smov.u32 s31  }
0xaa: {  	s4 =	sadd.s32 $0x200, s4;
	[tilespmem:s22+$0x400] =	vst v7;
	v7 =	vmax.f32 v9, $0.0e+00;
	v6 =	vld [tilespmem:s22+$0x460]  }
0xab: {  	[tilespmem:s22+$0x410] =	vst v7;
	v5 =	vmax.f32 v5, $0.0e+00;
	v7 =	vld [tilespmem:s22+$0x470]  }
0xac: {  	[tilespmem:s22+$0x420] =	vst v5;
	v3 =	vmax.f32 v3, $0.0e+00  }
0xad: {  	[tilespmem:s22+$0x430] =	vst v3;
	v2 =	vmax.f32 v2, $0.0e+00  }
0xae: {  	[tilespmem:s22+$0x440] =	vst v2;
	v2 =	vmax.f32 v4, $0.0e+00  }
0xaf: {  	[tilespmem:s22+$0x450] =	vst v2;
	v2 =	vmax.f32 v6, $0.0e+00  }
0xb0: {  	[tilespmem:s22+$0x460] =	vst v2;
	v2 =	vmax.f32 v7, $0.0e+00  }
0xb1: {  	s0 =	simm.s32 $0x200;
	[tilespmem:s22+$0x470] =	vst v2  }
0xb2: {  	[spmem:s2] =	stream.indirect.scatter.add.f32 [tilespmem:s11], [sflag:$0x9], $0x80, s0, s21, $0xb8;
	[tilespmem:$0x1EC00] =	vst v63  }
0xb3: {  	v2 =	vld [tilespmem:$0x200];
	_ =	sdelay $0x7  }
0xb4: {  	[tilespmem:v2+s24+$0x0] =	vst.idx.add.f32.msk $0xffff, v1  }
0xb5: {  	v2 =	vld [tilespmem:$0x210];
	_ =	sdelay $0x7  }
0xb6: {  	[tilespmem:v2+s24+$0x0] =	vst.idx.add.f32.msk $0xffff, v1  }
0xb7: {  	v2 =	vld [tilespmem:$0x220];
	_ =	sdelay $0x7  }
0xb8: {  	[tilespmem:v2+s24+$0x0] =	vst.idx.add.f32.msk $0xffff, v1  }
0xb9: {  	v2 =	vld [tilespmem:$0x230];
	_ =	sdelay $0x6  }
0xba: {  	p1 =	seq.s32 s20, $0x0;
	s4 =	sor.u32 $0x3, s20  }
0xbb: {  	p0 =	sge.u32 s4, s13;
	s22 =	simm.s32 @!p1 $0xC;
	[tilespmem:v2+s24+$0x0] =	vst.idx.add.f32.msk $0xffff, v1  }
0xbc: {  	s4 =	sshll.u32 @!p0 s4, $0x6;
	_ =	swait.ge @!p1 [sflag:s22], $0x2000  }
0xbd: {  	s4 =	sadd.s32 @!p0 s9, s4;
	[sflag:s22] =	ssyncset.done @!p1 $0x0  }
0xbe: {  	[sflag:s22] =	ssyncadd.s32 @!p1 $0xFFFFE000;
	s22 =	sshrl.u32 @!p0 s4, $0x3  }
0xbf: {  	s14 =	simm.s32 @!p0 $0x0;
	s0 =	simm.s32 @!p0 $0x180;
	s31 =	sadd.s32 @!p0 s6, s22  }
0xc0: {  	[tilespmem:s0], [sflag:$0x4] =	stream.linear.gather @!p0 [hbm4b:s31+s14], $0x40, $0x38;
	[tilespmem:$0x1EC00] =	vst v63  }
0xc1: {  	s4 =	sshll.u32 @!p0 s4, $0x4;
	s22 =	sadd.s32 @!p0 s7, s22;
	s31 =	simm.s32 @!p0 $0x380  }
0xc2: {  	[tilespmem:s31], [sflag:$0x4] =	stream.linear.gather @!p0 [hbm4b:s22+s14], $0x40, $0x38;
	[tilespmem:$0x1EC00] =	vst v63  }
0xc3: {  	s4 =	sadd.s32 @!p0 s5, s4;
	s22 =	simm.s32 @!p0 $0x6400  }
0xc4: {  	[tilespmem:s22], [sflag:$0x4] =	stream.linear.gather @!p0 [hbm4b:s4+s14], $0x2000, $0x38;
	[tilespmem:$0x1EC00] =	vst v63  }
0xc5: {  	s4 =	simm.s32 @!p0 $0x4  }
0xc6: {  	_ =	swait.ge @!p0 [sflag:s4], $0x40  }
0xc7: {  	[sflag:s4] =	ssyncset.done @!p0 $0x0  }
0xc8: {  	[sflag:s4] =	ssyncadd.s32 @!p0 $0xFFFFFFC0  }
0xc9: {  	_ =	swait.ge @!p0 [sflag:s4], $0x40  }
0xca: {  	[sflag:s4] =	ssyncset.done @!p0 $0x0  }
0xcb: {  	[sflag:s4] =	ssyncadd.s32 @!p0 $0xFFFFFFC0  }
0xcc: {  	_ =	swait.ge @!p0 [sflag:s4], $0x2000  }
0xcd: {  	[sflag:s4] =	ssyncset.done @!p0 $0x0  }
0xce: {  	[sflag:s4] =	ssyncadd.s32 @!p0 $0xFFFFE000;
	s4 =	simm.s32 @!p0 $0x40  }
0xcf: {  	[tilespmem:s22], [sflag:$0x8] =	stream.indirect.gather.add.f32 @!p0 [hbm:s1], $0x80, s0, s4, $0xb8;
	[tilespmem:$0x1EC00] =	vst v63  }
0xd0: {  	_ =	swait.ge [sflag:s25], $0x2000  }
0xd1: {  	[sflag:s25] =	ssyncset.done $0x0  }
0xd2: {  	s22 =	simm.s32 $0x0;
	[sflag:s25] =	ssyncadd.s32 $0xFFFFE000  }
0xd3: {  	v4 =	vld [tilespmem:s22+$0x2400]  }
0xd4: {  	v6 =	vld [tilespmem:s22+$0x2410]  }
0xd5: {  	v5 =	vld [tilespmem:s22+$0x2420]  }
0xd6: {  	v3 =	vld [tilespmem:s22+$0x2430]  }
0xd7: {  	v2 =	vld [tilespmem:s22+$0x2440]  }
0xd8: {  	v7 =	vmax.f32 v4, $0.0e+00;
	v4 =	vld [tilespmem:s22+$0x2450]  }
0xd9: {  	s4 =	simm.s32 $0x200;
	[tilespmem:s22+$0x2400] =	vst v7;
	v7 =	vmax.f32 v6, $0.0e+00;
	v6 =	vld [tilespmem:s22+$0x2460]  }
.LBB2_9:
0xda: {  	s0 =	sshra.s32 s4, $0x2;
	p0 =	sne.s32 s4, $0x7E00;
	[tilespmem:s22+$0x2410] =	vst v7;
	v5 =	vmax.f32 v5, $0.0e+00;
	v7 =	vld [tilespmem:s22+$0x2470]  }
0xdb: {  	v8 =	vld [tilespmem:s0+$0x2400];
	[tilespmem:s22+$0x2420] =	vst v5;
	v3 =	vmax.f32 v3, $0.0e+00  }
0xdc: {  	v9 =	vld [tilespmem:s0+$0x2410];
	[tilespmem:s22+$0x2430] =	vst v3;
	v2 =	vmax.f32 v2, $0.0e+00  }
.Ltmp3:
0xdd: {  	v5 =	vld [tilespmem:s0+$0x2420];
	[tilespmem:s22+$0x2440] =	vst v2;
	v2 =	vmax.f32 v4, $0.0e+00;
	(pc) =	sbr.rel @p0 .LBB2_9-.Ltmp3, $4  }
0xde: {  	v3 =	vld [tilespmem:s0+$0x2430];
	[tilespmem:s22+$0x2450] =	vst v2;
	v4 =	vmax.f32 v6, $0.0e+00  }
0xdf: {  	v2 =	vld [tilespmem:s0+$0x2440];
	[tilespmem:s22+$0x2460] =	vst v4;
	v6 =	vmax.f32 v7, $0.0e+00  }
0xe0: {  	v7 =	vmax.f32 v8, $0.0e+00;
	v4 =	vld [tilespmem:s0+$0x2450];
	[tilespmem:s22+$0x2470] =	vst v6;
	s22 =	smov.u32 s0  }
0xe1: {  	s4 =	sadd.s32 $0x200, s4;
	[tilespmem:s22+$0x2400] =	vst v7;
	v7 =	vmax.f32 v9, $0.0e+00;
	v6 =	vld [tilespmem:s22+$0x2460]  }
0xe2: {  	[tilespmem:s22+$0x2410] =	vst v7;
	v5 =	vmax.f32 v5, $0.0e+00;
	v7 =	vld [tilespmem:s22+$0x2470]  }
0xe3: {  	[tilespmem:s22+$0x2420] =	vst v5;
	v3 =	vmax.f32 v3, $0.0e+00  }
0xe4: {  	[tilespmem:s22+$0x2430] =	vst v3;
	v2 =	vmax.f32 v2, $0.0e+00  }
0xe5: {  	[tilespmem:s22+$0x2440] =	vst v2;
	v2 =	vmax.f32 v4, $0.0e+00  }
0xe6: {  	[tilespmem:s22+$0x2450] =	vst v2;
	v2 =	vmax.f32 v6, $0.0e+00  }
0xe7: {  	[tilespmem:s22+$0x2460] =	vst v2;
	v2 =	vmax.f32 v7, $0.0e+00  }
0xe8: {  	[tilespmem:s22+$0x2470] =	vst v2  }
0xe9: {  	[spmem:s2] =	stream.indirect.scatter.add.f32 [tilespmem:s17], [sflag:$0xA], $0x80, s16, s21, $0xb8;
	[tilespmem:$0x1EC00] =	vst v63  }
0xea: {  	v2 =	vld [tilespmem:$0x280];
	_ =	sdelay $0x7  }
0xeb: {  	[tilespmem:v2+s24+$0x0] =	vst.idx.add.f32.msk $0xffff, v1  }
0xec: {  	v2 =	vld [tilespmem:$0x290];
	_ =	sdelay $0x7  }
0xed: {  	[tilespmem:v2+s24+$0x0] =	vst.idx.add.f32.msk $0xffff, v1  }
0xee: {  	v2 =	vld [tilespmem:$0x2A0];
	_ =	sdelay $0x7  }
0xef: {  	[tilespmem:v2+s24+$0x0] =	vst.idx.add.f32.msk $0xffff, v1  }
0xf0: {  	v2 =	vld [tilespmem:$0x2B0];
	_ =	sdelay $0x5  }
0xf1: {  	s0 =	sadd.s32 $0x4, s20  }
0xf2: {  	p0 =	sge.u32 s0, s13  }
0xf3: {  	s0 =	sshll.u32 @!p0 s0, $0x6;
	[tilespmem:v2+s24+$0x0] =	vst.idx.add.f32.msk $0xffff, v1  }
0xf4: {  	s0 =	sadd.s32 @!p0 s9, s0;
	_ =	swait.ge [sflag:s26], $0x2000  }
0xf5: {  	s4 =	sshrl.u32 @!p0 s0, $0x3;
	[sflag:s26] =	ssyncset.done $0x0  }
0xf6: {  	s14 =	sadd.s32 @!p0 s6, s4;
	s22 =	simm.s32 @!p0 $0x0;
	[sflag:s26] =	ssyncadd.s32 $0xFFFFE000  }
0xf7: {  	[tilespmem:s22], [sflag:$0x1] =	stream.linear.gather @!p0 [hbm4b:s14+s22], $0x40, $0x38;
	[tilespmem:$0x1EC00] =	vst v63  }
0xf8: {  	s0 =	sshll.u32 @!p0 s0, $0x4;
	s4 =	sadd.s32 @!p0 s7, s4;
	s14 =	simm.s32 @!p0 $0x200  }
0xf9: {  	[tilespmem:s14], [sflag:$0x1] =	stream.linear.gather @!p0 [hbm4b:s4+s22], $0x40, $0x38;
	[tilespmem:$0x1EC00] =	vst v63  }
0xfa: {  	s0 =	sadd.s32 @!p0 s5, s0;
	s4 =	simm.s32 @!p0 $0x400  }
0xfb: {  	[tilespmem:s4], [sflag:$0x1] =	stream.linear.gather @!p0 [hbm4b:s0+s22], $0x2000, $0x38;
	[tilespmem:$0x1EC00] =	vst v63  }
0xfc: {  	s0 =	simm.s32 @!p0 $0x1  }
0xfd: {  	_ =	swait.ge @!p0 [sflag:s0], $0x40  }
0xfe: {  	[sflag:s0] =	ssyncset.done @!p0 $0x0  }
0xff: {  	[sflag:s0] =	ssyncadd.s32 @!p0 $0xFFFFFFC0  }
0x100: {  	_ =	swait.ge @!p0 [sflag:s0], $0x40  }
0x101: {  	[sflag:s0] =	ssyncset.done @!p0 $0x0  }
0x102: {  	[sflag:s0] =	ssyncadd.s32 @!p0 $0xFFFFFFC0  }
0x103: {  	_ =	swait.ge @!p0 [sflag:s0], $0x2000  }
0x104: {  	[sflag:s0] =	ssyncset.done @!p0 $0x0  }
0x105: {  	[sflag:s0] =	ssyncadd.s32 @!p0 $0xFFFFE000;
	s0 =	simm.s32 @!p0 $0x40  }
0x106: {  	[tilespmem:s4], [sflag:$0x5] =	stream.indirect.gather.add.f32 @!p0 [hbm:s1], $0x80, s22, s0, $0xb8;
	[tilespmem:$0x1EC00] =	vst v63  }
0x107: {  	_ =	swait.ge [sflag:s28], $0x2000  }
0x108: {  	[sflag:s28] =	ssyncset.done $0x0  }
0x109: {  	s22 =	simm.s32 $0x0;
	[sflag:s28] =	ssyncadd.s32 $0xFFFFE000  }
0x10a: {  	v4 =	vld [tilespmem:s22+$0x4400]  }
0x10b: {  	v6 =	vld [tilespmem:s22+$0x4410]  }
0x10c: {  	v5 =	vld [tilespmem:s22+$0x4420]  }
0x10d: {  	v3 =	vld [tilespmem:s22+$0x4430]  }
0x10e: {  	v2 =	vld [tilespmem:s22+$0x4440]  }
0x10f: {  	v7 =	vmax.f32 v4, $0.0e+00;
	v4 =	vld [tilespmem:s22+$0x4450]  }
0x110: {  	s4 =	simm.s32 $0x200;
	[tilespmem:s22+$0x4400] =	vst v7;
	v7 =	vmax.f32 v6, $0.0e+00;
	v6 =	vld [tilespmem:s22+$0x4460]  }
.LBB2_11:
0x111: {  	s0 =	sshra.s32 s4, $0x2;
	p0 =	sne.s32 s4, $0x7E00;
	[tilespmem:s22+$0x4410] =	vst v7;
	v5 =	vmax.f32 v5, $0.0e+00;
	v7 =	vld [tilespmem:s22+$0x4470]  }
0x112: {  	v8 =	vld [tilespmem:s0+$0x4400];
	[tilespmem:s22+$0x4420] =	vst v5;
	v3 =	vmax.f32 v3, $0.0e+00  }
0x113: {  	v9 =	vld [tilespmem:s0+$0x4410];
	[tilespmem:s22+$0x4430] =	vst v3;
	v2 =	vmax.f32 v2, $0.0e+00  }
.Ltmp4:
0x114: {  	v5 =	vld [tilespmem:s0+$0x4420];
	[tilespmem:s22+$0x4440] =	vst v2;
	v2 =	vmax.f32 v4, $0.0e+00;
	(pc) =	sbr.rel @p0 .LBB2_11-.Ltmp4, $4  }
0x115: {  	v3 =	vld [tilespmem:s0+$0x4430];
	[tilespmem:s22+$0x4450] =	vst v2;
	v4 =	vmax.f32 v6, $0.0e+00  }
0x116: {  	v2 =	vld [tilespmem:s0+$0x4440];
	[tilespmem:s22+$0x4460] =	vst v4;
	v6 =	vmax.f32 v7, $0.0e+00  }
0x117: {  	v7 =	vmax.f32 v8, $0.0e+00;
	v4 =	vld [tilespmem:s0+$0x4450];
	[tilespmem:s22+$0x4470] =	vst v6;
	s22 =	smov.u32 s0  }
0x118: {  	s4 =	sadd.s32 $0x200, s4;
	[tilespmem:s22+$0x4400] =	vst v7;
	v7 =	vmax.f32 v9, $0.0e+00;
	v6 =	vld [tilespmem:s22+$0x4460]  }
0x119: {  	[tilespmem:s22+$0x4410] =	vst v7;
	v5 =	vmax.f32 v5, $0.0e+00;
	v7 =	vld [tilespmem:s22+$0x4470]  }
0x11a: {  	[tilespmem:s22+$0x4420] =	vst v5;
	v3 =	vmax.f32 v3, $0.0e+00  }
0x11b: {  	[tilespmem:s22+$0x4430] =	vst v3;
	v2 =	vmax.f32 v2, $0.0e+00  }
0x11c: {  	[tilespmem:s22+$0x4440] =	vst v2;
	v2 =	vmax.f32 v4, $0.0e+00  }
0x11d: {  	[tilespmem:s22+$0x4450] =	vst v2;
	v2 =	vmax.f32 v6, $0.0e+00  }
0x11e: {  	[tilespmem:s22+$0x4460] =	vst v2;
	v2 =	vmax.f32 v7, $0.0e+00  }
0x11f: {  	[tilespmem:s22+$0x4470] =	vst v2  }
0x120: {  	[spmem:s2] =	stream.indirect.scatter.add.f32 [tilespmem:s19], [sflag:$0xB], $0x80, s18, s21, $0xb8;
	[tilespmem:$0x1EC00] =	vst v63  }
0x121: {  	v2 =	vld [tilespmem:$0x300];
	_ =	sdelay $0x7  }
0x122: {  	[tilespmem:v2+s24+$0x0] =	vst.idx.add.f32.msk $0xffff, v1  }
0x123: {  	v2 =	vld [tilespmem:$0x310];
	_ =	sdelay $0x7  }
0x124: {  	[tilespmem:v2+s24+$0x0] =	vst.idx.add.f32.msk $0xffff, v1  }
0x125: {  	v2 =	vld [tilespmem:$0x320];
	_ =	sdelay $0x7  }
0x126: {  	[tilespmem:v2+s24+$0x0] =	vst.idx.add.f32.msk $0xffff, v1  }
0x127: {  	v2 =	vld [tilespmem:$0x330];
	_ =	sdelay $0x5  }
0x128: {  	s0 =	sadd.s32 $0x5, s20  }
0x129: {  	p0 =	sge.u32 s0, s13  }
0x12a: {  	s0 =	sshll.u32 @!p0 s0, $0x6;
	[tilespmem:v2+s24+$0x0] =	vst.idx.add.f32.msk $0xffff, v1  }
0x12b: {  	s0 =	sadd.s32 @!p0 s9, s0;
	_ =	swait.ge [sflag:s29], $0x2000  }
0x12c: {  	s31 =	simm.s32 @!p0 $0x80;
	s4 =	sshrl.u32 @!p0 s0, $0x3;
	[sflag:s29] =	ssyncset.done $0x0  }
0x12d: {  	s14 =	sadd.s32 @!p0 s6, s4;
	s22 =	simm.s32 @!p0 $0x0;
	[sflag:s29] =	ssyncadd.s32 $0xFFFFE000  }
0x12e: {  	[tilespmem:s31], [sflag:$0x2] =	stream.linear.gather @!p0 [hbm4b:s14+s22], $0x40, $0x38;
	[tilespmem:$0x1EC00] =	vst v63  }
0x12f: {  	s0 =	sshll.u32 @!p0 s0, $0x4;
	s4 =	sadd.s32 @!p0 s7, s4;
	s14 =	simm.s32 @!p0 $0x280  }
0x130: {  	[tilespmem:s14], [sflag:$0x2] =	stream.linear.gather @!p0 [hbm4b:s4+s22], $0x40, $0x38;
	[tilespmem:$0x1EC00] =	vst v63  }
0x131: {  	s0 =	sadd.s32 @!p0 s5, s0;
	s4 =	simm.s32 @!p0 $0x2400  }
0x132: {  	[tilespmem:s4], [sflag:$0x2] =	stream.linear.gather @!p0 [hbm4b:s0+s22], $0x2000, $0x38;
	[tilespmem:$0x1EC00] =	vst v63  }
0x133: {  	s0 =	simm.s32 @!p0 $0x2  }
0x134: {  	_ =	swait.ge @!p0 [sflag:s0], $0x40  }
0x135: {  	[sflag:s0] =	ssyncset.done @!p0 $0x0  }
0x136: {  	[sflag:s0] =	ssyncadd.s32 @!p0 $0xFFFFFFC0  }
0x137: {  	_ =	swait.ge @!p0 [sflag:s0], $0x40  }
0x138: {  	[sflag:s0] =	ssyncset.done @!p0 $0x0  }
0x139: {  	[sflag:s0] =	ssyncadd.s32 @!p0 $0xFFFFFFC0  }
0x13a: {  	_ =	swait.ge @!p0 [sflag:s0], $0x2000  }
0x13b: {  	[sflag:s0] =	ssyncset.done @!p0 $0x0  }
0x13c: {  	[sflag:s0] =	ssyncadd.s32 @!p0 $0xFFFFE000;
	s0 =	simm.s32 @!p0 $0x40  }
0x13d: {  	[tilespmem:s4], [sflag:$0x6] =	stream.indirect.gather.add.f32 @!p0 [hbm:s1], $0x80, s31, s0, $0xb8;
	[tilespmem:$0x1EC00] =	vst v63  }
0x13e: {  	_ =	swait.ge [sflag:s30], $0x2000  }
0x13f: {  	[sflag:s30] =	ssyncset.done $0x0  }
0x140: {  	s22 =	simm.s32 $0x0;
	[sflag:s30] =	ssyncadd.s32 $0xFFFFE000  }
0x141: {  	v4 =	vld [tilespmem:s22+$0x6400]  }
0x142: {  	v6 =	vld [tilespmem:s22+$0x6410]  }
0x143: {  	v5 =	vld [tilespmem:s22+$0x6420]  }
0x144: {  	v3 =	vld [tilespmem:s22+$0x6430]  }
0x145: {  	v2 =	vld [tilespmem:s22+$0x6440]  }
0x146: {  	v7 =	vmax.f32 v4, $0.0e+00;
	v4 =	vld [tilespmem:s22+$0x6450]  }
0x147: {  	s4 =	simm.s32 $0x200;
	[tilespmem:s22+$0x6400] =	vst v7;
	v7 =	vmax.f32 v6, $0.0e+00;
	v6 =	vld [tilespmem:s22+$0x6460]  }
.LBB2_13:
0x148: {  	s0 =	sshra.s32 s4, $0x2;
	p0 =	sne.s32 s4, $0x7E00;
	[tilespmem:s22+$0x6410] =	vst v7;
	v5 =	vmax.f32 v5, $0.0e+00;
	v7 =	vld [tilespmem:s22+$0x6470]  }
0x149: {  	v8 =	vld [tilespmem:s0+$0x6400];
	[tilespmem:s22+$0x6420] =	vst v5;
	v3 =	vmax.f32 v3, $0.0e+00  }
0x14a: {  	v9 =	vld [tilespmem:s0+$0x6410];
	[tilespmem:s22+$0x6430] =	vst v3;
	v2 =	vmax.f32 v2, $0.0e+00  }
.Ltmp5:
0x14b: {  	v5 =	vld [tilespmem:s0+$0x6420];
	[tilespmem:s22+$0x6440] =	vst v2;
	v2 =	vmax.f32 v4, $0.0e+00;
	(pc) =	sbr.rel @p0 .LBB2_13-.Ltmp5, $4  }
0x14c: {  	v3 =	vld [tilespmem:s0+$0x6430];
	[tilespmem:s22+$0x6450] =	vst v2;
	v4 =	vmax.f32 v6, $0.0e+00  }
0x14d: {  	v2 =	vld [tilespmem:s0+$0x6440];
	[tilespmem:s22+$0x6460] =	vst v4;
	v6 =	vmax.f32 v7, $0.0e+00  }
0x14e: {  	v7 =	vmax.f32 v8, $0.0e+00;
	v4 =	vld [tilespmem:s0+$0x6450];
	[tilespmem:s22+$0x6470] =	vst v6;
	s22 =	smov.u32 s0  }
0x14f: {  	s4 =	sadd.s32 $0x200, s4;
	[tilespmem:s22+$0x6400] =	vst v7;
	v7 =	vmax.f32 v9, $0.0e+00;
	v6 =	vld [tilespmem:s22+$0x6460]  }
0x150: {  	[tilespmem:s22+$0x6410] =	vst v7;
	v5 =	vmax.f32 v5, $0.0e+00;
	v63 =	vld [tilespmem:s22+$0x6470]  }
0x151: {  	[tilespmem:s22+$0x6420] =	vst v5;
	v3 =	vmax.f32 v3, $0.0e+00  }
0x152: {  	[tilespmem:s22+$0x6430] =	vst v3;
	v2 =	vmax.f32 v2, $0.0e+00  }
0x153: {  	[tilespmem:s22+$0x6440] =	vst v2;
	v2 =	vmax.f32 v4, $0.0e+00  }
0x154: {  	[tilespmem:s22+$0x6450] =	vst v2;
	v2 =	vmax.f32 v6, $0.0e+00  }
0x155: {  	[tilespmem:s22+$0x6460] =	vst v2;
	v2 =	vmax.f32 v63, $0.0e+00  }
0x156: {  	s0 =	simm.s32 $0x380;
	s4 =	simm.s32 $0x6400;
	[tilespmem:s22+$0x6470] =	vst v2  }
0x157: {  	[spmem:s2] =	stream.indirect.scatter.add.f32 [tilespmem:s4], [sflag:$0xC], $0x80, s0, s21, $0xb8;
	[tilespmem:$0x1EC00] =	vst v63  }
0x158: {  	v2 =	vld [tilespmem:$0x380];
	_ =	sdelay $0x7  }
0x159: {  	[tilespmem:v2+s24+$0x0] =	vst.idx.add.f32.msk $0xffff, v1  }
0x15a: {  	v2 =	vld [tilespmem:$0x390];
	_ =	sdelay $0x7  }
0x15b: {  	[tilespmem:v2+s24+$0x0] =	vst.idx.add.f32.msk $0xffff, v1  }
0x15c: {  	v2 =	vld [tilespmem:$0x3A0];
	_ =	sdelay $0x7  }
0x15d: {  	[tilespmem:v2+s24+$0x0] =	vst.idx.add.f32.msk $0xffff, v1  }
0x15e: {  	v2 =	vld [tilespmem:$0x3B0];
	_ =	sdelay $0x5  }
0x15f: {  	s0 =	sadd.s32 $0x6, s20  }
0x160: {  	p0 =	sge.u32 s0, s13  }
0x161: {  	s0 =	sshll.u32 @!p0 s0, $0x6;
	[tilespmem:v2+s24+$0x0] =	vst.idx.add.f32.msk $0xffff, v1  }
0x162: {  	s0 =	sadd.s32 @!p0 s9, s0;
	_ =	swait.ge [sflag:s15], $0x2000  }
0x163: {  	s20 =	simm.s32 @!p0 $0x0;
	s4 =	sshrl.u32 @!p0 s0, $0x3;
	[sflag:s15] =	ssyncset.done $0x0  }
0x164: {  	s22 =	simm.s32 @!p0 $0x100;
	s14 =	sadd.s32 @!p0 s6, s4;
	[sflag:s15] =	ssyncadd.s32 $0xFFFFE000  }
0x165: {  	[tilespmem:s22], [sflag:$0x3] =	stream.linear.gather @!p0 [hbm4b:s14+s20], $0x40, $0x38;
	[tilespmem:$0x1EC00] =	vst v63  }
0x166: {  	s0 =	sshll.u32 @!p0 s0, $0x4;
	s4 =	sadd.s32 @!p0 s7, s4;
	s14 =	simm.s32 @!p0 $0x300  }
0x167: {  	[tilespmem:s14], [sflag:$0x3] =	stream.linear.gather @!p0 [hbm4b:s4+s20], $0x40, $0x38;
	[tilespmem:$0x1EC00] =	vst v63  }
0x168: {  	s8 =	sadd.s32 $0x1, s8;
	s0 =	sadd.s32 @!p0 s5, s0;
	s4 =	simm.s32 @!p0 $0x4400  }
0x169: {  	[tilespmem:s4], [sflag:$0x3] =	stream.linear.gather @!p0 [hbm4b:s0+s20], $0x2000, $0x38;
	[tilespmem:$0x1EC00] =	vst v63  }
0x16a: {  	p0 =	sne.s32 s8, s3  }
.Ltmp6:
0x16b: {  	_ = 	snop;
	(pc) =	sbr.rel @p0 .LBB2_6-.Ltmp6, $1  }
0x16c: {  	_ =	sdelay $0x3  }
0x16d: {  	s0 =	simm.s32 $0xC  }
0x16e: {  	_ =	swait.ge [sflag:s0], $0x2000  }
0x16f: {  	[sflag:s0] =	ssyncset.done $0x0  }
0x170: {  	[sflag:s0] =	ssyncadd.s32 $0xFFFFE000  }
0x171: {  	s8 =	stileid.u32;
	[bflag:$0x0] =	sbarrier.arrive $0xFFFF  }
0x172: {  	s0 =	sshll.u32 s8, $0x6;
	s20 =	rddreg [dreg:$0x5]  }
0x173: {  	s0 =	sor.u32 $0x1C0D, s0;
	s8 =	rddreg [dreg:$0x12];
	s4 =	sshrl.u32 s20, $0x3  }
0x174: {  	[hbm:s8], [sflag:s0] =	dma.local [spmem:s4], $0x2800  }
0x175: {  	_ =	swait.ge [sflag:s12], $0x2800  }
0x176: {  	[sflag:s12] =	ssyncset.done $0x0  }
0x177: {  	s22 =	simm.s32 $0x80;
	s14 =	rddreg [dreg:$0x13];
	[sflag:s12] =	ssyncadd.s32 $0xFFFFD800  }
0x178: {  	[hbm4b:s14+s22] =	stream.strided.scatter [tilespmem:s24], [sflag:$0xD], $0x2800, s11, s22, $0x38;
	[tilespmem:$0x1EC00] =	vst v63  }
0x179: {  	_ =	swait.ge [sflag:s12], $0x2800  }
0x17a: {  	s14 =	rddreg [dreg:$0x4]  }
0x17b: {  	s31 =	rddreg [dreg:$0x14];
	s14 =	sadd.s32 $0x1, s14  }
0x17c: {  	p0 =	sne.s32 s14, s31  }
.Ltmp7:
0x17d: {  	_ = 	snop;
	(pc) =	sbr.rel @p0 .LBB2_1-.Ltmp7, $3  }
0x17e: {  	_ =	sdelay $0x1  }
0x17f: {  	[sflag:s12] =	ssyncset.done $0x0  }
0x180: {  	[sflag:s12] =	ssyncadd.s32 $0xFFFFD800  }
0x181: {  	_ =	sfence.sel $0x180000  }
0x182: {  	[bflag:$0x0] =	sbarrier.arrive $0xFFFF  }
0x183: {  	_ =	strace $0x90000047  }
0x184: {  	s0 =	stileid.u32;
	[bflag:$0x2] =	sbarrier.arrive $0xFFFF  }
0x185: {  	p0 =	sne.s32 s0, $0x0;
	s0 =	rddreg [dreg:$0x3]  }
0x186: {  	s0 =	sadd.s32 @!p0 $0x100000, s0  }
0x187: {  	[sflag:s0] =	ssyncadd.tile.s32 @!p0 $0x1;
	_ =	shalt  }
.Lfunc_end2:
_tile_overlayer_lowered:
.L_overlay_start_2:
0x188: {  	(tag) =	ssettag $0x2  }
0x189: {  	s0 =	rddreg [dreg:$0x0];
	s2 =	stileid.u32  }
0x18a: {  	s1 =	rddreg [dreg:$0x1];
	p0 =	sne.s32 s2, $0x0  }
0x18b: {  	s3 =	rddreg [dreg:$0x2];
	[bflag:$0x3] =	sbarrier.arrive $0xFFFF;
	s2 =	simm.s32 @!p0 $0x1C0D  }
0x18c: {  	[timem:s3], [sflag:s2] =	dma.local @!p0 [hbm:s0], s1  }
0x18d: {  	s0 =	simm.s32 @!p0 $0xD  }
0x18e: {  	_ =	swait.ge @!p0 [sflag:s0], s1  }
0x18f: {  	s1 =	ssub.s32 @!p0 $0x0, s1;
	[sflag:s0] =	ssyncset.done @!p0 $0x0  }
0x190: {  	[sflag:s0] =	ssyncadd.s32 @!p0 s1  }
0x191: {  	[bflag:$0x3] =	sbarrier.arrive $0xFFFF  }
0x192: {  	_ =	shalt  }

</sc_bundles>
